<compile_context>
chip_gen: v7x
topology: tpu7x:2x2x1
jax: 0.10.2.dev20260603
libtpu: 0.0.44.dev20260713+nightly
codegen_flags: <defaults>
</compile_context>

<pallas_src>
import functools
import jax
import jax.numpy as jnp
from jax import lax
from jax.experimental import pallas as pl
from jax.experimental.pallas import tpu as pltpu
from jax.experimental.pallas import tpu_sc as plsc

F32 = jnp.float32
D = 128
ADP = 128
NW = 32
def _pad_rows(n, ch):
    q = NW * ch
    return ((n + q - 1) // q) * q



def _bf16_bits(x):
    b = lax.bitcast_convert_type(x, jnp.int32)
    r = b + 0x7FFF + ((b >> 16) & 1)
    return (r >> 16) & 0xFFFF


def _pack2(lo, hi):
    return _bf16_bits(lo) | (_bf16_bits(hi) << 16)


def _t1_body(wdx_ref, wrx_ref, dxa1_ref, dxa2_ref, dxb_ref,
             rxa1_ref, rxa2_ref, rxb_ref,
             p1dx_ref, padx_ref, p1rx_ref, parx_ref):
    wdx = wdx_ref[...]
    p1dx_ref[...] = jnp.dot(wdx, dxa1_ref[...], preferred_element_type=F32)
    p2dx = jnp.dot(wdx, dxa2_ref[...], preferred_element_type=F32) + dxb_ref[...]
    padx_ref[...] = _pack2(wdx, p2dx)
    wrx = wrx_ref[...]
    p1rx_ref[...] = jnp.dot(wrx, rxa1_ref[...], preferred_element_type=F32)
    p2rx = jnp.dot(wrx, rxa2_ref[...], preferred_element_type=F32) + rxb_ref[...]
    parx_ref[...] = _pack2(wrx, p2rx)


def _t1(wdx, wrx, dxa1, dxa2, dxb, rxa1, rxa2, rxb):
    vdx, vrx = wdx.shape[0], wrx.shape[0]
    return pl.pallas_call(
        _t1_body,
        out_shape=[
            jax.ShapeDtypeStruct((vdx, ADP), F32),
            jax.ShapeDtypeStruct((vdx, D), jnp.int32),
            jax.ShapeDtypeStruct((vrx, ADP), F32),
            jax.ShapeDtypeStruct((vrx, D), jnp.int32),
        ],
    )(wdx, wrx, dxa1, dxa2, dxb, rxa1, rxa2, rxb)



NBUF = 4


def _run_spec(tab, idx3d, out, idxbuf, rows, gsem, wsem, wid, k, ch):
    base = wid * k
    pltpu.sync_copy(idx3d.at[wid], idxbuf)

    def wait(par, sem):
        pltpu.make_async_copy(out.at[0], rows.at[par], sem.at[par]).wait()

    for i in range(min(NBUF, k)):
        pltpu.async_copy(tab.at[idxbuf.at[i]], rows.at[i], gsem.at[i])

    def body(c, carry):
        par = lax.rem(c, NBUF)
        wait(par, gsem)
        pltpu.async_copy(rows.at[par], out.at[base + c], wsem.at[par])

        @pl.when(c + NBUF < k)
        def _():
            wait(par, wsem)
            pltpu.async_copy(tab.at[idxbuf.at[c + NBUF]], rows.at[par],
                             gsem.at[par])
        return carry

    lax.fori_loop(0, k, body, 0)
    for c in range(max(0, k - NBUF), k):
        wait(c % NBUF, wsem)


def _sc_gather_body(keys, chunks, ch, *refs):
    n = len(keys)
    tabs = refs[:n]
    idxs = refs[n:2 * n]
    outs = refs[2 * n:3 * n]
    scratch = list(refs[3 * n:])
    wid = lax.axis_index("s") * 2 + lax.axis_index("c")
    idxbufs = scratch[:n]
    per_k = {}
    for kk in sorted(set(keys)):
        per_k[kk] = tuple(scratch[n:n + 3])
        del scratch[n:n + 3]
    for i in range(n):
        rows, gsem, wsem = per_k[keys[i]]
        _run_spec(tabs[i], idxs[i], outs[i], idxbufs[i], rows, gsem, wsem,
                  wid, chunks[i], ch)


def _sc_gathers(tables, idx_lists, ch):
    keys = tuple((int(t.shape[1]), str(t.dtype)) for t in tables)
    chunks = tuple(int(ix.shape[1]) for ix in idx_lists)
    scratch = [pltpu.VMEM((k, ch), jnp.int32) for k in chunks]
    for w, dt in sorted(set(keys)):
        scratch.append(pltpu.VMEM((NBUF, ch, w), jnp.dtype(dt)))
        scratch.append(pltpu.SemaphoreType.DMA((NBUF,)))
        scratch.append(pltpu.SemaphoreType.DMA((NBUF,)))
    out_type = [jax.ShapeDtypeStruct((NW * k, ch, w), jnp.dtype(dt))
                for k, (w, dt) in zip(chunks, keys)]
    mesh = plsc.VectorSubcoreMesh(core_axis_name="c", subcore_axis_name="s")
    k = pl.kernel(
        functools.partial(_sc_gather_body, keys, chunks, ch),
        out_type=out_type,
        mesh=mesh,
        scratch_types=scratch,
    )
    return k(*tables, *idx_lists)



def _t2_body(nvalid, lb, g1_ref, pa_ref, u_ref, ehr_ref, out_ref, pk_ref):
    g1 = g1_ref[...]
    pa = pa_ref[...]
    ea = lax.bitcast_convert_type(pa << 16, F32)
    p2 = lax.bitcast_convert_type(pa & jnp.int32(-65536), F32)
    t = jnp.tanh(g1 + p2)
    pre = jnp.sum(t * u_ref[...], axis=2)
    m = jnp.max(pre, axis=1, keepdims=True)
    e = jnp.exp(pre - m)
    attn = e / jnp.sum(e, axis=1, keepdims=True)
    res = jnp.sum(attn[:, :, None] * ea, axis=1)
    rid = pl.program_id(0) * lb + lax.broadcasted_iota(jnp.int32, (lb, 1), 0)
    res = jnp.where(rid < nvalid, res, 0.0)
    out_ref[...] = res
    pk_ref[...] = _pack2(ehr_ref[...], res)


def _t2(g1, pa, u, ehr, maxa, nvalid, lb=256):
    nl = g1.shape[0] // maxa
    g1 = g1.reshape(nl, maxa, ADP)
    pa = pa.reshape(nl, maxa, D)
    ehr = jnp.pad(ehr, ((0, nl - ehr.shape[0]), (0, 0)))
    grid = nl // lb
    return pl.pallas_call(
        functools.partial(_t2_body, nvalid, lb),
        grid=(grid,),
        in_specs=[
            pl.BlockSpec((lb, maxa, ADP), lambda i: (i, 0, 0)),
            pl.BlockSpec((lb, maxa, D), lambda i: (i, 0, 0)),
            pl.BlockSpec((1, 1, ADP), lambda i: (0, 0, 0)),
            pl.BlockSpec((lb, D), lambda i: (i, 0)),
        ],
        out_specs=[
            pl.BlockSpec((lb, D), lambda i: (i, 0)),
            pl.BlockSpec((lb, D), lambda i: (i, 0)),
        ],
        out_shape=[
            jax.ShapeDtypeStruct((nl, D), F32),
            jax.ShapeDtypeStruct((nl, D), jnp.int32),
        ],
    )(g1, pa, u.reshape(1, 1, ADP), ehr)



def _t3_body(ndx, pdx_ref, prx_ref, ehr_ref, onto_ref):
    pdx = pdx_ref[...]
    prx = prx_ref[...]
    dxe = lax.bitcast_convert_type(pdx << 16, F32)
    rxe = lax.bitcast_convert_type(prx << 16, F32)
    sdx = jnp.sum(dxe, axis=1)
    srx = jnp.sum(rxe, axis=1)
    vdx = sdx * lax.rsqrt(jnp.maximum(jnp.sum(sdx * sdx, axis=1, keepdims=True), 1e-24))
    vrx = srx * lax.rsqrt(jnp.maximum(jnp.sum(srx * srx, axis=1, keepdims=True), 1e-24))
    ehr_ref[...] = vdx + vrx
    onto_ref[:, :ndx, :] = lax.bitcast_convert_type(pdx & jnp.int32(-65536), F32)
    onto_ref[:, ndx:, :] = lax.bitcast_convert_type(prx & jnp.int32(-65536), F32)


def _t3(gpdx, gprx, ndx, nrx, rows, rb=64):
    gpdx = gpdx.reshape(rows, ndx, D)
    gprx = gprx.reshape(rows, nrx, D)
    nt = ndx + nrx
    return pl.pallas_call(
        functools.partial(_t3_body, ndx),
        grid=(rows // rb,),
        in_specs=[
            pl.BlockSpec((rb, ndx, D), lambda i: (i, 0, 0)),
            pl.BlockSpec((rb, nrx, D), lambda i: (i, 0, 0)),
        ],
        out_specs=[
            pl.BlockSpec((rb, D), lambda i: (i, 0)),
            pl.BlockSpec((rb, nt, D), lambda i: (i, 0, 0)),
        ],
        out_shape=[
            jax.ShapeDtypeStruct((rows, D), F32),
            jax.ShapeDtypeStruct((rows, nt, D), F32),
        ],
    )(gpdx, gprx)



def _t4_body(x_ref, w_ref, b_ref, out_ref):
    y = jnp.dot(x_ref[...], w_ref[...], preferred_element_type=F32) + b_ref[...]
    m = jnp.max(y, axis=1, keepdims=True)
    e = jnp.exp(y - m)
    out_ref[...] = e / jnp.sum(e, axis=1, keepdims=True)


def _t4(x, w, b, rb=64):
    rows, nv = x.shape[0], w.shape[1]
    return pl.pallas_call(
        _t4_body,
        grid=(rows // rb,),
        in_specs=[
            pl.BlockSpec((rb, D), lambda i: (i, 0)),
            pl.BlockSpec((D, nv), lambda i: (0, 0)),
            pl.BlockSpec((1, nv), lambda i: (0, 0)),
        ],
        out_specs=pl.BlockSpec((rb, nv), lambda i: (i, 0)),
        out_shape=jax.ShapeDtypeStruct((rows, nv), F32),
    )(x, w, b.reshape(1, nv))



def _t5_body(oh_ref, tab_ref, out_ref):
    out_ref[0] = jnp.dot(oh_ref[0], tab_ref[...], preferred_element_type=F32)


def _t5(onehot, table):
    v, b, nv = onehot.shape
    return pl.pallas_call(
        _t5_body,
        grid=(v,),
        in_specs=[
            pl.BlockSpec((1, b, nv), lambda i: (i, 0, 0)),
            pl.BlockSpec((nv, D), lambda i: (0, 0)),
        ],
        out_specs=pl.BlockSpec((1, b, D), lambda i: (i, 0, 0)),
        out_shape=jax.ShapeDtypeStruct((v, b, D), F32),
    )(onehot, table)



def kernel(dxseqs, drugseqs, dx_onehot, drug_onehot, dxLeavesList,
           dxAncestorsList, drugLeavesList, drugAncestorsList,
           ctd_dx_leaves_list, ctd_dx_ancesster_list, ctd_dx_rel_list,
           ctd_dx_permute_list, ctd_rx_leaves_list, ctd_rx_ancesster_list,
           ctd_rx_rel_list, ctd_rx_permute_list, EHRdxEmb_W, EHRdrugEmb_W,
           dxOntoW, drugOntoW, dxAttnW, dxAttnb, dxAttnU, drugAttnW,
           drugAttnb, drugAttnU, cooccurW, cooccurB):
    B, V, NDX = dxseqs.shape
    NRX = drugseqs.shape[2]
    DXV, MAXA = dxLeavesList.shape
    RXV = drugLeavesList.shape[0]
    AD = dxAttnW.shape[1]

    def padw(m):
        return jnp.pad(m, ((0, 0), (0, ADP - AD)))

    dxa1, dxa2 = padw(dxAttnW[:D]), padw(dxAttnW[D:])
    rxa1, rxa2 = padw(drugAttnW[:D]), padw(drugAttnW[D:])
    dxb = jnp.pad(dxAttnb, (0, ADP - AD)).reshape(1, ADP)
    rxb = jnp.pad(drugAttnb, (0, ADP - AD)).reshape(1, ADP)
    dxu = jnp.pad(dxAttnU[:, 0], (0, ADP - AD))
    rxu = jnp.pad(drugAttnU[:, 0], (0, ADP - AD))

    p1dx, padx, p1rx, parx = _t1(dxOntoW, drugOntoW, dxa1, dxa2, dxb,
                                 rxa1, rxa2, rxb)

    def flatpad(ix, n, ch):
        f = ix.reshape(-1).astype(jnp.int32)
        return jnp.pad(f, (0, n - f.shape[0])).reshape(NW, -1, ch)

    CH = 100
    npair_dx = _pad_rows(DXV * MAXA, CH)
    npair_rx = _pad_rows(RXV * MAXA, CH)
    nseq_dx = _pad_rows(B * V * NDX, CH)
    nseq_rx = _pad_rows(B * V * NRX, CH)
    seqdx_ix = flatpad(dxseqs, nseq_dx, CH)
    seqrx_ix = flatpad(drugseqs, nseq_rx, CH)
    g1dx, gpadx, g1rx, gparx = _sc_gathers(
        [p1dx, padx, p1rx, parx],
        [flatpad(dxLeavesList, npair_dx, CH), flatpad(dxAncestorsList, npair_dx, CH),
         flatpad(drugLeavesList, npair_rx, CH), flatpad(drugAncestorsList, npair_rx, CH)],
        ch=CH,
    )

    dxall, pkdx = _t2(g1dx.reshape(-1, ADP), gpadx.reshape(-1, D), dxu,
                      EHRdxEmb_W, MAXA, DXV)
    rxall, pkrx = _t2(g1rx.reshape(-1, ADP), gparx.reshape(-1, D), rxu,
                      EHRdrugEmb_W, MAXA, RXV)

    gpk_dx, gpk_rx = _sc_gathers(
        [pkdx, pkrx],
        [seqdx_ix, seqrx_ix],
        ch=CH,
    )

    EHRVEmb, onto = _t3(gpk_dx.reshape(-1, D)[:B * V * NDX],
                        gpk_rx.reshape(-1, D)[:B * V * NRX],
                        NDX, NRX, B * V)

    cooccurU = _t4(EHRVEmb, cooccurW, cooccurB).reshape(B, V, -1)

    dxontoV = _t5(dx_onehot, dxall[:DXV])
    rxontoV = _t5(drug_onehot, rxall[:RXV])

    ontoEmb = onto.reshape(B, V, NDX + NRX, D)

    return (cooccurU,
            EHRVEmb.reshape(B, V, D),
            ontoEmb,
            jnp.transpose(dxontoV, (1, 0, 2)),
            jnp.transpose(rxontoV, (1, 0, 2)))

# --- scband reference (transcript-rebuilt; emitter-appended) ---
"""Pipeline reference for scband-mmore-gat-11622181503326 (READ-ONLY COPY).

The authoritative reference and input builder live on the scoring server;
editing this copy changes nothing except your own understanding.
"""

import jax, jax.numpy as jnp
import numpy as np

DXV, RXV = 10000, 3000
DXA, RXA = 500, 200
D = 128
AD = 100
MAXA = 10
B, V, NDX, NRX = 64, 10, 20, 15


def setup_inputs(seed: int = 0) -> dict:
    key = jax.random.key(seed)
    ks = jax.random.split(key, 18)
    s = 0.02
    inp = {}
    inp["dxseqs"] = jax.random.randint(ks[0], (B, V, NDX), 0, DXV + 1)
    inp["drugseqs"] = jax.random.randint(ks[1], (B, V, NRX), 0, RXV + 1)
    inp["dx_onehot"] = jax.random.uniform(ks[2], (V, B, DXV), dtype=jnp.float32)
    inp["drug_onehot"] = jax.random.uniform(ks[3], (V, B, RXV), dtype=jnp.float32)
    inp["dxLeavesList"] = jax.random.randint(ks[4], (DXV, MAXA), 0, DXV)
    inp["dxAncestorsList"] = jax.random.randint(ks[5], (DXV, MAXA), 0, DXV + DXA)
    inp["drugLeavesList"] = jax.random.randint(ks[6], (RXV, MAXA), 0, RXV)
    inp["drugAncestorsList"] = jax.random.randint(ks[7], (RXV, MAXA), 0, RXV + RXA)
    for n in ["ctd_dx_leaves_list", "ctd_dx_ancesster_list", "ctd_dx_rel_list",
              "ctd_dx_permute_list", "ctd_rx_leaves_list", "ctd_rx_ancesster_list",
              "ctd_rx_rel_list", "ctd_rx_permute_list"]:
        inp[n] = jnp.zeros((1,), dtype=jnp.int32)
    inp["EHRdxEmb_W"] = (jax.random.normal(ks[8], (DXV + 1, D), dtype=jnp.float32) * s).at[DXV].set(0.0)
    inp["EHRdrugEmb_W"] = (jax.random.normal(ks[9], (RXV + 1, D), dtype=jnp.float32) * s).at[RXV].set(0.0)
    inp["dxOntoW"] = jax.random.normal(ks[10], (DXV + DXA, D), dtype=jnp.float32) * s
    inp["drugOntoW"] = jax.random.normal(ks[11], (RXV + RXA, D), dtype=jnp.float32) * s
    inp["dxAttnW"] = jax.random.normal(ks[12], (2 * D, AD), dtype=jnp.float32) * s
    inp["dxAttnb"] = jnp.zeros((AD,), dtype=jnp.float32)
    inp["dxAttnU"] = jax.random.normal(ks[13], (AD, 1), dtype=jnp.float32) * s
    inp["drugAttnW"] = jax.random.normal(ks[14], (2 * D, AD), dtype=jnp.float32) * s
    inp["drugAttnb"] = jnp.zeros((AD,), dtype=jnp.float32)
    inp["drugAttnU"] = jax.random.normal(ks[15], (AD, 1), dtype=jnp.float32) * s
    inp["cooccurW"] = jax.random.normal(ks[16], (D, DXV + RXV), dtype=jnp.float32) * s
    inp["cooccurB"] = jnp.zeros((DXV + RXV,), dtype=jnp.float32)
    return inp


def _onto_emb(W, leaves, ancestors, Wa, ba, u):
    # GRAM-style ontology embedding: attention of each leaf over its ancestors
    el = W[leaves]            # [vocab, MAXA, D]
    ea = W[ancestors]         # [vocab, MAXA, D]
    h = jnp.tanh(jnp.concatenate([el, ea], axis=-1) @ Wa + ba)  # [vocab, MAXA, AD]
    pre = h @ u               # [vocab, MAXA, 1]
    attn = jax.nn.softmax(pre, axis=1)
    out = jnp.sum(attn * ea, axis=1)  # [vocab, D]
    pad = jnp.zeros((1, out.shape[1]), dtype=out.dtype)
    return jnp.concatenate([out, pad], axis=0)  # [vocab+1, D], padding row last


def _l2norm(x):
    n = jnp.sqrt(jnp.sum(x * x, axis=2, keepdims=True))
    return x / jnp.maximum(n, 1e-12)


def _forward(dx_onehot, drug_onehot, EHRdxEmb_W, EHRdrugEmb_W, dxOntoW, drugOntoW,
             dxAttnW, dxAttnb, dxAttnU, drugAttnW, drugAttnb, drugAttnU,
             cooccurW, cooccurB, dxseqs, drugseqs,
             dxLeavesList, dxAncestorsList, drugLeavesList, drugAncestorsList):
    dxEHREmb = EHRdxEmb_W[dxseqs]      # [B,V,NDX,D]  (gather, padding idx row is zero)
    drugEHREmb = EHRdrugEmb_W[drugseqs]
    dxALL = _onto_emb(dxOntoW, dxLeavesList, dxAncestorsList, dxAttnW, dxAttnb, dxAttnU)
    drugALL = _onto_emb(drugOntoW, drugLeavesList, drugAncestorsList, drugAttnW, drugAttnb, drugAttnU)
    dxOntoEmb = dxALL[dxseqs]
    drugOntoEmb = drugALL[drugseqs]
    ontoEmb = jnp.concatenate([dxOntoEmb, drugOntoEmb], axis=2)
    dxEHRVEmb = _l2norm(jnp.sum(dxEHREmb, axis=2))
    drugEHRVEmb = _l2norm(jnp.sum(drugEHREmb, axis=2))
    EHRVEmb = dxEHRVEmb + drugEHRVEmb   # use_ctd == False path
    dxontoVEmb = jnp.matmul(jnp.transpose(dx_onehot, (1, 0, 2)), dxALL[:-1])
    drugontoVEmb = jnp.matmul(jnp.transpose(drug_onehot, (1, 0, 2)), drugALL[:-1])
    cooccurU = jax.nn.softmax(EHRVEmb @ cooccurW + cooccurB, axis=2)
    return (cooccurU, EHRVEmb, ontoEmb, dxontoVEmb, drugontoVEmb)


def reference(dxseqs, drugseqs, dx_onehot, drug_onehot, dxLeavesList, dxAncestorsList,
              drugLeavesList, drugAncestorsList, ctd_dx_leaves_list, ctd_dx_ancesster_list,
              ctd_dx_rel_list, ctd_dx_permute_list, ctd_rx_leaves_list, ctd_rx_ancesster_list,
              ctd_rx_rel_list, ctd_rx_permute_list, EHRdxEmb_W, EHRdrugEmb_W, dxOntoW,
              drugOntoW, dxAttnW, dxAttnb, dxAttnU, drugAttnW, drugAttnb, drugAttnU,
              cooccurW, cooccurB):
    # ctd_* inputs are unused because use_ctd == False in the original module
    return _forward(dx_onehot, drug_onehot, EHRdxEmb_W, EHRdrugEmb_W, dxOntoW, drugOntoW,
                    dxAttnW, dxAttnb, dxAttnU, drugAttnW, drugAttnb, drugAttnU,
                    cooccurW, cooccurB, dxseqs, drugseqs,
                    dxLeavesList, dxAncestorsList, drugLeavesList, drugAncestorsList)

if __name__ == "__main__":
    import jax
    _d = setup_inputs()
    print(jax.jit(kernel)(*tuple(_d.values())))

</pallas_src>

<mosaic_0001>
#map = affine_map<(d0, d1) -> (0, 0)>
#map1 = affine_map<(d0, d1) -> (0, 0, 0)>
module attributes {stable_mosaic.version = 14 : i64} {
  func.func @_sc_gather_body(%arg0: i32, %arg1: i32, %arg2: memref<10500x128xf32, #tpu.memory_space<hbm>>, %arg3: memref<10500x128xi32, #tpu.memory_space<hbm>>, %arg4: memref<3200x128xf32, #tpu.memory_space<hbm>>, %arg5: memref<3200x128xi32, #tpu.memory_space<hbm>>, %arg6: memref<32x32x100xi32, #tpu.memory_space<hbm>>, %arg7: memref<32x32x100xi32, #tpu.memory_space<hbm>>, %arg8: memref<32x10x100xi32, #tpu.memory_space<hbm>>, %arg9: memref<32x10x100xi32, #tpu.memory_space<hbm>>, %arg10: memref<1024x100x128xf32, #tpu.memory_space<hbm>>, %arg11: memref<1024x100x128xi32, #tpu.memory_space<hbm>>, %arg12: memref<320x100x128xf32, #tpu.memory_space<hbm>>, %arg13: memref<320x100x128xi32, #tpu.memory_space<hbm>>, %arg14: memref<32x100xi32, #tpu.memory_space<vmem>>, %arg15: memref<32x100xi32, #tpu.memory_space<vmem>>, %arg16: memref<10x100xi32, #tpu.memory_space<vmem>>, %arg17: memref<10x100xi32, #tpu.memory_space<vmem>>, %arg18: memref<4x100x128xf32, #tpu.memory_space<vmem>>, %arg19: memref<4x!tpu.dma_semaphore, #tpu.memory_space<semaphore_mem>>, %arg20: memref<4x!tpu.dma_semaphore, #tpu.memory_space<semaphore_mem>>, %arg21: memref<4x100x128xi32, #tpu.memory_space<vmem>>, %arg22: memref<4x!tpu.dma_semaphore, #tpu.memory_space<semaphore_mem>>, %arg23: memref<4x!tpu.dma_semaphore, #tpu.memory_space<semaphore_mem>>) attributes {dimension_semantics = [#tpu.dimension_semantics<core_parallel>, #tpu.dimension_semantics<subcore_parallel>], iteration_bounds = array<i64: 2, 16>, scalar_prefetch = 0 : i64, scratch_operands = 10 : i64, tpu.core_type = #tpu.core_type<sc_vector_subcore>, window_params = [{transform_indices = #map}, {transform_indices = #map}, {transform_indices = #map}, {transform_indices = #map}, {transform_indices = #map1}, {transform_indices = #map1}, {transform_indices = #map1}, {transform_indices = #map1}, {transform_indices = #map1}, {transform_indices = #map1}, {transform_indices = #map1}, {transform_indices = #map1}]} {
    %mul3A = arith.constant 2 : i32
    %mul3A_0 = arith.muli %arg1, %mul3A : i32
    %add3A = arith.addi %mul3A_0, %arg0 : i32
    %mul3A_1 = arith.constant 32 : i32
    %mul3A_2 = arith.muli %add3A, %mul3A_1 : i32
    "tpu.region"() ({
      %run_scoped3A = tpu.sem_alloc : memref<!tpu.dma_semaphore, #tpu.memory_space<semaphore_mem>>
      %dma_start3A_606 = arith.constant 0 : i32
      %dma_start3A_607 = arith.constant 0 : i32
      %dma_start3A_608 = tpu.memref_slice %arg6[%add3A, %dma_start3A_606, %dma_start3A_607] : memref<32x32x100xi32, #tpu.memory_space<hbm>> -> memref<1x32x100xi32, #tpu.memory_space<hbm>>
      %dma_start3A_609 = tpu.memref_squeeze %dma_start3A_608 : memref<1x32x100xi32, #tpu.memory_space<hbm>> -> memref<32x100xi32, #tpu.memory_space<hbm>>
      %dma_start3A_610 = arith.constant 0 : i32
      %dma_start3A_611 = arith.constant 0 : i32
      %dma_start3A_612 = tpu.memref_slice %arg6[%add3A, %dma_start3A_610, %dma_start3A_611] : memref<32x32x100xi32, #tpu.memory_space<hbm>> -> memref<1x32x100xi32, #tpu.memory_space<hbm>>
      %dma_start3A_613 = tpu.memref_squeeze %dma_start3A_612 : memref<1x32x100xi32, #tpu.memory_space<hbm>> -> memref<32x100xi32, #tpu.memory_space<hbm>>
      tpu.enqueue_dma source(%dma_start3A_613 : memref<32x100xi32, #tpu.memory_space<hbm>>) target(%arg14 : memref<32x100xi32, #tpu.memory_space<vmem>>) target_semaphore(%run_scoped3A : memref<!tpu.dma_semaphore, #tpu.memory_space<semaphore_mem>>)
      %dma_wait3A_614 = arith.constant 0 : i32
      %dma_wait3A_615 = arith.constant 0 : i32
      %dma_wait3A_616 = tpu.memref_slice %arg6[%add3A, %dma_wait3A_614, %dma_wait3A_615] : memref<32x32x100xi32, #tpu.memory_space<hbm>> -> memref<1x32x100xi32, #tpu.memory_space<hbm>>
      %dma_wait3A_617 = tpu.memref_squeeze %dma_wait3A_616 : memref<1x32x100xi32, #tpu.memory_space<hbm>> -> memref<32x100xi32, #tpu.memory_space<hbm>>
      %dma_wait3A_618 = arith.constant 0 : i32
      %dma_wait3A_619 = arith.constant 0 : i32
      %dma_wait3A_620 = tpu.memref_slice %arg6[%add3A, %dma_wait3A_618, %dma_wait3A_619] : memref<32x32x100xi32, #tpu.memory_space<hbm>> -> memref<1x32x100xi32, #tpu.memory_space<hbm>>
      %dma_wait3A_621 = tpu.memref_squeeze %dma_wait3A_620 : memref<1x32x100xi32, #tpu.memory_space<hbm>> -> memref<32x100xi32, #tpu.memory_space<hbm>>
      tpu.wait_dma2 semaphore(%run_scoped3A : memref<!tpu.dma_semaphore, #tpu.memory_space<semaphore_mem>>) src(%dma_wait3A_621 : memref<32x100xi32, #tpu.memory_space<hbm>>) dst(%arg14 : memref<32x100xi32, #tpu.memory_space<vmem>>)
      tpu.yield
    }) : () -> ()
    %dma_start3A = arith.constant 0 : i32
    %dma_start3A_3 = arith.constant 0 : i32
    %dma_start3A_4 = arith.constant 0 : i32
    %dma_start3A_5 = arith.constant 0 : i32
    %dma_start3A_6 = arith.constant 0 : i32
    %dma_start3A_7 = tpu.memref_slice %arg18[%dma_start3A_3, %dma_start3A_5, %dma_start3A_6] : memref<4x100x128xf32, #tpu.memory_space<vmem>> -> memref<1x100x128xf32, #tpu.memory_space<vmem>>
    %dma_start3A_8 = tpu.memref_squeeze %dma_start3A_7 : memref<1x100x128xf32, #tpu.memory_space<vmem>> -> memref<100x128xf32, #tpu.memory_space<vmem>>
    %dma_start3A_9 = arith.constant 0 : i32
    %dma_start3A_10 = tpu.memref_slice %arg14[%dma_start3A, %dma_start3A_9] : memref<32x100xi32, #tpu.memory_space<vmem>> -> memref<1x100xi32, #tpu.memory_space<vmem>>
    %dma_start3A_11 = tpu.memref_squeeze %dma_start3A_10 : memref<1x100xi32, #tpu.memory_space<vmem>> -> memref<100xi32, #tpu.memory_space<vmem>>
    %dma_start3A_12 = arith.constant 0 : i32
    %dma_start3A_13 = arith.constant 0 : i32
    %dma_start3A_14 = tpu.memref_slice %arg2[%dma_start3A_12, %dma_start3A_13] : memref<10500x128xf32, #tpu.memory_space<hbm>> -> memref<10500x128xf32, #tpu.memory_space<hbm>>
    %dma_start3A_15 = tpu.memref_slice %arg19[%dma_start3A_4] : memref<4x!tpu.dma_semaphore, #tpu.memory_space<semaphore_mem>> -> memref<1x!tpu.dma_semaphore, #tpu.memory_space<semaphore_mem>>
    %dma_start3A_16 = tpu.memref_squeeze %dma_start3A_15 : memref<1x!tpu.dma_semaphore, #tpu.memory_space<semaphore_mem>> -> memref<!tpu.dma_semaphore, #tpu.memory_space<semaphore_mem>>
    tpu.enqueue_indirect_dma source(%dma_start3A_14 : memref<10500x128xf32, #tpu.memory_space<hbm>>) target(%dma_start3A_8 : memref<100x128xf32, #tpu.memory_space<vmem>>) offsets(%dma_start3A_11 : memref<100xi32, #tpu.memory_space<vmem>>) semaphore(%dma_start3A_16 : memref<!tpu.dma_semaphore, #tpu.memory_space<semaphore_mem>>)
    %dma_start3A_17 = arith.constant 1 : i32
    %dma_start3A_18 = arith.constant 1 : i32
    %dma_start3A_19 = arith.constant 1 : i32
    %dma_start3A_20 = arith.constant 0 : i32
    %dma_start3A_21 = arith.constant 0 : i32
    %dma_start3A_22 = tpu.memref_slice %arg18[%dma_start3A_18, %dma_start3A_20, %dma_start3A_21] : memref<4x100x128xf32, #tpu.memory_space<vmem>> -> memref<1x100x128xf32, #tpu.memory_space<vmem>>
    %dma_start3A_23 = tpu.memref_squeeze %dma_start3A_22 : memref<1x100x128xf32, #tpu.memory_space<vmem>> -> memref<100x128xf32, #tpu.memory_space<vmem>>
    %dma_start3A_24 = arith.constant 0 : i32
    %dma_start3A_25 = tpu.memref_slice %arg14[%dma_start3A_17, %dma_start3A_24] : memref<32x100xi32, #tpu.memory_space<vmem>> -> memref<1x100xi32, #tpu.memory_space<vmem>>
    %dma_start3A_26 = tpu.memref_squeeze %dma_start3A_25 : memref<1x100xi32, #tpu.memory_space<vmem>> -> memref<100xi32, #tpu.memory_space<vmem>>
    %dma_start3A_27 = arith.constant 0 : i32
    %dma_start3A_28 = arith.constant 0 : i32
    %dma_start3A_29 = tpu.memref_slice %arg2[%dma_start3A_27, %dma_start3A_28] : memref<10500x128xf32, #tpu.memory_space<hbm>> -> memref<10500x128xf32, #tpu.memory_space<hbm>>
    %dma_start3A_30 = tpu.memref_slice %arg19[%dma_start3A_19] : memref<4x!tpu.dma_semaphore, #tpu.memory_space<semaphore_mem>> -> memref<1x!tpu.dma_semaphore, #tpu.memory_space<semaphore_mem>>
    %dma_start3A_31 = tpu.memref_squeeze %dma_start3A_30 : memref<1x!tpu.dma_semaphore, #tpu.memory_space<semaphore_mem>> -> memref<!tpu.dma_semaphore, #tpu.memory_space<semaphore_mem>>
    tpu.enqueue_indirect_dma source(%dma_start3A_29 : memref<10500x128xf32, #tpu.memory_space<hbm>>) target(%dma_start3A_23 : memref<100x128xf32, #tpu.memory_space<vmem>>) offsets(%dma_start3A_26 : memref<100xi32, #tpu.memory_space<vmem>>) semaphore(%dma_start3A_31 : memref<!tpu.dma_semaphore, #tpu.memory_space<semaphore_mem>>)
    %dma_start3A_32 = arith.constant 2 : i32
    %dma_start3A_33 = arith.constant 2 : i32
    %dma_start3A_34 = arith.constant 2 : i32
    %dma_start3A_35 = arith.constant 0 : i32
    %dma_start3A_36 = arith.constant 0 : i32
    %dma_start3A_37 = tpu.memref_slice %arg18[%dma_start3A_33, %dma_start3A_35, %dma_start3A_36] : memref<4x100x128xf32, #tpu.memory_space<vmem>> -> memref<1x100x128xf32, #tpu.memory_space<vmem>>
    %dma_start3A_38 = tpu.memref_squeeze %dma_start3A_37 : memref<1x100x128xf32, #tpu.memory_space<vmem>> -> memref<100x128xf32, #tpu.memory_space<vmem>>
    %dma_start3A_39 = arith.constant 0 : i32
    %dma_start3A_40 = tpu.memref_slice %arg14[%dma_start3A_32, %dma_start3A_39] : memref<32x100xi32, #tpu.memory_space<vmem>> -> memref<1x100xi32, #tpu.memory_space<vmem>>
    %dma_start3A_41 = tpu.memref_squeeze %dma_start3A_40 : memref<1x100xi32, #tpu.memory_space<vmem>> -> memref<100xi32, #tpu.memory_space<vmem>>
    %dma_start3A_42 = arith.constant 0 : i32
    %dma_start3A_43 = arith.constant 0 : i32
    %dma_start3A_44 = tpu.memref_slice %arg2[%dma_start3A_42, %dma_start3A_43] : memref<10500x128xf32, #tpu.memory_space<hbm>> -> memref<10500x128xf32, #tpu.memory_space<hbm>>
    %dma_start3A_45 = tpu.memref_slice %arg19[%dma_start3A_34] : memref<4x!tpu.dma_semaphore, #tpu.memory_space<semaphore_mem>> -> memref<1x!tpu.dma_semaphore, #tpu.memory_space<semaphore_mem>>
    %dma_start3A_46 = tpu.memref_squeeze %dma_start3A_45 : memref<1x!tpu.dma_semaphore, #tpu.memory_space<semaphore_mem>> -> memref<!tpu.dma_semaphore, #tpu.memory_space<semaphore_mem>>
    tpu.enqueue_indirect_dma source(%dma_start3A_44 : memref<10500x128xf32, #tpu.memory_space<hbm>>) target(%dma_start3A_38 : memref<100x128xf32, #tpu.memory_space<vmem>>) offsets(%dma_start3A_41 : memref<100xi32, #tpu.memory_space<vmem>>) semaphore(%dma_start3A_46 : memref<!tpu.dma_semaphore, #tpu.memory_space<semaphore_mem>>)
    %dma_start3A_47 = arith.constant 3 : i32
    %dma_start3A_48 = arith.constant 3 : i32
    %dma_start3A_49 = arith.constant 3 : i32
    %dma_start3A_50 = arith.constant 0 : i32
    %dma_start3A_51 = arith.constant 0 : i32
    %dma_start3A_52 = tpu.memref_slice %arg18[%dma_start3A_48, %dma_start3A_50, %dma_start3A_51] : memref<4x100x128xf32, #tpu.memory_space<vmem>> -> memref<1x100x128xf32, #tpu.memory_space<vmem>>
    %dma_start3A_53 = tpu.memref_squeeze %dma_start3A_52 : memref<1x100x128xf32, #tpu.memory_space<vmem>> -> memref<100x128xf32, #tpu.memory_space<vmem>>
    %dma_start3A_54 = arith.constant 0 : i32
    %dma_start3A_55 = tpu.memref_slice %arg14[%dma_start3A_47, %dma_start3A_54] : memref<32x100xi32, #tpu.memory_space<vmem>> -> memref<1x100xi32, #tpu.memory_space<vmem>>
    %dma_start3A_56 = tpu.memref_squeeze %dma_start3A_55 : memref<1x100xi32, #tpu.memory_space<vmem>> -> memref<100xi32, #tpu.memory_space<vmem>>
    %dma_start3A_57 = arith.constant 0 : i32
    %dma_start3A_58 = arith.constant 0 : i32
    %dma_start3A_59 = tpu.memref_slice %arg2[%dma_start3A_57, %dma_start3A_58] : memref<10500x128xf32, #tpu.memory_space<hbm>> -> memref<10500x128xf32, #tpu.memory_space<hbm>>
    %dma_start3A_60 = tpu.memref_slice %arg19[%dma_start3A_49] : memref<4x!tpu.dma_semaphore, #tpu.memory_space<semaphore_mem>> -> memref<1x!tpu.dma_semaphore, #tpu.memory_space<semaphore_mem>>
    %dma_start3A_61 = tpu.memref_squeeze %dma_start3A_60 : memref<1x!tpu.dma_semaphore, #tpu.memory_space<semaphore_mem>> -> memref<!tpu.dma_semaphore, #tpu.memory_space<semaphore_mem>>
    tpu.enqueue_indirect_dma source(%dma_start3A_59 : memref<10500x128xf32, #tpu.memory_space<hbm>>) target(%dma_start3A_53 : memref<100x128xf32, #tpu.memory_space<vmem>>) offsets(%dma_start3A_56 : memref<100xi32, #tpu.memory_space<vmem>>) semaphore(%dma_start3A_61 : memref<!tpu.dma_semaphore, #tpu.memory_space<semaphore_mem>>)
    %scan3A = arith.constant 0 : i32
    %scan3A_62 = arith.constant 0 : i32
    %scan3A_63 = arith.constant 32 : i32
    %scan3A_64 = arith.addi %scan3A_62, %scan3A_63 : i32
    %scan3A_65 = arith.constant 1 : i32
    scf.for %scan3A_606 = %scan3A_62 to %scan3A_64 step %scan3A_65  : i32 {
      %rem3A = arith.constant 4 : i32
      %rem3A_607 = arith.remsi %scan3A_606, %rem3A : i32
      %dma_wait3A_608 = arith.constant 0 : i32
      %dma_wait3A_609 = arith.constant 0 : i32
      %dma_wait3A_610 = arith.constant 0 : i32
      %dma_wait3A_611 = tpu.memref_slice %arg18[%rem3A_607, %dma_wait3A_609, %dma_wait3A_610] : memref<4x100x128xf32, #tpu.memory_space<vmem>> -> memref<1x100x128xf32, #tpu.memory_space<vmem>>
      %dma_wait3A_612 = tpu.memref_squeeze %dma_wait3A_611 : memref<1x100x128xf32, #tpu.memory_space<vmem>> -> memref<100x128xf32, #tpu.memory_space<vmem>>
      %dma_wait3A_613 = arith.constant 0 : i32
      %dma_wait3A_614 = arith.constant 0 : i32
      %dma_wait3A_615 = tpu.memref_slice %arg10[%dma_wait3A_608, %dma_wait3A_613, %dma_wait3A_614] : memref<1024x100x128xf32, #tpu.memory_space<hbm>> -> memref<1x100x128xf32, #tpu.memory_space<hbm>>
      %dma_wait3A_616 = tpu.memref_squeeze %dma_wait3A_615 : memref<1x100x128xf32, #tpu.memory_space<hbm>> -> memref<100x128xf32, #tpu.memory_space<hbm>>
      %dma_wait3A_617 = tpu.memref_slice %arg19[%rem3A_607] : memref<4x!tpu.dma_semaphore, #tpu.memory_space<semaphore_mem>> -> memref<1x!tpu.dma_semaphore, #tpu.memory_space<semaphore_mem>>
      %dma_wait3A_618 = tpu.memref_squeeze %dma_wait3A_617 : memref<1x!tpu.dma_semaphore, #tpu.memory_space<semaphore_mem>> -> memref<!tpu.dma_semaphore, #tpu.memory_space<semaphore_mem>>
      %dma_wait3A_619 = arith.constant 0 : i32
      %dma_wait3A_620 = arith.constant 0 : i32
      %dma_wait3A_621 = tpu.memref_slice %arg18[%rem3A_607, %dma_wait3A_619, %dma_wait3A_620] : memref<4x100x128xf32, #tpu.memory_space<vmem>> -> memref<1x100x128xf32, #tpu.memory_space<vmem>>
      %dma_wait3A_622 = tpu.memref_squeeze %dma_wait3A_621 : memref<1x100x128xf32, #tpu.memory_space<vmem>> -> memref<100x128xf32, #tpu.memory_space<vmem>>
      %dma_wait3A_623 = arith.constant 0 : i32
      %dma_wait3A_624 = arith.constant 0 : i32
      %dma_wait3A_625 = tpu.memref_slice %arg10[%dma_wait3A_608, %dma_wait3A_623, %dma_wait3A_624] : memref<1024x100x128xf32, #tpu.memory_space<hbm>> -> memref<1x100x128xf32, #tpu.memory_space<hbm>>
      %dma_wait3A_626 = tpu.memref_squeeze %dma_wait3A_625 : memref<1x100x128xf32, #tpu.memory_space<hbm>> -> memref<100x128xf32, #tpu.memory_space<hbm>>
      tpu.wait_dma2 semaphore(%dma_wait3A_618 : memref<!tpu.dma_semaphore, #tpu.memory_space<semaphore_mem>>) src(%dma_wait3A_626 : memref<100x128xf32, #tpu.memory_space<hbm>>) dst(%dma_wait3A_622 : memref<100x128xf32, #tpu.memory_space<vmem>>)
      %add3A_627 = arith.addi %mul3A_2, %scan3A_606 : i32
      %dma_start3A_628 = arith.constant 0 : i32
      %dma_start3A_629 = arith.constant 0 : i32
      %dma_start3A_630 = tpu.memref_slice %arg18[%rem3A_607, %dma_start3A_628, %dma_start3A_629] : memref<4x100x128xf32, #tpu.memory_space<vmem>> -> memref<1x100x128xf32, #tpu.memory_space<vmem>>
      %dma_start3A_631 = tpu.memref_squeeze %dma_start3A_630 : memref<1x100x128xf32, #tpu.memory_space<vmem>> -> memref<100x128xf32, #tpu.memory_space<vmem>>
      %dma_start3A_632 = arith.constant 0 : i32
      %dma_start3A_633 = arith.constant 0 : i32
      %dma_start3A_634 = tpu.memref_slice %arg10[%add3A_627, %dma_start3A_632, %dma_start3A_633] : memref<1024x100x128xf32, #tpu.memory_space<hbm>> -> memref<1x100x128xf32, #tpu.memory_space<hbm>>
      %dma_start3A_635 = tpu.memref_squeeze %dma_start3A_634 : memref<1x100x128xf32, #tpu.memory_space<hbm>> -> memref<100x128xf32, #tpu.memory_space<hbm>>
      %dma_start3A_636 = tpu.memref_slice %arg20[%rem3A_607] : memref<4x!tpu.dma_semaphore, #tpu.memory_space<semaphore_mem>> -> memref<1x!tpu.dma_semaphore, #tpu.memory_space<semaphore_mem>>
      %dma_start3A_637 = tpu.memref_squeeze %dma_start3A_636 : memref<1x!tpu.dma_semaphore, #tpu.memory_space<semaphore_mem>> -> memref<!tpu.dma_semaphore, #tpu.memory_space<semaphore_mem>>
      %dma_start3A_638 = arith.constant 0 : i32
      %dma_start3A_639 = arith.constant 0 : i32
      %dma_start3A_640 = tpu.memref_slice %arg10[%add3A_627, %dma_start3A_638, %dma_start3A_639] : memref<1024x100x128xf32, #tpu.memory_space<hbm>> -> memref<1x100x128xf32, #tpu.memory_space<hbm>>
      %dma_start3A_641 = tpu.memref_squeeze %dma_start3A_640 : memref<1x100x128xf32, #tpu.memory_space<hbm>> -> memref<100x128xf32, #tpu.memory_space<hbm>>
      %dma_start3A_642 = arith.constant 0 : i32
      %dma_start3A_643 = arith.constant 0 : i32
      %dma_start3A_644 = tpu.memref_slice %arg18[%rem3A_607, %dma_start3A_642, %dma_start3A_643] : memref<4x100x128xf32, #tpu.memory_space<vmem>> -> memref<1x100x128xf32, #tpu.memory_space<vmem>>
      %dma_start3A_645 = tpu.memref_squeeze %dma_start3A_644 : memref<1x100x128xf32, #tpu.memory_space<vmem>> -> memref<100x128xf32, #tpu.memory_space<vmem>>
      tpu.enqueue_dma source(%dma_start3A_645 : memref<100x128xf32, #tpu.memory_space<vmem>>) target(%dma_start3A_641 : memref<100x128xf32, #tpu.memory_space<hbm>>) target_semaphore(%dma_start3A_637 : memref<!tpu.dma_semaphore, #tpu.memory_space<semaphore_mem>>)
      %add3A_646 = arith.constant 4 : i32
      %add3A_647 = arith.addi %scan3A_606, %add3A_646 : i32
      %lt3A = arith.constant 32 : i32
      %lt3A_648 = arith.cmpi slt, %add3A_647, %lt3A : i32
      %convert_element_type3A = arith.extui %lt3A_648 : i1 to i32
      %cond3A = arith.constant 0 : i32
      %cond3A_649 = arith.cmpi ne, %convert_element_type3A, %cond3A : i32
      scf.if %cond3A_649 {
        %dma_wait3A_650 = arith.constant 0 : i32
        %dma_wait3A_651 = arith.constant 0 : i32
        %dma_wait3A_652 = arith.constant 0 : i32
        %dma_wait3A_653 = tpu.memref_slice %arg18[%rem3A_607, %dma_wait3A_651, %dma_wait3A_652] : memref<4x100x128xf32, #tpu.memory_space<vmem>> -> memref<1x100x128xf32, #tpu.memory_space<vmem>>
        %dma_wait3A_654 = tpu.memref_squeeze %dma_wait3A_653 : memref<1x100x128xf32, #tpu.memory_space<vmem>> -> memref<100x128xf32, #tpu.memory_space<vmem>>
        %dma_wait3A_655 = arith.constant 0 : i32
        %dma_wait3A_656 = arith.constant 0 : i32
        %dma_wait3A_657 = tpu.memref_slice %arg10[%dma_wait3A_650, %dma_wait3A_655, %dma_wait3A_656] : memref<1024x100x128xf32, #tpu.memory_space<hbm>> -> memref<1x100x128xf32, #tpu.memory_space<hbm>>
        %dma_wait3A_658 = tpu.memref_squeeze %dma_wait3A_657 : memref<1x100x128xf32, #tpu.memory_space<hbm>> -> memref<100x128xf32, #tpu.memory_space<hbm>>
        %dma_wait3A_659 = tpu.memref_slice %arg20[%rem3A_607] : memref<4x!tpu.dma_semaphore, #tpu.memory_space<semaphore_mem>> -> memref<1x!tpu.dma_semaphore, #tpu.memory_space<semaphore_mem>>
        %dma_wait3A_660 = tpu.memref_squeeze %dma_wait3A_659 : memref<1x!tpu.dma_semaphore, #tpu.memory_space<semaphore_mem>> -> memref<!tpu.dma_semaphore, #tpu.memory_space<semaphore_mem>>
        %dma_wait3A_661 = arith.constant 0 : i32
        %dma_wait3A_662 = arith.constant 0 : i32
        %dma_wait3A_663 = tpu.memref_slice %arg18[%rem3A_607, %dma_wait3A_661, %dma_wait3A_662] : memref<4x100x128xf32, #tpu.memory_space<vmem>> -> memref<1x100x128xf32, #tpu.memory_space<vmem>>
        %dma_wait3A_664 = tpu.memref_squeeze %dma_wait3A_663 : memref<1x100x128xf32, #tpu.memory_space<vmem>> -> memref<100x128xf32, #tpu.memory_space<vmem>>
        %dma_wait3A_665 = arith.constant 0 : i32
        %dma_wait3A_666 = arith.constant 0 : i32
        %dma_wait3A_667 = tpu.memref_slice %arg10[%dma_wait3A_650, %dma_wait3A_665, %dma_wait3A_666] : memref<1024x100x128xf32, #tpu.memory_space<hbm>> -> memref<1x100x128xf32, #tpu.memory_space<hbm>>
        %dma_wait3A_668 = tpu.memref_squeeze %dma_wait3A_667 : memref<1x100x128xf32, #tpu.memory_space<hbm>> -> memref<100x128xf32, #tpu.memory_space<hbm>>
        tpu.wait_dma2 semaphore(%dma_wait3A_660 : memref<!tpu.dma_semaphore, #tpu.memory_space<semaphore_mem>>) src(%dma_wait3A_668 : memref<100x128xf32, #tpu.memory_space<hbm>>) dst(%dma_wait3A_664 : memref<100x128xf32, #tpu.memory_space<vmem>>)
        %add3A_669 = arith.constant 4 : i32
        %add3A_670 = arith.addi %scan3A_606, %add3A_669 : i32
        %dma_start3A_671 = arith.constant 0 : i32
        %dma_start3A_672 = arith.constant 0 : i32
        %dma_start3A_673 = tpu.memref_slice %arg18[%rem3A_607, %dma_start3A_671, %dma_start3A_672] : memref<4x100x128xf32, #tpu.memory_space<vmem>> -> memref<1x100x128xf32, #tpu.memory_space<vmem>>
        %dma_start3A_674 = tpu.memref_squeeze %dma_start3A_673 : memref<1x100x128xf32, #tpu.memory_space<vmem>> -> memref<100x128xf32, #tpu.memory_space<vmem>>
        %dma_start3A_675 = arith.constant 0 : i32
        %dma_start3A_676 = tpu.memref_slice %arg14[%add3A_670, %dma_start3A_675] : memref<32x100xi32, #tpu.memory_space<vmem>> -> memref<1x100xi32, #tpu.memory_space<vmem>>
        %dma_start3A_677 = tpu.memref_squeeze %dma_start3A_676 : memref<1x100xi32, #tpu.memory_space<vmem>> -> memref<100xi32, #tpu.memory_space<vmem>>
        %dma_start3A_678 = arith.constant 0 : i32
        %dma_start3A_679 = arith.constant 0 : i32
        %dma_start3A_680 = tpu.memref_slice %arg2[%dma_start3A_678, %dma_start3A_679] : memref<10500x128xf32, #tpu.memory_space<hbm>> -> memref<10500x128xf32, #tpu.memory_space<hbm>>
        %dma_start3A_681 = tpu.memref_slice %arg19[%rem3A_607] : memref<4x!tpu.dma_semaphore, #tpu.memory_space<semaphore_mem>> -> memref<1x!tpu.dma_semaphore, #tpu.memory_space<semaphore_mem>>
        %dma_start3A_682 = tpu.memref_squeeze %dma_start3A_681 : memref<1x!tpu.dma_semaphore, #tpu.memory_space<semaphore_mem>> -> memref<!tpu.dma_semaphore, #tpu.memory_space<semaphore_mem>>
        tpu.enqueue_indirect_dma source(%dma_start3A_680 : memref<10500x128xf32, #tpu.memory_space<hbm>>) target(%dma_start3A_674 : memref<100x128xf32, #tpu.memory_space<vmem>>) offsets(%dma_start3A_677 : memref<100xi32, #tpu.memory_space<vmem>>) semaphore(%dma_start3A_682 : memref<!tpu.dma_semaphore, #tpu.memory_space<semaphore_mem>>)
      } else {
      }
    }
    %scan3A_66 = arith.constant 32 : i32
    %dma_wait3A = arith.constant 0 : i32
    %dma_wait3A_67 = arith.constant 0 : i32
    %dma_wait3A_68 = arith.constant 0 : i32
    %dma_wait3A_69 = arith.constant 0 : i32
    %dma_wait3A_70 = arith.constant 0 : i32
    %dma_wait3A_71 = tpu.memref_slice %arg18[%dma_wait3A_67, %dma_wait3A_69, %dma_wait3A_70] : memref<4x100x128xf32, #tpu.memory_space<vmem>> -> memref<1x100x128xf32, #tpu.memory_space<vmem>>
    %dma_wait3A_72 = tpu.memref_squeeze %dma_wait3A_71 : memref<1x100x128xf32, #tpu.memory_space<vmem>> -> memref<100x128xf32, #tpu.memory_space<vmem>>
    %dma_wait3A_73 = arith.constant 0 : i32
    %dma_wait3A_74 = arith.constant 0 : i32
    %dma_wait3A_75 = tpu.memref_slice %arg10[%dma_wait3A, %dma_wait3A_73, %dma_wait3A_74] : memref<1024x100x128xf32, #tpu.memory_space<hbm>> -> memref<1x100x128xf32, #tpu.memory_space<hbm>>
    %dma_wait3A_76 = tpu.memref_squeeze %dma_wait3A_75 : memref<1x100x128xf32, #tpu.memory_space<hbm>> -> memref<100x128xf32, #tpu.memory_space<hbm>>
    %dma_wait3A_77 = tpu.memref_slice %arg20[%dma_wait3A_68] : memref<4x!tpu.dma_semaphore, #tpu.memory_space<semaphore_mem>> -> memref<1x!tpu.dma_semaphore, #tpu.memory_space<semaphore_mem>>
    %dma_wait3A_78 = tpu.memref_squeeze %dma_wait3A_77 : memref<1x!tpu.dma_semaphore, #tpu.memory_space<semaphore_mem>> -> memref<!tpu.dma_semaphore, #tpu.memory_space<semaphore_mem>>
    %dma_wait3A_79 = arith.constant 0 : i32
    %dma_wait3A_80 = arith.constant 0 : i32
    %dma_wait3A_81 = tpu.memref_slice %arg18[%dma_wait3A_67, %dma_wait3A_79, %dma_wait3A_80] : memref<4x100x128xf32, #tpu.memory_space<vmem>> -> memref<1x100x128xf32, #tpu.memory_space<vmem>>
    %dma_wait3A_82 = tpu.memref_squeeze %dma_wait3A_81 : memref<1x100x128xf32, #tpu.memory_space<vmem>> -> memref<100x128xf32, #tpu.memory_space<vmem>>
    %dma_wait3A_83 = arith.constant 0 : i32
    %dma_wait3A_84 = arith.constant 0 : i32
    %dma_wait3A_85 = tpu.memref_slice %arg10[%dma_wait3A, %dma_wait3A_83, %dma_wait3A_84] : memref<1024x100x128xf32, #tpu.memory_space<hbm>> -> memref<1x100x128xf32, #tpu.memory_space<hbm>>
    %dma_wait3A_86 = tpu.memref_squeeze %dma_wait3A_85 : memref<1x100x128xf32, #tpu.memory_space<hbm>> -> memref<100x128xf32, #tpu.memory_space<hbm>>
    tpu.wait_dma2 semaphore(%dma_wait3A_78 : memref<!tpu.dma_semaphore, #tpu.memory_space<semaphore_mem>>) src(%dma_wait3A_86 : memref<100x128xf32, #tpu.memory_space<hbm>>) dst(%dma_wait3A_82 : memref<100x128xf32, #tpu.memory_space<vmem>>)
    %dma_wait3A_87 = arith.constant 0 : i32
    %dma_wait3A_88 = arith.constant 1 : i32
    %dma_wait3A_89 = arith.constant 1 : i32
    %dma_wait3A_90 = arith.constant 0 : i32
    %dma_wait3A_91 = arith.constant 0 : i32
    %dma_wait3A_92 = tpu.memref_slice %arg18[%dma_wait3A_88, %dma_wait3A_90, %dma_wait3A_91] : memref<4x100x128xf32, #tpu.memory_space<vmem>> -> memref<1x100x128xf32, #tpu.memory_space<vmem>>
    %dma_wait3A_93 = tpu.memref_squeeze %dma_wait3A_92 : memref<1x100x128xf32, #tpu.memory_space<vmem>> -> memref<100x128xf32, #tpu.memory_space<vmem>>
    %dma_wait3A_94 = arith.constant 0 : i32
    %dma_wait3A_95 = arith.constant 0 : i32
    %dma_wait3A_96 = tpu.memref_slice %arg10[%dma_wait3A_87, %dma_wait3A_94, %dma_wait3A_95] : memref<1024x100x128xf32, #tpu.memory_space<hbm>> -> memref<1x100x128xf32, #tpu.memory_space<hbm>>
    %dma_wait3A_97 = tpu.memref_squeeze %dma_wait3A_96 : memref<1x100x128xf32, #tpu.memory_space<hbm>> -> memref<100x128xf32, #tpu.memory_space<hbm>>
    %dma_wait3A_98 = tpu.memref_slice %arg20[%dma_wait3A_89] : memref<4x!tpu.dma_semaphore, #tpu.memory_space<semaphore_mem>> -> memref<1x!tpu.dma_semaphore, #tpu.memory_space<semaphore_mem>>
    %dma_wait3A_99 = tpu.memref_squeeze %dma_wait3A_98 : memref<1x!tpu.dma_semaphore, #tpu.memory_space<semaphore_mem>> -> memref<!tpu.dma_semaphore, #tpu.memory_space<semaphore_mem>>
    %dma_wait3A_100 = arith.constant 0 : i32
    %dma_wait3A_101 = arith.constant 0 : i32
    %dma_wait3A_102 = tpu.memref_slice %arg18[%dma_wait3A_88, %dma_wait3A_100, %dma_wait3A_101] : memref<4x100x128xf32, #tpu.memory_space<vmem>> -> memref<1x100x128xf32, #tpu.memory_space<vmem>>
    %dma_wait3A_103 = tpu.memref_squeeze %dma_wait3A_102 : memref<1x100x128xf32, #tpu.memory_space<vmem>> -> memref<100x128xf32, #tpu.memory_space<vmem>>
    %dma_wait3A_104 = arith.constant 0 : i32
    %dma_wait3A_105 = arith.constant 0 : i32
    %dma_wait3A_106 = tpu.memref_slice %arg10[%dma_wait3A_87, %dma_wait3A_104, %dma_wait3A_105] : memref<1024x100x128xf32, #tpu.memory_space<hbm>> -> memref<1x100x128xf32, #tpu.memory_space<hbm>>
    %dma_wait3A_107 = tpu.memref_squeeze %dma_wait3A_106 : memref<1x100x128xf32, #tpu.memory_space<hbm>> -> memref<100x128xf32, #tpu.memory_space<hbm>>
    tpu.wait_dma2 semaphore(%dma_wait3A_99 : memref<!tpu.dma_semaphore, #tpu.memory_space<semaphore_mem>>) src(%dma_wait3A_107 : memref<100x128xf32, #tpu.memory_space<hbm>>) dst(%dma_wait3A_103 : memref<100x128xf32, #tpu.memory_space<vmem>>)
    %dma_wait3A_108 = arith.constant 0 : i32
    %dma_wait3A_109 = arith.constant 2 : i32
    %dma_wait3A_110 = arith.constant 2 : i32
    %dma_wait3A_111 = arith.constant 0 : i32
    %dma_wait3A_112 = arith.constant 0 : i32
    %dma_wait3A_113 = tpu.memref_slice %arg18[%dma_wait3A_109, %dma_wait3A_111, %dma_wait3A_112] : memref<4x100x128xf32, #tpu.memory_space<vmem>> -> memref<1x100x128xf32, #tpu.memory_space<vmem>>
    %dma_wait3A_114 = tpu.memref_squeeze %dma_wait3A_113 : memref<1x100x128xf32, #tpu.memory_space<vmem>> -> memref<100x128xf32, #tpu.memory_space<vmem>>
    %dma_wait3A_115 = arith.constant 0 : i32
    %dma_wait3A_116 = arith.constant 0 : i32
    %dma_wait3A_117 = tpu.memref_slice %arg10[%dma_wait3A_108, %dma_wait3A_115, %dma_wait3A_116] : memref<1024x100x128xf32, #tpu.memory_space<hbm>> -> memref<1x100x128xf32, #tpu.memory_space<hbm>>
    %dma_wait3A_118 = tpu.memref_squeeze %dma_wait3A_117 : memref<1x100x128xf32, #tpu.memory_space<hbm>> -> memref<100x128xf32, #tpu.memory_space<hbm>>
    %dma_wait3A_119 = tpu.memref_slice %arg20[%dma_wait3A_110] : memref<4x!tpu.dma_semaphore, #tpu.memory_space<semaphore_mem>> -> memref<1x!tpu.dma_semaphore, #tpu.memory_space<semaphore_mem>>
    %dma_wait3A_120 = tpu.memref_squeeze %dma_wait3A_119 : memref<1x!tpu.dma_semaphore, #tpu.memory_space<semaphore_mem>> -> memref<!tpu.dma_semaphore, #tpu.memory_space<semaphore_mem>>
    %dma_wait3A_121 = arith.constant 0 : i32
    %dma_wait3A_122 = arith.constant 0 : i32
    %dma_wait3A_123 = tpu.memref_slice %arg18[%dma_wait3A_109, %dma_wait3A_121, %dma_wait3A_122] : memref<4x100x128xf32, #tpu.memory_space<vmem>> -> memref<1x100x128xf32, #tpu.memory_space<vmem>>
    %dma_wait3A_124 = tpu.memref_squeeze %dma_wait3A_123 : memref<1x100x128xf32, #tpu.memory_space<vmem>> -> memref<100x128xf32, #tpu.memory_space<vmem>>
    %dma_wait3A_125 = arith.constant 0 : i32
    %dma_wait3A_126 = arith.constant 0 : i32
    %dma_wait3A_127 = tpu.memref_slice %arg10[%dma_wait3A_108, %dma_wait3A_125, %dma_wait3A_126] : memref<1024x100x128xf32, #tpu.memory_space<hbm>> -> memref<1x100x128xf32, #tpu.memory_space<hbm>>
    %dma_wait3A_128 = tpu.memref_squeeze %dma_wait3A_127 : memref<1x100x128xf32, #tpu.memory_space<hbm>> -> memref<100x128xf32, #tpu.memory_space<hbm>>
    tpu.wait_dma2 semaphore(%dma_wait3A_120 : memref<!tpu.dma_semaphore, #tpu.memory_space<semaphore_mem>>) src(%dma_wait3A_128 : memref<100x128xf32, #tpu.memory_space<hbm>>) dst(%dma_wait3A_124 : memref<100x128xf32, #tpu.memory_space<vmem>>)
    %dma_wait3A_129 = arith.constant 0 : i32
    %dma_wait3A_130 = arith.constant 3 : i32
    %dma_wait3A_131 = arith.constant 3 : i32
    %dma_wait3A_132 = arith.constant 0 : i32
    %dma_wait3A_133 = arith.constant 0 : i32
    %dma_wait3A_134 = tpu.memref_slice %arg18[%dma_wait3A_130, %dma_wait3A_132, %dma_wait3A_133] : memref<4x100x128xf32, #tpu.memory_space<vmem>> -> memref<1x100x128xf32, #tpu.memory_space<vmem>>
    %dma_wait3A_135 = tpu.memref_squeeze %dma_wait3A_134 : memref<1x100x128xf32, #tpu.memory_space<vmem>> -> memref<100x128xf32, #tpu.memory_space<vmem>>
    %dma_wait3A_136 = arith.constant 0 : i32
    %dma_wait3A_137 = arith.constant 0 : i32
    %dma_wait3A_138 = tpu.memref_slice %arg10[%dma_wait3A_129, %dma_wait3A_136, %dma_wait3A_137] : memref<1024x100x128xf32, #tpu.memory_space<hbm>> -> memref<1x100x128xf32, #tpu.memory_space<hbm>>
    %dma_wait3A_139 = tpu.memref_squeeze %dma_wait3A_138 : memref<1x100x128xf32, #tpu.memory_space<hbm>> -> memref<100x128xf32, #tpu.memory_space<hbm>>
    %dma_wait3A_140 = tpu.memref_slice %arg20[%dma_wait3A_131] : memref<4x!tpu.dma_semaphore, #tpu.memory_space<semaphore_mem>> -> memref<1x!tpu.dma_semaphore, #tpu.memory_space<semaphore_mem>>
    %dma_wait3A_141 = tpu.memref_squeeze %dma_wait3A_140 : memref<1x!tpu.dma_semaphore, #tpu.memory_space<semaphore_mem>> -> memref<!tpu.dma_semaphore, #tpu.memory_space<semaphore_mem>>
    %dma_wait3A_142 = arith.constant 0 : i32
    %dma_wait3A_143 = arith.constant 0 : i32
    %dma_wait3A_144 = tpu.memref_slice %arg18[%dma_wait3A_130, %dma_wait3A_142, %dma_wait3A_143] : memref<4x100x128xf32, #tpu.memory_space<vmem>> -> memref<1x100x128xf32, #tpu.memory_space<vmem>>
    %dma_wait3A_145 = tpu.memref_squeeze %dma_wait3A_144 : memref<1x100x128xf32, #tpu.memory_space<vmem>> -> memref<100x128xf32, #tpu.memory_space<vmem>>
    %dma_wait3A_146 = arith.constant 0 : i32
    %dma_wait3A_147 = arith.constant 0 : i32
    %dma_wait3A_148 = tpu.memref_slice %arg10[%dma_wait3A_129, %dma_wait3A_146, %dma_wait3A_147] : memref<1024x100x128xf32, #tpu.memory_space<hbm>> -> memref<1x100x128xf32, #tpu.memory_space<hbm>>
    %dma_wait3A_149 = tpu.memref_squeeze %dma_wait3A_148 : memref<1x100x128xf32, #tpu.memory_space<hbm>> -> memref<100x128xf32, #tpu.memory_space<hbm>>
    tpu.wait_dma2 semaphore(%dma_wait3A_141 : memref<!tpu.dma_semaphore, #tpu.memory_space<semaphore_mem>>) src(%dma_wait3A_149 : memref<100x128xf32, #tpu.memory_space<hbm>>) dst(%dma_wait3A_145 : memref<100x128xf32, #tpu.memory_space<vmem>>)
    %mul3A_150 = arith.constant 32 : i32
    %mul3A_151 = arith.muli %add3A, %mul3A_150 : i32
    "tpu.region"() ({
      %run_scoped3A = tpu.sem_alloc : memref<!tpu.dma_semaphore, #tpu.memory_space<semaphore_mem>>
      %dma_start3A_606 = arith.constant 0 : i32
      %dma_start3A_607 = arith.constant 0 : i32
      %dma_start3A_608 = tpu.memref_slice %arg7[%add3A, %dma_start3A_606, %dma_start3A_607] : memref<32x32x100xi32, #tpu.memory_space<hbm>> -> memref<1x32x100xi32, #tpu.memory_space<hbm>>
      %dma_start3A_609 = tpu.memref_squeeze %dma_start3A_608 : memref<1x32x100xi32, #tpu.memory_space<hbm>> -> memref<32x100xi32, #tpu.memory_space<hbm>>
      %dma_start3A_610 = arith.constant 0 : i32
      %dma_start3A_611 = arith.constant 0 : i32
      %dma_start3A_612 = tpu.memref_slice %arg7[%add3A, %dma_start3A_610, %dma_start3A_611] : memref<32x32x100xi32, #tpu.memory_space<hbm>> -> memref<1x32x100xi32, #tpu.memory_space<hbm>>
      %dma_start3A_613 = tpu.memref_squeeze %dma_start3A_612 : memref<1x32x100xi32, #tpu.memory_space<hbm>> -> memref<32x100xi32, #tpu.memory_space<hbm>>
      tpu.enqueue_dma source(%dma_start3A_613 : memref<32x100xi32, #tpu.memory_space<hbm>>) target(%arg15 : memref<32x100xi32, #tpu.memory_space<vmem>>) target_semaphore(%run_scoped3A : memref<!tpu.dma_semaphore, #tpu.memory_space<semaphore_mem>>)
      %dma_wait3A_614 = arith.constant 0 : i32
      %dma_wait3A_615 = arith.constant 0 : i32
      %dma_wait3A_616 = tpu.memref_slice %arg7[%add3A, %dma_wait3A_614, %dma_wait3A_615] : memref<32x32x100xi32, #tpu.memory_space<hbm>> -> memref<1x32x100xi32, #tpu.memory_space<hbm>>
      %dma_wait3A_617 = tpu.memref_squeeze %dma_wait3A_616 : memref<1x32x100xi32, #tpu.memory_space<hbm>> -> memref<32x100xi32, #tpu.memory_space<hbm>>
      %dma_wait3A_618 = arith.constant 0 : i32
      %dma_wait3A_619 = arith.constant 0 : i32
      %dma_wait3A_620 = tpu.memref_slice %arg7[%add3A, %dma_wait3A_618, %dma_wait3A_619] : memref<32x32x100xi32, #tpu.memory_space<hbm>> -> memref<1x32x100xi32, #tpu.memory_space<hbm>>
      %dma_wait3A_621 = tpu.memref_squeeze %dma_wait3A_620 : memref<1x32x100xi32, #tpu.memory_space<hbm>> -> memref<32x100xi32, #tpu.memory_space<hbm>>
      tpu.wait_dma2 semaphore(%run_scoped3A : memref<!tpu.dma_semaphore, #tpu.memory_space<semaphore_mem>>) src(%dma_wait3A_621 : memref<32x100xi32, #tpu.memory_space<hbm>>) dst(%arg15 : memref<32x100xi32, #tpu.memory_space<vmem>>)
      tpu.yield
    }) : () -> ()
    %dma_start3A_152 = arith.constant 0 : i32
    %dma_start3A_153 = arith.constant 0 : i32
    %dma_start3A_154 = arith.constant 0 : i32
    %dma_start3A_155 = arith.constant 0 : i32
    %dma_start3A_156 = arith.constant 0 : i32
    %dma_start3A_157 = tpu.memref_slice %arg21[%dma_start3A_153, %dma_start3A_155, %dma_start3A_156] : memref<4x100x128xi32, #tpu.memory_space<vmem>> -> memref<1x100x128xi32, #tpu.memory_space<vmem>>
    %dma_start3A_158 = tpu.memref_squeeze %dma_start3A_157 : memref<1x100x128xi32, #tpu.memory_space<vmem>> -> memref<100x128xi32, #tpu.memory_space<vmem>>
    %dma_start3A_159 = arith.constant 0 : i32
    %dma_start3A_160 = tpu.memref_slice %arg15[%dma_start3A_152, %dma_start3A_159] : memref<32x100xi32, #tpu.memory_space<vmem>> -> memref<1x100xi32, #tpu.memory_space<vmem>>
    %dma_start3A_161 = tpu.memref_squeeze %dma_start3A_160 : memref<1x100xi32, #tpu.memory_space<vmem>> -> memref<100xi32, #tpu.memory_space<vmem>>
    %dma_start3A_162 = arith.constant 0 : i32
    %dma_start3A_163 = arith.constant 0 : i32
    %dma_start3A_164 = tpu.memref_slice %arg3[%dma_start3A_162, %dma_start3A_163] : memref<10500x128xi32, #tpu.memory_space<hbm>> -> memref<10500x128xi32, #tpu.memory_space<hbm>>
    %dma_start3A_165 = tpu.memref_slice %arg22[%dma_start3A_154] : memref<4x!tpu.dma_semaphore, #tpu.memory_space<semaphore_mem>> -> memref<1x!tpu.dma_semaphore, #tpu.memory_space<semaphore_mem>>
    %dma_start3A_166 = tpu.memref_squeeze %dma_start3A_165 : memref<1x!tpu.dma_semaphore, #tpu.memory_space<semaphore_mem>> -> memref<!tpu.dma_semaphore, #tpu.memory_space<semaphore_mem>>
    tpu.enqueue_indirect_dma source(%dma_start3A_164 : memref<10500x128xi32, #tpu.memory_space<hbm>>) target(%dma_start3A_158 : memref<100x128xi32, #tpu.memory_space<vmem>>) offsets(%dma_start3A_161 : memref<100xi32, #tpu.memory_space<vmem>>) semaphore(%dma_start3A_166 : memref<!tpu.dma_semaphore, #tpu.memory_space<semaphore_mem>>)
    %dma_start3A_167 = arith.constant 1 : i32
    %dma_start3A_168 = arith.constant 1 : i32
    %dma_start3A_169 = arith.constant 1 : i32
    %dma_start3A_170 = arith.constant 0 : i32
    %dma_start3A_171 = arith.constant 0 : i32
    %dma_start3A_172 = tpu.memref_slice %arg21[%dma_start3A_168, %dma_start3A_170, %dma_start3A_171] : memref<4x100x128xi32, #tpu.memory_space<vmem>> -> memref<1x100x128xi32, #tpu.memory_space<vmem>>
    %dma_start3A_173 = tpu.memref_squeeze %dma_start3A_172 : memref<1x100x128xi32, #tpu.memory_space<vmem>> -> memref<100x128xi32, #tpu.memory_space<vmem>>
    %dma_start3A_174 = arith.constant 0 : i32
    %dma_start3A_175 = tpu.memref_slice %arg15[%dma_start3A_167, %dma_start3A_174] : memref<32x100xi32, #tpu.memory_space<vmem>> -> memref<1x100xi32, #tpu.memory_space<vmem>>
    %dma_start3A_176 = tpu.memref_squeeze %dma_start3A_175 : memref<1x100xi32, #tpu.memory_space<vmem>> -> memref<100xi32, #tpu.memory_space<vmem>>
    %dma_start3A_177 = arith.constant 0 : i32
    %dma_start3A_178 = arith.constant 0 : i32
    %dma_start3A_179 = tpu.memref_slice %arg3[%dma_start3A_177, %dma_start3A_178] : memref<10500x128xi32, #tpu.memory_space<hbm>> -> memref<10500x128xi32, #tpu.memory_space<hbm>>
    %dma_start3A_180 = tpu.memref_slice %arg22[%dma_start3A_169] : memref<4x!tpu.dma_semaphore, #tpu.memory_space<semaphore_mem>> -> memref<1x!tpu.dma_semaphore, #tpu.memory_space<semaphore_mem>>
    %dma_start3A_181 = tpu.memref_squeeze %dma_start3A_180 : memref<1x!tpu.dma_semaphore, #tpu.memory_space<semaphore_mem>> -> memref<!tpu.dma_semaphore, #tpu.memory_space<semaphore_mem>>
    tpu.enqueue_indirect_dma source(%dma_start3A_179 : memref<10500x128xi32, #tpu.memory_space<hbm>>) target(%dma_start3A_173 : memref<100x128xi32, #tpu.memory_space<vmem>>) offsets(%dma_start3A_176 : memref<100xi32, #tpu.memory_space<vmem>>) semaphore(%dma_start3A_181 : memref<!tpu.dma_semaphore, #tpu.memory_space<semaphore_mem>>)
    %dma_start3A_182 = arith.constant 2 : i32
    %dma_start3A_183 = arith.constant 2 : i32
    %dma_start3A_184 = arith.constant 2 : i32
    %dma_start3A_185 = arith.constant 0 : i32
    %dma_start3A_186 = arith.constant 0 : i32
    %dma_start3A_187 = tpu.memref_slice %arg21[%dma_start3A_183, %dma_start3A_185, %dma_start3A_186] : memref<4x100x128xi32, #tpu.memory_space<vmem>> -> memref<1x100x128xi32, #tpu.memory_space<vmem>>
    %dma_start3A_188 = tpu.memref_squeeze %dma_start3A_187 : memref<1x100x128xi32, #tpu.memory_space<vmem>> -> memref<100x128xi32, #tpu.memory_space<vmem>>
    %dma_start3A_189 = arith.constant 0 : i32
    %dma_start3A_190 = tpu.memref_slice %arg15[%dma_start3A_182, %dma_start3A_189] : memref<32x100xi32, #tpu.memory_space<vmem>> -> memref<1x100xi32, #tpu.memory_space<vmem>>
    %dma_start3A_191 = tpu.memref_squeeze %dma_start3A_190 : memref<1x100xi32, #tpu.memory_space<vmem>> -> memref<100xi32, #tpu.memory_space<vmem>>
    %dma_start3A_192 = arith.constant 0 : i32
    %dma_start3A_193 = arith.constant 0 : i32
    %dma_start3A_194 = tpu.memref_slice %arg3[%dma_start3A_192, %dma_start3A_193] : memref<10500x128xi32, #tpu.memory_space<hbm>> -> memref<10500x128xi32, #tpu.memory_space<hbm>>
    %dma_start3A_195 = tpu.memref_slice %arg22[%dma_start3A_184] : memref<4x!tpu.dma_semaphore, #tpu.memory_space<semaphore_mem>> -> memref<1x!tpu.dma_semaphore, #tpu.memory_space<semaphore_mem>>
    %dma_start3A_196 = tpu.memref_squeeze %dma_start3A_195 : memref<1x!tpu.dma_semaphore, #tpu.memory_space<semaphore_mem>> -> memref<!tpu.dma_semaphore, #tpu.memory_space<semaphore_mem>>
    tpu.enqueue_indirect_dma source(%dma_start3A_194 : memref<10500x128xi32, #tpu.memory_space<hbm>>) target(%dma_start3A_188 : memref<100x128xi32, #tpu.memory_space<vmem>>) offsets(%dma_start3A_191 : memref<100xi32, #tpu.memory_space<vmem>>) semaphore(%dma_start3A_196 : memref<!tpu.dma_semaphore, #tpu.memory_space<semaphore_mem>>)
    %dma_start3A_197 = arith.constant 3 : i32
    %dma_start3A_198 = arith.constant 3 : i32
    %dma_start3A_199 = arith.constant 3 : i32
    %dma_start3A_200 = arith.constant 0 : i32
    %dma_start3A_201 = arith.constant 0 : i32
    %dma_start3A_202 = tpu.memref_slice %arg21[%dma_start3A_198, %dma_start3A_200, %dma_start3A_201] : memref<4x100x128xi32, #tpu.memory_space<vmem>> -> memref<1x100x128xi32, #tpu.memory_space<vmem>>
    %dma_start3A_203 = tpu.memref_squeeze %dma_start3A_202 : memref<1x100x128xi32, #tpu.memory_space<vmem>> -> memref<100x128xi32, #tpu.memory_space<vmem>>
    %dma_start3A_204 = arith.constant 0 : i32
    %dma_start3A_205 = tpu.memref_slice %arg15[%dma_start3A_197, %dma_start3A_204] : memref<32x100xi32, #tpu.memory_space<vmem>> -> memref<1x100xi32, #tpu.memory_space<vmem>>
    %dma_start3A_206 = tpu.memref_squeeze %dma_start3A_205 : memref<1x100xi32, #tpu.memory_space<vmem>> -> memref<100xi32, #tpu.memory_space<vmem>>
    %dma_start3A_207 = arith.constant 0 : i32
    %dma_start3A_208 = arith.constant 0 : i32
    %dma_start3A_209 = tpu.memref_slice %arg3[%dma_start3A_207, %dma_start3A_208] : memref<10500x128xi32, #tpu.memory_space<hbm>> -> memref<10500x128xi32, #tpu.memory_space<hbm>>
    %dma_start3A_210 = tpu.memref_slice %arg22[%dma_start3A_199] : memref<4x!tpu.dma_semaphore, #tpu.memory_space<semaphore_mem>> -> memref<1x!tpu.dma_semaphore, #tpu.memory_space<semaphore_mem>>
    %dma_start3A_211 = tpu.memref_squeeze %dma_start3A_210 : memref<1x!tpu.dma_semaphore, #tpu.memory_space<semaphore_mem>> -> memref<!tpu.dma_semaphore, #tpu.memory_space<semaphore_mem>>
    tpu.enqueue_indirect_dma source(%dma_start3A_209 : memref<10500x128xi32, #tpu.memory_space<hbm>>) target(%dma_start3A_203 : memref<100x128xi32, #tpu.memory_space<vmem>>) offsets(%dma_start3A_206 : memref<100xi32, #tpu.memory_space<vmem>>) semaphore(%dma_start3A_211 : memref<!tpu.dma_semaphore, #tpu.memory_space<semaphore_mem>>)
    %scan3A_212 = arith.constant 0 : i32
    %scan3A_213 = arith.constant 0 : i32
    %scan3A_214 = arith.constant 32 : i32
    %scan3A_215 = arith.addi %scan3A_213, %scan3A_214 : i32
    %scan3A_216 = arith.constant 1 : i32
    scf.for %scan3A_606 = %scan3A_213 to %scan3A_215 step %scan3A_216  : i32 {
      %rem3A = arith.constant 4 : i32
      %rem3A_607 = arith.remsi %scan3A_606, %rem3A : i32
      %dma_wait3A_608 = arith.constant 0 : i32
      %dma_wait3A_609 = arith.constant 0 : i32
      %dma_wait3A_610 = arith.constant 0 : i32
      %dma_wait3A_611 = tpu.memref_slice %arg21[%rem3A_607, %dma_wait3A_609, %dma_wait3A_610] : memref<4x100x128xi32, #tpu.memory_space<vmem>> -> memref<1x100x128xi32, #tpu.memory_space<vmem>>
      %dma_wait3A_612 = tpu.memref_squeeze %dma_wait3A_611 : memref<1x100x128xi32, #tpu.memory_space<vmem>> -> memref<100x128xi32, #tpu.memory_space<vmem>>
      %dma_wait3A_613 = arith.constant 0 : i32
      %dma_wait3A_614 = arith.constant 0 : i32
      %dma_wait3A_615 = tpu.memref_slice %arg11[%dma_wait3A_608, %dma_wait3A_613, %dma_wait3A_614] : memref<1024x100x128xi32, #tpu.memory_space<hbm>> -> memref<1x100x128xi32, #tpu.memory_space<hbm>>
      %dma_wait3A_616 = tpu.memref_squeeze %dma_wait3A_615 : memref<1x100x128xi32, #tpu.memory_space<hbm>> -> memref<100x128xi32, #tpu.memory_space<hbm>>
      %dma_wait3A_617 = tpu.memref_slice %arg22[%rem3A_607] : memref<4x!tpu.dma_semaphore, #tpu.memory_space<semaphore_mem>> -> memref<1x!tpu.dma_semaphore, #tpu.memory_space<semaphore_mem>>
      %dma_wait3A_618 = tpu.memref_squeeze %dma_wait3A_617 : memref<1x!tpu.dma_semaphore, #tpu.memory_space<semaphore_mem>> -> memref<!tpu.dma_semaphore, #tpu.memory_space<semaphore_mem>>
      %dma_wait3A_619 = arith.constant 0 : i32
      %dma_wait3A_620 = arith.constant 0 : i32
      %dma_wait3A_621 = tpu.memref_slice %arg21[%rem3A_607, %dma_wait3A_619, %dma_wait3A_620] : memref<4x100x128xi32, #tpu.memory_space<vmem>> -> memref<1x100x128xi32, #tpu.memory_space<vmem>>
      %dma_wait3A_622 = tpu.memref_squeeze %dma_wait3A_621 : memref<1x100x128xi32, #tpu.memory_space<vmem>> -> memref<100x128xi32, #tpu.memory_space<vmem>>
      %dma_wait3A_623 = arith.constant 0 : i32
      %dma_wait3A_624 = arith.constant 0 : i32
      %dma_wait3A_625 = tpu.memref_slice %arg11[%dma_wait3A_608, %dma_wait3A_623, %dma_wait3A_624] : memref<1024x100x128xi32, #tpu.memory_space<hbm>> -> memref<1x100x128xi32, #tpu.memory_space<hbm>>
      %dma_wait3A_626 = tpu.memref_squeeze %dma_wait3A_625 : memref<1x100x128xi32, #tpu.memory_space<hbm>> -> memref<100x128xi32, #tpu.memory_space<hbm>>
      tpu.wait_dma2 semaphore(%dma_wait3A_618 : memref<!tpu.dma_semaphore, #tpu.memory_space<semaphore_mem>>) src(%dma_wait3A_626 : memref<100x128xi32, #tpu.memory_space<hbm>>) dst(%dma_wait3A_622 : memref<100x128xi32, #tpu.memory_space<vmem>>)
      %add3A_627 = arith.addi %mul3A_151, %scan3A_606 : i32
      %dma_start3A_628 = arith.constant 0 : i32
      %dma_start3A_629 = arith.constant 0 : i32
      %dma_start3A_630 = tpu.memref_slice %arg21[%rem3A_607, %dma_start3A_628, %dma_start3A_629] : memref<4x100x128xi32, #tpu.memory_space<vmem>> -> memref<1x100x128xi32, #tpu.memory_space<vmem>>
      %dma_start3A_631 = tpu.memref_squeeze %dma_start3A_630 : memref<1x100x128xi32, #tpu.memory_space<vmem>> -> memref<100x128xi32, #tpu.memory_space<vmem>>
      %dma_start3A_632 = arith.constant 0 : i32
      %dma_start3A_633 = arith.constant 0 : i32
      %dma_start3A_634 = tpu.memref_slice %arg11[%add3A_627, %dma_start3A_632, %dma_start3A_633] : memref<1024x100x128xi32, #tpu.memory_space<hbm>> -> memref<1x100x128xi32, #tpu.memory_space<hbm>>
      %dma_start3A_635 = tpu.memref_squeeze %dma_start3A_634 : memref<1x100x128xi32, #tpu.memory_space<hbm>> -> memref<100x128xi32, #tpu.memory_space<hbm>>
      %dma_start3A_636 = tpu.memref_slice %arg23[%rem3A_607] : memref<4x!tpu.dma_semaphore, #tpu.memory_space<semaphore_mem>> -> memref<1x!tpu.dma_semaphore, #tpu.memory_space<semaphore_mem>>
      %dma_start3A_637 = tpu.memref_squeeze %dma_start3A_636 : memref<1x!tpu.dma_semaphore, #tpu.memory_space<semaphore_mem>> -> memref<!tpu.dma_semaphore, #tpu.memory_space<semaphore_mem>>
      %dma_start3A_638 = arith.constant 0 : i32
      %dma_start3A_639 = arith.constant 0 : i32
      %dma_start3A_640 = tpu.memref_slice %arg11[%add3A_627, %dma_start3A_638, %dma_start3A_639] : memref<1024x100x128xi32, #tpu.memory_space<hbm>> -> memref<1x100x128xi32, #tpu.memory_space<hbm>>
      %dma_start3A_641 = tpu.memref_squeeze %dma_start3A_640 : memref<1x100x128xi32, #tpu.memory_space<hbm>> -> memref<100x128xi32, #tpu.memory_space<hbm>>
      %dma_start3A_642 = arith.constant 0 : i32
      %dma_start3A_643 = arith.constant 0 : i32
      %dma_start3A_644 = tpu.memref_slice %arg21[%rem3A_607, %dma_start3A_642, %dma_start3A_643] : memref<4x100x128xi32, #tpu.memory_space<vmem>> -> memref<1x100x128xi32, #tpu.memory_space<vmem>>
      %dma_start3A_645 = tpu.memref_squeeze %dma_start3A_644 : memref<1x100x128xi32, #tpu.memory_space<vmem>> -> memref<100x128xi32, #tpu.memory_space<vmem>>
      tpu.enqueue_dma source(%dma_start3A_645 : memref<100x128xi32, #tpu.memory_space<vmem>>) target(%dma_start3A_641 : memref<100x128xi32, #tpu.memory_space<hbm>>) target_semaphore(%dma_start3A_637 : memref<!tpu.dma_semaphore, #tpu.memory_space<semaphore_mem>>)
      %add3A_646 = arith.constant 4 : i32
      %add3A_647 = arith.addi %scan3A_606, %add3A_646 : i32
      %lt3A = arith.constant 32 : i32
      %lt3A_648 = arith.cmpi slt, %add3A_647, %lt3A : i32
      %convert_element_type3A = arith.extui %lt3A_648 : i1 to i32
      %cond3A = arith.constant 0 : i32
      %cond3A_649 = arith.cmpi ne, %convert_element_type3A, %cond3A : i32
      scf.if %cond3A_649 {
        %dma_wait3A_650 = arith.constant 0 : i32
        %dma_wait3A_651 = arith.constant 0 : i32
        %dma_wait3A_652 = arith.constant 0 : i32
        %dma_wait3A_653 = tpu.memref_slice %arg21[%rem3A_607, %dma_wait3A_651, %dma_wait3A_652] : memref<4x100x128xi32, #tpu.memory_space<vmem>> -> memref<1x100x128xi32, #tpu.memory_space<vmem>>
        %dma_wait3A_654 = tpu.memref_squeeze %dma_wait3A_653 : memref<1x100x128xi32, #tpu.memory_space<vmem>> -> memref<100x128xi32, #tpu.memory_space<vmem>>
        %dma_wait3A_655 = arith.constant 0 : i32
        %dma_wait3A_656 = arith.constant 0 : i32
        %dma_wait3A_657 = tpu.memref_slice %arg11[%dma_wait3A_650, %dma_wait3A_655, %dma_wait3A_656] : memref<1024x100x128xi32, #tpu.memory_space<hbm>> -> memref<1x100x128xi32, #tpu.memory_space<hbm>>
        %dma_wait3A_658 = tpu.memref_squeeze %dma_wait3A_657 : memref<1x100x128xi32, #tpu.memory_space<hbm>> -> memref<100x128xi32, #tpu.memory_space<hbm>>
        %dma_wait3A_659 = tpu.memref_slice %arg23[%rem3A_607] : memref<4x!tpu.dma_semaphore, #tpu.memory_space<semaphore_mem>> -> memref<1x!tpu.dma_semaphore, #tpu.memory_space<semaphore_mem>>
        %dma_wait3A_660 = tpu.memref_squeeze %dma_wait3A_659 : memref<1x!tpu.dma_semaphore, #tpu.memory_space<semaphore_mem>> -> memref<!tpu.dma_semaphore, #tpu.memory_space<semaphore_mem>>
        %dma_wait3A_661 = arith.constant 0 : i32
        %dma_wait3A_662 = arith.constant 0 : i32
        %dma_wait3A_663 = tpu.memref_slice %arg21[%rem3A_607, %dma_wait3A_661, %dma_wait3A_662] : memref<4x100x128xi32, #tpu.memory_space<vmem>> -> memref<1x100x128xi32, #tpu.memory_space<vmem>>
        %dma_wait3A_664 = tpu.memref_squeeze %dma_wait3A_663 : memref<1x100x128xi32, #tpu.memory_space<vmem>> -> memref<100x128xi32, #tpu.memory_space<vmem>>
        %dma_wait3A_665 = arith.constant 0 : i32
        %dma_wait3A_666 = arith.constant 0 : i32
        %dma_wait3A_667 = tpu.memref_slice %arg11[%dma_wait3A_650, %dma_wait3A_665, %dma_wait3A_666] : memref<1024x100x128xi32, #tpu.memory_space<hbm>> -> memref<1x100x128xi32, #tpu.memory_space<hbm>>
        %dma_wait3A_668 = tpu.memref_squeeze %dma_wait3A_667 : memref<1x100x128xi32, #tpu.memory_space<hbm>> -> memref<100x128xi32, #tpu.memory_space<hbm>>
        tpu.wait_dma2 semaphore(%dma_wait3A_660 : memref<!tpu.dma_semaphore, #tpu.memory_space<semaphore_mem>>) src(%dma_wait3A_668 : memref<100x128xi32, #tpu.memory_space<hbm>>) dst(%dma_wait3A_664 : memref<100x128xi32, #tpu.memory_space<vmem>>)
        %add3A_669 = arith.constant 4 : i32
        %add3A_670 = arith.addi %scan3A_606, %add3A_669 : i32
        %dma_start3A_671 = arith.constant 0 : i32
        %dma_start3A_672 = arith.constant 0 : i32
        %dma_start3A_673 = tpu.memref_slice %arg21[%rem3A_607, %dma_start3A_671, %dma_start3A_672] : memref<4x100x128xi32, #tpu.memory_space<vmem>> -> memref<1x100x128xi32, #tpu.memory_space<vmem>>
        %dma_start3A_674 = tpu.memref_squeeze %dma_start3A_673 : memref<1x100x128xi32, #tpu.memory_space<vmem>> -> memref<100x128xi32, #tpu.memory_space<vmem>>
        %dma_start3A_675 = arith.constant 0 : i32
        %dma_start3A_676 = tpu.memref_slice %arg15[%add3A_670, %dma_start3A_675] : memref<32x100xi32, #tpu.memory_space<vmem>> -> memref<1x100xi32, #tpu.memory_space<vmem>>
        %dma_start3A_677 = tpu.memref_squeeze %dma_start3A_676 : memref<1x100xi32, #tpu.memory_space<vmem>> -> memref<100xi32, #tpu.memory_space<vmem>>
        %dma_start3A_678 = arith.constant 0 : i32
        %dma_start3A_679 = arith.constant 0 : i32
        %dma_start3A_680 = tpu.memref_slice %arg3[%dma_start3A_678, %dma_start3A_679] : memref<10500x128xi32, #tpu.memory_space<hbm>> -> memref<10500x128xi32, #tpu.memory_space<hbm>>
        %dma_start3A_681 = tpu.memref_slice %arg22[%rem3A_607] : memref<4x!tpu.dma_semaphore, #tpu.memory_space<semaphore_mem>> -> memref<1x!tpu.dma_semaphore, #tpu.memory_space<semaphore_mem>>
        %dma_start3A_682 = tpu.memref_squeeze %dma_start3A_681 : memref<1x!tpu.dma_semaphore, #tpu.memory_space<semaphore_mem>> -> memref<!tpu.dma_semaphore, #tpu.memory_space<semaphore_mem>>
        tpu.enqueue_indirect_dma source(%dma_start3A_680 : memref<10500x128xi32, #tpu.memory_space<hbm>>) target(%dma_start3A_674 : memref<100x128xi32, #tpu.memory_space<vmem>>) offsets(%dma_start3A_677 : memref<100xi32, #tpu.memory_space<vmem>>) semaphore(%dma_start3A_682 : memref<!tpu.dma_semaphore, #tpu.memory_space<semaphore_mem>>)
      } else {
      }
    }
    %scan3A_217 = arith.constant 32 : i32
    %dma_wait3A_218 = arith.constant 0 : i32
    %dma_wait3A_219 = arith.constant 0 : i32
    %dma_wait3A_220 = arith.constant 0 : i32
    %dma_wait3A_221 = arith.constant 0 : i32
    %dma_wait3A_222 = arith.constant 0 : i32
    %dma_wait3A_223 = tpu.memref_slice %arg21[%dma_wait3A_219, %dma_wait3A_221, %dma_wait3A_222] : memref<4x100x128xi32, #tpu.memory_space<vmem>> -> memref<1x100x128xi32, #tpu.memory_space<vmem>>
    %dma_wait3A_224 = tpu.memref_squeeze %dma_wait3A_223 : memref<1x100x128xi32, #tpu.memory_space<vmem>> -> memref<100x128xi32, #tpu.memory_space<vmem>>
    %dma_wait3A_225 = arith.constant 0 : i32
    %dma_wait3A_226 = arith.constant 0 : i32
    %dma_wait3A_227 = tpu.memref_slice %arg11[%dma_wait3A_218, %dma_wait3A_225, %dma_wait3A_226] : memref<1024x100x128xi32, #tpu.memory_space<hbm>> -> memref<1x100x128xi32, #tpu.memory_space<hbm>>
    %dma_wait3A_228 = tpu.memref_squeeze %dma_wait3A_227 : memref<1x100x128xi32, #tpu.memory_space<hbm>> -> memref<100x128xi32, #tpu.memory_space<hbm>>
    %dma_wait3A_229 = tpu.memref_slice %arg23[%dma_wait3A_220] : memref<4x!tpu.dma_semaphore, #tpu.memory_space<semaphore_mem>> -> memref<1x!tpu.dma_semaphore, #tpu.memory_space<semaphore_mem>>
    %dma_wait3A_230 = tpu.memref_squeeze %dma_wait3A_229 : memref<1x!tpu.dma_semaphore, #tpu.memory_space<semaphore_mem>> -> memref<!tpu.dma_semaphore, #tpu.memory_space<semaphore_mem>>
    %dma_wait3A_231 = arith.constant 0 : i32
    %dma_wait3A_232 = arith.constant 0 : i32
    %dma_wait3A_233 = tpu.memref_slice %arg21[%dma_wait3A_219, %dma_wait3A_231, %dma_wait3A_232] : memref<4x100x128xi32, #tpu.memory_space<vmem>> -> memref<1x100x128xi32, #tpu.memory_space<vmem>>
    %dma_wait3A_234 = tpu.memref_squeeze %dma_wait3A_233 : memref<1x100x128xi32, #tpu.memory_space<vmem>> -> memref<100x128xi32, #tpu.memory_space<vmem>>
    %dma_wait3A_235 = arith.constant 0 : i32
    %dma_wait3A_236 = arith.constant 0 : i32
    %dma_wait3A_237 = tpu.memref_slice %arg11[%dma_wait3A_218, %dma_wait3A_235, %dma_wait3A_236] : memref<1024x100x128xi32, #tpu.memory_space<hbm>> -> memref<1x100x128xi32, #tpu.memory_space<hbm>>
    %dma_wait3A_238 = tpu.memref_squeeze %dma_wait3A_237 : memref<1x100x128xi32, #tpu.memory_space<hbm>> -> memref<100x128xi32, #tpu.memory_space<hbm>>
    tpu.wait_dma2 semaphore(%dma_wait3A_230 : memref<!tpu.dma_semaphore, #tpu.memory_space<semaphore_mem>>) src(%dma_wait3A_238 : memref<100x128xi32, #tpu.memory_space<hbm>>) dst(%dma_wait3A_234 : memref<100x128xi32, #tpu.memory_space<vmem>>)
    %dma_wait3A_239 = arith.constant 0 : i32
    %dma_wait3A_240 = arith.constant 1 : i32
    %dma_wait3A_241 = arith.constant 1 : i32
    %dma_wait3A_242 = arith.constant 0 : i32
    %dma_wait3A_243 = arith.constant 0 : i32
    %dma_wait3A_244 = tpu.memref_slice %arg21[%dma_wait3A_240, %dma_wait3A_242, %dma_wait3A_243] : memref<4x100x128xi32, #tpu.memory_space<vmem>> -> memref<1x100x128xi32, #tpu.memory_space<vmem>>
    %dma_wait3A_245 = tpu.memref_squeeze %dma_wait3A_244 : memref<1x100x128xi32, #tpu.memory_space<vmem>> -> memref<100x128xi32, #tpu.memory_space<vmem>>
    %dma_wait3A_246 = arith.constant 0 : i32
    %dma_wait3A_247 = arith.constant 0 : i32
    %dma_wait3A_248 = tpu.memref_slice %arg11[%dma_wait3A_239, %dma_wait3A_246, %dma_wait3A_247] : memref<1024x100x128xi32, #tpu.memory_space<hbm>> -> memref<1x100x128xi32, #tpu.memory_space<hbm>>
    %dma_wait3A_249 = tpu.memref_squeeze %dma_wait3A_248 : memref<1x100x128xi32, #tpu.memory_space<hbm>> -> memref<100x128xi32, #tpu.memory_space<hbm>>
    %dma_wait3A_250 = tpu.memref_slice %arg23[%dma_wait3A_241] : memref<4x!tpu.dma_semaphore, #tpu.memory_space<semaphore_mem>> -> memref<1x!tpu.dma_semaphore, #tpu.memory_space<semaphore_mem>>
    %dma_wait3A_251 = tpu.memref_squeeze %dma_wait3A_250 : memref<1x!tpu.dma_semaphore, #tpu.memory_space<semaphore_mem>> -> memref<!tpu.dma_semaphore, #tpu.memory_space<semaphore_mem>>
    %dma_wait3A_252 = arith.constant 0 : i32
    %dma_wait3A_253 = arith.constant 0 : i32
    %dma_wait3A_254 = tpu.memref_slice %arg21[%dma_wait3A_240, %dma_wait3A_252, %dma_wait3A_253] : memref<4x100x128xi32, #tpu.memory_space<vmem>> -> memref<1x100x128xi32, #tpu.memory_space<vmem>>
    %dma_wait3A_255 = tpu.memref_squeeze %dma_wait3A_254 : memref<1x100x128xi32, #tpu.memory_space<vmem>> -> memref<100x128xi32, #tpu.memory_space<vmem>>
    %dma_wait3A_256 = arith.constant 0 : i32
    %dma_wait3A_257 = arith.constant 0 : i32
    %dma_wait3A_258 = tpu.memref_slice %arg11[%dma_wait3A_239, %dma_wait3A_256, %dma_wait3A_257] : memref<1024x100x128xi32, #tpu.memory_space<hbm>> -> memref<1x100x128xi32, #tpu.memory_space<hbm>>
    %dma_wait3A_259 = tpu.memref_squeeze %dma_wait3A_258 : memref<1x100x128xi32, #tpu.memory_space<hbm>> -> memref<100x128xi32, #tpu.memory_space<hbm>>
    tpu.wait_dma2 semaphore(%dma_wait3A_251 : memref<!tpu.dma_semaphore, #tpu.memory_space<semaphore_mem>>) src(%dma_wait3A_259 : memref<100x128xi32, #tpu.memory_space<hbm>>) dst(%dma_wait3A_255 : memref<100x128xi32, #tpu.memory_space<vmem>>)
    %dma_wait3A_260 = arith.constant 0 : i32
    %dma_wait3A_261 = arith.constant 2 : i32
    %dma_wait3A_262 = arith.constant 2 : i32
    %dma_wait3A_263 = arith.constant 0 : i32
    %dma_wait3A_264 = arith.constant 0 : i32
    %dma_wait3A_265 = tpu.memref_slice %arg21[%dma_wait3A_261, %dma_wait3A_263, %dma_wait3A_264] : memref<4x100x128xi32, #tpu.memory_space<vmem>> -> memref<1x100x128xi32, #tpu.memory_space<vmem>>
    %dma_wait3A_266 = tpu.memref_squeeze %dma_wait3A_265 : memref<1x100x128xi32, #tpu.memory_space<vmem>> -> memref<100x128xi32, #tpu.memory_space<vmem>>
    %dma_wait3A_267 = arith.constant 0 : i32
    %dma_wait3A_268 = arith.constant 0 : i32
    %dma_wait3A_269 = tpu.memref_slice %arg11[%dma_wait3A_260, %dma_wait3A_267, %dma_wait3A_268] : memref<1024x100x128xi32, #tpu.memory_space<hbm>> -> memref<1x100x128xi32, #tpu.memory_space<hbm>>
    %dma_wait3A_270 = tpu.memref_squeeze %dma_wait3A_269 : memref<1x100x128xi32, #tpu.memory_space<hbm>> -> memref<100x128xi32, #tpu.memory_space<hbm>>
    %dma_wait3A_271 = tpu.memref_slice %arg23[%dma_wait3A_262] : memref<4x!tpu.dma_semaphore, #tpu.memory_space<semaphore_mem>> -> memref<1x!tpu.dma_semaphore, #tpu.memory_space<semaphore_mem>>
    %dma_wait3A_272 = tpu.memref_squeeze %dma_wait3A_271 : memref<1x!tpu.dma_semaphore, #tpu.memory_space<semaphore_mem>> -> memref<!tpu.dma_semaphore, #tpu.memory_space<semaphore_mem>>
    %dma_wait3A_273 = arith.constant 0 : i32
    %dma_wait3A_274 = arith.constant 0 : i32
    %dma_wait3A_275 = tpu.memref_slice %arg21[%dma_wait3A_261, %dma_wait3A_273, %dma_wait3A_274] : memref<4x100x128xi32, #tpu.memory_space<vmem>> -> memref<1x100x128xi32, #tpu.memory_space<vmem>>
    %dma_wait3A_276 = tpu.memref_squeeze %dma_wait3A_275 : memref<1x100x128xi32, #tpu.memory_space<vmem>> -> memref<100x128xi32, #tpu.memory_space<vmem>>
    %dma_wait3A_277 = arith.constant 0 : i32
    %dma_wait3A_278 = arith.constant 0 : i32
    %dma_wait3A_279 = tpu.memref_slice %arg11[%dma_wait3A_260, %dma_wait3A_277, %dma_wait3A_278] : memref<1024x100x128xi32, #tpu.memory_space<hbm>> -> memref<1x100x128xi32, #tpu.memory_space<hbm>>
    %dma_wait3A_280 = tpu.memref_squeeze %dma_wait3A_279 : memref<1x100x128xi32, #tpu.memory_space<hbm>> -> memref<100x128xi32, #tpu.memory_space<hbm>>
    tpu.wait_dma2 semaphore(%dma_wait3A_272 : memref<!tpu.dma_semaphore, #tpu.memory_space<semaphore_mem>>) src(%dma_wait3A_280 : memref<100x128xi32, #tpu.memory_space<hbm>>) dst(%dma_wait3A_276 : memref<100x128xi32, #tpu.memory_space<vmem>>)
    %dma_wait3A_281 = arith.constant 0 : i32
    %dma_wait3A_282 = arith.constant 3 : i32
    %dma_wait3A_283 = arith.constant 3 : i32
    %dma_wait3A_284 = arith.constant 0 : i32
    %dma_wait3A_285 = arith.constant 0 : i32
    %dma_wait3A_286 = tpu.memref_slice %arg21[%dma_wait3A_282, %dma_wait3A_284, %dma_wait3A_285] : memref<4x100x128xi32, #tpu.memory_space<vmem>> -> memref<1x100x128xi32, #tpu.memory_space<vmem>>
    %dma_wait3A_287 = tpu.memref_squeeze %dma_wait3A_286 : memref<1x100x128xi32, #tpu.memory_space<vmem>> -> memref<100x128xi32, #tpu.memory_space<vmem>>
    %dma_wait3A_288 = arith.constant 0 : i32
    %dma_wait3A_289 = arith.constant 0 : i32
    %dma_wait3A_290 = tpu.memref_slice %arg11[%dma_wait3A_281, %dma_wait3A_288, %dma_wait3A_289] : memref<1024x100x128xi32, #tpu.memory_space<hbm>> -> memref<1x100x128xi32, #tpu.memory_space<hbm>>
    %dma_wait3A_291 = tpu.memref_squeeze %dma_wait3A_290 : memref<1x100x128xi32, #tpu.memory_space<hbm>> -> memref<100x128xi32, #tpu.memory_space<hbm>>
    %dma_wait3A_292 = tpu.memref_slice %arg23[%dma_wait3A_283] : memref<4x!tpu.dma_semaphore, #tpu.memory_space<semaphore_mem>> -> memref<1x!tpu.dma_semaphore, #tpu.memory_space<semaphore_mem>>
    %dma_wait3A_293 = tpu.memref_squeeze %dma_wait3A_292 : memref<1x!tpu.dma_semaphore, #tpu.memory_space<semaphore_mem>> -> memref<!tpu.dma_semaphore, #tpu.memory_space<semaphore_mem>>
    %dma_wait3A_294 = arith.constant 0 : i32
    %dma_wait3A_295 = arith.constant 0 : i32
    %dma_wait3A_296 = tpu.memref_slice %arg21[%dma_wait3A_282, %dma_wait3A_294, %dma_wait3A_295] : memref<4x100x128xi32, #tpu.memory_space<vmem>> -> memref<1x100x128xi32, #tpu.memory_space<vmem>>
    %dma_wait3A_297 = tpu.memref_squeeze %dma_wait3A_296 : memref<1x100x128xi32, #tpu.memory_space<vmem>> -> memref<100x128xi32, #tpu.memory_space<vmem>>
    %dma_wait3A_298 = arith.constant 0 : i32
    %dma_wait3A_299 = arith.constant 0 : i32
    %dma_wait3A_300 = tpu.memref_slice %arg11[%dma_wait3A_281, %dma_wait3A_298, %dma_wait3A_299] : memref<1024x100x128xi32, #tpu.memory_space<hbm>> -> memref<1x100x128xi32, #tpu.memory_space<hbm>>
    %dma_wait3A_301 = tpu.memref_squeeze %dma_wait3A_300 : memref<1x100x128xi32, #tpu.memory_space<hbm>> -> memref<100x128xi32, #tpu.memory_space<hbm>>
    tpu.wait_dma2 semaphore(%dma_wait3A_293 : memref<!tpu.dma_semaphore, #tpu.memory_space<semaphore_mem>>) src(%dma_wait3A_301 : memref<100x128xi32, #tpu.memory_space<hbm>>) dst(%dma_wait3A_297 : memref<100x128xi32, #tpu.memory_space<vmem>>)
    %mul3A_302 = arith.constant 10 : i32
    %mul3A_303 = arith.muli %add3A, %mul3A_302 : i32
    "tpu.region"() ({
      %run_scoped3A = tpu.sem_alloc : memref<!tpu.dma_semaphore, #tpu.memory_space<semaphore_mem>>
      %dma_start3A_606 = arith.constant 0 : i32
      %dma_start3A_607 = arith.constant 0 : i32
      %dma_start3A_608 = tpu.memref_slice %arg8[%add3A, %dma_start3A_606, %dma_start3A_607] : memref<32x10x100xi32, #tpu.memory_space<hbm>> -> memref<1x10x100xi32, #tpu.memory_space<hbm>>
      %dma_start3A_609 = tpu.memref_squeeze %dma_start3A_608 : memref<1x10x100xi32, #tpu.memory_space<hbm>> -> memref<10x100xi32, #tpu.memory_space<hbm>>
      %dma_start3A_610 = arith.constant 0 : i32
      %dma_start3A_611 = arith.constant 0 : i32
      %dma_start3A_612 = tpu.memref_slice %arg8[%add3A, %dma_start3A_610, %dma_start3A_611] : memref<32x10x100xi32, #tpu.memory_space<hbm>> -> memref<1x10x100xi32, #tpu.memory_space<hbm>>
      %dma_start3A_613 = tpu.memref_squeeze %dma_start3A_612 : memref<1x10x100xi32, #tpu.memory_space<hbm>> -> memref<10x100xi32, #tpu.memory_space<hbm>>
      tpu.enqueue_dma source(%dma_start3A_613 : memref<10x100xi32, #tpu.memory_space<hbm>>) target(%arg16 : memref<10x100xi32, #tpu.memory_space<vmem>>) target_semaphore(%run_scoped3A : memref<!tpu.dma_semaphore, #tpu.memory_space<semaphore_mem>>)
      %dma_wait3A_614 = arith.constant 0 : i32
      %dma_wait3A_615 = arith.constant 0 : i32
      %dma_wait3A_616 = tpu.memref_slice %arg8[%add3A, %dma_wait3A_614, %dma_wait3A_615] : memref<32x10x100xi32, #tpu.memory_space<hbm>> -> memref<1x10x100xi32, #tpu.memory_space<hbm>>
      %dma_wait3A_617 = tpu.memref_squeeze %dma_wait3A_616 : memref<1x10x100xi32, #tpu.memory_space<hbm>> -> memref<10x100xi32, #tpu.memory_space<hbm>>
      %dma_wait3A_618 = arith.constant 0 : i32
      %dma_wait3A_619 = arith.constant 0 : i32
      %dma_wait3A_620 = tpu.memref_slice %arg8[%add3A, %dma_wait3A_618, %dma_wait3A_619] : memref<32x10x100xi32, #tpu.memory_space<hbm>> -> memref<1x10x100xi32, #tpu.memory_space<hbm>>
      %dma_wait3A_621 = tpu.memref_squeeze %dma_wait3A_620 : memref<1x10x100xi32, #tpu.memory_space<hbm>> -> memref<10x100xi32, #tpu.memory_space<hbm>>
      tpu.wait_dma2 semaphore(%run_scoped3A : memref<!tpu.dma_semaphore, #tpu.memory_space<semaphore_mem>>) src(%dma_wait3A_621 : memref<10x100xi32, #tpu.memory_space<hbm>>) dst(%arg16 : memref<10x100xi32, #tpu.memory_space<vmem>>)
      tpu.yield
    }) : () -> ()
    %dma_start3A_304 = arith.constant 0 : i32
    %dma_start3A_305 = arith.constant 0 : i32
    %dma_start3A_306 = arith.constant 0 : i32
    %dma_start3A_307 = arith.constant 0 : i32
    %dma_start3A_308 = arith.constant 0 : i32
    %dma_start3A_309 = tpu.memref_slice %arg18[%dma_start3A_305, %dma_start3A_307, %dma_start3A_308] : memref<4x100x128xf32, #tpu.memory_space<vmem>> -> memref<1x100x128xf32, #tpu.memory_space<vmem>>
    %dma_start3A_310 = tpu.memref_squeeze %dma_start3A_309 : memref<1x100x128xf32, #tpu.memory_space<vmem>> -> memref<100x128xf32, #tpu.memory_space<vmem>>
    %dma_start3A_311 = arith.constant 0 : i32
    %dma_start3A_312 = tpu.memref_slice %arg16[%dma_start3A_304, %dma_start3A_311] : memref<10x100xi32, #tpu.memory_space<vmem>> -> memref<1x100xi32, #tpu.memory_space<vmem>>
    %dma_start3A_313 = tpu.memref_squeeze %dma_start3A_312 : memref<1x100xi32, #tpu.memory_space<vmem>> -> memref<100xi32, #tpu.memory_space<vmem>>
    %dma_start3A_314 = arith.constant 0 : i32
    %dma_start3A_315 = arith.constant 0 : i32
    %dma_start3A_316 = tpu.memref_slice %arg4[%dma_start3A_314, %dma_start3A_315] : memref<3200x128xf32, #tpu.memory_space<hbm>> -> memref<3200x128xf32, #tpu.memory_space<hbm>>
    %dma_start3A_317 = tpu.memref_slice %arg19[%dma_start3A_306] : memref<4x!tpu.dma_semaphore, #tpu.memory_space<semaphore_mem>> -> memref<1x!tpu.dma_semaphore, #tpu.memory_space<semaphore_mem>>
    %dma_start3A_318 = tpu.memref_squeeze %dma_start3A_317 : memref<1x!tpu.dma_semaphore, #tpu.memory_space<semaphore_mem>> -> memref<!tpu.dma_semaphore, #tpu.memory_space<semaphore_mem>>
    tpu.enqueue_indirect_dma source(%dma_start3A_316 : memref<3200x128xf32, #tpu.memory_space<hbm>>) target(%dma_start3A_310 : memref<100x128xf32, #tpu.memory_space<vmem>>) offsets(%dma_start3A_313 : memref<100xi32, #tpu.memory_space<vmem>>) semaphore(%dma_start3A_318 : memref<!tpu.dma_semaphore, #tpu.memory_space<semaphore_mem>>)
    %dma_start3A_319 = arith.constant 1 : i32
    %dma_start3A_320 = arith.constant 1 : i32
    %dma_start3A_321 = arith.constant 1 : i32
    %dma_start3A_322 = arith.constant 0 : i32
    %dma_start3A_323 = arith.constant 0 : i32
    %dma_start3A_324 = tpu.memref_slice %arg18[%dma_start3A_320, %dma_start3A_322, %dma_start3A_323] : memref<4x100x128xf32, #tpu.memory_space<vmem>> -> memref<1x100x128xf32, #tpu.memory_space<vmem>>
    %dma_start3A_325 = tpu.memref_squeeze %dma_start3A_324 : memref<1x100x128xf32, #tpu.memory_space<vmem>> -> memref<100x128xf32, #tpu.memory_space<vmem>>
    %dma_start3A_326 = arith.constant 0 : i32
    %dma_start3A_327 = tpu.memref_slice %arg16[%dma_start3A_319, %dma_start3A_326] : memref<10x100xi32, #tpu.memory_space<vmem>> -> memref<1x100xi32, #tpu.memory_space<vmem>>
    %dma_start3A_328 = tpu.memref_squeeze %dma_start3A_327 : memref<1x100xi32, #tpu.memory_space<vmem>> -> memref<100xi32, #tpu.memory_space<vmem>>
    %dma_start3A_329 = arith.constant 0 : i32
    %dma_start3A_330 = arith.constant 0 : i32
    %dma_start3A_331 = tpu.memref_slice %arg4[%dma_start3A_329, %dma_start3A_330] : memref<3200x128xf32, #tpu.memory_space<hbm>> -> memref<3200x128xf32, #tpu.memory_space<hbm>>
    %dma_start3A_332 = tpu.memref_slice %arg19[%dma_start3A_321] : memref<4x!tpu.dma_semaphore, #tpu.memory_space<semaphore_mem>> -> memref<1x!tpu.dma_semaphore, #tpu.memory_space<semaphore_mem>>
    %dma_start3A_333 = tpu.memref_squeeze %dma_start3A_332 : memref<1x!tpu.dma_semaphore, #tpu.memory_space<semaphore_mem>> -> memref<!tpu.dma_semaphore, #tpu.memory_space<semaphore_mem>>
    tpu.enqueue_indirect_dma source(%dma_start3A_331 : memref<3200x128xf32, #tpu.memory_space<hbm>>) target(%dma_start3A_325 : memref<100x128xf32, #tpu.memory_space<vmem>>) offsets(%dma_start3A_328 : memref<100xi32, #tpu.memory_space<vmem>>) semaphore(%dma_start3A_333 : memref<!tpu.dma_semaphore, #tpu.memory_space<semaphore_mem>>)
    %dma_start3A_334 = arith.constant 2 : i32
    %dma_start3A_335 = arith.constant 2 : i32
    %dma_start3A_336 = arith.constant 2 : i32
    %dma_start3A_337 = arith.constant 0 : i32
    %dma_start3A_338 = arith.constant 0 : i32
    %dma_start3A_339 = tpu.memref_slice %arg18[%dma_start3A_335, %dma_start3A_337, %dma_start3A_338] : memref<4x100x128xf32, #tpu.memory_space<vmem>> -> memref<1x100x128xf32, #tpu.memory_space<vmem>>
    %dma_start3A_340 = tpu.memref_squeeze %dma_start3A_339 : memref<1x100x128xf32, #tpu.memory_space<vmem>> -> memref<100x128xf32, #tpu.memory_space<vmem>>
    %dma_start3A_341 = arith.constant 0 : i32
    %dma_start3A_342 = tpu.memref_slice %arg16[%dma_start3A_334, %dma_start3A_341] : memref<10x100xi32, #tpu.memory_space<vmem>> -> memref<1x100xi32, #tpu.memory_space<vmem>>
    %dma_start3A_343 = tpu.memref_squeeze %dma_start3A_342 : memref<1x100xi32, #tpu.memory_space<vmem>> -> memref<100xi32, #tpu.memory_space<vmem>>
    %dma_start3A_344 = arith.constant 0 : i32
    %dma_start3A_345 = arith.constant 0 : i32
    %dma_start3A_346 = tpu.memref_slice %arg4[%dma_start3A_344, %dma_start3A_345] : memref<3200x128xf32, #tpu.memory_space<hbm>> -> memref<3200x128xf32, #tpu.memory_space<hbm>>
    %dma_start3A_347 = tpu.memref_slice %arg19[%dma_start3A_336] : memref<4x!tpu.dma_semaphore, #tpu.memory_space<semaphore_mem>> -> memref<1x!tpu.dma_semaphore, #tpu.memory_space<semaphore_mem>>
    %dma_start3A_348 = tpu.memref_squeeze %dma_start3A_347 : memref<1x!tpu.dma_semaphore, #tpu.memory_space<semaphore_mem>> -> memref<!tpu.dma_semaphore, #tpu.memory_space<semaphore_mem>>
    tpu.enqueue_indirect_dma source(%dma_start3A_346 : memref<3200x128xf32, #tpu.memory_space<hbm>>) target(%dma_start3A_340 : memref<100x128xf32, #tpu.memory_space<vmem>>) offsets(%dma_start3A_343 : memref<100xi32, #tpu.memory_space<vmem>>) semaphore(%dma_start3A_348 : memref<!tpu.dma_semaphore, #tpu.memory_space<semaphore_mem>>)
    %dma_start3A_349 = arith.constant 3 : i32
    %dma_start3A_350 = arith.constant 3 : i32
    %dma_start3A_351 = arith.constant 3 : i32
    %dma_start3A_352 = arith.constant 0 : i32
    %dma_start3A_353 = arith.constant 0 : i32
    %dma_start3A_354 = tpu.memref_slice %arg18[%dma_start3A_350, %dma_start3A_352, %dma_start3A_353] : memref<4x100x128xf32, #tpu.memory_space<vmem>> -> memref<1x100x128xf32, #tpu.memory_space<vmem>>
    %dma_start3A_355 = tpu.memref_squeeze %dma_start3A_354 : memref<1x100x128xf32, #tpu.memory_space<vmem>> -> memref<100x128xf32, #tpu.memory_space<vmem>>
    %dma_start3A_356 = arith.constant 0 : i32
    %dma_start3A_357 = tpu.memref_slice %arg16[%dma_start3A_349, %dma_start3A_356] : memref<10x100xi32, #tpu.memory_space<vmem>> -> memref<1x100xi32, #tpu.memory_space<vmem>>
    %dma_start3A_358 = tpu.memref_squeeze %dma_start3A_357 : memref<1x100xi32, #tpu.memory_space<vmem>> -> memref<100xi32, #tpu.memory_space<vmem>>
    %dma_start3A_359 = arith.constant 0 : i32
    %dma_start3A_360 = arith.constant 0 : i32
    %dma_start3A_361 = tpu.memref_slice %arg4[%dma_start3A_359, %dma_start3A_360] : memref<3200x128xf32, #tpu.memory_space<hbm>> -> memref<3200x128xf32, #tpu.memory_space<hbm>>
    %dma_start3A_362 = tpu.memref_slice %arg19[%dma_start3A_351] : memref<4x!tpu.dma_semaphore, #tpu.memory_space<semaphore_mem>> -> memref<1x!tpu.dma_semaphore, #tpu.memory_space<semaphore_mem>>
    %dma_start3A_363 = tpu.memref_squeeze %dma_start3A_362 : memref<1x!tpu.dma_semaphore, #tpu.memory_space<semaphore_mem>> -> memref<!tpu.dma_semaphore, #tpu.memory_space<semaphore_mem>>
    tpu.enqueue_indirect_dma source(%dma_start3A_361 : memref<3200x128xf32, #tpu.memory_space<hbm>>) target(%dma_start3A_355 : memref<100x128xf32, #tpu.memory_space<vmem>>) offsets(%dma_start3A_358 : memref<100xi32, #tpu.memory_space<vmem>>) semaphore(%dma_start3A_363 : memref<!tpu.dma_semaphore, #tpu.memory_space<semaphore_mem>>)
    %scan3A_364 = arith.constant 0 : i32
    %scan3A_365 = arith.constant 0 : i32
    %scan3A_366 = arith.constant 10 : i32
    %scan3A_367 = arith.addi %scan3A_365, %scan3A_366 : i32
    %scan3A_368 = arith.constant 1 : i32
    scf.for %scan3A_606 = %scan3A_365 to %scan3A_367 step %scan3A_368  : i32 {
      %rem3A = arith.constant 4 : i32
      %rem3A_607 = arith.remsi %scan3A_606, %rem3A : i32
      %dma_wait3A_608 = arith.constant 0 : i32
      %dma_wait3A_609 = arith.constant 0 : i32
      %dma_wait3A_610 = arith.constant 0 : i32
      %dma_wait3A_611 = tpu.memref_slice %arg18[%rem3A_607, %dma_wait3A_609, %dma_wait3A_610] : memref<4x100x128xf32, #tpu.memory_space<vmem>> -> memref<1x100x128xf32, #tpu.memory_space<vmem>>
      %dma_wait3A_612 = tpu.memref_squeeze %dma_wait3A_611 : memref<1x100x128xf32, #tpu.memory_space<vmem>> -> memref<100x128xf32, #tpu.memory_space<vmem>>
      %dma_wait3A_613 = arith.constant 0 : i32
      %dma_wait3A_614 = arith.constant 0 : i32
      %dma_wait3A_615 = tpu.memref_slice %arg12[%dma_wait3A_608, %dma_wait3A_613, %dma_wait3A_614] : memref<320x100x128xf32, #tpu.memory_space<hbm>> -> memref<1x100x128xf32, #tpu.memory_space<hbm>>
      %dma_wait3A_616 = tpu.memref_squeeze %dma_wait3A_615 : memref<1x100x128xf32, #tpu.memory_space<hbm>> -> memref<100x128xf32, #tpu.memory_space<hbm>>
      %dma_wait3A_617 = tpu.memref_slice %arg19[%rem3A_607] : memref<4x!tpu.dma_semaphore, #tpu.memory_space<semaphore_mem>> -> memref<1x!tpu.dma_semaphore, #tpu.memory_space<semaphore_mem>>
      %dma_wait3A_618 = tpu.memref_squeeze %dma_wait3A_617 : memref<1x!tpu.dma_semaphore, #tpu.memory_space<semaphore_mem>> -> memref<!tpu.dma_semaphore, #tpu.memory_space<semaphore_mem>>
      %dma_wait3A_619 = arith.constant 0 : i32
      %dma_wait3A_620 = arith.constant 0 : i32
      %dma_wait3A_621 = tpu.memref_slice %arg18[%rem3A_607, %dma_wait3A_619, %dma_wait3A_620] : memref<4x100x128xf32, #tpu.memory_space<vmem>> -> memref<1x100x128xf32, #tpu.memory_space<vmem>>
      %dma_wait3A_622 = tpu.memref_squeeze %dma_wait3A_621 : memref<1x100x128xf32, #tpu.memory_space<vmem>> -> memref<100x128xf32, #tpu.memory_space<vmem>>
      %dma_wait3A_623 = arith.constant 0 : i32
      %dma_wait3A_624 = arith.constant 0 : i32
      %dma_wait3A_625 = tpu.memref_slice %arg12[%dma_wait3A_608, %dma_wait3A_623, %dma_wait3A_624] : memref<320x100x128xf32, #tpu.memory_space<hbm>> -> memref<1x100x128xf32, #tpu.memory_space<hbm>>
      %dma_wait3A_626 = tpu.memref_squeeze %dma_wait3A_625 : memref<1x100x128xf32, #tpu.memory_space<hbm>> -> memref<100x128xf32, #tpu.memory_space<hbm>>
      tpu.wait_dma2 semaphore(%dma_wait3A_618 : memref<!tpu.dma_semaphore, #tpu.memory_space<semaphore_mem>>) src(%dma_wait3A_626 : memref<100x128xf32, #tpu.memory_space<hbm>>) dst(%dma_wait3A_622 : memref<100x128xf32, #tpu.memory_space<vmem>>)
      %add3A_627 = arith.addi %mul3A_303, %scan3A_606 : i32
      %dma_start3A_628 = arith.constant 0 : i32
      %dma_start3A_629 = arith.constant 0 : i32
      %dma_start3A_630 = tpu.memref_slice %arg18[%rem3A_607, %dma_start3A_628, %dma_start3A_629] : memref<4x100x128xf32, #tpu.memory_space<vmem>> -> memref<1x100x128xf32, #tpu.memory_space<vmem>>
      %dma_start3A_631 = tpu.memref_squeeze %dma_start3A_630 : memref<1x100x128xf32, #tpu.memory_space<vmem>> -> memref<100x128xf32, #tpu.memory_space<vmem>>
      %dma_start3A_632 = arith.constant 0 : i32
      %dma_start3A_633 = arith.constant 0 : i32
      %dma_start3A_634 = tpu.memref_slice %arg12[%add3A_627, %dma_start3A_632, %dma_start3A_633] : memref<320x100x128xf32, #tpu.memory_space<hbm>> -> memref<1x100x128xf32, #tpu.memory_space<hbm>>
      %dma_start3A_635 = tpu.memref_squeeze %dma_start3A_634 : memref<1x100x128xf32, #tpu.memory_space<hbm>> -> memref<100x128xf32, #tpu.memory_space<hbm>>
      %dma_start3A_636 = tpu.memref_slice %arg20[%rem3A_607] : memref<4x!tpu.dma_semaphore, #tpu.memory_space<semaphore_mem>> -> memref<1x!tpu.dma_semaphore, #tpu.memory_space<semaphore_mem>>
      %dma_start3A_637 = tpu.memref_squeeze %dma_start3A_636 : memref<1x!tpu.dma_semaphore, #tpu.memory_space<semaphore_mem>> -> memref<!tpu.dma_semaphore, #tpu.memory_space<semaphore_mem>>
      %dma_start3A_638 = arith.constant 0 : i32
      %dma_start3A_639 = arith.constant 0 : i32
      %dma_start3A_640 = tpu.memref_slice %arg12[%add3A_627, %dma_start3A_638, %dma_start3A_639] : memref<320x100x128xf32, #tpu.memory_space<hbm>> -> memref<1x100x128xf32, #tpu.memory_space<hbm>>
      %dma_start3A_641 = tpu.memref_squeeze %dma_start3A_640 : memref<1x100x128xf32, #tpu.memory_space<hbm>> -> memref<100x128xf32, #tpu.memory_space<hbm>>
      %dma_start3A_642 = arith.constant 0 : i32
      %dma_start3A_643 = arith.constant 0 : i32
      %dma_start3A_644 = tpu.memref_slice %arg18[%rem3A_607, %dma_start3A_642, %dma_start3A_643] : memref<4x100x128xf32, #tpu.memory_space<vmem>> -> memref<1x100x128xf32, #tpu.memory_space<vmem>>
      %dma_start3A_645 = tpu.memref_squeeze %dma_start3A_644 : memref<1x100x128xf32, #tpu.memory_space<vmem>> -> memref<100x128xf32, #tpu.memory_space<vmem>>
      tpu.enqueue_dma source(%dma_start3A_645 : memref<100x128xf32, #tpu.memory_space<vmem>>) target(%dma_start3A_641 : memref<100x128xf32, #tpu.memory_space<hbm>>) target_semaphore(%dma_start3A_637 : memref<!tpu.dma_semaphore, #tpu.memory_space<semaphore_mem>>)
      %add3A_646 = arith.constant 4 : i32
      %add3A_647 = arith.addi %scan3A_606, %add3A_646 : i32
      %lt3A = arith.constant 10 : i32
      %lt3A_648 = arith.cmpi slt, %add3A_647, %lt3A : i32
      %convert_element_type3A = arith.extui %lt3A_648 : i1 to i32
      %cond3A = arith.constant 0 : i32
      %cond3A_649 = arith.cmpi ne, %convert_element_type3A, %cond3A : i32
      scf.if %cond3A_649 {
        %dma_wait3A_650 = arith.constant 0 : i32
        %dma_wait3A_651 = arith.constant 0 : i32
        %dma_wait3A_652 = arith.constant 0 : i32
        %dma_wait3A_653 = tpu.memref_slice %arg18[%rem3A_607, %dma_wait3A_651, %dma_wait3A_652] : memref<4x100x128xf32, #tpu.memory_space<vmem>> -> memref<1x100x128xf32, #tpu.memory_space<vmem>>
        %dma_wait3A_654 = tpu.memref_squeeze %dma_wait3A_653 : memref<1x100x128xf32, #tpu.memory_space<vmem>> -> memref<100x128xf32, #tpu.memory_space<vmem>>
        %dma_wait3A_655 = arith.constant 0 : i32
        %dma_wait3A_656 = arith.constant 0 : i32
        %dma_wait3A_657 = tpu.memref_slice %arg12[%dma_wait3A_650, %dma_wait3A_655, %dma_wait3A_656] : memref<320x100x128xf32, #tpu.memory_space<hbm>> -> memref<1x100x128xf32, #tpu.memory_space<hbm>>
        %dma_wait3A_658 = tpu.memref_squeeze %dma_wait3A_657 : memref<1x100x128xf32, #tpu.memory_space<hbm>> -> memref<100x128xf32, #tpu.memory_space<hbm>>
        %dma_wait3A_659 = tpu.memref_slice %arg20[%rem3A_607] : memref<4x!tpu.dma_semaphore, #tpu.memory_space<semaphore_mem>> -> memref<1x!tpu.dma_semaphore, #tpu.memory_space<semaphore_mem>>
        %dma_wait3A_660 = tpu.memref_squeeze %dma_wait3A_659 : memref<1x!tpu.dma_semaphore, #tpu.memory_space<semaphore_mem>> -> memref<!tpu.dma_semaphore, #tpu.memory_space<semaphore_mem>>
        %dma_wait3A_661 = arith.constant 0 : i32
        %dma_wait3A_662 = arith.constant 0 : i32
        %dma_wait3A_663 = tpu.memref_slice %arg18[%rem3A_607, %dma_wait3A_661, %dma_wait3A_662] : memref<4x100x128xf32, #tpu.memory_space<vmem>> -> memref<1x100x128xf32, #tpu.memory_space<vmem>>
        %dma_wait3A_664 = tpu.memref_squeeze %dma_wait3A_663 : memref<1x100x128xf32, #tpu.memory_space<vmem>> -> memref<100x128xf32, #tpu.memory_space<vmem>>
        %dma_wait3A_665 = arith.constant 0 : i32
        %dma_wait3A_666 = arith.constant 0 : i32
        %dma_wait3A_667 = tpu.memref_slice %arg12[%dma_wait3A_650, %dma_wait3A_665, %dma_wait3A_666] : memref<320x100x128xf32, #tpu.memory_space<hbm>> -> memref<1x100x128xf32, #tpu.memory_space<hbm>>
        %dma_wait3A_668 = tpu.memref_squeeze %dma_wait3A_667 : memref<1x100x128xf32, #tpu.memory_space<hbm>> -> memref<100x128xf32, #tpu.memory_space<hbm>>
        tpu.wait_dma2 semaphore(%dma_wait3A_660 : memref<!tpu.dma_semaphore, #tpu.memory_space<semaphore_mem>>) src(%dma_wait3A_668 : memref<100x128xf32, #tpu.memory_space<hbm>>) dst(%dma_wait3A_664 : memref<100x128xf32, #tpu.memory_space<vmem>>)
        %add3A_669 = arith.constant 4 : i32
        %add3A_670 = arith.addi %scan3A_606, %add3A_669 : i32
        %dma_start3A_671 = arith.constant 0 : i32
        %dma_start3A_672 = arith.constant 0 : i32
        %dma_start3A_673 = tpu.memref_slice %arg18[%rem3A_607, %dma_start3A_671, %dma_start3A_672] : memref<4x100x128xf32, #tpu.memory_space<vmem>> -> memref<1x100x128xf32, #tpu.memory_space<vmem>>
        %dma_start3A_674 = tpu.memref_squeeze %dma_start3A_673 : memref<1x100x128xf32, #tpu.memory_space<vmem>> -> memref<100x128xf32, #tpu.memory_space<vmem>>
        %dma_start3A_675 = arith.constant 0 : i32
        %dma_start3A_676 = tpu.memref_slice %arg16[%add3A_670, %dma_start3A_675] : memref<10x100xi32, #tpu.memory_space<vmem>> -> memref<1x100xi32, #tpu.memory_space<vmem>>
        %dma_start3A_677 = tpu.memref_squeeze %dma_start3A_676 : memref<1x100xi32, #tpu.memory_space<vmem>> -> memref<100xi32, #tpu.memory_space<vmem>>
        %dma_start3A_678 = arith.constant 0 : i32
        %dma_start3A_679 = arith.constant 0 : i32
        %dma_start3A_680 = tpu.memref_slice %arg4[%dma_start3A_678, %dma_start3A_679] : memref<3200x128xf32, #tpu.memory_space<hbm>> -> memref<3200x128xf32, #tpu.memory_space<hbm>>
        %dma_start3A_681 = tpu.memref_slice %arg19[%rem3A_607] : memref<4x!tpu.dma_semaphore, #tpu.memory_space<semaphore_mem>> -> memref<1x!tpu.dma_semaphore, #tpu.memory_space<semaphore_mem>>
        %dma_start3A_682 = tpu.memref_squeeze %dma_start3A_681 : memref<1x!tpu.dma_semaphore, #tpu.memory_space<semaphore_mem>> -> memref<!tpu.dma_semaphore, #tpu.memory_space<semaphore_mem>>
        tpu.enqueue_indirect_dma source(%dma_start3A_680 : memref<3200x128xf32, #tpu.memory_space<hbm>>) target(%dma_start3A_674 : memref<100x128xf32, #tpu.memory_space<vmem>>) offsets(%dma_start3A_677 : memref<100xi32, #tpu.memory_space<vmem>>) semaphore(%dma_start3A_682 : memref<!tpu.dma_semaphore, #tpu.memory_space<semaphore_mem>>)
      } else {
      }
    }
    %scan3A_369 = arith.constant 10 : i32
    %dma_wait3A_370 = arith.constant 0 : i32
    %dma_wait3A_371 = arith.constant 2 : i32
    %dma_wait3A_372 = arith.constant 2 : i32
    %dma_wait3A_373 = arith.constant 0 : i32
    %dma_wait3A_374 = arith.constant 0 : i32
    %dma_wait3A_375 = tpu.memref_slice %arg18[%dma_wait3A_371, %dma_wait3A_373, %dma_wait3A_374] : memref<4x100x128xf32, #tpu.memory_space<vmem>> -> memref<1x100x128xf32, #tpu.memory_space<vmem>>
    %dma_wait3A_376 = tpu.memref_squeeze %dma_wait3A_375 : memref<1x100x128xf32, #tpu.memory_space<vmem>> -> memref<100x128xf32, #tpu.memory_space<vmem>>
    %dma_wait3A_377 = arith.constant 0 : i32
    %dma_wait3A_378 = arith.constant 0 : i32
    %dma_wait3A_379 = tpu.memref_slice %arg12[%dma_wait3A_370, %dma_wait3A_377, %dma_wait3A_378] : memref<320x100x128xf32, #tpu.memory_space<hbm>> -> memref<1x100x128xf32, #tpu.memory_space<hbm>>
    %dma_wait3A_380 = tpu.memref_squeeze %dma_wait3A_379 : memref<1x100x128xf32, #tpu.memory_space<hbm>> -> memref<100x128xf32, #tpu.memory_space<hbm>>
    %dma_wait3A_381 = tpu.memref_slice %arg20[%dma_wait3A_372] : memref<4x!tpu.dma_semaphore, #tpu.memory_space<semaphore_mem>> -> memref<1x!tpu.dma_semaphore, #tpu.memory_space<semaphore_mem>>
    %dma_wait3A_382 = tpu.memref_squeeze %dma_wait3A_381 : memref<1x!tpu.dma_semaphore, #tpu.memory_space<semaphore_mem>> -> memref<!tpu.dma_semaphore, #tpu.memory_space<semaphore_mem>>
    %dma_wait3A_383 = arith.constant 0 : i32
    %dma_wait3A_384 = arith.constant 0 : i32
    %dma_wait3A_385 = tpu.memref_slice %arg18[%dma_wait3A_371, %dma_wait3A_383, %dma_wait3A_384] : memref<4x100x128xf32, #tpu.memory_space<vmem>> -> memref<1x100x128xf32, #tpu.memory_space<vmem>>
    %dma_wait3A_386 = tpu.memref_squeeze %dma_wait3A_385 : memref<1x100x128xf32, #tpu.memory_space<vmem>> -> memref<100x128xf32, #tpu.memory_space<vmem>>
    %dma_wait3A_387 = arith.constant 0 : i32
    %dma_wait3A_388 = arith.constant 0 : i32
    %dma_wait3A_389 = tpu.memref_slice %arg12[%dma_wait3A_370, %dma_wait3A_387, %dma_wait3A_388] : memref<320x100x128xf32, #tpu.memory_space<hbm>> -> memref<1x100x128xf32, #tpu.memory_space<hbm>>
    %dma_wait3A_390 = tpu.memref_squeeze %dma_wait3A_389 : memref<1x100x128xf32, #tpu.memory_space<hbm>> -> memref<100x128xf32, #tpu.memory_space<hbm>>
    tpu.wait_dma2 semaphore(%dma_wait3A_382 : memref<!tpu.dma_semaphore, #tpu.memory_space<semaphore_mem>>) src(%dma_wait3A_390 : memref<100x128xf32, #tpu.memory_space<hbm>>) dst(%dma_wait3A_386 : memref<100x128xf32, #tpu.memory_space<vmem>>)
    %dma_wait3A_391 = arith.constant 0 : i32
    %dma_wait3A_392 = arith.constant 3 : i32
    %dma_wait3A_393 = arith.constant 3 : i32
    %dma_wait3A_394 = arith.constant 0 : i32
    %dma_wait3A_395 = arith.constant 0 : i32
    %dma_wait3A_396 = tpu.memref_slice %arg18[%dma_wait3A_392, %dma_wait3A_394, %dma_wait3A_395] : memref<4x100x128xf32, #tpu.memory_space<vmem>> -> memref<1x100x128xf32, #tpu.memory_space<vmem>>
    %dma_wait3A_397 = tpu.memref_squeeze %dma_wait3A_396 : memref<1x100x128xf32, #tpu.memory_space<vmem>> -> memref<100x128xf32, #tpu.memory_space<vmem>>
    %dma_wait3A_398 = arith.constant 0 : i32
    %dma_wait3A_399 = arith.constant 0 : i32
    %dma_wait3A_400 = tpu.memref_slice %arg12[%dma_wait3A_391, %dma_wait3A_398, %dma_wait3A_399] : memref<320x100x128xf32, #tpu.memory_space<hbm>> -> memref<1x100x128xf32, #tpu.memory_space<hbm>>
    %dma_wait3A_401 = tpu.memref_squeeze %dma_wait3A_400 : memref<1x100x128xf32, #tpu.memory_space<hbm>> -> memref<100x128xf32, #tpu.memory_space<hbm>>
    %dma_wait3A_402 = tpu.memref_slice %arg20[%dma_wait3A_393] : memref<4x!tpu.dma_semaphore, #tpu.memory_space<semaphore_mem>> -> memref<1x!tpu.dma_semaphore, #tpu.memory_space<semaphore_mem>>
    %dma_wait3A_403 = tpu.memref_squeeze %dma_wait3A_402 : memref<1x!tpu.dma_semaphore, #tpu.memory_space<semaphore_mem>> -> memref<!tpu.dma_semaphore, #tpu.memory_space<semaphore_mem>>
    %dma_wait3A_404 = arith.constant 0 : i32
    %dma_wait3A_405 = arith.constant 0 : i32
    %dma_wait3A_406 = tpu.memref_slice %arg18[%dma_wait3A_392, %dma_wait3A_404, %dma_wait3A_405] : memref<4x100x128xf32, #tpu.memory_space<vmem>> -> memref<1x100x128xf32, #tpu.memory_space<vmem>>
    %dma_wait3A_407 = tpu.memref_squeeze %dma_wait3A_406 : memref<1x100x128xf32, #tpu.memory_space<vmem>> -> memref<100x128xf32, #tpu.memory_space<vmem>>
    %dma_wait3A_408 = arith.constant 0 : i32
    %dma_wait3A_409 = arith.constant 0 : i32
    %dma_wait3A_410 = tpu.memref_slice %arg12[%dma_wait3A_391, %dma_wait3A_408, %dma_wait3A_409] : memref<320x100x128xf32, #tpu.memory_space<hbm>> -> memref<1x100x128xf32, #tpu.memory_space<hbm>>
    %dma_wait3A_411 = tpu.memref_squeeze %dma_wait3A_410 : memref<1x100x128xf32, #tpu.memory_space<hbm>> -> memref<100x128xf32, #tpu.memory_space<hbm>>
    tpu.wait_dma2 semaphore(%dma_wait3A_403 : memref<!tpu.dma_semaphore, #tpu.memory_space<semaphore_mem>>) src(%dma_wait3A_411 : memref<100x128xf32, #tpu.memory_space<hbm>>) dst(%dma_wait3A_407 : memref<100x128xf32, #tpu.memory_space<vmem>>)
    %dma_wait3A_412 = arith.constant 0 : i32
    %dma_wait3A_413 = arith.constant 0 : i32
    %dma_wait3A_414 = arith.constant 0 : i32
    %dma_wait3A_415 = arith.constant 0 : i32
    %dma_wait3A_416 = arith.constant 0 : i32
    %dma_wait3A_417 = tpu.memref_slice %arg18[%dma_wait3A_413, %dma_wait3A_415, %dma_wait3A_416] : memref<4x100x128xf32, #tpu.memory_space<vmem>> -> memref<1x100x128xf32, #tpu.memory_space<vmem>>
    %dma_wait3A_418 = tpu.memref_squeeze %dma_wait3A_417 : memref<1x100x128xf32, #tpu.memory_space<vmem>> -> memref<100x128xf32, #tpu.memory_space<vmem>>
    %dma_wait3A_419 = arith.constant 0 : i32
    %dma_wait3A_420 = arith.constant 0 : i32
    %dma_wait3A_421 = tpu.memref_slice %arg12[%dma_wait3A_412, %dma_wait3A_419, %dma_wait3A_420] : memref<320x100x128xf32, #tpu.memory_space<hbm>> -> memref<1x100x128xf32, #tpu.memory_space<hbm>>
    %dma_wait3A_422 = tpu.memref_squeeze %dma_wait3A_421 : memref<1x100x128xf32, #tpu.memory_space<hbm>> -> memref<100x128xf32, #tpu.memory_space<hbm>>
    %dma_wait3A_423 = tpu.memref_slice %arg20[%dma_wait3A_414] : memref<4x!tpu.dma_semaphore, #tpu.memory_space<semaphore_mem>> -> memref<1x!tpu.dma_semaphore, #tpu.memory_space<semaphore_mem>>
    %dma_wait3A_424 = tpu.memref_squeeze %dma_wait3A_423 : memref<1x!tpu.dma_semaphore, #tpu.memory_space<semaphore_mem>> -> memref<!tpu.dma_semaphore, #tpu.memory_space<semaphore_mem>>
    %dma_wait3A_425 = arith.constant 0 : i32
    %dma_wait3A_426 = arith.constant 0 : i32
    %dma_wait3A_427 = tpu.memref_slice %arg18[%dma_wait3A_413, %dma_wait3A_425, %dma_wait3A_426] : memref<4x100x128xf32, #tpu.memory_space<vmem>> -> memref<1x100x128xf32, #tpu.memory_space<vmem>>
    %dma_wait3A_428 = tpu.memref_squeeze %dma_wait3A_427 : memref<1x100x128xf32, #tpu.memory_space<vmem>> -> memref<100x128xf32, #tpu.memory_space<vmem>>
    %dma_wait3A_429 = arith.constant 0 : i32
    %dma_wait3A_430 = arith.constant 0 : i32
    %dma_wait3A_431 = tpu.memref_slice %arg12[%dma_wait3A_412, %dma_wait3A_429, %dma_wait3A_430] : memref<320x100x128xf32, #tpu.memory_space<hbm>> -> memref<1x100x128xf32, #tpu.memory_space<hbm>>
    %dma_wait3A_432 = tpu.memref_squeeze %dma_wait3A_431 : memref<1x100x128xf32, #tpu.memory_space<hbm>> -> memref<100x128xf32, #tpu.memory_space<hbm>>
    tpu.wait_dma2 semaphore(%dma_wait3A_424 : memref<!tpu.dma_semaphore, #tpu.memory_space<semaphore_mem>>) src(%dma_wait3A_432 : memref<100x128xf32, #tpu.memory_space<hbm>>) dst(%dma_wait3A_428 : memref<100x128xf32, #tpu.memory_space<vmem>>)
    %dma_wait3A_433 = arith.constant 0 : i32
    %dma_wait3A_434 = arith.constant 1 : i32
    %dma_wait3A_435 = arith.constant 1 : i32
    %dma_wait3A_436 = arith.constant 0 : i32
    %dma_wait3A_437 = arith.constant 0 : i32
    %dma_wait3A_438 = tpu.memref_slice %arg18[%dma_wait3A_434, %dma_wait3A_436, %dma_wait3A_437] : memref<4x100x128xf32, #tpu.memory_space<vmem>> -> memref<1x100x128xf32, #tpu.memory_space<vmem>>
    %dma_wait3A_439 = tpu.memref_squeeze %dma_wait3A_438 : memref<1x100x128xf32, #tpu.memory_space<vmem>> -> memref<100x128xf32, #tpu.memory_space<vmem>>
    %dma_wait3A_440 = arith.constant 0 : i32
    %dma_wait3A_441 = arith.constant 0 : i32
    %dma_wait3A_442 = tpu.memref_slice %arg12[%dma_wait3A_433, %dma_wait3A_440, %dma_wait3A_441] : memref<320x100x128xf32, #tpu.memory_space<hbm>> -> memref<1x100x128xf32, #tpu.memory_space<hbm>>
    %dma_wait3A_443 = tpu.memref_squeeze %dma_wait3A_442 : memref<1x100x128xf32, #tpu.memory_space<hbm>> -> memref<100x128xf32, #tpu.memory_space<hbm>>
    %dma_wait3A_444 = tpu.memref_slice %arg20[%dma_wait3A_435] : memref<4x!tpu.dma_semaphore, #tpu.memory_space<semaphore_mem>> -> memref<1x!tpu.dma_semaphore, #tpu.memory_space<semaphore_mem>>
    %dma_wait3A_445 = tpu.memref_squeeze %dma_wait3A_444 : memref<1x!tpu.dma_semaphore, #tpu.memory_space<semaphore_mem>> -> memref<!tpu.dma_semaphore, #tpu.memory_space<semaphore_mem>>
    %dma_wait3A_446 = arith.constant 0 : i32
    %dma_wait3A_447 = arith.constant 0 : i32
    %dma_wait3A_448 = tpu.memref_slice %arg18[%dma_wait3A_434, %dma_wait3A_446, %dma_wait3A_447] : memref<4x100x128xf32, #tpu.memory_space<vmem>> -> memref<1x100x128xf32, #tpu.memory_space<vmem>>
    %dma_wait3A_449 = tpu.memref_squeeze %dma_wait3A_448 : memref<1x100x128xf32, #tpu.memory_space<vmem>> -> memref<100x128xf32, #tpu.memory_space<vmem>>
    %dma_wait3A_450 = arith.constant 0 : i32
    %dma_wait3A_451 = arith.constant 0 : i32
    %dma_wait3A_452 = tpu.memref_slice %arg12[%dma_wait3A_433, %dma_wait3A_450, %dma_wait3A_451] : memref<320x100x128xf32, #tpu.memory_space<hbm>> -> memref<1x100x128xf32, #tpu.memory_space<hbm>>
    %dma_wait3A_453 = tpu.memref_squeeze %dma_wait3A_452 : memref<1x100x128xf32, #tpu.memory_space<hbm>> -> memref<100x128xf32, #tpu.memory_space<hbm>>
    tpu.wait_dma2 semaphore(%dma_wait3A_445 : memref<!tpu.dma_semaphore, #tpu.memory_space<semaphore_mem>>) src(%dma_wait3A_453 : memref<100x128xf32, #tpu.memory_space<hbm>>) dst(%dma_wait3A_449 : memref<100x128xf32, #tpu.memory_space<vmem>>)
    %mul3A_454 = arith.constant 10 : i32
    %mul3A_455 = arith.muli %add3A, %mul3A_454 : i32
    "tpu.region"() ({
      %run_scoped3A = tpu.sem_alloc : memref<!tpu.dma_semaphore, #tpu.memory_space<semaphore_mem>>
      %dma_start3A_606 = arith.constant 0 : i32
      %dma_start3A_607 = arith.constant 0 : i32
      %dma_start3A_608 = tpu.memref_slice %arg9[%add3A, %dma_start3A_606, %dma_start3A_607] : memref<32x10x100xi32, #tpu.memory_space<hbm>> -> memref<1x10x100xi32, #tpu.memory_space<hbm>>
      %dma_start3A_609 = tpu.memref_squeeze %dma_start3A_608 : memref<1x10x100xi32, #tpu.memory_space<hbm>> -> memref<10x100xi32, #tpu.memory_space<hbm>>
      %dma_start3A_610 = arith.constant 0 : i32
      %dma_start3A_611 = arith.constant 0 : i32
      %dma_start3A_612 = tpu.memref_slice %arg9[%add3A, %dma_start3A_610, %dma_start3A_611] : memref<32x10x100xi32, #tpu.memory_space<hbm>> -> memref<1x10x100xi32, #tpu.memory_space<hbm>>
      %dma_start3A_613 = tpu.memref_squeeze %dma_start3A_612 : memref<1x10x100xi32, #tpu.memory_space<hbm>> -> memref<10x100xi32, #tpu.memory_space<hbm>>
      tpu.enqueue_dma source(%dma_start3A_613 : memref<10x100xi32, #tpu.memory_space<hbm>>) target(%arg17 : memref<10x100xi32, #tpu.memory_space<vmem>>) target_semaphore(%run_scoped3A : memref<!tpu.dma_semaphore, #tpu.memory_space<semaphore_mem>>)
      %dma_wait3A_614 = arith.constant 0 : i32
      %dma_wait3A_615 = arith.constant 0 : i32
      %dma_wait3A_616 = tpu.memref_slice %arg9[%add3A, %dma_wait3A_614, %dma_wait3A_615] : memref<32x10x100xi32, #tpu.memory_space<hbm>> -> memref<1x10x100xi32, #tpu.memory_space<hbm>>
      %dma_wait3A_617 = tpu.memref_squeeze %dma_wait3A_616 : memref<1x10x100xi32, #tpu.memory_space<hbm>> -> memref<10x100xi32, #tpu.memory_space<hbm>>
      %dma_wait3A_618 = arith.constant 0 : i32
      %dma_wait3A_619 = arith.constant 0 : i32
      %dma_wait3A_620 = tpu.memref_slice %arg9[%add3A, %dma_wait3A_618, %dma_wait3A_619] : memref<32x10x100xi32, #tpu.memory_space<hbm>> -> memref<1x10x100xi32, #tpu.memory_space<hbm>>
      %dma_wait3A_621 = tpu.memref_squeeze %dma_wait3A_620 : memref<1x10x100xi32, #tpu.memory_space<hbm>> -> memref<10x100xi32, #tpu.memory_space<hbm>>
      tpu.wait_dma2 semaphore(%run_scoped3A : memref<!tpu.dma_semaphore, #tpu.memory_space<semaphore_mem>>) src(%dma_wait3A_621 : memref<10x100xi32, #tpu.memory_space<hbm>>) dst(%arg17 : memref<10x100xi32, #tpu.memory_space<vmem>>)
      tpu.yield
    }) : () -> ()
    %dma_start3A_456 = arith.constant 0 : i32
    %dma_start3A_457 = arith.constant 0 : i32
    %dma_start3A_458 = arith.constant 0 : i32
    %dma_start3A_459 = arith.constant 0 : i32
    %dma_start3A_460 = arith.constant 0 : i32
    %dma_start3A_461 = tpu.memref_slice %arg21[%dma_start3A_457, %dma_start3A_459, %dma_start3A_460] : memref<4x100x128xi32, #tpu.memory_space<vmem>> -> memref<1x100x128xi32, #tpu.memory_space<vmem>>
    %dma_start3A_462 = tpu.memref_squeeze %dma_start3A_461 : memref<1x100x128xi32, #tpu.memory_space<vmem>> -> memref<100x128xi32, #tpu.memory_space<vmem>>
    %dma_start3A_463 = arith.constant 0 : i32
    %dma_start3A_464 = tpu.memref_slice %arg17[%dma_start3A_456, %dma_start3A_463] : memref<10x100xi32, #tpu.memory_space<vmem>> -> memref<1x100xi32, #tpu.memory_space<vmem>>
    %dma_start3A_465 = tpu.memref_squeeze %dma_start3A_464 : memref<1x100xi32, #tpu.memory_space<vmem>> -> memref<100xi32, #tpu.memory_space<vmem>>
    %dma_start3A_466 = arith.constant 0 : i32
    %dma_start3A_467 = arith.constant 0 : i32
    %dma_start3A_468 = tpu.memref_slice %arg5[%dma_start3A_466, %dma_start3A_467] : memref<3200x128xi32, #tpu.memory_space<hbm>> -> memref<3200x128xi32, #tpu.memory_space<hbm>>
    %dma_start3A_469 = tpu.memref_slice %arg22[%dma_start3A_458] : memref<4x!tpu.dma_semaphore, #tpu.memory_space<semaphore_mem>> -> memref<1x!tpu.dma_semaphore, #tpu.memory_space<semaphore_mem>>
    %dma_start3A_470 = tpu.memref_squeeze %dma_start3A_469 : memref<1x!tpu.dma_semaphore, #tpu.memory_space<semaphore_mem>> -> memref<!tpu.dma_semaphore, #tpu.memory_space<semaphore_mem>>
    tpu.enqueue_indirect_dma source(%dma_start3A_468 : memref<3200x128xi32, #tpu.memory_space<hbm>>) target(%dma_start3A_462 : memref<100x128xi32, #tpu.memory_space<vmem>>) offsets(%dma_start3A_465 : memref<100xi32, #tpu.memory_space<vmem>>) semaphore(%dma_start3A_470 : memref<!tpu.dma_semaphore, #tpu.memory_space<semaphore_mem>>)
    %dma_start3A_471 = arith.constant 1 : i32
    %dma_start3A_472 = arith.constant 1 : i32
    %dma_start3A_473 = arith.constant 1 : i32
    %dma_start3A_474 = arith.constant 0 : i32
    %dma_start3A_475 = arith.constant 0 : i32
    %dma_start3A_476 = tpu.memref_slice %arg21[%dma_start3A_472, %dma_start3A_474, %dma_start3A_475] : memref<4x100x128xi32, #tpu.memory_space<vmem>> -> memref<1x100x128xi32, #tpu.memory_space<vmem>>
    %dma_start3A_477 = tpu.memref_squeeze %dma_start3A_476 : memref<1x100x128xi32, #tpu.memory_space<vmem>> -> memref<100x128xi32, #tpu.memory_space<vmem>>
    %dma_start3A_478 = arith.constant 0 : i32
    %dma_start3A_479 = tpu.memref_slice %arg17[%dma_start3A_471, %dma_start3A_478] : memref<10x100xi32, #tpu.memory_space<vmem>> -> memref<1x100xi32, #tpu.memory_space<vmem>>
    %dma_start3A_480 = tpu.memref_squeeze %dma_start3A_479 : memref<1x100xi32, #tpu.memory_space<vmem>> -> memref<100xi32, #tpu.memory_space<vmem>>
    %dma_start3A_481 = arith.constant 0 : i32
    %dma_start3A_482 = arith.constant 0 : i32
    %dma_start3A_483 = tpu.memref_slice %arg5[%dma_start3A_481, %dma_start3A_482] : memref<3200x128xi32, #tpu.memory_space<hbm>> -> memref<3200x128xi32, #tpu.memory_space<hbm>>
    %dma_start3A_484 = tpu.memref_slice %arg22[%dma_start3A_473] : memref<4x!tpu.dma_semaphore, #tpu.memory_space<semaphore_mem>> -> memref<1x!tpu.dma_semaphore, #tpu.memory_space<semaphore_mem>>
    %dma_start3A_485 = tpu.memref_squeeze %dma_start3A_484 : memref<1x!tpu.dma_semaphore, #tpu.memory_space<semaphore_mem>> -> memref<!tpu.dma_semaphore, #tpu.memory_space<semaphore_mem>>
    tpu.enqueue_indirect_dma source(%dma_start3A_483 : memref<3200x128xi32, #tpu.memory_space<hbm>>) target(%dma_start3A_477 : memref<100x128xi32, #tpu.memory_space<vmem>>) offsets(%dma_start3A_480 : memref<100xi32, #tpu.memory_space<vmem>>) semaphore(%dma_start3A_485 : memref<!tpu.dma_semaphore, #tpu.memory_space<semaphore_mem>>)
    %dma_start3A_486 = arith.constant 2 : i32
    %dma_start3A_487 = arith.constant 2 : i32
    %dma_start3A_488 = arith.constant 2 : i32
    %dma_start3A_489 = arith.constant 0 : i32
    %dma_start3A_490 = arith.constant 0 : i32
    %dma_start3A_491 = tpu.memref_slice %arg21[%dma_start3A_487, %dma_start3A_489, %dma_start3A_490] : memref<4x100x128xi32, #tpu.memory_space<vmem>> -> memref<1x100x128xi32, #tpu.memory_space<vmem>>
    %dma_start3A_492 = tpu.memref_squeeze %dma_start3A_491 : memref<1x100x128xi32, #tpu.memory_space<vmem>> -> memref<100x128xi32, #tpu.memory_space<vmem>>
    %dma_start3A_493 = arith.constant 0 : i32
    %dma_start3A_494 = tpu.memref_slice %arg17[%dma_start3A_486, %dma_start3A_493] : memref<10x100xi32, #tpu.memory_space<vmem>> -> memref<1x100xi32, #tpu.memory_space<vmem>>
    %dma_start3A_495 = tpu.memref_squeeze %dma_start3A_494 : memref<1x100xi32, #tpu.memory_space<vmem>> -> memref<100xi32, #tpu.memory_space<vmem>>
    %dma_start3A_496 = arith.constant 0 : i32
    %dma_start3A_497 = arith.constant 0 : i32
    %dma_start3A_498 = tpu.memref_slice %arg5[%dma_start3A_496, %dma_start3A_497] : memref<3200x128xi32, #tpu.memory_space<hbm>> -> memref<3200x128xi32, #tpu.memory_space<hbm>>
    %dma_start3A_499 = tpu.memref_slice %arg22[%dma_start3A_488] : memref<4x!tpu.dma_semaphore, #tpu.memory_space<semaphore_mem>> -> memref<1x!tpu.dma_semaphore, #tpu.memory_space<semaphore_mem>>
    %dma_start3A_500 = tpu.memref_squeeze %dma_start3A_499 : memref<1x!tpu.dma_semaphore, #tpu.memory_space<semaphore_mem>> -> memref<!tpu.dma_semaphore, #tpu.memory_space<semaphore_mem>>
    tpu.enqueue_indirect_dma source(%dma_start3A_498 : memref<3200x128xi32, #tpu.memory_space<hbm>>) target(%dma_start3A_492 : memref<100x128xi32, #tpu.memory_space<vmem>>) offsets(%dma_start3A_495 : memref<100xi32, #tpu.memory_space<vmem>>) semaphore(%dma_start3A_500 : memref<!tpu.dma_semaphore, #tpu.memory_space<semaphore_mem>>)
    %dma_start3A_501 = arith.constant 3 : i32
    %dma_start3A_502 = arith.constant 3 : i32
    %dma_start3A_503 = arith.constant 3 : i32
    %dma_start3A_504 = arith.constant 0 : i32
    %dma_start3A_505 = arith.constant 0 : i32
    %dma_start3A_506 = tpu.memref_slice %arg21[%dma_start3A_502, %dma_start3A_504, %dma_start3A_505] : memref<4x100x128xi32, #tpu.memory_space<vmem>> -> memref<1x100x128xi32, #tpu.memory_space<vmem>>
    %dma_start3A_507 = tpu.memref_squeeze %dma_start3A_506 : memref<1x100x128xi32, #tpu.memory_space<vmem>> -> memref<100x128xi32, #tpu.memory_space<vmem>>
    %dma_start3A_508 = arith.constant 0 : i32
    %dma_start3A_509 = tpu.memref_slice %arg17[%dma_start3A_501, %dma_start3A_508] : memref<10x100xi32, #tpu.memory_space<vmem>> -> memref<1x100xi32, #tpu.memory_space<vmem>>
    %dma_start3A_510 = tpu.memref_squeeze %dma_start3A_509 : memref<1x100xi32, #tpu.memory_space<vmem>> -> memref<100xi32, #tpu.memory_space<vmem>>
    %dma_start3A_511 = arith.constant 0 : i32
    %dma_start3A_512 = arith.constant 0 : i32
    %dma_start3A_513 = tpu.memref_slice %arg5[%dma_start3A_511, %dma_start3A_512] : memref<3200x128xi32, #tpu.memory_space<hbm>> -> memref<3200x128xi32, #tpu.memory_space<hbm>>
    %dma_start3A_514 = tpu.memref_slice %arg22[%dma_start3A_503] : memref<4x!tpu.dma_semaphore, #tpu.memory_space<semaphore_mem>> -> memref<1x!tpu.dma_semaphore, #tpu.memory_space<semaphore_mem>>
    %dma_start3A_515 = tpu.memref_squeeze %dma_start3A_514 : memref<1x!tpu.dma_semaphore, #tpu.memory_space<semaphore_mem>> -> memref<!tpu.dma_semaphore, #tpu.memory_space<semaphore_mem>>
    tpu.enqueue_indirect_dma source(%dma_start3A_513 : memref<3200x128xi32, #tpu.memory_space<hbm>>) target(%dma_start3A_507 : memref<100x128xi32, #tpu.memory_space<vmem>>) offsets(%dma_start3A_510 : memref<100xi32, #tpu.memory_space<vmem>>) semaphore(%dma_start3A_515 : memref<!tpu.dma_semaphore, #tpu.memory_space<semaphore_mem>>)
    %scan3A_516 = arith.constant 0 : i32
    %scan3A_517 = arith.constant 0 : i32
    %scan3A_518 = arith.constant 10 : i32
    %scan3A_519 = arith.addi %scan3A_517, %scan3A_518 : i32
    %scan3A_520 = arith.constant 1 : i32
    scf.for %scan3A_606 = %scan3A_517 to %scan3A_519 step %scan3A_520  : i32 {
      %rem3A = arith.constant 4 : i32
      %rem3A_607 = arith.remsi %scan3A_606, %rem3A : i32
      %dma_wait3A_608 = arith.constant 0 : i32
      %dma_wait3A_609 = arith.constant 0 : i32
      %dma_wait3A_610 = arith.constant 0 : i32
      %dma_wait3A_611 = tpu.memref_slice %arg21[%rem3A_607, %dma_wait3A_609, %dma_wait3A_610] : memref<4x100x128xi32, #tpu.memory_space<vmem>> -> memref<1x100x128xi32, #tpu.memory_space<vmem>>
      %dma_wait3A_612 = tpu.memref_squeeze %dma_wait3A_611 : memref<1x100x128xi32, #tpu.memory_space<vmem>> -> memref<100x128xi32, #tpu.memory_space<vmem>>
      %dma_wait3A_613 = arith.constant 0 : i32
      %dma_wait3A_614 = arith.constant 0 : i32
      %dma_wait3A_615 = tpu.memref_slice %arg13[%dma_wait3A_608, %dma_wait3A_613, %dma_wait3A_614] : memref<320x100x128xi32, #tpu.memory_space<hbm>> -> memref<1x100x128xi32, #tpu.memory_space<hbm>>
      %dma_wait3A_616 = tpu.memref_squeeze %dma_wait3A_615 : memref<1x100x128xi32, #tpu.memory_space<hbm>> -> memref<100x128xi32, #tpu.memory_space<hbm>>
      %dma_wait3A_617 = tpu.memref_slice %arg22[%rem3A_607] : memref<4x!tpu.dma_semaphore, #tpu.memory_space<semaphore_mem>> -> memref<1x!tpu.dma_semaphore, #tpu.memory_space<semaphore_mem>>
      %dma_wait3A_618 = tpu.memref_squeeze %dma_wait3A_617 : memref<1x!tpu.dma_semaphore, #tpu.memory_space<semaphore_mem>> -> memref<!tpu.dma_semaphore, #tpu.memory_space<semaphore_mem>>
      %dma_wait3A_619 = arith.constant 0 : i32
      %dma_wait3A_620 = arith.constant 0 : i32
      %dma_wait3A_621 = tpu.memref_slice %arg21[%rem3A_607, %dma_wait3A_619, %dma_wait3A_620] : memref<4x100x128xi32, #tpu.memory_space<vmem>> -> memref<1x100x128xi32, #tpu.memory_space<vmem>>
      %dma_wait3A_622 = tpu.memref_squeeze %dma_wait3A_621 : memref<1x100x128xi32, #tpu.memory_space<vmem>> -> memref<100x128xi32, #tpu.memory_space<vmem>>
      %dma_wait3A_623 = arith.constant 0 : i32
      %dma_wait3A_624 = arith.constant 0 : i32
      %dma_wait3A_625 = tpu.memref_slice %arg13[%dma_wait3A_608, %dma_wait3A_623, %dma_wait3A_624] : memref<320x100x128xi32, #tpu.memory_space<hbm>> -> memref<1x100x128xi32, #tpu.memory_space<hbm>>
      %dma_wait3A_626 = tpu.memref_squeeze %dma_wait3A_625 : memref<1x100x128xi32, #tpu.memory_space<hbm>> -> memref<100x128xi32, #tpu.memory_space<hbm>>
      tpu.wait_dma2 semaphore(%dma_wait3A_618 : memref<!tpu.dma_semaphore, #tpu.memory_space<semaphore_mem>>) src(%dma_wait3A_626 : memref<100x128xi32, #tpu.memory_space<hbm>>) dst(%dma_wait3A_622 : memref<100x128xi32, #tpu.memory_space<vmem>>)
      %add3A_627 = arith.addi %mul3A_455, %scan3A_606 : i32
      %dma_start3A_628 = arith.constant 0 : i32
      %dma_start3A_629 = arith.constant 0 : i32
      %dma_start3A_630 = tpu.memref_slice %arg21[%rem3A_607, %dma_start3A_628, %dma_start3A_629] : memref<4x100x128xi32, #tpu.memory_space<vmem>> -> memref<1x100x128xi32, #tpu.memory_space<vmem>>
      %dma_start3A_631 = tpu.memref_squeeze %dma_start3A_630 : memref<1x100x128xi32, #tpu.memory_space<vmem>> -> memref<100x128xi32, #tpu.memory_space<vmem>>
      %dma_start3A_632 = arith.constant 0 : i32
      %dma_start3A_633 = arith.constant 0 : i32
      %dma_start3A_634 = tpu.memref_slice %arg13[%add3A_627, %dma_start3A_632, %dma_start3A_633] : memref<320x100x128xi32, #tpu.memory_space<hbm>> -> memref<1x100x128xi32, #tpu.memory_space<hbm>>
      %dma_start3A_635 = tpu.memref_squeeze %dma_start3A_634 : memref<1x100x128xi32, #tpu.memory_space<hbm>> -> memref<100x128xi32, #tpu.memory_space<hbm>>
      %dma_start3A_636 = tpu.memref_slice %arg23[%rem3A_607] : memref<4x!tpu.dma_semaphore, #tpu.memory_space<semaphore_mem>> -> memref<1x!tpu.dma_semaphore, #tpu.memory_space<semaphore_mem>>
      %dma_start3A_637 = tpu.memref_squeeze %dma_start3A_636 : memref<1x!tpu.dma_semaphore, #tpu.memory_space<semaphore_mem>> -> memref<!tpu.dma_semaphore, #tpu.memory_space<semaphore_mem>>
      %dma_start3A_638 = arith.constant 0 : i32
      %dma_start3A_639 = arith.constant 0 : i32
      %dma_start3A_640 = tpu.memref_slice %arg13[%add3A_627, %dma_start3A_638, %dma_start3A_639] : memref<320x100x128xi32, #tpu.memory_space<hbm>> -> memref<1x100x128xi32, #tpu.memory_space<hbm>>
      %dma_start3A_641 = tpu.memref_squeeze %dma_start3A_640 : memref<1x100x128xi32, #tpu.memory_space<hbm>> -> memref<100x128xi32, #tpu.memory_space<hbm>>
      %dma_start3A_642 = arith.constant 0 : i32
      %dma_start3A_643 = arith.constant 0 : i32
      %dma_start3A_644 = tpu.memref_slice %arg21[%rem3A_607, %dma_start3A_642, %dma_start3A_643] : memref<4x100x128xi32, #tpu.memory_space<vmem>> -> memref<1x100x128xi32, #tpu.memory_space<vmem>>
      %dma_start3A_645 = tpu.memref_squeeze %dma_start3A_644 : memref<1x100x128xi32, #tpu.memory_space<vmem>> -> memref<100x128xi32, #tpu.memory_space<vmem>>
      tpu.enqueue_dma source(%dma_start3A_645 : memref<100x128xi32, #tpu.memory_space<vmem>>) target(%dma_start3A_641 : memref<100x128xi32, #tpu.memory_space<hbm>>) target_semaphore(%dma_start3A_637 : memref<!tpu.dma_semaphore, #tpu.memory_space<semaphore_mem>>)
      %add3A_646 = arith.constant 4 : i32
      %add3A_647 = arith.addi %scan3A_606, %add3A_646 : i32
      %lt3A = arith.constant 10 : i32
      %lt3A_648 = arith.cmpi slt, %add3A_647, %lt3A : i32
      %convert_element_type3A = arith.extui %lt3A_648 : i1 to i32
      %cond3A = arith.constant 0 : i32
      %cond3A_649 = arith.cmpi ne, %convert_element_type3A, %cond3A : i32
      scf.if %cond3A_649 {
        %dma_wait3A_650 = arith.constant 0 : i32
        %dma_wait3A_651 = arith.constant 0 : i32
        %dma_wait3A_652 = arith.constant 0 : i32
        %dma_wait3A_653 = tpu.memref_slice %arg21[%rem3A_607, %dma_wait3A_651, %dma_wait3A_652] : memref<4x100x128xi32, #tpu.memory_space<vmem>> -> memref<1x100x128xi32, #tpu.memory_space<vmem>>
        %dma_wait3A_654 = tpu.memref_squeeze %dma_wait3A_653 : memref<1x100x128xi32, #tpu.memory_space<vmem>> -> memref<100x128xi32, #tpu.memory_space<vmem>>
        %dma_wait3A_655 = arith.constant 0 : i32
        %dma_wait3A_656 = arith.constant 0 : i32
        %dma_wait3A_657 = tpu.memref_slice %arg13[%dma_wait3A_650, %dma_wait3A_655, %dma_wait3A_656] : memref<320x100x128xi32, #tpu.memory_space<hbm>> -> memref<1x100x128xi32, #tpu.memory_space<hbm>>
        %dma_wait3A_658 = tpu.memref_squeeze %dma_wait3A_657 : memref<1x100x128xi32, #tpu.memory_space<hbm>> -> memref<100x128xi32, #tpu.memory_space<hbm>>
        %dma_wait3A_659 = tpu.memref_slice %arg23[%rem3A_607] : memref<4x!tpu.dma_semaphore, #tpu.memory_space<semaphore_mem>> -> memref<1x!tpu.dma_semaphore, #tpu.memory_space<semaphore_mem>>
        %dma_wait3A_660 = tpu.memref_squeeze %dma_wait3A_659 : memref<1x!tpu.dma_semaphore, #tpu.memory_space<semaphore_mem>> -> memref<!tpu.dma_semaphore, #tpu.memory_space<semaphore_mem>>
        %dma_wait3A_661 = arith.constant 0 : i32
        %dma_wait3A_662 = arith.constant 0 : i32
        %dma_wait3A_663 = tpu.memref_slice %arg21[%rem3A_607, %dma_wait3A_661, %dma_wait3A_662] : memref<4x100x128xi32, #tpu.memory_space<vmem>> -> memref<1x100x128xi32, #tpu.memory_space<vmem>>
        %dma_wait3A_664 = tpu.memref_squeeze %dma_wait3A_663 : memref<1x100x128xi32, #tpu.memory_space<vmem>> -> memref<100x128xi32, #tpu.memory_space<vmem>>
        %dma_wait3A_665 = arith.constant 0 : i32
        %dma_wait3A_666 = arith.constant 0 : i32
        %dma_wait3A_667 = tpu.memref_slice %arg13[%dma_wait3A_650, %dma_wait3A_665, %dma_wait3A_666] : memref<320x100x128xi32, #tpu.memory_space<hbm>> -> memref<1x100x128xi32, #tpu.memory_space<hbm>>
        %dma_wait3A_668 = tpu.memref_squeeze %dma_wait3A_667 : memref<1x100x128xi32, #tpu.memory_space<hbm>> -> memref<100x128xi32, #tpu.memory_space<hbm>>
        tpu.wait_dma2 semaphore(%dma_wait3A_660 : memref<!tpu.dma_semaphore, #tpu.memory_space<semaphore_mem>>) src(%dma_wait3A_668 : memref<100x128xi32, #tpu.memory_space<hbm>>) dst(%dma_wait3A_664 : memref<100x128xi32, #tpu.memory_space<vmem>>)
        %add3A_669 = arith.constant 4 : i32
        %add3A_670 = arith.addi %scan3A_606, %add3A_669 : i32
        %dma_start3A_671 = arith.constant 0 : i32
        %dma_start3A_672 = arith.constant 0 : i32
        %dma_start3A_673 = tpu.memref_slice %arg21[%rem3A_607, %dma_start3A_671, %dma_start3A_672] : memref<4x100x128xi32, #tpu.memory_space<vmem>> -> memref<1x100x128xi32, #tpu.memory_space<vmem>>
        %dma_start3A_674 = tpu.memref_squeeze %dma_start3A_673 : memref<1x100x128xi32, #tpu.memory_space<vmem>> -> memref<100x128xi32, #tpu.memory_space<vmem>>
        %dma_start3A_675 = arith.constant 0 : i32
        %dma_start3A_676 = tpu.memref_slice %arg17[%add3A_670, %dma_start3A_675] : memref<10x100xi32, #tpu.memory_space<vmem>> -> memref<1x100xi32, #tpu.memory_space<vmem>>
        %dma_start3A_677 = tpu.memref_squeeze %dma_start3A_676 : memref<1x100xi32, #tpu.memory_space<vmem>> -> memref<100xi32, #tpu.memory_space<vmem>>
        %dma_start3A_678 = arith.constant 0 : i32
        %dma_start3A_679 = arith.constant 0 : i32
        %dma_start3A_680 = tpu.memref_slice %arg5[%dma_start3A_678, %dma_start3A_679] : memref<3200x128xi32, #tpu.memory_space<hbm>> -> memref<3200x128xi32, #tpu.memory_space<hbm>>
        %dma_start3A_681 = tpu.memref_slice %arg22[%rem3A_607] : memref<4x!tpu.dma_semaphore, #tpu.memory_space<semaphore_mem>> -> memref<1x!tpu.dma_semaphore, #tpu.memory_space<semaphore_mem>>
        %dma_start3A_682 = tpu.memref_squeeze %dma_start3A_681 : memref<1x!tpu.dma_semaphore, #tpu.memory_space<semaphore_mem>> -> memref<!tpu.dma_semaphore, #tpu.memory_space<semaphore_mem>>
        tpu.enqueue_indirect_dma source(%dma_start3A_680 : memref<3200x128xi32, #tpu.memory_space<hbm>>) target(%dma_start3A_674 : memref<100x128xi32, #tpu.memory_space<vmem>>) offsets(%dma_start3A_677 : memref<100xi32, #tpu.memory_space<vmem>>) semaphore(%dma_start3A_682 : memref<!tpu.dma_semaphore, #tpu.memory_space<semaphore_mem>>)
      } else {
      }
    }
    %scan3A_521 = arith.constant 10 : i32
    %dma_wait3A_522 = arith.constant 0 : i32
    %dma_wait3A_523 = arith.constant 2 : i32
    %dma_wait3A_524 = arith.constant 2 : i32
    %dma_wait3A_525 = arith.constant 0 : i32
    %dma_wait3A_526 = arith.constant 0 : i32
    %dma_wait3A_527 = tpu.memref_slice %arg21[%dma_wait3A_523, %dma_wait3A_525, %dma_wait3A_526] : memref<4x100x128xi32, #tpu.memory_space<vmem>> -> memref<1x100x128xi32, #tpu.memory_space<vmem>>
    %dma_wait3A_528 = tpu.memref_squeeze %dma_wait3A_527 : memref<1x100x128xi32, #tpu.memory_space<vmem>> -> memref<100x128xi32, #tpu.memory_space<vmem>>
    %dma_wait3A_529 = arith.constant 0 : i32
    %dma_wait3A_530 = arith.constant 0 : i32
    %dma_wait3A_531 = tpu.memref_slice %arg13[%dma_wait3A_522, %dma_wait3A_529, %dma_wait3A_530] : memref<320x100x128xi32, #tpu.memory_space<hbm>> -> memref<1x100x128xi32, #tpu.memory_space<hbm>>
    %dma_wait3A_532 = tpu.memref_squeeze %dma_wait3A_531 : memref<1x100x128xi32, #tpu.memory_space<hbm>> -> memref<100x128xi32, #tpu.memory_space<hbm>>
    %dma_wait3A_533 = tpu.memref_slice %arg23[%dma_wait3A_524] : memref<4x!tpu.dma_semaphore, #tpu.memory_space<semaphore_mem>> -> memref<1x!tpu.dma_semaphore, #tpu.memory_space<semaphore_mem>>
    %dma_wait3A_534 = tpu.memref_squeeze %dma_wait3A_533 : memref<1x!tpu.dma_semaphore, #tpu.memory_space<semaphore_mem>> -> memref<!tpu.dma_semaphore, #tpu.memory_space<semaphore_mem>>
    %dma_wait3A_535 = arith.constant 0 : i32
    %dma_wait3A_536 = arith.constant 0 : i32
    %dma_wait3A_537 = tpu.memref_slice %arg21[%dma_wait3A_523, %dma_wait3A_535, %dma_wait3A_536] : memref<4x100x128xi32, #tpu.memory_space<vmem>> -> memref<1x100x128xi32, #tpu.memory_space<vmem>>
    %dma_wait3A_538 = tpu.memref_squeeze %dma_wait3A_537 : memref<1x100x128xi32, #tpu.memory_space<vmem>> -> memref<100x128xi32, #tpu.memory_space<vmem>>
    %dma_wait3A_539 = arith.constant 0 : i32
    %dma_wait3A_540 = arith.constant 0 : i32
    %dma_wait3A_541 = tpu.memref_slice %arg13[%dma_wait3A_522, %dma_wait3A_539, %dma_wait3A_540] : memref<320x100x128xi32, #tpu.memory_space<hbm>> -> memref<1x100x128xi32, #tpu.memory_space<hbm>>
    %dma_wait3A_542 = tpu.memref_squeeze %dma_wait3A_541 : memref<1x100x128xi32, #tpu.memory_space<hbm>> -> memref<100x128xi32, #tpu.memory_space<hbm>>
    tpu.wait_dma2 semaphore(%dma_wait3A_534 : memref<!tpu.dma_semaphore, #tpu.memory_space<semaphore_mem>>) src(%dma_wait3A_542 : memref<100x128xi32, #tpu.memory_space<hbm>>) dst(%dma_wait3A_538 : memref<100x128xi32, #tpu.memory_space<vmem>>)
    %dma_wait3A_543 = arith.constant 0 : i32
    %dma_wait3A_544 = arith.constant 3 : i32
    %dma_wait3A_545 = arith.constant 3 : i32
    %dma_wait3A_546 = arith.constant 0 : i32
    %dma_wait3A_547 = arith.constant 0 : i32
    %dma_wait3A_548 = tpu.memref_slice %arg21[%dma_wait3A_544, %dma_wait3A_546, %dma_wait3A_547] : memref<4x100x128xi32, #tpu.memory_space<vmem>> -> memref<1x100x128xi32, #tpu.memory_space<vmem>>
    %dma_wait3A_549 = tpu.memref_squeeze %dma_wait3A_548 : memref<1x100x128xi32, #tpu.memory_space<vmem>> -> memref<100x128xi32, #tpu.memory_space<vmem>>
    %dma_wait3A_550 = arith.constant 0 : i32
    %dma_wait3A_551 = arith.constant 0 : i32
    %dma_wait3A_552 = tpu.memref_slice %arg13[%dma_wait3A_543, %dma_wait3A_550, %dma_wait3A_551] : memref<320x100x128xi32, #tpu.memory_space<hbm>> -> memref<1x100x128xi32, #tpu.memory_space<hbm>>
    %dma_wait3A_553 = tpu.memref_squeeze %dma_wait3A_552 : memref<1x100x128xi32, #tpu.memory_space<hbm>> -> memref<100x128xi32, #tpu.memory_space<hbm>>
    %dma_wait3A_554 = tpu.memref_slice %arg23[%dma_wait3A_545] : memref<4x!tpu.dma_semaphore, #tpu.memory_space<semaphore_mem>> -> memref<1x!tpu.dma_semaphore, #tpu.memory_space<semaphore_mem>>
    %dma_wait3A_555 = tpu.memref_squeeze %dma_wait3A_554 : memref<1x!tpu.dma_semaphore, #tpu.memory_space<semaphore_mem>> -> memref<!tpu.dma_semaphore, #tpu.memory_space<semaphore_mem>>
    %dma_wait3A_556 = arith.constant 0 : i32
    %dma_wait3A_557 = arith.constant 0 : i32
    %dma_wait3A_558 = tpu.memref_slice %arg21[%dma_wait3A_544, %dma_wait3A_556, %dma_wait3A_557] : memref<4x100x128xi32, #tpu.memory_space<vmem>> -> memref<1x100x128xi32, #tpu.memory_space<vmem>>
    %dma_wait3A_559 = tpu.memref_squeeze %dma_wait3A_558 : memref<1x100x128xi32, #tpu.memory_space<vmem>> -> memref<100x128xi32, #tpu.memory_space<vmem>>
    %dma_wait3A_560 = arith.constant 0 : i32
    %dma_wait3A_561 = arith.constant 0 : i32
    %dma_wait3A_562 = tpu.memref_slice %arg13[%dma_wait3A_543, %dma_wait3A_560, %dma_wait3A_561] : memref<320x100x128xi32, #tpu.memory_space<hbm>> -> memref<1x100x128xi32, #tpu.memory_space<hbm>>
    %dma_wait3A_563 = tpu.memref_squeeze %dma_wait3A_562 : memref<1x100x128xi32, #tpu.memory_space<hbm>> -> memref<100x128xi32, #tpu.memory_space<hbm>>
    tpu.wait_dma2 semaphore(%dma_wait3A_555 : memref<!tpu.dma_semaphore, #tpu.memory_space<semaphore_mem>>) src(%dma_wait3A_563 : memref<100x128xi32, #tpu.memory_space<hbm>>) dst(%dma_wait3A_559 : memref<100x128xi32, #tpu.memory_space<vmem>>)
    %dma_wait3A_564 = arith.constant 0 : i32
    %dma_wait3A_565 = arith.constant 0 : i32
    %dma_wait3A_566 = arith.constant 0 : i32
    %dma_wait3A_567 = arith.constant 0 : i32
    %dma_wait3A_568 = arith.constant 0 : i32
    %dma_wait3A_569 = tpu.memref_slice %arg21[%dma_wait3A_565, %dma_wait3A_567, %dma_wait3A_568] : memref<4x100x128xi32, #tpu.memory_space<vmem>> -> memref<1x100x128xi32, #tpu.memory_space<vmem>>
    %dma_wait3A_570 = tpu.memref_squeeze %dma_wait3A_569 : memref<1x100x128xi32, #tpu.memory_space<vmem>> -> memref<100x128xi32, #tpu.memory_space<vmem>>
    %dma_wait3A_571 = arith.constant 0 : i32
    %dma_wait3A_572 = arith.constant 0 : i32
    %dma_wait3A_573 = tpu.memref_slice %arg13[%dma_wait3A_564, %dma_wait3A_571, %dma_wait3A_572] : memref<320x100x128xi32, #tpu.memory_space<hbm>> -> memref<1x100x128xi32, #tpu.memory_space<hbm>>
    %dma_wait3A_574 = tpu.memref_squeeze %dma_wait3A_573 : memref<1x100x128xi32, #tpu.memory_space<hbm>> -> memref<100x128xi32, #tpu.memory_space<hbm>>
    %dma_wait3A_575 = tpu.memref_slice %arg23[%dma_wait3A_566] : memref<4x!tpu.dma_semaphore, #tpu.memory_space<semaphore_mem>> -> memref<1x!tpu.dma_semaphore, #tpu.memory_space<semaphore_mem>>
    %dma_wait3A_576 = tpu.memref_squeeze %dma_wait3A_575 : memref<1x!tpu.dma_semaphore, #tpu.memory_space<semaphore_mem>> -> memref<!tpu.dma_semaphore, #tpu.memory_space<semaphore_mem>>
    %dma_wait3A_577 = arith.constant 0 : i32
    %dma_wait3A_578 = arith.constant 0 : i32
    %dma_wait3A_579 = tpu.memref_slice %arg21[%dma_wait3A_565, %dma_wait3A_577, %dma_wait3A_578] : memref<4x100x128xi32, #tpu.memory_space<vmem>> -> memref<1x100x128xi32, #tpu.memory_space<vmem>>
    %dma_wait3A_580 = tpu.memref_squeeze %dma_wait3A_579 : memref<1x100x128xi32, #tpu.memory_space<vmem>> -> memref<100x128xi32, #tpu.memory_space<vmem>>
    %dma_wait3A_581 = arith.constant 0 : i32
    %dma_wait3A_582 = arith.constant 0 : i32
    %dma_wait3A_583 = tpu.memref_slice %arg13[%dma_wait3A_564, %dma_wait3A_581, %dma_wait3A_582] : memref<320x100x128xi32, #tpu.memory_space<hbm>> -> memref<1x100x128xi32, #tpu.memory_space<hbm>>
    %dma_wait3A_584 = tpu.memref_squeeze %dma_wait3A_583 : memref<1x100x128xi32, #tpu.memory_space<hbm>> -> memref<100x128xi32, #tpu.memory_space<hbm>>
    tpu.wait_dma2 semaphore(%dma_wait3A_576 : memref<!tpu.dma_semaphore, #tpu.memory_space<semaphore_mem>>) src(%dma_wait3A_584 : memref<100x128xi32, #tpu.memory_space<hbm>>) dst(%dma_wait3A_580 : memref<100x128xi32, #tpu.memory_space<vmem>>)
    %dma_wait3A_585 = arith.constant 0 : i32
    %dma_wait3A_586 = arith.constant 1 : i32
    %dma_wait3A_587 = arith.constant 1 : i32
    %dma_wait3A_588 = arith.constant 0 : i32
    %dma_wait3A_589 = arith.constant 0 : i32
    %dma_wait3A_590 = tpu.memref_slice %arg21[%dma_wait3A_586, %dma_wait3A_588, %dma_wait3A_589] : memref<4x100x128xi32, #tpu.memory_space<vmem>> -> memref<1x100x128xi32, #tpu.memory_space<vmem>>
    %dma_wait3A_591 = tpu.memref_squeeze %dma_wait3A_590 : memref<1x100x128xi32, #tpu.memory_space<vmem>> -> memref<100x128xi32, #tpu.memory_space<vmem>>
    %dma_wait3A_592 = arith.constant 0 : i32
    %dma_wait3A_593 = arith.constant 0 : i32
    %dma_wait3A_594 = tpu.memref_slice %arg13[%dma_wait3A_585, %dma_wait3A_592, %dma_wait3A_593] : memref<320x100x128xi32, #tpu.memory_space<hbm>> -> memref<1x100x128xi32, #tpu.memory_space<hbm>>
    %dma_wait3A_595 = tpu.memref_squeeze %dma_wait3A_594 : memref<1x100x128xi32, #tpu.memory_space<hbm>> -> memref<100x128xi32, #tpu.memory_space<hbm>>
    %dma_wait3A_596 = tpu.memref_slice %arg23[%dma_wait3A_587] : memref<4x!tpu.dma_semaphore, #tpu.memory_space<semaphore_mem>> -> memref<1x!tpu.dma_semaphore, #tpu.memory_space<semaphore_mem>>
    %dma_wait3A_597 = tpu.memref_squeeze %dma_wait3A_596 : memref<1x!tpu.dma_semaphore, #tpu.memory_space<semaphore_mem>> -> memref<!tpu.dma_semaphore, #tpu.memory_space<semaphore_mem>>
    %dma_wait3A_598 = arith.constant 0 : i32
    %dma_wait3A_599 = arith.constant 0 : i32
    %dma_wait3A_600 = tpu.memref_slice %arg21[%dma_wait3A_586, %dma_wait3A_598, %dma_wait3A_599] : memref<4x100x128xi32, #tpu.memory_space<vmem>> -> memref<1x100x128xi32, #tpu.memory_space<vmem>>
    %dma_wait3A_601 = tpu.memref_squeeze %dma_wait3A_600 : memref<1x100x128xi32, #tpu.memory_space<vmem>> -> memref<100x128xi32, #tpu.memory_space<vmem>>
    %dma_wait3A_602 = arith.constant 0 : i32
    %dma_wait3A_603 = arith.constant 0 : i32
    %dma_wait3A_604 = tpu.memref_slice %arg13[%dma_wait3A_585, %dma_wait3A_602, %dma_wait3A_603] : memref<320x100x128xi32, #tpu.memory_space<hbm>> -> memref<1x100x128xi32, #tpu.memory_space<hbm>>
    %dma_wait3A_605 = tpu.memref_squeeze %dma_wait3A_604 : memref<1x100x128xi32, #tpu.memory_space<hbm>> -> memref<100x128xi32, #tpu.memory_space<hbm>>
    tpu.wait_dma2 semaphore(%dma_wait3A_597 : memref<!tpu.dma_semaphore, #tpu.memory_space<semaphore_mem>>) src(%dma_wait3A_605 : memref<100x128xi32, #tpu.memory_space<hbm>>) dst(%dma_wait3A_601 : memref<100x128xi32, #tpu.memory_space<vmem>>)
    return
  }
}

#map = affine_map<(d0, d1) -> (0, 0)>
#map1 = affine_map<(d0, d1) -> (0, 0, 0)>
module attributes {stable_mosaic.version = 14 : i64} {
  func.func @_sc_gather_body(%arg0: i32, %arg1: i32, %arg2: memref<10240x128xi32, #tpu.memory_space<hbm>>, %arg3: memref<3200x128xi32, #tpu.memory_space<hbm>>, %arg4: memref<32x4x100xi32, #tpu.memory_space<hbm>>, %arg5: memref<32x3x100xi32, #tpu.memory_space<hbm>>, %arg6: memref<128x100x128xi32, #tpu.memory_space<hbm>>, %arg7: memref<96x100x128xi32, #tpu.memory_space<hbm>>, %arg8: memref<4x100xi32, #tpu.memory_space<vmem>>, %arg9: memref<3x100xi32, #tpu.memory_space<vmem>>, %arg10: memref<4x100x128xi32, #tpu.memory_space<vmem>>, %arg11: memref<4x!tpu.dma_semaphore, #tpu.memory_space<semaphore_mem>>, %arg12: memref<4x!tpu.dma_semaphore, #tpu.memory_space<semaphore_mem>>) attributes {dimension_semantics = [#tpu.dimension_semantics<core_parallel>, #tpu.dimension_semantics<subcore_parallel>], iteration_bounds = array<i64: 2, 16>, scalar_prefetch = 0 : i64, scratch_operands = 5 : i64, tpu.core_type = #tpu.core_type<sc_vector_subcore>, window_params = [{transform_indices = #map}, {transform_indices = #map}, {transform_indices = #map1}, {transform_indices = #map1}, {transform_indices = #map1}, {transform_indices = #map1}]} {
    %mul3A = arith.constant 2 : i32
    %mul3A_0 = arith.muli %arg1, %mul3A : i32
    %add3A = arith.addi %mul3A_0, %arg0 : i32
    %mul3A_1 = arith.constant 4 : i32
    %mul3A_2 = arith.muli %add3A, %mul3A_1 : i32
    "tpu.region"() ({
      %run_scoped3A = tpu.sem_alloc : memref<!tpu.dma_semaphore, #tpu.memory_space<semaphore_mem>>
      %dma_start3A_266 = arith.constant 0 : i32
      %dma_start3A_267 = arith.constant 0 : i32
      %dma_start3A_268 = tpu.memref_slice %arg4[%add3A, %dma_start3A_266, %dma_start3A_267] : memref<32x4x100xi32, #tpu.memory_space<hbm>> -> memref<1x4x100xi32, #tpu.memory_space<hbm>>
      %dma_start3A_269 = tpu.memref_squeeze %dma_start3A_268 : memref<1x4x100xi32, #tpu.memory_space<hbm>> -> memref<4x100xi32, #tpu.memory_space<hbm>>
      %dma_start3A_270 = arith.constant 0 : i32
      %dma_start3A_271 = arith.constant 0 : i32
      %dma_start3A_272 = tpu.memref_slice %arg4[%add3A, %dma_start3A_270, %dma_start3A_271] : memref<32x4x100xi32, #tpu.memory_space<hbm>> -> memref<1x4x100xi32, #tpu.memory_space<hbm>>
      %dma_start3A_273 = tpu.memref_squeeze %dma_start3A_272 : memref<1x4x100xi32, #tpu.memory_space<hbm>> -> memref<4x100xi32, #tpu.memory_space<hbm>>
      tpu.enqueue_dma source(%dma_start3A_273 : memref<4x100xi32, #tpu.memory_space<hbm>>) target(%arg8 : memref<4x100xi32, #tpu.memory_space<vmem>>) target_semaphore(%run_scoped3A : memref<!tpu.dma_semaphore, #tpu.memory_space<semaphore_mem>>)
      %dma_wait3A_274 = arith.constant 0 : i32
      %dma_wait3A_275 = arith.constant 0 : i32
      %dma_wait3A_276 = tpu.memref_slice %arg4[%add3A, %dma_wait3A_274, %dma_wait3A_275] : memref<32x4x100xi32, #tpu.memory_space<hbm>> -> memref<1x4x100xi32, #tpu.memory_space<hbm>>
      %dma_wait3A_277 = tpu.memref_squeeze %dma_wait3A_276 : memref<1x4x100xi32, #tpu.memory_space<hbm>> -> memref<4x100xi32, #tpu.memory_space<hbm>>
      %dma_wait3A_278 = arith.constant 0 : i32
      %dma_wait3A_279 = arith.constant 0 : i32
      %dma_wait3A_280 = tpu.memref_slice %arg4[%add3A, %dma_wait3A_278, %dma_wait3A_279] : memref<32x4x100xi32, #tpu.memory_space<hbm>> -> memref<1x4x100xi32, #tpu.memory_space<hbm>>
      %dma_wait3A_281 = tpu.memref_squeeze %dma_wait3A_280 : memref<1x4x100xi32, #tpu.memory_space<hbm>> -> memref<4x100xi32, #tpu.memory_space<hbm>>
      tpu.wait_dma2 semaphore(%run_scoped3A : memref<!tpu.dma_semaphore, #tpu.memory_space<semaphore_mem>>) src(%dma_wait3A_281 : memref<4x100xi32, #tpu.memory_space<hbm>>) dst(%arg8 : memref<4x100xi32, #tpu.memory_space<vmem>>)
      tpu.yield
    }) : () -> ()
    %dma_start3A = arith.constant 0 : i32
    %dma_start3A_3 = arith.constant 0 : i32
    %dma_start3A_4 = arith.constant 0 : i32
    %dma_start3A_5 = arith.constant 0 : i32
    %dma_start3A_6 = arith.constant 0 : i32
    %dma_start3A_7 = tpu.memref_slice %arg10[%dma_start3A_3, %dma_start3A_5, %dma_start3A_6] : memref<4x100x128xi32, #tpu.memory_space<vmem>> -> memref<1x100x128xi32, #tpu.memory_space<vmem>>
    %dma_start3A_8 = tpu.memref_squeeze %dma_start3A_7 : memref<1x100x128xi32, #tpu.memory_space<vmem>> -> memref<100x128xi32, #tpu.memory_space<vmem>>
    %dma_start3A_9 = arith.constant 0 : i32
    %dma_start3A_10 = tpu.memref_slice %arg8[%dma_start3A, %dma_start3A_9] : memref<4x100xi32, #tpu.memory_space<vmem>> -> memref<1x100xi32, #tpu.memory_space<vmem>>
    %dma_start3A_11 = tpu.memref_squeeze %dma_start3A_10 : memref<1x100xi32, #tpu.memory_space<vmem>> -> memref<100xi32, #tpu.memory_space<vmem>>
    %dma_start3A_12 = arith.constant 0 : i32
    %dma_start3A_13 = arith.constant 0 : i32
    %dma_start3A_14 = tpu.memref_slice %arg2[%dma_start3A_12, %dma_start3A_13] : memref<10240x128xi32, #tpu.memory_space<hbm>> -> memref<10240x128xi32, #tpu.memory_space<hbm>>
    %dma_start3A_15 = tpu.memref_slice %arg11[%dma_start3A_4] : memref<4x!tpu.dma_semaphore, #tpu.memory_space<semaphore_mem>> -> memref<1x!tpu.dma_semaphore, #tpu.memory_space<semaphore_mem>>
    %dma_start3A_16 = tpu.memref_squeeze %dma_start3A_15 : memref<1x!tpu.dma_semaphore, #tpu.memory_space<semaphore_mem>> -> memref<!tpu.dma_semaphore, #tpu.memory_space<semaphore_mem>>
    tpu.enqueue_indirect_dma source(%dma_start3A_14 : memref<10240x128xi32, #tpu.memory_space<hbm>>) target(%dma_start3A_8 : memref<100x128xi32, #tpu.memory_space<vmem>>) offsets(%dma_start3A_11 : memref<100xi32, #tpu.memory_space<vmem>>) semaphore(%dma_start3A_16 : memref<!tpu.dma_semaphore, #tpu.memory_space<semaphore_mem>>)
    %dma_start3A_17 = arith.constant 1 : i32
    %dma_start3A_18 = arith.constant 1 : i32
    %dma_start3A_19 = arith.constant 1 : i32
    %dma_start3A_20 = arith.constant 0 : i32
    %dma_start3A_21 = arith.constant 0 : i32
    %dma_start3A_22 = tpu.memref_slice %arg10[%dma_start3A_18, %dma_start3A_20, %dma_start3A_21] : memref<4x100x128xi32, #tpu.memory_space<vmem>> -> memref<1x100x128xi32, #tpu.memory_space<vmem>>
    %dma_start3A_23 = tpu.memref_squeeze %dma_start3A_22 : memref<1x100x128xi32, #tpu.memory_space<vmem>> -> memref<100x128xi32, #tpu.memory_space<vmem>>
    %dma_start3A_24 = arith.constant 0 : i32
    %dma_start3A_25 = tpu.memref_slice %arg8[%dma_start3A_17, %dma_start3A_24] : memref<4x100xi32, #tpu.memory_space<vmem>> -> memref<1x100xi32, #tpu.memory_space<vmem>>
    %dma_start3A_26 = tpu.memref_squeeze %dma_start3A_25 : memref<1x100xi32, #tpu.memory_space<vmem>> -> memref<100xi32, #tpu.memory_space<vmem>>
    %dma_start3A_27 = arith.constant 0 : i32
    %dma_start3A_28 = arith.constant 0 : i32
    %dma_start3A_29 = tpu.memref_slice %arg2[%dma_start3A_27, %dma_start3A_28] : memref<10240x128xi32, #tpu.memory_space<hbm>> -> memref<10240x128xi32, #tpu.memory_space<hbm>>
    %dma_start3A_30 = tpu.memref_slice %arg11[%dma_start3A_19] : memref<4x!tpu.dma_semaphore, #tpu.memory_space<semaphore_mem>> -> memref<1x!tpu.dma_semaphore, #tpu.memory_space<semaphore_mem>>
    %dma_start3A_31 = tpu.memref_squeeze %dma_start3A_30 : memref<1x!tpu.dma_semaphore, #tpu.memory_space<semaphore_mem>> -> memref<!tpu.dma_semaphore, #tpu.memory_space<semaphore_mem>>
    tpu.enqueue_indirect_dma source(%dma_start3A_29 : memref<10240x128xi32, #tpu.memory_space<hbm>>) target(%dma_start3A_23 : memref<100x128xi32, #tpu.memory_space<vmem>>) offsets(%dma_start3A_26 : memref<100xi32, #tpu.memory_space<vmem>>) semaphore(%dma_start3A_31 : memref<!tpu.dma_semaphore, #tpu.memory_space<semaphore_mem>>)
    %dma_start3A_32 = arith.constant 2 : i32
    %dma_start3A_33 = arith.constant 2 : i32
    %dma_start3A_34 = arith.constant 2 : i32
    %dma_start3A_35 = arith.constant 0 : i32
    %dma_start3A_36 = arith.constant 0 : i32
    %dma_start3A_37 = tpu.memref_slice %arg10[%dma_start3A_33, %dma_start3A_35, %dma_start3A_36] : memref<4x100x128xi32, #tpu.memory_space<vmem>> -> memref<1x100x128xi32, #tpu.memory_space<vmem>>
    %dma_start3A_38 = tpu.memref_squeeze %dma_start3A_37 : memref<1x100x128xi32, #tpu.memory_space<vmem>> -> memref<100x128xi32, #tpu.memory_space<vmem>>
    %dma_start3A_39 = arith.constant 0 : i32
    %dma_start3A_40 = tpu.memref_slice %arg8[%dma_start3A_32, %dma_start3A_39] : memref<4x100xi32, #tpu.memory_space<vmem>> -> memref<1x100xi32, #tpu.memory_space<vmem>>
    %dma_start3A_41 = tpu.memref_squeeze %dma_start3A_40 : memref<1x100xi32, #tpu.memory_space<vmem>> -> memref<100xi32, #tpu.memory_space<vmem>>
    %dma_start3A_42 = arith.constant 0 : i32
    %dma_start3A_43 = arith.constant 0 : i32
    %dma_start3A_44 = tpu.memref_slice %arg2[%dma_start3A_42, %dma_start3A_43] : memref<10240x128xi32, #tpu.memory_space<hbm>> -> memref<10240x128xi32, #tpu.memory_space<hbm>>
    %dma_start3A_45 = tpu.memref_slice %arg11[%dma_start3A_34] : memref<4x!tpu.dma_semaphore, #tpu.memory_space<semaphore_mem>> -> memref<1x!tpu.dma_semaphore, #tpu.memory_space<semaphore_mem>>
    %dma_start3A_46 = tpu.memref_squeeze %dma_start3A_45 : memref<1x!tpu.dma_semaphore, #tpu.memory_space<semaphore_mem>> -> memref<!tpu.dma_semaphore, #tpu.memory_space<semaphore_mem>>
    tpu.enqueue_indirect_dma source(%dma_start3A_44 : memref<10240x128xi32, #tpu.memory_space<hbm>>) target(%dma_start3A_38 : memref<100x128xi32, #tpu.memory_space<vmem>>) offsets(%dma_start3A_41 : memref<100xi32, #tpu.memory_space<vmem>>) semaphore(%dma_start3A_46 : memref<!tpu.dma_semaphore, #tpu.memory_space<semaphore_mem>>)
    %dma_start3A_47 = arith.constant 3 : i32
    %dma_start3A_48 = arith.constant 3 : i32
    %dma_start3A_49 = arith.constant 3 : i32
    %dma_start3A_50 = arith.constant 0 : i32
    %dma_start3A_51 = arith.constant 0 : i32
    %dma_start3A_52 = tpu.memref_slice %arg10[%dma_start3A_48, %dma_start3A_50, %dma_start3A_51] : memref<4x100x128xi32, #tpu.memory_space<vmem>> -> memref<1x100x128xi32, #tpu.memory_space<vmem>>
    %dma_start3A_53 = tpu.memref_squeeze %dma_start3A_52 : memref<1x100x128xi32, #tpu.memory_space<vmem>> -> memref<100x128xi32, #tpu.memory_space<vmem>>
    %dma_start3A_54 = arith.constant 0 : i32
    %dma_start3A_55 = tpu.memref_slice %arg8[%dma_start3A_47, %dma_start3A_54] : memref<4x100xi32, #tpu.memory_space<vmem>> -> memref<1x100xi32, #tpu.memory_space<vmem>>
    %dma_start3A_56 = tpu.memref_squeeze %dma_start3A_55 : memref<1x100xi32, #tpu.memory_space<vmem>> -> memref<100xi32, #tpu.memory_space<vmem>>
    %dma_start3A_57 = arith.constant 0 : i32
    %dma_start3A_58 = arith.constant 0 : i32
    %dma_start3A_59 = tpu.memref_slice %arg2[%dma_start3A_57, %dma_start3A_58] : memref<10240x128xi32, #tpu.memory_space<hbm>> -> memref<10240x128xi32, #tpu.memory_space<hbm>>
    %dma_start3A_60 = tpu.memref_slice %arg11[%dma_start3A_49] : memref<4x!tpu.dma_semaphore, #tpu.memory_space<semaphore_mem>> -> memref<1x!tpu.dma_semaphore, #tpu.memory_space<semaphore_mem>>
    %dma_start3A_61 = tpu.memref_squeeze %dma_start3A_60 : memref<1x!tpu.dma_semaphore, #tpu.memory_space<semaphore_mem>> -> memref<!tpu.dma_semaphore, #tpu.memory_space<semaphore_mem>>
    tpu.enqueue_indirect_dma source(%dma_start3A_59 : memref<10240x128xi32, #tpu.memory_space<hbm>>) target(%dma_start3A_53 : memref<100x128xi32, #tpu.memory_space<vmem>>) offsets(%dma_start3A_56 : memref<100xi32, #tpu.memory_space<vmem>>) semaphore(%dma_start3A_61 : memref<!tpu.dma_semaphore, #tpu.memory_space<semaphore_mem>>)
    %scan3A = arith.constant 0 : i32
    %scan3A_62 = arith.constant 0 : i32
    %scan3A_63 = arith.constant 4 : i32
    %scan3A_64 = arith.addi %scan3A_62, %scan3A_63 : i32
    %scan3A_65 = arith.constant 1 : i32
    scf.for %scan3A_266 = %scan3A_62 to %scan3A_64 step %scan3A_65  : i32 {
      %rem3A = arith.constant 4 : i32
      %rem3A_267 = arith.remsi %scan3A_266, %rem3A : i32
      %dma_wait3A_268 = arith.constant 0 : i32
      %dma_wait3A_269 = arith.constant 0 : i32
      %dma_wait3A_270 = arith.constant 0 : i32
      %dma_wait3A_271 = tpu.memref_slice %arg10[%rem3A_267, %dma_wait3A_269, %dma_wait3A_270] : memref<4x100x128xi32, #tpu.memory_space<vmem>> -> memref<1x100x128xi32, #tpu.memory_space<vmem>>
      %dma_wait3A_272 = tpu.memref_squeeze %dma_wait3A_271 : memref<1x100x128xi32, #tpu.memory_space<vmem>> -> memref<100x128xi32, #tpu.memory_space<vmem>>
      %dma_wait3A_273 = arith.constant 0 : i32
      %dma_wait3A_274 = arith.constant 0 : i32
      %dma_wait3A_275 = tpu.memref_slice %arg6[%dma_wait3A_268, %dma_wait3A_273, %dma_wait3A_274] : memref<128x100x128xi32, #tpu.memory_space<hbm>> -> memref<1x100x128xi32, #tpu.memory_space<hbm>>
      %dma_wait3A_276 = tpu.memref_squeeze %dma_wait3A_275 : memref<1x100x128xi32, #tpu.memory_space<hbm>> -> memref<100x128xi32, #tpu.memory_space<hbm>>
      %dma_wait3A_277 = tpu.memref_slice %arg11[%rem3A_267] : memref<4x!tpu.dma_semaphore, #tpu.memory_space<semaphore_mem>> -> memref<1x!tpu.dma_semaphore, #tpu.memory_space<semaphore_mem>>
      %dma_wait3A_278 = tpu.memref_squeeze %dma_wait3A_277 : memref<1x!tpu.dma_semaphore, #tpu.memory_space<semaphore_mem>> -> memref<!tpu.dma_semaphore, #tpu.memory_space<semaphore_mem>>
      %dma_wait3A_279 = arith.constant 0 : i32
      %dma_wait3A_280 = arith.constant 0 : i32
      %dma_wait3A_281 = tpu.memref_slice %arg10[%rem3A_267, %dma_wait3A_279, %dma_wait3A_280] : memref<4x100x128xi32, #tpu.memory_space<vmem>> -> memref<1x100x128xi32, #tpu.memory_space<vmem>>
      %dma_wait3A_282 = tpu.memref_squeeze %dma_wait3A_281 : memref<1x100x128xi32, #tpu.memory_space<vmem>> -> memref<100x128xi32, #tpu.memory_space<vmem>>
      %dma_wait3A_283 = arith.constant 0 : i32
      %dma_wait3A_284 = arith.constant 0 : i32
      %dma_wait3A_285 = tpu.memref_slice %arg6[%dma_wait3A_268, %dma_wait3A_283, %dma_wait3A_284] : memref<128x100x128xi32, #tpu.memory_space<hbm>> -> memref<1x100x128xi32, #tpu.memory_space<hbm>>
      %dma_wait3A_286 = tpu.memref_squeeze %dma_wait3A_285 : memref<1x100x128xi32, #tpu.memory_space<hbm>> -> memref<100x128xi32, #tpu.memory_space<hbm>>
      tpu.wait_dma2 semaphore(%dma_wait3A_278 : memref<!tpu.dma_semaphore, #tpu.memory_space<semaphore_mem>>) src(%dma_wait3A_286 : memref<100x128xi32, #tpu.memory_space<hbm>>) dst(%dma_wait3A_282 : memref<100x128xi32, #tpu.memory_space<vmem>>)
      %add3A_287 = arith.addi %mul3A_2, %scan3A_266 : i32
      %dma_start3A_288 = arith.constant 0 : i32
      %dma_start3A_289 = arith.constant 0 : i32
      %dma_start3A_290 = tpu.memref_slice %arg10[%rem3A_267, %dma_start3A_288, %dma_start3A_289] : memref<4x100x128xi32, #tpu.memory_space<vmem>> -> memref<1x100x128xi32, #tpu.memory_space<vmem>>
      %dma_start3A_291 = tpu.memref_squeeze %dma_start3A_290 : memref<1x100x128xi32, #tpu.memory_space<vmem>> -> memref<100x128xi32, #tpu.memory_space<vmem>>
      %dma_start3A_292 = arith.constant 0 : i32
      %dma_start3A_293 = arith.constant 0 : i32
      %dma_start3A_294 = tpu.memref_slice %arg6[%add3A_287, %dma_start3A_292, %dma_start3A_293] : memref<128x100x128xi32, #tpu.memory_space<hbm>> -> memref<1x100x128xi32, #tpu.memory_space<hbm>>
      %dma_start3A_295 = tpu.memref_squeeze %dma_start3A_294 : memref<1x100x128xi32, #tpu.memory_space<hbm>> -> memref<100x128xi32, #tpu.memory_space<hbm>>
      %dma_start3A_296 = tpu.memref_slice %arg12[%rem3A_267] : memref<4x!tpu.dma_semaphore, #tpu.memory_space<semaphore_mem>> -> memref<1x!tpu.dma_semaphore, #tpu.memory_space<semaphore_mem>>
      %dma_start3A_297 = tpu.memref_squeeze %dma_start3A_296 : memref<1x!tpu.dma_semaphore, #tpu.memory_space<semaphore_mem>> -> memref<!tpu.dma_semaphore, #tpu.memory_space<semaphore_mem>>
      %dma_start3A_298 = arith.constant 0 : i32
      %dma_start3A_299 = arith.constant 0 : i32
      %dma_start3A_300 = tpu.memref_slice %arg6[%add3A_287, %dma_start3A_298, %dma_start3A_299] : memref<128x100x128xi32, #tpu.memory_space<hbm>> -> memref<1x100x128xi32, #tpu.memory_space<hbm>>
      %dma_start3A_301 = tpu.memref_squeeze %dma_start3A_300 : memref<1x100x128xi32, #tpu.memory_space<hbm>> -> memref<100x128xi32, #tpu.memory_space<hbm>>
      %dma_start3A_302 = arith.constant 0 : i32
      %dma_start3A_303 = arith.constant 0 : i32
      %dma_start3A_304 = tpu.memref_slice %arg10[%rem3A_267, %dma_start3A_302, %dma_start3A_303] : memref<4x100x128xi32, #tpu.memory_space<vmem>> -> memref<1x100x128xi32, #tpu.memory_space<vmem>>
      %dma_start3A_305 = tpu.memref_squeeze %dma_start3A_304 : memref<1x100x128xi32, #tpu.memory_space<vmem>> -> memref<100x128xi32, #tpu.memory_space<vmem>>
      tpu.enqueue_dma source(%dma_start3A_305 : memref<100x128xi32, #tpu.memory_space<vmem>>) target(%dma_start3A_301 : memref<100x128xi32, #tpu.memory_space<hbm>>) target_semaphore(%dma_start3A_297 : memref<!tpu.dma_semaphore, #tpu.memory_space<semaphore_mem>>)
      %add3A_306 = arith.constant 4 : i32
      %add3A_307 = arith.addi %scan3A_266, %add3A_306 : i32
      %lt3A = arith.constant 4 : i32
      %lt3A_308 = arith.cmpi slt, %add3A_307, %lt3A : i32
      %convert_element_type3A = arith.extui %lt3A_308 : i1 to i32
      %cond3A = arith.constant 0 : i32
      %cond3A_309 = arith.cmpi ne, %convert_element_type3A, %cond3A : i32
      scf.if %cond3A_309 {
        %dma_wait3A_310 = arith.constant 0 : i32
        %dma_wait3A_311 = arith.constant 0 : i32
        %dma_wait3A_312 = arith.constant 0 : i32
        %dma_wait3A_313 = tpu.memref_slice %arg10[%rem3A_267, %dma_wait3A_311, %dma_wait3A_312] : memref<4x100x128xi32, #tpu.memory_space<vmem>> -> memref<1x100x128xi32, #tpu.memory_space<vmem>>
        %dma_wait3A_314 = tpu.memref_squeeze %dma_wait3A_313 : memref<1x100x128xi32, #tpu.memory_space<vmem>> -> memref<100x128xi32, #tpu.memory_space<vmem>>
        %dma_wait3A_315 = arith.constant 0 : i32
        %dma_wait3A_316 = arith.constant 0 : i32
        %dma_wait3A_317 = tpu.memref_slice %arg6[%dma_wait3A_310, %dma_wait3A_315, %dma_wait3A_316] : memref<128x100x128xi32, #tpu.memory_space<hbm>> -> memref<1x100x128xi32, #tpu.memory_space<hbm>>
        %dma_wait3A_318 = tpu.memref_squeeze %dma_wait3A_317 : memref<1x100x128xi32, #tpu.memory_space<hbm>> -> memref<100x128xi32, #tpu.memory_space<hbm>>
        %dma_wait3A_319 = tpu.memref_slice %arg12[%rem3A_267] : memref<4x!tpu.dma_semaphore, #tpu.memory_space<semaphore_mem>> -> memref<1x!tpu.dma_semaphore, #tpu.memory_space<semaphore_mem>>
        %dma_wait3A_320 = tpu.memref_squeeze %dma_wait3A_319 : memref<1x!tpu.dma_semaphore, #tpu.memory_space<semaphore_mem>> -> memref<!tpu.dma_semaphore, #tpu.memory_space<semaphore_mem>>
        %dma_wait3A_321 = arith.constant 0 : i32
        %dma_wait3A_322 = arith.constant 0 : i32
        %dma_wait3A_323 = tpu.memref_slice %arg10[%rem3A_267, %dma_wait3A_321, %dma_wait3A_322] : memref<4x100x128xi32, #tpu.memory_space<vmem>> -> memref<1x100x128xi32, #tpu.memory_space<vmem>>
        %dma_wait3A_324 = tpu.memref_squeeze %dma_wait3A_323 : memref<1x100x128xi32, #tpu.memory_space<vmem>> -> memref<100x128xi32, #tpu.memory_space<vmem>>
        %dma_wait3A_325 = arith.constant 0 : i32
        %dma_wait3A_326 = arith.constant 0 : i32
        %dma_wait3A_327 = tpu.memref_slice %arg6[%dma_wait3A_310, %dma_wait3A_325, %dma_wait3A_326] : memref<128x100x128xi32, #tpu.memory_space<hbm>> -> memref<1x100x128xi32, #tpu.memory_space<hbm>>
        %dma_wait3A_328 = tpu.memref_squeeze %dma_wait3A_327 : memref<1x100x128xi32, #tpu.memory_space<hbm>> -> memref<100x128xi32, #tpu.memory_space<hbm>>
        tpu.wait_dma2 semaphore(%dma_wait3A_320 : memref<!tpu.dma_semaphore, #tpu.memory_space<semaphore_mem>>) src(%dma_wait3A_328 : memref<100x128xi32, #tpu.memory_space<hbm>>) dst(%dma_wait3A_324 : memref<100x128xi32, #tpu.memory_space<vmem>>)
        %add3A_329 = arith.constant 4 : i32
        %add3A_330 = arith.addi %scan3A_266, %add3A_329 : i32
        %dma_start3A_331 = arith.constant 0 : i32
        %dma_start3A_332 = arith.constant 0 : i32
        %dma_start3A_333 = tpu.memref_slice %arg10[%rem3A_267, %dma_start3A_331, %dma_start3A_332] : memref<4x100x128xi32, #tpu.memory_space<vmem>> -> memref<1x100x128xi32, #tpu.memory_space<vmem>>
        %dma_start3A_334 = tpu.memref_squeeze %dma_start3A_333 : memref<1x100x128xi32, #tpu.memory_space<vmem>> -> memref<100x128xi32, #tpu.memory_space<vmem>>
        %dma_start3A_335 = arith.constant 0 : i32
        %dma_start3A_336 = tpu.memref_slice %arg8[%add3A_330, %dma_start3A_335] : memref<4x100xi32, #tpu.memory_space<vmem>> -> memref<1x100xi32, #tpu.memory_space<vmem>>
        %dma_start3A_337 = tpu.memref_squeeze %dma_start3A_336 : memref<1x100xi32, #tpu.memory_space<vmem>> -> memref<100xi32, #tpu.memory_space<vmem>>
        %dma_start3A_338 = arith.constant 0 : i32
        %dma_start3A_339 = arith.constant 0 : i32
        %dma_start3A_340 = tpu.memref_slice %arg2[%dma_start3A_338, %dma_start3A_339] : memref<10240x128xi32, #tpu.memory_space<hbm>> -> memref<10240x128xi32, #tpu.memory_space<hbm>>
        %dma_start3A_341 = tpu.memref_slice %arg11[%rem3A_267] : memref<4x!tpu.dma_semaphore, #tpu.memory_space<semaphore_mem>> -> memref<1x!tpu.dma_semaphore, #tpu.memory_space<semaphore_mem>>
        %dma_start3A_342 = tpu.memref_squeeze %dma_start3A_341 : memref<1x!tpu.dma_semaphore, #tpu.memory_space<semaphore_mem>> -> memref<!tpu.dma_semaphore, #tpu.memory_space<semaphore_mem>>
        tpu.enqueue_indirect_dma source(%dma_start3A_340 : memref<10240x128xi32, #tpu.memory_space<hbm>>) target(%dma_start3A_334 : memref<100x128xi32, #tpu.memory_space<vmem>>) offsets(%dma_start3A_337 : memref<100xi32, #tpu.memory_space<vmem>>) semaphore(%dma_start3A_342 : memref<!tpu.dma_semaphore, #tpu.memory_space<semaphore_mem>>)
      } else {
      }
    }
    %scan3A_66 = arith.constant 4 : i32
    %dma_wait3A = arith.constant 0 : i32
    %dma_wait3A_67 = arith.constant 0 : i32
    %dma_wait3A_68 = arith.constant 0 : i32
    %dma_wait3A_69 = arith.constant 0 : i32
    %dma_wait3A_70 = arith.constant 0 : i32
    %dma_wait3A_71 = tpu.memref_slice %arg10[%dma_wait3A_67, %dma_wait3A_69, %dma_wait3A_70] : memref<4x100x128xi32, #tpu.memory_space<vmem>> -> memref<1x100x128xi32, #tpu.memory_space<vmem>>
    %dma_wait3A_72 = tpu.memref_squeeze %dma_wait3A_71 : memref<1x100x128xi32, #tpu.memory_space<vmem>> -> memref<100x128xi32, #tpu.memory_space<vmem>>
    %dma_wait3A_73 = arith.constant 0 : i32
    %dma_wait3A_74 = arith.constant 0 : i32
    %dma_wait3A_75 = tpu.memref_slice %arg6[%dma_wait3A, %dma_wait3A_73, %dma_wait3A_74] : memref<128x100x128xi32, #tpu.memory_space<hbm>> -> memref<1x100x128xi32, #tpu.memory_space<hbm>>
    %dma_wait3A_76 = tpu.memref_squeeze %dma_wait3A_75 : memref<1x100x128xi32, #tpu.memory_space<hbm>> -> memref<100x128xi32, #tpu.memory_space<hbm>>
    %dma_wait3A_77 = tpu.memref_slice %arg12[%dma_wait3A_68] : memref<4x!tpu.dma_semaphore, #tpu.memory_space<semaphore_mem>> -> memref<1x!tpu.dma_semaphore, #tpu.memory_space<semaphore_mem>>
    %dma_wait3A_78 = tpu.memref_squeeze %dma_wait3A_77 : memref<1x!tpu.dma_semaphore, #tpu.memory_space<semaphore_mem>> -> memref<!tpu.dma_semaphore, #tpu.memory_space<semaphore_mem>>
    %dma_wait3A_79 = arith.constant 0 : i32
    %dma_wait3A_80 = arith.constant 0 : i32
    %dma_wait3A_81 = tpu.memref_slice %arg10[%dma_wait3A_67, %dma_wait3A_79, %dma_wait3A_80] : memref<4x100x128xi32, #tpu.memory_space<vmem>> -> memref<1x100x128xi32, #tpu.memory_space<vmem>>
    %dma_wait3A_82 = tpu.memref_squeeze %dma_wait3A_81 : memref<1x100x128xi32, #tpu.memory_space<vmem>> -> memref<100x128xi32, #tpu.memory_space<vmem>>
    %dma_wait3A_83 = arith.constant 0 : i32
    %dma_wait3A_84 = arith.constant 0 : i32
    %dma_wait3A_85 = tpu.memref_slice %arg6[%dma_wait3A, %dma_wait3A_83, %dma_wait3A_84] : memref<128x100x128xi32, #tpu.memory_space<hbm>> -> memref<1x100x128xi32, #tpu.memory_space<hbm>>
    %dma_wait3A_86 = tpu.memref_squeeze %dma_wait3A_85 : memref<1x100x128xi32, #tpu.memory_space<hbm>> -> memref<100x128xi32, #tpu.memory_space<hbm>>
    tpu.wait_dma2 semaphore(%dma_wait3A_78 : memref<!tpu.dma_semaphore, #tpu.memory_space<semaphore_mem>>) src(%dma_wait3A_86 : memref<100x128xi32, #tpu.memory_space<hbm>>) dst(%dma_wait3A_82 : memref<100x128xi32, #tpu.memory_space<vmem>>)
    %dma_wait3A_87 = arith.constant 0 : i32
    %dma_wait3A_88 = arith.constant 1 : i32
    %dma_wait3A_89 = arith.constant 1 : i32
    %dma_wait3A_90 = arith.constant 0 : i32
    %dma_wait3A_91 = arith.constant 0 : i32
    %dma_wait3A_92 = tpu.memref_slice %arg10[%dma_wait3A_88, %dma_wait3A_90, %dma_wait3A_91] : memref<4x100x128xi32, #tpu.memory_space<vmem>> -> memref<1x100x128xi32, #tpu.memory_space<vmem>>
    %dma_wait3A_93 = tpu.memref_squeeze %dma_wait3A_92 : memref<1x100x128xi32, #tpu.memory_space<vmem>> -> memref<100x128xi32, #tpu.memory_space<vmem>>
    %dma_wait3A_94 = arith.constant 0 : i32
    %dma_wait3A_95 = arith.constant 0 : i32
    %dma_wait3A_96 = tpu.memref_slice %arg6[%dma_wait3A_87, %dma_wait3A_94, %dma_wait3A_95] : memref<128x100x128xi32, #tpu.memory_space<hbm>> -> memref<1x100x128xi32, #tpu.memory_space<hbm>>
    %dma_wait3A_97 = tpu.memref_squeeze %dma_wait3A_96 : memref<1x100x128xi32, #tpu.memory_space<hbm>> -> memref<100x128xi32, #tpu.memory_space<hbm>>
    %dma_wait3A_98 = tpu.memref_slice %arg12[%dma_wait3A_89] : memref<4x!tpu.dma_semaphore, #tpu.memory_space<semaphore_mem>> -> memref<1x!tpu.dma_semaphore, #tpu.memory_space<semaphore_mem>>
    %dma_wait3A_99 = tpu.memref_squeeze %dma_wait3A_98 : memref<1x!tpu.dma_semaphore, #tpu.memory_space<semaphore_mem>> -> memref<!tpu.dma_semaphore, #tpu.memory_space<semaphore_mem>>
    %dma_wait3A_100 = arith.constant 0 : i32
    %dma_wait3A_101 = arith.constant 0 : i32
    %dma_wait3A_102 = tpu.memref_slice %arg10[%dma_wait3A_88, %dma_wait3A_100, %dma_wait3A_101] : memref<4x100x128xi32, #tpu.memory_space<vmem>> -> memref<1x100x128xi32, #tpu.memory_space<vmem>>
    %dma_wait3A_103 = tpu.memref_squeeze %dma_wait3A_102 : memref<1x100x128xi32, #tpu.memory_space<vmem>> -> memref<100x128xi32, #tpu.memory_space<vmem>>
    %dma_wait3A_104 = arith.constant 0 : i32
    %dma_wait3A_105 = arith.constant 0 : i32
    %dma_wait3A_106 = tpu.memref_slice %arg6[%dma_wait3A_87, %dma_wait3A_104, %dma_wait3A_105] : memref<128x100x128xi32, #tpu.memory_space<hbm>> -> memref<1x100x128xi32, #tpu.memory_space<hbm>>
    %dma_wait3A_107 = tpu.memref_squeeze %dma_wait3A_106 : memref<1x100x128xi32, #tpu.memory_space<hbm>> -> memref<100x128xi32, #tpu.memory_space<hbm>>
    tpu.wait_dma2 semaphore(%dma_wait3A_99 : memref<!tpu.dma_semaphore, #tpu.memory_space<semaphore_mem>>) src(%dma_wait3A_107 : memref<100x128xi32, #tpu.memory_space<hbm>>) dst(%dma_wait3A_103 : memref<100x128xi32, #tpu.memory_space<vmem>>)
    %dma_wait3A_108 = arith.constant 0 : i32
    %dma_wait3A_109 = arith.constant 2 : i32
    %dma_wait3A_110 = arith.constant 2 : i32
    %dma_wait3A_111 = arith.constant 0 : i32
    %dma_wait3A_112 = arith.constant 0 : i32
    %dma_wait3A_113 = tpu.memref_slice %arg10[%dma_wait3A_109, %dma_wait3A_111, %dma_wait3A_112] : memref<4x100x128xi32, #tpu.memory_space<vmem>> -> memref<1x100x128xi32, #tpu.memory_space<vmem>>
    %dma_wait3A_114 = tpu.memref_squeeze %dma_wait3A_113 : memref<1x100x128xi32, #tpu.memory_space<vmem>> -> memref<100x128xi32, #tpu.memory_space<vmem>>
    %dma_wait3A_115 = arith.constant 0 : i32
    %dma_wait3A_116 = arith.constant 0 : i32
    %dma_wait3A_117 = tpu.memref_slice %arg6[%dma_wait3A_108, %dma_wait3A_115, %dma_wait3A_116] : memref<128x100x128xi32, #tpu.memory_space<hbm>> -> memref<1x100x128xi32, #tpu.memory_space<hbm>>
    %dma_wait3A_118 = tpu.memref_squeeze %dma_wait3A_117 : memref<1x100x128xi32, #tpu.memory_space<hbm>> -> memref<100x128xi32, #tpu.memory_space<hbm>>
    %dma_wait3A_119 = tpu.memref_slice %arg12[%dma_wait3A_110] : memref<4x!tpu.dma_semaphore, #tpu.memory_space<semaphore_mem>> -> memref<1x!tpu.dma_semaphore, #tpu.memory_space<semaphore_mem>>
    %dma_wait3A_120 = tpu.memref_squeeze %dma_wait3A_119 : memref<1x!tpu.dma_semaphore, #tpu.memory_space<semaphore_mem>> -> memref<!tpu.dma_semaphore, #tpu.memory_space<semaphore_mem>>
    %dma_wait3A_121 = arith.constant 0 : i32
    %dma_wait3A_122 = arith.constant 0 : i32
    %dma_wait3A_123 = tpu.memref_slice %arg10[%dma_wait3A_109, %dma_wait3A_121, %dma_wait3A_122] : memref<4x100x128xi32, #tpu.memory_space<vmem>> -> memref<1x100x128xi32, #tpu.memory_space<vmem>>
    %dma_wait3A_124 = tpu.memref_squeeze %dma_wait3A_123 : memref<1x100x128xi32, #tpu.memory_space<vmem>> -> memref<100x128xi32, #tpu.memory_space<vmem>>
    %dma_wait3A_125 = arith.constant 0 : i32
    %dma_wait3A_126 = arith.constant 0 : i32
    %dma_wait3A_127 = tpu.memref_slice %arg6[%dma_wait3A_108, %dma_wait3A_125, %dma_wait3A_126] : memref<128x100x128xi32, #tpu.memory_space<hbm>> -> memref<1x100x128xi32, #tpu.memory_space<hbm>>
    %dma_wait3A_128 = tpu.memref_squeeze %dma_wait3A_127 : memref<1x100x128xi32, #tpu.memory_space<hbm>> -> memref<100x128xi32, #tpu.memory_space<hbm>>
    tpu.wait_dma2 semaphore(%dma_wait3A_120 : memref<!tpu.dma_semaphore, #tpu.memory_space<semaphore_mem>>) src(%dma_wait3A_128 : memref<100x128xi32, #tpu.memory_space<hbm>>) dst(%dma_wait3A_124 : memref<100x128xi32, #tpu.memory_space<vmem>>)
    %dma_wait3A_129 = arith.constant 0 : i32
    %dma_wait3A_130 = arith.constant 3 : i32
    %dma_wait3A_131 = arith.constant 3 : i32
    %dma_wait3A_132 = arith.constant 0 : i32
    %dma_wait3A_133 = arith.constant 0 : i32
    %dma_wait3A_134 = tpu.memref_slice %arg10[%dma_wait3A_130, %dma_wait3A_132, %dma_wait3A_133] : memref<4x100x128xi32, #tpu.memory_space<vmem>> -> memref<1x100x128xi32, #tpu.memory_space<vmem>>
    %dma_wait3A_135 = tpu.memref_squeeze %dma_wait3A_134 : memref<1x100x128xi32, #tpu.memory_space<vmem>> -> memref<100x128xi32, #tpu.memory_space<vmem>>
    %dma_wait3A_136 = arith.constant 0 : i32
    %dma_wait3A_137 = arith.constant 0 : i32
    %dma_wait3A_138 = tpu.memref_slice %arg6[%dma_wait3A_129, %dma_wait3A_136, %dma_wait3A_137] : memref<128x100x128xi32, #tpu.memory_space<hbm>> -> memref<1x100x128xi32, #tpu.memory_space<hbm>>
    %dma_wait3A_139 = tpu.memref_squeeze %dma_wait3A_138 : memref<1x100x128xi32, #tpu.memory_space<hbm>> -> memref<100x128xi32, #tpu.memory_space<hbm>>
    %dma_wait3A_140 = tpu.memref_slice %arg12[%dma_wait3A_131] : memref<4x!tpu.dma_semaphore, #tpu.memory_space<semaphore_mem>> -> memref<1x!tpu.dma_semaphore, #tpu.memory_space<semaphore_mem>>
    %dma_wait3A_141 = tpu.memref_squeeze %dma_wait3A_140 : memref<1x!tpu.dma_semaphore, #tpu.memory_space<semaphore_mem>> -> memref<!tpu.dma_semaphore, #tpu.memory_space<semaphore_mem>>
    %dma_wait3A_142 = arith.constant 0 : i32
    %dma_wait3A_143 = arith.constant 0 : i32
    %dma_wait3A_144 = tpu.memref_slice %arg10[%dma_wait3A_130, %dma_wait3A_142, %dma_wait3A_143] : memref<4x100x128xi32, #tpu.memory_space<vmem>> -> memref<1x100x128xi32, #tpu.memory_space<vmem>>
    %dma_wait3A_145 = tpu.memref_squeeze %dma_wait3A_144 : memref<1x100x128xi32, #tpu.memory_space<vmem>> -> memref<100x128xi32, #tpu.memory_space<vmem>>
    %dma_wait3A_146 = arith.constant 0 : i32
    %dma_wait3A_147 = arith.constant 0 : i32
    %dma_wait3A_148 = tpu.memref_slice %arg6[%dma_wait3A_129, %dma_wait3A_146, %dma_wait3A_147] : memref<128x100x128xi32, #tpu.memory_space<hbm>> -> memref<1x100x128xi32, #tpu.memory_space<hbm>>
    %dma_wait3A_149 = tpu.memref_squeeze %dma_wait3A_148 : memref<1x100x128xi32, #tpu.memory_space<hbm>> -> memref<100x128xi32, #tpu.memory_space<hbm>>
    tpu.wait_dma2 semaphore(%dma_wait3A_141 : memref<!tpu.dma_semaphore, #tpu.memory_space<semaphore_mem>>) src(%dma_wait3A_149 : memref<100x128xi32, #tpu.memory_space<hbm>>) dst(%dma_wait3A_145 : memref<100x128xi32, #tpu.memory_space<vmem>>)
    %mul3A_150 = arith.constant 3 : i32
    %mul3A_151 = arith.muli %add3A, %mul3A_150 : i32
    "tpu.region"() ({
      %run_scoped3A = tpu.sem_alloc : memref<!tpu.dma_semaphore, #tpu.memory_space<semaphore_mem>>
      %dma_start3A_266 = arith.constant 0 : i32
      %dma_start3A_267 = arith.constant 0 : i32
      %dma_start3A_268 = tpu.memref_slice %arg5[%add3A, %dma_start3A_266, %dma_start3A_267] : memref<32x3x100xi32, #tpu.memory_space<hbm>> -> memref<1x3x100xi32, #tpu.memory_space<hbm>>
      %dma_start3A_269 = tpu.memref_squeeze %dma_start3A_268 : memref<1x3x100xi32, #tpu.memory_space<hbm>> -> memref<3x100xi32, #tpu.memory_space<hbm>>
      %dma_start3A_270 = arith.constant 0 : i32
      %dma_start3A_271 = arith.constant 0 : i32
      %dma_start3A_272 = tpu.memref_slice %arg5[%add3A, %dma_start3A_270, %dma_start3A_271] : memref<32x3x100xi32, #tpu.memory_space<hbm>> -> memref<1x3x100xi32, #tpu.memory_space<hbm>>
      %dma_start3A_273 = tpu.memref_squeeze %dma_start3A_272 : memref<1x3x100xi32, #tpu.memory_space<hbm>> -> memref<3x100xi32, #tpu.memory_space<hbm>>
      tpu.enqueue_dma source(%dma_start3A_273 : memref<3x100xi32, #tpu.memory_space<hbm>>) target(%arg9 : memref<3x100xi32, #tpu.memory_space<vmem>>) target_semaphore(%run_scoped3A : memref<!tpu.dma_semaphore, #tpu.memory_space<semaphore_mem>>)
      %dma_wait3A_274 = arith.constant 0 : i32
      %dma_wait3A_275 = arith.constant 0 : i32
      %dma_wait3A_276 = tpu.memref_slice %arg5[%add3A, %dma_wait3A_274, %dma_wait3A_275] : memref<32x3x100xi32, #tpu.memory_space<hbm>> -> memref<1x3x100xi32, #tpu.memory_space<hbm>>
      %dma_wait3A_277 = tpu.memref_squeeze %dma_wait3A_276 : memref<1x3x100xi32, #tpu.memory_space<hbm>> -> memref<3x100xi32, #tpu.memory_space<hbm>>
      %dma_wait3A_278 = arith.constant 0 : i32
      %dma_wait3A_279 = arith.constant 0 : i32
      %dma_wait3A_280 = tpu.memref_slice %arg5[%add3A, %dma_wait3A_278, %dma_wait3A_279] : memref<32x3x100xi32, #tpu.memory_space<hbm>> -> memref<1x3x100xi32, #tpu.memory_space<hbm>>
      %dma_wait3A_281 = tpu.memref_squeeze %dma_wait3A_280 : memref<1x3x100xi32, #tpu.memory_space<hbm>> -> memref<3x100xi32, #tpu.memory_space<hbm>>
      tpu.wait_dma2 semaphore(%run_scoped3A : memref<!tpu.dma_semaphore, #tpu.memory_space<semaphore_mem>>) src(%dma_wait3A_281 : memref<3x100xi32, #tpu.memory_space<hbm>>) dst(%arg9 : memref<3x100xi32, #tpu.memory_space<vmem>>)
      tpu.yield
    }) : () -> ()
    %dma_start3A_152 = arith.constant 0 : i32
    %dma_start3A_153 = arith.constant 0 : i32
    %dma_start3A_154 = arith.constant 0 : i32
    %dma_start3A_155 = arith.constant 0 : i32
    %dma_start3A_156 = arith.constant 0 : i32
    %dma_start3A_157 = tpu.memref_slice %arg10[%dma_start3A_153, %dma_start3A_155, %dma_start3A_156] : memref<4x100x128xi32, #tpu.memory_space<vmem>> -> memref<1x100x128xi32, #tpu.memory_space<vmem>>
    %dma_start3A_158 = tpu.memref_squeeze %dma_start3A_157 : memref<1x100x128xi32, #tpu.memory_space<vmem>> -> memref<100x128xi32, #tpu.memory_space<vmem>>
    %dma_start3A_159 = arith.constant 0 : i32
    %dma_start3A_160 = tpu.memref_slice %arg9[%dma_start3A_152, %dma_start3A_159] : memref<3x100xi32, #tpu.memory_space<vmem>> -> memref<1x100xi32, #tpu.memory_space<vmem>>
    %dma_start3A_161 = tpu.memref_squeeze %dma_start3A_160 : memref<1x100xi32, #tpu.memory_space<vmem>> -> memref<100xi32, #tpu.memory_space<vmem>>
    %dma_start3A_162 = arith.constant 0 : i32
    %dma_start3A_163 = arith.constant 0 : i32
    %dma_start3A_164 = tpu.memref_slice %arg3[%dma_start3A_162, %dma_start3A_163] : memref<3200x128xi32, #tpu.memory_space<hbm>> -> memref<3200x128xi32, #tpu.memory_space<hbm>>
    %dma_start3A_165 = tpu.memref_slice %arg11[%dma_start3A_154] : memref<4x!tpu.dma_semaphore, #tpu.memory_space<semaphore_mem>> -> memref<1x!tpu.dma_semaphore, #tpu.memory_space<semaphore_mem>>
    %dma_start3A_166 = tpu.memref_squeeze %dma_start3A_165 : memref<1x!tpu.dma_semaphore, #tpu.memory_space<semaphore_mem>> -> memref<!tpu.dma_semaphore, #tpu.memory_space<semaphore_mem>>
    tpu.enqueue_indirect_dma source(%dma_start3A_164 : memref<3200x128xi32, #tpu.memory_space<hbm>>) target(%dma_start3A_158 : memref<100x128xi32, #tpu.memory_space<vmem>>) offsets(%dma_start3A_161 : memref<100xi32, #tpu.memory_space<vmem>>) semaphore(%dma_start3A_166 : memref<!tpu.dma_semaphore, #tpu.memory_space<semaphore_mem>>)
    %dma_start3A_167 = arith.constant 1 : i32
    %dma_start3A_168 = arith.constant 1 : i32
    %dma_start3A_169 = arith.constant 1 : i32
    %dma_start3A_170 = arith.constant 0 : i32
    %dma_start3A_171 = arith.constant 0 : i32
    %dma_start3A_172 = tpu.memref_slice %arg10[%dma_start3A_168, %dma_start3A_170, %dma_start3A_171] : memref<4x100x128xi32, #tpu.memory_space<vmem>> -> memref<1x100x128xi32, #tpu.memory_space<vmem>>
    %dma_start3A_173 = tpu.memref_squeeze %dma_start3A_172 : memref<1x100x128xi32, #tpu.memory_space<vmem>> -> memref<100x128xi32, #tpu.memory_space<vmem>>
    %dma_start3A_174 = arith.constant 0 : i32
    %dma_start3A_175 = tpu.memref_slice %arg9[%dma_start3A_167, %dma_start3A_174] : memref<3x100xi32, #tpu.memory_space<vmem>> -> memref<1x100xi32, #tpu.memory_space<vmem>>
    %dma_start3A_176 = tpu.memref_squeeze %dma_start3A_175 : memref<1x100xi32, #tpu.memory_space<vmem>> -> memref<100xi32, #tpu.memory_space<vmem>>
    %dma_start3A_177 = arith.constant 0 : i32
    %dma_start3A_178 = arith.constant 0 : i32
    %dma_start3A_179 = tpu.memref_slice %arg3[%dma_start3A_177, %dma_start3A_178] : memref<3200x128xi32, #tpu.memory_space<hbm>> -> memref<3200x128xi32, #tpu.memory_space<hbm>>
    %dma_start3A_180 = tpu.memref_slice %arg11[%dma_start3A_169] : memref<4x!tpu.dma_semaphore, #tpu.memory_space<semaphore_mem>> -> memref<1x!tpu.dma_semaphore, #tpu.memory_space<semaphore_mem>>
    %dma_start3A_181 = tpu.memref_squeeze %dma_start3A_180 : memref<1x!tpu.dma_semaphore, #tpu.memory_space<semaphore_mem>> -> memref<!tpu.dma_semaphore, #tpu.memory_space<semaphore_mem>>
    tpu.enqueue_indirect_dma source(%dma_start3A_179 : memref<3200x128xi32, #tpu.memory_space<hbm>>) target(%dma_start3A_173 : memref<100x128xi32, #tpu.memory_space<vmem>>) offsets(%dma_start3A_176 : memref<100xi32, #tpu.memory_space<vmem>>) semaphore(%dma_start3A_181 : memref<!tpu.dma_semaphore, #tpu.memory_space<semaphore_mem>>)
    %dma_start3A_182 = arith.constant 2 : i32
    %dma_start3A_183 = arith.constant 2 : i32
    %dma_start3A_184 = arith.constant 2 : i32
    %dma_start3A_185 = arith.constant 0 : i32
    %dma_start3A_186 = arith.constant 0 : i32
    %dma_start3A_187 = tpu.memref_slice %arg10[%dma_start3A_183, %dma_start3A_185, %dma_start3A_186] : memref<4x100x128xi32, #tpu.memory_space<vmem>> -> memref<1x100x128xi32, #tpu.memory_space<vmem>>
    %dma_start3A_188 = tpu.memref_squeeze %dma_start3A_187 : memref<1x100x128xi32, #tpu.memory_space<vmem>> -> memref<100x128xi32, #tpu.memory_space<vmem>>
    %dma_start3A_189 = arith.constant 0 : i32
    %dma_start3A_190 = tpu.memref_slice %arg9[%dma_start3A_182, %dma_start3A_189] : memref<3x100xi32, #tpu.memory_space<vmem>> -> memref<1x100xi32, #tpu.memory_space<vmem>>
    %dma_start3A_191 = tpu.memref_squeeze %dma_start3A_190 : memref<1x100xi32, #tpu.memory_space<vmem>> -> memref<100xi32, #tpu.memory_space<vmem>>
    %dma_start3A_192 = arith.constant 0 : i32
    %dma_start3A_193 = arith.constant 0 : i32
    %dma_start3A_194 = tpu.memref_slice %arg3[%dma_start3A_192, %dma_start3A_193] : memref<3200x128xi32, #tpu.memory_space<hbm>> -> memref<3200x128xi32, #tpu.memory_space<hbm>>
    %dma_start3A_195 = tpu.memref_slice %arg11[%dma_start3A_184] : memref<4x!tpu.dma_semaphore, #tpu.memory_space<semaphore_mem>> -> memref<1x!tpu.dma_semaphore, #tpu.memory_space<semaphore_mem>>
    %dma_start3A_196 = tpu.memref_squeeze %dma_start3A_195 : memref<1x!tpu.dma_semaphore, #tpu.memory_space<semaphore_mem>> -> memref<!tpu.dma_semaphore, #tpu.memory_space<semaphore_mem>>
    tpu.enqueue_indirect_dma source(%dma_start3A_194 : memref<3200x128xi32, #tpu.memory_space<hbm>>) target(%dma_start3A_188 : memref<100x128xi32, #tpu.memory_space<vmem>>) offsets(%dma_start3A_191 : memref<100xi32, #tpu.memory_space<vmem>>) semaphore(%dma_start3A_196 : memref<!tpu.dma_semaphore, #tpu.memory_space<semaphore_mem>>)
    %scan3A_197 = arith.constant 0 : i32
    %scan3A_198 = arith.constant 0 : i32
    %scan3A_199 = arith.constant 3 : i32
    %scan3A_200 = arith.addi %scan3A_198, %scan3A_199 : i32
    %scan3A_201 = arith.constant 1 : i32
    scf.for %scan3A_266 = %scan3A_198 to %scan3A_200 step %scan3A_201  : i32 {
      %rem3A = arith.constant 4 : i32
      %rem3A_267 = arith.remsi %scan3A_266, %rem3A : i32
      %dma_wait3A_268 = arith.constant 0 : i32
      %dma_wait3A_269 = arith.constant 0 : i32
      %dma_wait3A_270 = arith.constant 0 : i32
      %dma_wait3A_271 = tpu.memref_slice %arg10[%rem3A_267, %dma_wait3A_269, %dma_wait3A_270] : memref<4x100x128xi32, #tpu.memory_space<vmem>> -> memref<1x100x128xi32, #tpu.memory_space<vmem>>
      %dma_wait3A_272 = tpu.memref_squeeze %dma_wait3A_271 : memref<1x100x128xi32, #tpu.memory_space<vmem>> -> memref<100x128xi32, #tpu.memory_space<vmem>>
      %dma_wait3A_273 = arith.constant 0 : i32
      %dma_wait3A_274 = arith.constant 0 : i32
      %dma_wait3A_275 = tpu.memref_slice %arg7[%dma_wait3A_268, %dma_wait3A_273, %dma_wait3A_274] : memref<96x100x128xi32, #tpu.memory_space<hbm>> -> memref<1x100x128xi32, #tpu.memory_space<hbm>>
      %dma_wait3A_276 = tpu.memref_squeeze %dma_wait3A_275 : memref<1x100x128xi32, #tpu.memory_space<hbm>> -> memref<100x128xi32, #tpu.memory_space<hbm>>
      %dma_wait3A_277 = tpu.memref_slice %arg11[%rem3A_267] : memref<4x!tpu.dma_semaphore, #tpu.memory_space<semaphore_mem>> -> memref<1x!tpu.dma_semaphore, #tpu.memory_space<semaphore_mem>>
      %dma_wait3A_278 = tpu.memref_squeeze %dma_wait3A_277 : memref<1x!tpu.dma_semaphore, #tpu.memory_space<semaphore_mem>> -> memref<!tpu.dma_semaphore, #tpu.memory_space<semaphore_mem>>
      %dma_wait3A_279 = arith.constant 0 : i32
      %dma_wait3A_280 = arith.constant 0 : i32
      %dma_wait3A_281 = tpu.memref_slice %arg10[%rem3A_267, %dma_wait3A_279, %dma_wait3A_280] : memref<4x100x128xi32, #tpu.memory_space<vmem>> -> memref<1x100x128xi32, #tpu.memory_space<vmem>>
      %dma_wait3A_282 = tpu.memref_squeeze %dma_wait3A_281 : memref<1x100x128xi32, #tpu.memory_space<vmem>> -> memref<100x128xi32, #tpu.memory_space<vmem>>
      %dma_wait3A_283 = arith.constant 0 : i32
      %dma_wait3A_284 = arith.constant 0 : i32
      %dma_wait3A_285 = tpu.memref_slice %arg7[%dma_wait3A_268, %dma_wait3A_283, %dma_wait3A_284] : memref<96x100x128xi32, #tpu.memory_space<hbm>> -> memref<1x100x128xi32, #tpu.memory_space<hbm>>
      %dma_wait3A_286 = tpu.memref_squeeze %dma_wait3A_285 : memref<1x100x128xi32, #tpu.memory_space<hbm>> -> memref<100x128xi32, #tpu.memory_space<hbm>>
      tpu.wait_dma2 semaphore(%dma_wait3A_278 : memref<!tpu.dma_semaphore, #tpu.memory_space<semaphore_mem>>) src(%dma_wait3A_286 : memref<100x128xi32, #tpu.memory_space<hbm>>) dst(%dma_wait3A_282 : memref<100x128xi32, #tpu.memory_space<vmem>>)
      %add3A_287 = arith.addi %mul3A_151, %scan3A_266 : i32
      %dma_start3A_288 = arith.constant 0 : i32
      %dma_start3A_289 = arith.constant 0 : i32
      %dma_start3A_290 = tpu.memref_slice %arg10[%rem3A_267, %dma_start3A_288, %dma_start3A_289] : memref<4x100x128xi32, #tpu.memory_space<vmem>> -> memref<1x100x128xi32, #tpu.memory_space<vmem>>
      %dma_start3A_291 = tpu.memref_squeeze %dma_start3A_290 : memref<1x100x128xi32, #tpu.memory_space<vmem>> -> memref<100x128xi32, #tpu.memory_space<vmem>>
      %dma_start3A_292 = arith.constant 0 : i32
      %dma_start3A_293 = arith.constant 0 : i32
      %dma_start3A_294 = tpu.memref_slice %arg7[%add3A_287, %dma_start3A_292, %dma_start3A_293] : memref<96x100x128xi32, #tpu.memory_space<hbm>> -> memref<1x100x128xi32, #tpu.memory_space<hbm>>
      %dma_start3A_295 = tpu.memref_squeeze %dma_start3A_294 : memref<1x100x128xi32, #tpu.memory_space<hbm>> -> memref<100x128xi32, #tpu.memory_space<hbm>>
      %dma_start3A_296 = tpu.memref_slice %arg12[%rem3A_267] : memref<4x!tpu.dma_semaphore, #tpu.memory_space<semaphore_mem>> -> memref<1x!tpu.dma_semaphore, #tpu.memory_space<semaphore_mem>>
      %dma_start3A_297 = tpu.memref_squeeze %dma_start3A_296 : memref<1x!tpu.dma_semaphore, #tpu.memory_space<semaphore_mem>> -> memref<!tpu.dma_semaphore, #tpu.memory_space<semaphore_mem>>
      %dma_start3A_298 = arith.constant 0 : i32
      %dma_start3A_299 = arith.constant 0 : i32
      %dma_start3A_300 = tpu.memref_slice %arg7[%add3A_287, %dma_start3A_298, %dma_start3A_299] : memref<96x100x128xi32, #tpu.memory_space<hbm>> -> memref<1x100x128xi32, #tpu.memory_space<hbm>>
      %dma_start3A_301 = tpu.memref_squeeze %dma_start3A_300 : memref<1x100x128xi32, #tpu.memory_space<hbm>> -> memref<100x128xi32, #tpu.memory_space<hbm>>
      %dma_start3A_302 = arith.constant 0 : i32
      %dma_start3A_303 = arith.constant 0 : i32
      %dma_start3A_304 = tpu.memref_slice %arg10[%rem3A_267, %dma_start3A_302, %dma_start3A_303] : memref<4x100x128xi32, #tpu.memory_space<vmem>> -> memref<1x100x128xi32, #tpu.memory_space<vmem>>
      %dma_start3A_305 = tpu.memref_squeeze %dma_start3A_304 : memref<1x100x128xi32, #tpu.memory_space<vmem>> -> memref<100x128xi32, #tpu.memory_space<vmem>>
      tpu.enqueue_dma source(%dma_start3A_305 : memref<100x128xi32, #tpu.memory_space<vmem>>) target(%dma_start3A_301 : memref<100x128xi32, #tpu.memory_space<hbm>>) target_semaphore(%dma_start3A_297 : memref<!tpu.dma_semaphore, #tpu.memory_space<semaphore_mem>>)
      %add3A_306 = arith.constant 4 : i32
      %add3A_307 = arith.addi %scan3A_266, %add3A_306 : i32
      %lt3A = arith.constant 3 : i32
      %lt3A_308 = arith.cmpi slt, %add3A_307, %lt3A : i32
      %convert_element_type3A = arith.extui %lt3A_308 : i1 to i32
      %cond3A = arith.constant 0 : i32
      %cond3A_309 = arith.cmpi ne, %convert_element_type3A, %cond3A : i32
      scf.if %cond3A_309 {
        %dma_wait3A_310 = arith.constant 0 : i32
        %dma_wait3A_311 = arith.constant 0 : i32
        %dma_wait3A_312 = arith.constant 0 : i32
        %dma_wait3A_313 = tpu.memref_slice %arg10[%rem3A_267, %dma_wait3A_311, %dma_wait3A_312] : memref<4x100x128xi32, #tpu.memory_space<vmem>> -> memref<1x100x128xi32, #tpu.memory_space<vmem>>
        %dma_wait3A_314 = tpu.memref_squeeze %dma_wait3A_313 : memref<1x100x128xi32, #tpu.memory_space<vmem>> -> memref<100x128xi32, #tpu.memory_space<vmem>>
        %dma_wait3A_315 = arith.constant 0 : i32
        %dma_wait3A_316 = arith.constant 0 : i32
        %dma_wait3A_317 = tpu.memref_slice %arg7[%dma_wait3A_310, %dma_wait3A_315, %dma_wait3A_316] : memref<96x100x128xi32, #tpu.memory_space<hbm>> -> memref<1x100x128xi32, #tpu.memory_space<hbm>>
        %dma_wait3A_318 = tpu.memref_squeeze %dma_wait3A_317 : memref<1x100x128xi32, #tpu.memory_space<hbm>> -> memref<100x128xi32, #tpu.memory_space<hbm>>
        %dma_wait3A_319 = tpu.memref_slice %arg12[%rem3A_267] : memref<4x!tpu.dma_semaphore, #tpu.memory_space<semaphore_mem>> -> memref<1x!tpu.dma_semaphore, #tpu.memory_space<semaphore_mem>>
        %dma_wait3A_320 = tpu.memref_squeeze %dma_wait3A_319 : memref<1x!tpu.dma_semaphore, #tpu.memory_space<semaphore_mem>> -> memref<!tpu.dma_semaphore, #tpu.memory_space<semaphore_mem>>
        %dma_wait3A_321 = arith.constant 0 : i32
        %dma_wait3A_322 = arith.constant 0 : i32
        %dma_wait3A_323 = tpu.memref_slice %arg10[%rem3A_267, %dma_wait3A_321, %dma_wait3A_322] : memref<4x100x128xi32, #tpu.memory_space<vmem>> -> memref<1x100x128xi32, #tpu.memory_space<vmem>>
        %dma_wait3A_324 = tpu.memref_squeeze %dma_wait3A_323 : memref<1x100x128xi32, #tpu.memory_space<vmem>> -> memref<100x128xi32, #tpu.memory_space<vmem>>
        %dma_wait3A_325 = arith.constant 0 : i32
        %dma_wait3A_326 = arith.constant 0 : i32
        %dma_wait3A_327 = tpu.memref_slice %arg7[%dma_wait3A_310, %dma_wait3A_325, %dma_wait3A_326] : memref<96x100x128xi32, #tpu.memory_space<hbm>> -> memref<1x100x128xi32, #tpu.memory_space<hbm>>
        %dma_wait3A_328 = tpu.memref_squeeze %dma_wait3A_327 : memref<1x100x128xi32, #tpu.memory_space<hbm>> -> memref<100x128xi32, #tpu.memory_space<hbm>>
        tpu.wait_dma2 semaphore(%dma_wait3A_320 : memref<!tpu.dma_semaphore, #tpu.memory_space<semaphore_mem>>) src(%dma_wait3A_328 : memref<100x128xi32, #tpu.memory_space<hbm>>) dst(%dma_wait3A_324 : memref<100x128xi32, #tpu.memory_space<vmem>>)
        %add3A_329 = arith.constant 4 : i32
        %add3A_330 = arith.addi %scan3A_266, %add3A_329 : i32
        %dma_start3A_331 = arith.constant 0 : i32
        %dma_start3A_332 = arith.constant 0 : i32
        %dma_start3A_333 = tpu.memref_slice %arg10[%rem3A_267, %dma_start3A_331, %dma_start3A_332] : memref<4x100x128xi32, #tpu.memory_space<vmem>> -> memref<1x100x128xi32, #tpu.memory_space<vmem>>
        %dma_start3A_334 = tpu.memref_squeeze %dma_start3A_333 : memref<1x100x128xi32, #tpu.memory_space<vmem>> -> memref<100x128xi32, #tpu.memory_space<vmem>>
        %dma_start3A_335 = arith.constant 0 : i32
        %dma_start3A_336 = tpu.memref_slice %arg9[%add3A_330, %dma_start3A_335] : memref<3x100xi32, #tpu.memory_space<vmem>> -> memref<1x100xi32, #tpu.memory_space<vmem>>
        %dma_start3A_337 = tpu.memref_squeeze %dma_start3A_336 : memref<1x100xi32, #tpu.memory_space<vmem>> -> memref<100xi32, #tpu.memory_space<vmem>>
        %dma_start3A_338 = arith.constant 0 : i32
        %dma_start3A_339 = arith.constant 0 : i32
        %dma_start3A_340 = tpu.memref_slice %arg3[%dma_start3A_338, %dma_start3A_339] : memref<3200x128xi32, #tpu.memory_space<hbm>> -> memref<3200x128xi32, #tpu.memory_space<hbm>>
        %dma_start3A_341 = tpu.memref_slice %arg11[%rem3A_267] : memref<4x!tpu.dma_semaphore, #tpu.memory_space<semaphore_mem>> -> memref<1x!tpu.dma_semaphore, #tpu.memory_space<semaphore_mem>>
        %dma_start3A_342 = tpu.memref_squeeze %dma_start3A_341 : memref<1x!tpu.dma_semaphore, #tpu.memory_space<semaphore_mem>> -> memref<!tpu.dma_semaphore, #tpu.memory_space<semaphore_mem>>
        tpu.enqueue_indirect_dma source(%dma_start3A_340 : memref<3200x128xi32, #tpu.memory_space<hbm>>) target(%dma_start3A_334 : memref<100x128xi32, #tpu.memory_space<vmem>>) offsets(%dma_start3A_337 : memref<100xi32, #tpu.memory_space<vmem>>) semaphore(%dma_start3A_342 : memref<!tpu.dma_semaphore, #tpu.memory_space<semaphore_mem>>)
      } else {
      }
    }
    %scan3A_202 = arith.constant 3 : i32
    %dma_wait3A_203 = arith.constant 0 : i32
    %dma_wait3A_204 = arith.constant 0 : i32
    %dma_wait3A_205 = arith.constant 0 : i32
    %dma_wait3A_206 = arith.constant 0 : i32
    %dma_wait3A_207 = arith.constant 0 : i32
    %dma_wait3A_208 = tpu.memref_slice %arg10[%dma_wait3A_204, %dma_wait3A_206, %dma_wait3A_207] : memref<4x100x128xi32, #tpu.memory_space<vmem>> -> memref<1x100x128xi32, #tpu.memory_space<vmem>>
    %dma_wait3A_209 = tpu.memref_squeeze %dma_wait3A_208 : memref<1x100x128xi32, #tpu.memory_space<vmem>> -> memref<100x128xi32, #tpu.memory_space<vmem>>
    %dma_wait3A_210 = arith.constant 0 : i32
    %dma_wait3A_211 = arith.constant 0 : i32
    %dma_wait3A_212 = tpu.memref_slice %arg7[%dma_wait3A_203, %dma_wait3A_210, %dma_wait3A_211] : memref<96x100x128xi32, #tpu.memory_space<hbm>> -> memref<1x100x128xi32, #tpu.memory_space<hbm>>
    %dma_wait3A_213 = tpu.memref_squeeze %dma_wait3A_212 : memref<1x100x128xi32, #tpu.memory_space<hbm>> -> memref<100x128xi32, #tpu.memory_space<hbm>>
    %dma_wait3A_214 = tpu.memref_slice %arg12[%dma_wait3A_205] : memref<4x!tpu.dma_semaphore, #tpu.memory_space<semaphore_mem>> -> memref<1x!tpu.dma_semaphore, #tpu.memory_space<semaphore_mem>>
    %dma_wait3A_215 = tpu.memref_squeeze %dma_wait3A_214 : memref<1x!tpu.dma_semaphore, #tpu.memory_space<semaphore_mem>> -> memref<!tpu.dma_semaphore, #tpu.memory_space<semaphore_mem>>
    %dma_wait3A_216 = arith.constant 0 : i32
    %dma_wait3A_217 = arith.constant 0 : i32
    %dma_wait3A_218 = tpu.memref_slice %arg10[%dma_wait3A_204, %dma_wait3A_216, %dma_wait3A_217] : memref<4x100x128xi32, #tpu.memory_space<vmem>> -> memref<1x100x128xi32, #tpu.memory_space<vmem>>
    %dma_wait3A_219 = tpu.memref_squeeze %dma_wait3A_218 : memref<1x100x128xi32, #tpu.memory_space<vmem>> -> memref<100x128xi32, #tpu.memory_space<vmem>>
    %dma_wait3A_220 = arith.constant 0 : i32
    %dma_wait3A_221 = arith.constant 0 : i32
    %dma_wait3A_222 = tpu.memref_slice %arg7[%dma_wait3A_203, %dma_wait3A_220, %dma_wait3A_221] : memref<96x100x128xi32, #tpu.memory_space<hbm>> -> memref<1x100x128xi32, #tpu.memory_space<hbm>>
    %dma_wait3A_223 = tpu.memref_squeeze %dma_wait3A_222 : memref<1x100x128xi32, #tpu.memory_space<hbm>> -> memref<100x128xi32, #tpu.memory_space<hbm>>
    tpu.wait_dma2 semaphore(%dma_wait3A_215 : memref<!tpu.dma_semaphore, #tpu.memory_space<semaphore_mem>>) src(%dma_wait3A_223 : memref<100x128xi32, #tpu.memory_space<hbm>>) dst(%dma_wait3A_219 : memref<100x128xi32, #tpu.memory_space<vmem>>)
    %dma_wait3A_224 = arith.constant 0 : i32
    %dma_wait3A_225 = arith.constant 1 : i32
    %dma_wait3A_226 = arith.constant 1 : i32
    %dma_wait3A_227 = arith.constant 0 : i32
    %dma_wait3A_228 = arith.constant 0 : i32
    %dma_wait3A_229 = tpu.memref_slice %arg10[%dma_wait3A_225, %dma_wait3A_227, %dma_wait3A_228] : memref<4x100x128xi32, #tpu.memory_space<vmem>> -> memref<1x100x128xi32, #tpu.memory_space<vmem>>
    %dma_wait3A_230 = tpu.memref_squeeze %dma_wait3A_229 : memref<1x100x128xi32, #tpu.memory_space<vmem>> -> memref<100x128xi32, #tpu.memory_space<vmem>>
    %dma_wait3A_231 = arith.constant 0 : i32
    %dma_wait3A_232 = arith.constant 0 : i32
    %dma_wait3A_233 = tpu.memref_slice %arg7[%dma_wait3A_224, %dma_wait3A_231, %dma_wait3A_232] : memref<96x100x128xi32, #tpu.memory_space<hbm>> -> memref<1x100x128xi32, #tpu.memory_space<hbm>>
    %dma_wait3A_234 = tpu.memref_squeeze %dma_wait3A_233 : memref<1x100x128xi32, #tpu.memory_space<hbm>> -> memref<100x128xi32, #tpu.memory_space<hbm>>
    %dma_wait3A_235 = tpu.memref_slice %arg12[%dma_wait3A_226] : memref<4x!tpu.dma_semaphore, #tpu.memory_space<semaphore_mem>> -> memref<1x!tpu.dma_semaphore, #tpu.memory_space<semaphore_mem>>
    %dma_wait3A_236 = tpu.memref_squeeze %dma_wait3A_235 : memref<1x!tpu.dma_semaphore, #tpu.memory_space<semaphore_mem>> -> memref<!tpu.dma_semaphore, #tpu.memory_space<semaphore_mem>>
    %dma_wait3A_237 = arith.constant 0 : i32
    %dma_wait3A_238 = arith.constant 0 : i32
    %dma_wait3A_239 = tpu.memref_slice %arg10[%dma_wait3A_225, %dma_wait3A_237, %dma_wait3A_238] : memref<4x100x128xi32, #tpu.memory_space<vmem>> -> memref<1x100x128xi32, #tpu.memory_space<vmem>>
    %dma_wait3A_240 = tpu.memref_squeeze %dma_wait3A_239 : memref<1x100x128xi32, #tpu.memory_space<vmem>> -> memref<100x128xi32, #tpu.memory_space<vmem>>
    %dma_wait3A_241 = arith.constant 0 : i32
    %dma_wait3A_242 = arith.constant 0 : i32
    %dma_wait3A_243 = tpu.memref_slice %arg7[%dma_wait3A_224, %dma_wait3A_241, %dma_wait3A_242] : memref<96x100x128xi32, #tpu.memory_space<hbm>> -> memref<1x100x128xi32, #tpu.memory_space<hbm>>
    %dma_wait3A_244 = tpu.memref_squeeze %dma_wait3A_243 : memref<1x100x128xi32, #tpu.memory_space<hbm>> -> memref<100x128xi32, #tpu.memory_space<hbm>>
    tpu.wait_dma2 semaphore(%dma_wait3A_236 : memref<!tpu.dma_semaphore, #tpu.memory_space<semaphore_mem>>) src(%dma_wait3A_244 : memref<100x128xi32, #tpu.memory_space<hbm>>) dst(%dma_wait3A_240 : memref<100x128xi32, #tpu.memory_space<vmem>>)
    %dma_wait3A_245 = arith.constant 0 : i32
    %dma_wait3A_246 = arith.constant 2 : i32
    %dma_wait3A_247 = arith.constant 2 : i32
    %dma_wait3A_248 = arith.constant 0 : i32
    %dma_wait3A_249 = arith.constant 0 : i32
    %dma_wait3A_250 = tpu.memref_slice %arg10[%dma_wait3A_246, %dma_wait3A_248, %dma_wait3A_249] : memref<4x100x128xi32, #tpu.memory_space<vmem>> -> memref<1x100x128xi32, #tpu.memory_space<vmem>>
    %dma_wait3A_251 = tpu.memref_squeeze %dma_wait3A_250 : memref<1x100x128xi32, #tpu.memory_space<vmem>> -> memref<100x128xi32, #tpu.memory_space<vmem>>
    %dma_wait3A_252 = arith.constant 0 : i32
    %dma_wait3A_253 = arith.constant 0 : i32
    %dma_wait3A_254 = tpu.memref_slice %arg7[%dma_wait3A_245, %dma_wait3A_252, %dma_wait3A_253] : memref<96x100x128xi32, #tpu.memory_space<hbm>> -> memref<1x100x128xi32, #tpu.memory_space<hbm>>
    %dma_wait3A_255 = tpu.memref_squeeze %dma_wait3A_254 : memref<1x100x128xi32, #tpu.memory_space<hbm>> -> memref<100x128xi32, #tpu.memory_space<hbm>>
    %dma_wait3A_256 = tpu.memref_slice %arg12[%dma_wait3A_247] : memref<4x!tpu.dma_semaphore, #tpu.memory_space<semaphore_mem>> -> memref<1x!tpu.dma_semaphore, #tpu.memory_space<semaphore_mem>>
    %dma_wait3A_257 = tpu.memref_squeeze %dma_wait3A_256 : memref<1x!tpu.dma_semaphore, #tpu.memory_space<semaphore_mem>> -> memref<!tpu.dma_semaphore, #tpu.memory_space<semaphore_mem>>
    %dma_wait3A_258 = arith.constant 0 : i32
    %dma_wait3A_259 = arith.constant 0 : i32
    %dma_wait3A_260 = tpu.memref_slice %arg10[%dma_wait3A_246, %dma_wait3A_258, %dma_wait3A_259] : memref<4x100x128xi32, #tpu.memory_space<vmem>> -> memref<1x100x128xi32, #tpu.memory_space<vmem>>
    %dma_wait3A_261 = tpu.memref_squeeze %dma_wait3A_260 : memref<1x100x128xi32, #tpu.memory_space<vmem>> -> memref<100x128xi32, #tpu.memory_space<vmem>>
    %dma_wait3A_262 = arith.constant 0 : i32
    %dma_wait3A_263 = arith.constant 0 : i32
    %dma_wait3A_264 = tpu.memref_slice %arg7[%dma_wait3A_245, %dma_wait3A_262, %dma_wait3A_263] : memref<96x100x128xi32, #tpu.memory_space<hbm>> -> memref<1x100x128xi32, #tpu.memory_space<hbm>>
    %dma_wait3A_265 = tpu.memref_squeeze %dma_wait3A_264 : memref<1x100x128xi32, #tpu.memory_space<hbm>> -> memref<100x128xi32, #tpu.memory_space<hbm>>
    tpu.wait_dma2 semaphore(%dma_wait3A_257 : memref<!tpu.dma_semaphore, #tpu.memory_space<semaphore_mem>>) src(%dma_wait3A_265 : memref<100x128xi32, #tpu.memory_space<hbm>>) dst(%dma_wait3A_261 : memref<100x128xi32, #tpu.memory_space<vmem>>)
    return
  }
}

module attributes {stable_mosaic.version = 14 : i64} {
  func.func @_t1_body(%arg0: memref<10500x128xf32, #tpu.memory_space<vmem>>, %arg1: memref<3200x128xf32, #tpu.memory_space<vmem>>, %arg2: memref<128x128xf32, #tpu.memory_space<vmem>>, %arg3: memref<128x128xf32, #tpu.memory_space<vmem>>, %arg4: memref<1x128xf32, #tpu.memory_space<vmem>>, %arg5: memref<128x128xf32, #tpu.memory_space<vmem>>, %arg6: memref<128x128xf32, #tpu.memory_space<vmem>>, %arg7: memref<1x128xf32, #tpu.memory_space<vmem>>, %arg8: memref<10500x128xf32, #tpu.memory_space<vmem>>, %arg9: memref<10500x128xi32, #tpu.memory_space<vmem>>, %arg10: memref<3200x128xf32, #tpu.memory_space<vmem>>, %arg11: memref<3200x128xi32, #tpu.memory_space<vmem>>) attributes {dimension_semantics = [], scalar_prefetch = 0 : i64, scratch_operands = 0 : i64, tpu.core_type = #tpu.core_type<tc>} {
    %get3A = arith.constant 0 : index
    %get3A_0 = arith.constant 0 : index
    %get3A_1 = vector.load %arg0[%get3A, %get3A_0] : memref<10500x128xf32, #tpu.memory_space<vmem>>, vector<10500x128xf32>
    %get3A_2 = arith.constant 0 : index
    %get3A_3 = arith.constant 0 : index
    %get3A_4 = vector.load %arg2[%get3A_2, %get3A_3] : memref<128x128xf32, #tpu.memory_space<vmem>>, vector<128x128xf32>
    %dot_general3A = arith.constant dense<0.000000e+00> : vector<10500x128xf32>
    %dot_general3A_5 = tpu.matmul %get3A_1, %get3A_4, %dot_general3A {dimension_numbers = #tpu.dot_dimension_numbers<[1], [0], [0], [1], [0, 0, 1, 1], [], []>, transpose_lhs_hint = false} : vector<10500x128xf32>, vector<128x128xf32>, vector<10500x128xf32> -> vector<10500x128xf32>
    %swap3A = arith.constant 0 : index
    %swap3A_6 = arith.constant 0 : index
    %swap3A_7 = vector.load %arg8[%swap3A, %swap3A_6] : memref<10500x128xf32, #tpu.memory_space<vmem>>, vector<10500x128xf32>
    tpu.vector_store %arg8[%swap3A, %swap3A_6], %dot_general3A_5 {strides = array<i32>} : memref<10500x128xf32, #tpu.memory_space<vmem>>, vector<10500x128xf32>,
    %get3A_8 = arith.constant 0 : index
    %get3A_9 = arith.constant 0 : index
    %get3A_10 = vector.load %arg3[%get3A_8, %get3A_9] : memref<128x128xf32, #tpu.memory_space<vmem>>, vector<128x128xf32>
    %dot_general3A_11 = arith.constant dense<0.000000e+00> : vector<10500x128xf32>
    %dot_general3A_12 = tpu.matmul %get3A_1, %get3A_10, %dot_general3A_11 {dimension_numbers = #tpu.dot_dimension_numbers<[1], [0], [0], [1], [0, 0, 1, 1], [], []>, transpose_lhs_hint = false} : vector<10500x128xf32>, vector<128x128xf32>, vector<10500x128xf32> -> vector<10500x128xf32>
    %get3A_13 = arith.constant 0 : index
    %get3A_14 = arith.constant 0 : index
    %get3A_15 = vector.load %arg4[%get3A_13, %get3A_14] : memref<1x128xf32, #tpu.memory_space<vmem>>, vector<1x128xf32>
    %add3A = vector.broadcast %get3A_15 : vector<1x128xf32> to vector<10500x128xf32>
    %add3A_16 = arith.addf %dot_general3A_12, %add3A : vector<10500x128xf32>
    %bitcast_convert_type3A = tpu.bitcast %get3A_1 : vector<10500x128xf32> -> vector<10500x128xi32>
    %add3A_17 = arith.constant 32767 : i32
    %add3A_18 = vector.broadcast %add3A_17 : i32 to vector<10500x128xi32>
    %add3A_19 = arith.addi %bitcast_convert_type3A, %add3A_18 : vector<10500x128xi32>
    %shift_right_arithmetic3A = arith.constant 16 : i32
    %shift_right_arithmetic3A_20 = vector.broadcast %shift_right_arithmetic3A : i32 to vector<10500x128xi32>
    %shift_right_arithmetic3A_21 = arith.shrsi %bitcast_convert_type3A, %shift_right_arithmetic3A_20 : vector<10500x128xi32>
    %and3A = arith.constant 1 : i32
    %and3A_22 = vector.broadcast %and3A : i32 to vector<10500x128xi32>
    %and3A_23 = arith.andi %shift_right_arithmetic3A_21, %and3A_22 : vector<10500x128xi32>
    %add3A_24 = arith.addi %add3A_19, %and3A_23 : vector<10500x128xi32>
    %shift_right_arithmetic3A_25 = arith.constant 16 : i32
    %shift_right_arithmetic3A_26 = vector.broadcast %shift_right_arithmetic3A_25 : i32 to vector<10500x128xi32>
    %shift_right_arithmetic3A_27 = arith.shrsi %add3A_24, %shift_right_arithmetic3A_26 : vector<10500x128xi32>
    %and3A_28 = arith.constant 65535 : i32
    %and3A_29 = vector.broadcast %and3A_28 : i32 to vector<10500x128xi32>
    %and3A_30 = arith.andi %shift_right_arithmetic3A_27, %and3A_29 : vector<10500x128xi32>
    %bitcast_convert_type3A_31 = tpu.bitcast %add3A_16 : vector<10500x128xf32> -> vector<10500x128xi32>
    %add3A_32 = arith.constant 32767 : i32
    %add3A_33 = vector.broadcast %add3A_32 : i32 to vector<10500x128xi32>
    %add3A_34 = arith.addi %bitcast_convert_type3A_31, %add3A_33 : vector<10500x128xi32>
    %shift_right_arithmetic3A_35 = arith.constant 16 : i32
    %shift_right_arithmetic3A_36 = vector.broadcast %shift_right_arithmetic3A_35 : i32 to vector<10500x128xi32>
    %shift_right_arithmetic3A_37 = arith.shrsi %bitcast_convert_type3A_31, %shift_right_arithmetic3A_36 : vector<10500x128xi32>
    %and3A_38 = arith.constant 1 : i32
    %and3A_39 = vector.broadcast %and3A_38 : i32 to vector<10500x128xi32>
    %and3A_40 = arith.andi %shift_right_arithmetic3A_37, %and3A_39 : vector<10500x128xi32>
    %add3A_41 = arith.addi %add3A_34, %and3A_40 : vector<10500x128xi32>
    %shift_right_arithmetic3A_42 = arith.constant 16 : i32
    %shift_right_arithmetic3A_43 = vector.broadcast %shift_right_arithmetic3A_42 : i32 to vector<10500x128xi32>
    %shift_right_arithmetic3A_44 = arith.shrsi %add3A_41, %shift_right_arithmetic3A_43 : vector<10500x128xi32>
    %and3A_45 = arith.constant 65535 : i32
    %and3A_46 = vector.broadcast %and3A_45 : i32 to vector<10500x128xi32>
    %and3A_47 = arith.andi %shift_right_arithmetic3A_44, %and3A_46 : vector<10500x128xi32>
    %shift_left3A = arith.constant 16 : i32
    %shift_left3A_48 = vector.broadcast %shift_left3A : i32 to vector<10500x128xi32>
    %shift_left3A_49 = arith.shli %and3A_47, %shift_left3A_48 : vector<10500x128xi32>
    %or3A = arith.ori %and3A_30, %shift_left3A_49 : vector<10500x128xi32>
    %swap3A_50 = arith.constant 0 : index
    %swap3A_51 = arith.constant 0 : index
    %swap3A_52 = vector.load %arg9[%swap3A_50, %swap3A_51] : memref<10500x128xi32, #tpu.memory_space<vmem>>, vector<10500x128xi32>
    tpu.vector_store %arg9[%swap3A_50, %swap3A_51], %or3A {strides = array<i32>} : memref<10500x128xi32, #tpu.memory_space<vmem>>, vector<10500x128xi32>,
    %get3A_53 = arith.constant 0 : index
    %get3A_54 = arith.constant 0 : index
    %get3A_55 = vector.load %arg1[%get3A_53, %get3A_54] : memref<3200x128xf32, #tpu.memory_space<vmem>>, vector<3200x128xf32>
    %get3A_56 = arith.constant 0 : index
    %get3A_57 = arith.constant 0 : index
    %get3A_58 = vector.load %arg5[%get3A_56, %get3A_57] : memref<128x128xf32, #tpu.memory_space<vmem>>, vector<128x128xf32>
    %dot_general3A_59 = arith.constant dense<0.000000e+00> : vector<3200x128xf32>
    %dot_general3A_60 = tpu.matmul %get3A_55, %get3A_58, %dot_general3A_59 {dimension_numbers = #tpu.dot_dimension_numbers<[1], [0], [0], [1], [0, 0, 1, 1], [], []>, transpose_lhs_hint = false} : vector<3200x128xf32>, vector<128x128xf32>, vector<3200x128xf32> -> vector<3200x128xf32>
    %swap3A_61 = arith.constant 0 : index
    %swap3A_62 = arith.constant 0 : index
    %swap3A_63 = vector.load %arg10[%swap3A_61, %swap3A_62] : memref<3200x128xf32, #tpu.memory_space<vmem>>, vector<3200x128xf32>
    tpu.vector_store %arg10[%swap3A_61, %swap3A_62], %dot_general3A_60 {strides = array<i32>} : memref<3200x128xf32, #tpu.memory_space<vmem>>, vector<3200x128xf32>,
    %get3A_64 = arith.constant 0 : index
    %get3A_65 = arith.constant 0 : index
    %get3A_66 = vector.load %arg6[%get3A_64, %get3A_65] : memref<128x128xf32, #tpu.memory_space<vmem>>, vector<128x128xf32>
    %dot_general3A_67 = arith.constant dense<0.000000e+00> : vector<3200x128xf32>
    %dot_general3A_68 = tpu.matmul %get3A_55, %get3A_66, %dot_general3A_67 {dimension_numbers = #tpu.dot_dimension_numbers<[1], [0], [0], [1], [0, 0, 1, 1], [], []>, transpose_lhs_hint = false} : vector<3200x128xf32>, vector<128x128xf32>, vector<3200x128xf32> -> vector<3200x128xf32>
    %get3A_69 = arith.constant 0 : index
    %get3A_70 = arith.constant 0 : index
    %get3A_71 = vector.load %arg7[%get3A_69, %get3A_70] : memref<1x128xf32, #tpu.memory_space<vmem>>, vector<1x128xf32>
    %add3A_72 = vector.broadcast %get3A_71 : vector<1x128xf32> to vector<3200x128xf32>
    %add3A_73 = arith.addf %dot_general3A_68, %add3A_72 : vector<3200x128xf32>
    %bitcast_convert_type3A_74 = tpu.bitcast %get3A_55 : vector<3200x128xf32> -> vector<3200x128xi32>
    %add3A_75 = arith.constant 32767 : i32
    %add3A_76 = vector.broadcast %add3A_75 : i32 to vector<3200x128xi32>
    %add3A_77 = arith.addi %bitcast_convert_type3A_74, %add3A_76 : vector<3200x128xi32>
    %shift_right_arithmetic3A_78 = arith.constant 16 : i32
    %shift_right_arithmetic3A_79 = vector.broadcast %shift_right_arithmetic3A_78 : i32 to vector<3200x128xi32>
    %shift_right_arithmetic3A_80 = arith.shrsi %bitcast_convert_type3A_74, %shift_right_arithmetic3A_79 : vector<3200x128xi32>
    %and3A_81 = arith.constant 1 : i32
    %and3A_82 = vector.broadcast %and3A_81 : i32 to vector<3200x128xi32>
    %and3A_83 = arith.andi %shift_right_arithmetic3A_80, %and3A_82 : vector<3200x128xi32>
    %add3A_84 = arith.addi %add3A_77, %and3A_83 : vector<3200x128xi32>
    %shift_right_arithmetic3A_85 = arith.constant 16 : i32
    %shift_right_arithmetic3A_86 = vector.broadcast %shift_right_arithmetic3A_85 : i32 to vector<3200x128xi32>
    %shift_right_arithmetic3A_87 = arith.shrsi %add3A_84, %shift_right_arithmetic3A_86 : vector<3200x128xi32>
    %and3A_88 = arith.constant 65535 : i32
    %and3A_89 = vector.broadcast %and3A_88 : i32 to vector<3200x128xi32>
    %and3A_90 = arith.andi %shift_right_arithmetic3A_87, %and3A_89 : vector<3200x128xi32>
    %bitcast_convert_type3A_91 = tpu.bitcast %add3A_73 : vector<3200x128xf32> -> vector<3200x128xi32>
    %add3A_92 = arith.constant 32767 : i32
    %add3A_93 = vector.broadcast %add3A_92 : i32 to vector<3200x128xi32>
    %add3A_94 = arith.addi %bitcast_convert_type3A_91, %add3A_93 : vector<3200x128xi32>
    %shift_right_arithmetic3A_95 = arith.constant 16 : i32
    %shift_right_arithmetic3A_96 = vector.broadcast %shift_right_arithmetic3A_95 : i32 to vector<3200x128xi32>
    %shift_right_arithmetic3A_97 = arith.shrsi %bitcast_convert_type3A_91, %shift_right_arithmetic3A_96 : vector<3200x128xi32>
    %and3A_98 = arith.constant 1 : i32
    %and3A_99 = vector.broadcast %and3A_98 : i32 to vector<3200x128xi32>
    %and3A_100 = arith.andi %shift_right_arithmetic3A_97, %and3A_99 : vector<3200x128xi32>
    %add3A_101 = arith.addi %add3A_94, %and3A_100 : vector<3200x128xi32>
    %shift_right_arithmetic3A_102 = arith.constant 16 : i32
    %shift_right_arithmetic3A_103 = vector.broadcast %shift_right_arithmetic3A_102 : i32 to vector<3200x128xi32>
    %shift_right_arithmetic3A_104 = arith.shrsi %add3A_101, %shift_right_arithmetic3A_103 : vector<3200x128xi32>
    %and3A_105 = arith.constant 65535 : i32
    %and3A_106 = vector.broadcast %and3A_105 : i32 to vector<3200x128xi32>
    %and3A_107 = arith.andi %shift_right_arithmetic3A_104, %and3A_106 : vector<3200x128xi32>
    %shift_left3A_108 = arith.constant 16 : i32
    %shift_left3A_109 = vector.broadcast %shift_left3A_108 : i32 to vector<3200x128xi32>
    %shift_left3A_110 = arith.shli %and3A_107, %shift_left3A_109 : vector<3200x128xi32>
    %or3A_111 = arith.ori %and3A_90, %shift_left3A_110 : vector<3200x128xi32>
    %swap3A_112 = arith.constant 0 : index
    %swap3A_113 = arith.constant 0 : index
    %swap3A_114 = vector.load %arg11[%swap3A_112, %swap3A_113] : memref<3200x128xi32, #tpu.memory_space<vmem>>, vector<3200x128xi32>
    tpu.vector_store %arg11[%swap3A_112, %swap3A_113], %or3A_111 {strides = array<i32>} : memref<3200x128xi32, #tpu.memory_space<vmem>>, vector<3200x128xi32>,
    return
  }
}

module attributes {stable_mosaic.version = 14 : i64} {
  func.func @_t2_body(%arg0: i32, %arg1: memref<256x10x128xf32, #tpu.memory_space<vmem>>, %arg2: memref<256x10x128xi32, #tpu.memory_space<vmem>>, %arg3: memref<1x1x128xf32, #tpu.memory_space<vmem>>, %arg4: memref<256x128xf32, #tpu.memory_space<vmem>>, %arg5: memref<256x128xf32, #tpu.memory_space<vmem>>, %arg6: memref<256x128xi32, #tpu.memory_space<vmem>>) attributes {dimension_semantics = [#tpu.dimension_semantics<arbitrary>], iteration_bounds = array<i64: 12>, scalar_prefetch = 0 : i64, scratch_operands = 0 : i64, tpu.core_type = #tpu.core_type<tc>, window_params = [{transform_indices = @transform_0, window_bounds = array<i64: 256, 10, 128>}, {transform_indices = @transform_1, window_bounds = array<i64: 256, 10, 128>}, {pipeline_mode = #tpu.pipeline_mode<synchronous>, transform_indices = @transform_2, window_bounds = array<i64: 1, 1, 128>}, {transform_indices = @transform_3, window_bounds = array<i64: 256, 128>}, {transform_indices = @transform_4, window_bounds = array<i64: 256, 128>}, {transform_indices = @transform_5, window_bounds = array<i64: 256, 128>}]} {
    %get3A = arith.constant 0 : index
    %get3A_0 = arith.constant 0 : index
    %get3A_1 = arith.constant 0 : index
    %get3A_2 = vector.load %arg1[%get3A, %get3A_0, %get3A_1] : memref<256x10x128xf32, #tpu.memory_space<vmem>>, vector<256x10x128xf32>
    %get3A_3 = arith.constant 0 : index
    %get3A_4 = arith.constant 0 : index
    %get3A_5 = arith.constant 0 : index
    %get3A_6 = vector.load %arg2[%get3A_3, %get3A_4, %get3A_5] : memref<256x10x128xi32, #tpu.memory_space<vmem>>, vector<256x10x128xi32>
    %shift_left3A = arith.constant 16 : i32
    %shift_left3A_7 = vector.broadcast %shift_left3A : i32 to vector<256x10x128xi32>
    %shift_left3A_8 = arith.shli %get3A_6, %shift_left3A_7 : vector<256x10x128xi32>
    %bitcast_convert_type3A = tpu.bitcast %shift_left3A_8 : vector<256x10x128xi32> -> vector<256x10x128xf32>
    %and3A = arith.constant -65536 : i32
    %and3A_9 = vector.broadcast %and3A : i32 to vector<256x10x128xi32>
    %and3A_10 = arith.andi %get3A_6, %and3A_9 : vector<256x10x128xi32>
    %bitcast_convert_type3A_11 = tpu.bitcast %and3A_10 : vector<256x10x128xi32> -> vector<256x10x128xf32>
    %add3A = arith.addf %get3A_2, %bitcast_convert_type3A_11 : vector<256x10x128xf32>
    %tanh3A = math.tanh %add3A : vector<256x10x128xf32>
    %get3A_12 = arith.constant 0 : index
    %get3A_13 = arith.constant 0 : index
    %get3A_14 = arith.constant 0 : index
    %get3A_15 = vector.load %arg3[%get3A_12, %get3A_13, %get3A_14] : memref<1x1x128xf32, #tpu.memory_space<vmem>>, vector<1x1x128xf32>
    %mul3A = vector.broadcast %get3A_15 : vector<1x1x128xf32> to vector<256x10x128xf32>
    %mul3A_16 = arith.mulf %tanh3A, %mul3A : vector<256x10x128xf32>
    %reduce_sum3A = arith.constant dense<0.000000e+00> : vector<256x10xf32>
    %reduce_sum3A_17 = vector.multi_reduction <add>, %mul3A_16, %reduce_sum3A [2] : vector<256x10x128xf32> to vector<256x10xf32>
    %reduce_max3A = arith.constant dense<0xFF800000> : vector<256xf32>
    %reduce_max3A_18 = vector.multi_reduction <maximumf>, %reduce_sum3A_17, %reduce_max3A [1] : vector<256x10xf32> to vector<256xf32>
    %broadcast_in_dim3A = vector.shape_cast %reduce_max3A_18 : vector<256xf32> to vector<256x1xf32>
    %sub3A = vector.broadcast %broadcast_in_dim3A : vector<256x1xf32> to vector<256x10xf32>
    %sub3A_19 = arith.subf %reduce_sum3A_17, %sub3A : vector<256x10xf32>
    %exp3A = math.exp %sub3A_19 : vector<256x10xf32>
    %reduce_sum3A_20 = arith.constant dense<0.000000e+00> : vector<256xf32>
    %reduce_sum3A_21 = vector.multi_reduction <add>, %exp3A, %reduce_sum3A_20 [1] : vector<256x10xf32> to vector<256xf32>
    %broadcast_in_dim3A_22 = vector.shape_cast %reduce_sum3A_21 : vector<256xf32> to vector<256x1xf32>
    %div3A = vector.broadcast %broadcast_in_dim3A_22 : vector<256x1xf32> to vector<256x10xf32>
    %div3A_23 = arith.divf %exp3A, %div3A : vector<256x10xf32>
    %broadcast_in_dim3A_24 = vector.shape_cast %div3A_23 : vector<256x10xf32> to vector<256x10x1xf32>
    %mul3A_25 = vector.broadcast %broadcast_in_dim3A_24 : vector<256x10x1xf32> to vector<256x10x128xf32>
    %mul3A_26 = arith.mulf %mul3A_25, %bitcast_convert_type3A : vector<256x10x128xf32>
    %reduce_sum3A_27 = arith.constant dense<0.000000e+00> : vector<256x128xf32>
    %reduce_sum3A_28 = vector.multi_reduction <add>, %mul3A_26, %reduce_sum3A_27 [1] : vector<256x10x128xf32> to vector<256x128xf32>
    %mul3A_29 = arith.constant 256 : i32
    %mul3A_30 = arith.muli %arg0, %mul3A_29 : i32
    %iota3A = tpu.iota {dimensions = array<i32: 0>} : vector<256x1xi32>
    %add3A_31 = vector.broadcast %mul3A_30 : i32 to vector<256x1xi32>
    %add3A_32 = arith.addi %add3A_31, %iota3A : vector<256x1xi32>
    %lt3A = arith.constant 3000 : i32
    %lt3A_33 = vector.broadcast %lt3A : i32 to vector<256x1xi32>
    %lt3A_34 = arith.cmpi slt, %add3A_32, %lt3A_33 : vector<256x1xi32>
    %jit3A = arith.constant 0.000000e+00 : f32
    %broadcast_in_dim3A_35 = vector.shape_cast %lt3A_34 : vector<256x1xi1> to vector<256x1xi1>
    %broadcast_in_dim3A_36 = vector.broadcast %broadcast_in_dim3A_35 : vector<256x1xi1> to vector<256x128xi1>
    %broadcast_in_dim3A_37 = vector.broadcast %jit3A : f32 to vector<256x128xf32>
    %select_n3A = arith.select %broadcast_in_dim3A_36, %reduce_sum3A_28, %broadcast_in_dim3A_37 : vector<256x128xi1>, vector<256x128xf32>
    %swap3A = arith.constant 0 : index
    %swap3A_38 = arith.constant 0 : index
    %swap3A_39 = vector.load %arg5[%swap3A, %swap3A_38] : memref<256x128xf32, #tpu.memory_space<vmem>>, vector<256x128xf32>
    tpu.vector_store %arg5[%swap3A, %swap3A_38], %select_n3A {strides = array<i32>} : memref<256x128xf32, #tpu.memory_space<vmem>>, vector<256x128xf32>,
    %get3A_40 = arith.constant 0 : index
    %get3A_41 = arith.constant 0 : index
    %get3A_42 = vector.load %arg4[%get3A_40, %get3A_41] : memref<256x128xf32, #tpu.memory_space<vmem>>, vector<256x128xf32>
    %bitcast_convert_type3A_43 = tpu.bitcast %get3A_42 : vector<256x128xf32> -> vector<256x128xi32>
    %add3A_44 = arith.constant 32767 : i32
    %add3A_45 = vector.broadcast %add3A_44 : i32 to vector<256x128xi32>
    %add3A_46 = arith.addi %bitcast_convert_type3A_43, %add3A_45 : vector<256x128xi32>
    %shift_right_arithmetic3A = arith.constant 16 : i32
    %shift_right_arithmetic3A_47 = vector.broadcast %shift_right_arithmetic3A : i32 to vector<256x128xi32>
    %shift_right_arithmetic3A_48 = arith.shrsi %bitcast_convert_type3A_43, %shift_right_arithmetic3A_47 : vector<256x128xi32>
    %and3A_49 = arith.constant 1 : i32
    %and3A_50 = vector.broadcast %and3A_49 : i32 to vector<256x128xi32>
    %and3A_51 = arith.andi %shift_right_arithmetic3A_48, %and3A_50 : vector<256x128xi32>
    %add3A_52 = arith.addi %add3A_46, %and3A_51 : vector<256x128xi32>
    %shift_right_arithmetic3A_53 = arith.constant 16 : i32
    %shift_right_arithmetic3A_54 = vector.broadcast %shift_right_arithmetic3A_53 : i32 to vector<256x128xi32>
    %shift_right_arithmetic3A_55 = arith.shrsi %add3A_52, %shift_right_arithmetic3A_54 : vector<256x128xi32>
    %and3A_56 = arith.constant 65535 : i32
    %and3A_57 = vector.broadcast %and3A_56 : i32 to vector<256x128xi32>
    %and3A_58 = arith.andi %shift_right_arithmetic3A_55, %and3A_57 : vector<256x128xi32>
    %bitcast_convert_type3A_59 = tpu.bitcast %select_n3A : vector<256x128xf32> -> vector<256x128xi32>
    %add3A_60 = arith.constant 32767 : i32
    %add3A_61 = vector.broadcast %add3A_60 : i32 to vector<256x128xi32>
    %add3A_62 = arith.addi %bitcast_convert_type3A_59, %add3A_61 : vector<256x128xi32>
    %shift_right_arithmetic3A_63 = arith.constant 16 : i32
    %shift_right_arithmetic3A_64 = vector.broadcast %shift_right_arithmetic3A_63 : i32 to vector<256x128xi32>
    %shift_right_arithmetic3A_65 = arith.shrsi %bitcast_convert_type3A_59, %shift_right_arithmetic3A_64 : vector<256x128xi32>
    %and3A_66 = arith.constant 1 : i32
    %and3A_67 = vector.broadcast %and3A_66 : i32 to vector<256x128xi32>
    %and3A_68 = arith.andi %shift_right_arithmetic3A_65, %and3A_67 : vector<256x128xi32>
    %add3A_69 = arith.addi %add3A_62, %and3A_68 : vector<256x128xi32>
    %shift_right_arithmetic3A_70 = arith.constant 16 : i32
    %shift_right_arithmetic3A_71 = vector.broadcast %shift_right_arithmetic3A_70 : i32 to vector<256x128xi32>
    %shift_right_arithmetic3A_72 = arith.shrsi %add3A_69, %shift_right_arithmetic3A_71 : vector<256x128xi32>
    %and3A_73 = arith.constant 65535 : i32
    %and3A_74 = vector.broadcast %and3A_73 : i32 to vector<256x128xi32>
    %and3A_75 = arith.andi %shift_right_arithmetic3A_72, %and3A_74 : vector<256x128xi32>
    %shift_left3A_76 = arith.constant 16 : i32
    %shift_left3A_77 = vector.broadcast %shift_left3A_76 : i32 to vector<256x128xi32>
    %shift_left3A_78 = arith.shli %and3A_75, %shift_left3A_77 : vector<256x128xi32>
    %or3A = arith.ori %and3A_58, %shift_left3A_78 : vector<256x128xi32>
    %swap3A_79 = arith.constant 0 : index
    %swap3A_80 = arith.constant 0 : index
    %swap3A_81 = vector.load %arg6[%swap3A_79, %swap3A_80] : memref<256x128xi32, #tpu.memory_space<vmem>>, vector<256x128xi32>
    tpu.vector_store %arg6[%swap3A_79, %swap3A_80], %or3A {strides = array<i32>} : memref<256x128xi32, #tpu.memory_space<vmem>>, vector<256x128xi32>,
    return
  }
  func.func @transform_0(%arg0: i32) -> (i32, i32, i32) {
    %c0_i32 = arith.constant 0 : i32
    %c0_i32_0 = arith.constant 0 : i32
    %c0_i32_1 = arith.constant 0 : i32
    return %arg0, %c0_i32, %c0_i32_0 : i32, i32, i32
  }
  func.func @transform_1(%arg0: i32) -> (i32, i32, i32) {
    %c0_i32 = arith.constant 0 : i32
    %c0_i32_0 = arith.constant 0 : i32
    %c0_i32_1 = arith.constant 0 : i32
    return %arg0, %c0_i32, %c0_i32_0 : i32, i32, i32
  }
  func.func @transform_2(%arg0: i32) -> (i32, i32, i32) {
    %c0_i32 = arith.constant 0 : i32
    %c0_i32_0 = arith.constant 0 : i32
    %c0_i32_1 = arith.constant 0 : i32
    %c0_i32_2 = arith.constant 0 : i32
    return %c0_i32, %c0_i32_0, %c0_i32_1 : i32, i32, i32
  }
  func.func @transform_3(%arg0: i32) -> (i32, i32) {
    %c0_i32 = arith.constant 0 : i32
    %c0_i32_0 = arith.constant 0 : i32
    return %arg0, %c0_i32 : i32, i32
  }
  func.func @transform_4(%arg0: i32) -> (i32, i32) {
    %c0_i32 = arith.constant 0 : i32
    %c0_i32_0 = arith.constant 0 : i32
    return %arg0, %c0_i32 : i32, i32
  }
  func.func @transform_5(%arg0: i32) -> (i32, i32) {
    %c0_i32 = arith.constant 0 : i32
    %c0_i32_0 = arith.constant 0 : i32
    return %arg0, %c0_i32 : i32, i32
  }
}

module attributes {stable_mosaic.version = 14 : i64} {
  func.func @_t2_body(%arg0: i32, %arg1: memref<256x10x128xf32, #tpu.memory_space<vmem>>, %arg2: memref<256x10x128xi32, #tpu.memory_space<vmem>>, %arg3: memref<1x1x128xf32, #tpu.memory_space<vmem>>, %arg4: memref<256x128xf32, #tpu.memory_space<vmem>>, %arg5: memref<256x128xf32, #tpu.memory_space<vmem>>, %arg6: memref<256x128xi32, #tpu.memory_space<vmem>>) attributes {dimension_semantics = [#tpu.dimension_semantics<arbitrary>], iteration_bounds = array<i64: 40>, scalar_prefetch = 0 : i64, scratch_operands = 0 : i64, tpu.core_type = #tpu.core_type<tc>, window_params = [{transform_indices = @transform_0, window_bounds = array<i64: 256, 10, 128>}, {transform_indices = @transform_1, window_bounds = array<i64: 256, 10, 128>}, {pipeline_mode = #tpu.pipeline_mode<synchronous>, transform_indices = @transform_2, window_bounds = array<i64: 1, 1, 128>}, {transform_indices = @transform_3, window_bounds = array<i64: 256, 128>}, {transform_indices = @transform_4, window_bounds = array<i64: 256, 128>}, {transform_indices = @transform_5, window_bounds = array<i64: 256, 128>}]} {
    %get3A = arith.constant 0 : index
    %get3A_0 = arith.constant 0 : index
    %get3A_1 = arith.constant 0 : index
    %get3A_2 = vector.load %arg1[%get3A, %get3A_0, %get3A_1] : memref<256x10x128xf32, #tpu.memory_space<vmem>>, vector<256x10x128xf32>
    %get3A_3 = arith.constant 0 : index
    %get3A_4 = arith.constant 0 : index
    %get3A_5 = arith.constant 0 : index
    %get3A_6 = vector.load %arg2[%get3A_3, %get3A_4, %get3A_5] : memref<256x10x128xi32, #tpu.memory_space<vmem>>, vector<256x10x128xi32>
    %shift_left3A = arith.constant 16 : i32
    %shift_left3A_7 = vector.broadcast %shift_left3A : i32 to vector<256x10x128xi32>
    %shift_left3A_8 = arith.shli %get3A_6, %shift_left3A_7 : vector<256x10x128xi32>
    %bitcast_convert_type3A = tpu.bitcast %shift_left3A_8 : vector<256x10x128xi32> -> vector<256x10x128xf32>
    %and3A = arith.constant -65536 : i32
    %and3A_9 = vector.broadcast %and3A : i32 to vector<256x10x128xi32>
    %and3A_10 = arith.andi %get3A_6, %and3A_9 : vector<256x10x128xi32>
    %bitcast_convert_type3A_11 = tpu.bitcast %and3A_10 : vector<256x10x128xi32> -> vector<256x10x128xf32>
    %add3A = arith.addf %get3A_2, %bitcast_convert_type3A_11 : vector<256x10x128xf32>
    %tanh3A = math.tanh %add3A : vector<256x10x128xf32>
    %get3A_12 = arith.constant 0 : index
    %get3A_13 = arith.constant 0 : index
    %get3A_14 = arith.constant 0 : index
    %get3A_15 = vector.load %arg3[%get3A_12, %get3A_13, %get3A_14] : memref<1x1x128xf32, #tpu.memory_space<vmem>>, vector<1x1x128xf32>
    %mul3A = vector.broadcast %get3A_15 : vector<1x1x128xf32> to vector<256x10x128xf32>
    %mul3A_16 = arith.mulf %tanh3A, %mul3A : vector<256x10x128xf32>
    %reduce_sum3A = arith.constant dense<0.000000e+00> : vector<256x10xf32>
    %reduce_sum3A_17 = vector.multi_reduction <add>, %mul3A_16, %reduce_sum3A [2] : vector<256x10x128xf32> to vector<256x10xf32>
    %reduce_max3A = arith.constant dense<0xFF800000> : vector<256xf32>
    %reduce_max3A_18 = vector.multi_reduction <maximumf>, %reduce_sum3A_17, %reduce_max3A [1] : vector<256x10xf32> to vector<256xf32>
    %broadcast_in_dim3A = vector.shape_cast %reduce_max3A_18 : vector<256xf32> to vector<256x1xf32>
    %sub3A = vector.broadcast %broadcast_in_dim3A : vector<256x1xf32> to vector<256x10xf32>
    %sub3A_19 = arith.subf %reduce_sum3A_17, %sub3A : vector<256x10xf32>
    %exp3A = math.exp %sub3A_19 : vector<256x10xf32>
    %reduce_sum3A_20 = arith.constant dense<0.000000e+00> : vector<256xf32>
    %reduce_sum3A_21 = vector.multi_reduction <add>, %exp3A, %reduce_sum3A_20 [1] : vector<256x10xf32> to vector<256xf32>
    %broadcast_in_dim3A_22 = vector.shape_cast %reduce_sum3A_21 : vector<256xf32> to vector<256x1xf32>
    %div3A = vector.broadcast %broadcast_in_dim3A_22 : vector<256x1xf32> to vector<256x10xf32>
    %div3A_23 = arith.divf %exp3A, %div3A : vector<256x10xf32>
    %broadcast_in_dim3A_24 = vector.shape_cast %div3A_23 : vector<256x10xf32> to vector<256x10x1xf32>
    %mul3A_25 = vector.broadcast %broadcast_in_dim3A_24 : vector<256x10x1xf32> to vector<256x10x128xf32>
    %mul3A_26 = arith.mulf %mul3A_25, %bitcast_convert_type3A : vector<256x10x128xf32>
    %reduce_sum3A_27 = arith.constant dense<0.000000e+00> : vector<256x128xf32>
    %reduce_sum3A_28 = vector.multi_reduction <add>, %mul3A_26, %reduce_sum3A_27 [1] : vector<256x10x128xf32> to vector<256x128xf32>
    %mul3A_29 = arith.constant 256 : i32
    %mul3A_30 = arith.muli %arg0, %mul3A_29 : i32
    %iota3A = tpu.iota {dimensions = array<i32: 0>} : vector<256x1xi32>
    %add3A_31 = vector.broadcast %mul3A_30 : i32 to vector<256x1xi32>
    %add3A_32 = arith.addi %add3A_31, %iota3A : vector<256x1xi32>
    %lt3A = arith.constant 10000 : i32
    %lt3A_33 = vector.broadcast %lt3A : i32 to vector<256x1xi32>
    %lt3A_34 = arith.cmpi slt, %add3A_32, %lt3A_33 : vector<256x1xi32>
    %jit3A = arith.constant 0.000000e+00 : f32
    %broadcast_in_dim3A_35 = vector.shape_cast %lt3A_34 : vector<256x1xi1> to vector<256x1xi1>
    %broadcast_in_dim3A_36 = vector.broadcast %broadcast_in_dim3A_35 : vector<256x1xi1> to vector<256x128xi1>
    %broadcast_in_dim3A_37 = vector.broadcast %jit3A : f32 to vector<256x128xf32>
    %select_n3A = arith.select %broadcast_in_dim3A_36, %reduce_sum3A_28, %broadcast_in_dim3A_37 : vector<256x128xi1>, vector<256x128xf32>
    %swap3A = arith.constant 0 : index
    %swap3A_38 = arith.constant 0 : index
    %swap3A_39 = vector.load %arg5[%swap3A, %swap3A_38] : memref<256x128xf32, #tpu.memory_space<vmem>>, vector<256x128xf32>
    tpu.vector_store %arg5[%swap3A, %swap3A_38], %select_n3A {strides = array<i32>} : memref<256x128xf32, #tpu.memory_space<vmem>>, vector<256x128xf32>,
    %get3A_40 = arith.constant 0 : index
    %get3A_41 = arith.constant 0 : index
    %get3A_42 = vector.load %arg4[%get3A_40, %get3A_41] : memref<256x128xf32, #tpu.memory_space<vmem>>, vector<256x128xf32>
    %bitcast_convert_type3A_43 = tpu.bitcast %get3A_42 : vector<256x128xf32> -> vector<256x128xi32>
    %add3A_44 = arith.constant 32767 : i32
    %add3A_45 = vector.broadcast %add3A_44 : i32 to vector<256x128xi32>
    %add3A_46 = arith.addi %bitcast_convert_type3A_43, %add3A_45 : vector<256x128xi32>
    %shift_right_arithmetic3A = arith.constant 16 : i32
    %shift_right_arithmetic3A_47 = vector.broadcast %shift_right_arithmetic3A : i32 to vector<256x128xi32>
    %shift_right_arithmetic3A_48 = arith.shrsi %bitcast_convert_type3A_43, %shift_right_arithmetic3A_47 : vector<256x128xi32>
    %and3A_49 = arith.constant 1 : i32
    %and3A_50 = vector.broadcast %and3A_49 : i32 to vector<256x128xi32>
    %and3A_51 = arith.andi %shift_right_arithmetic3A_48, %and3A_50 : vector<256x128xi32>
    %add3A_52 = arith.addi %add3A_46, %and3A_51 : vector<256x128xi32>
    %shift_right_arithmetic3A_53 = arith.constant 16 : i32
    %shift_right_arithmetic3A_54 = vector.broadcast %shift_right_arithmetic3A_53 : i32 to vector<256x128xi32>
    %shift_right_arithmetic3A_55 = arith.shrsi %add3A_52, %shift_right_arithmetic3A_54 : vector<256x128xi32>
    %and3A_56 = arith.constant 65535 : i32
    %and3A_57 = vector.broadcast %and3A_56 : i32 to vector<256x128xi32>
    %and3A_58 = arith.andi %shift_right_arithmetic3A_55, %and3A_57 : vector<256x128xi32>
    %bitcast_convert_type3A_59 = tpu.bitcast %select_n3A : vector<256x128xf32> -> vector<256x128xi32>
    %add3A_60 = arith.constant 32767 : i32
    %add3A_61 = vector.broadcast %add3A_60 : i32 to vector<256x128xi32>
    %add3A_62 = arith.addi %bitcast_convert_type3A_59, %add3A_61 : vector<256x128xi32>
    %shift_right_arithmetic3A_63 = arith.constant 16 : i32
    %shift_right_arithmetic3A_64 = vector.broadcast %shift_right_arithmetic3A_63 : i32 to vector<256x128xi32>
    %shift_right_arithmetic3A_65 = arith.shrsi %bitcast_convert_type3A_59, %shift_right_arithmetic3A_64 : vector<256x128xi32>
    %and3A_66 = arith.constant 1 : i32
    %and3A_67 = vector.broadcast %and3A_66 : i32 to vector<256x128xi32>
    %and3A_68 = arith.andi %shift_right_arithmetic3A_65, %and3A_67 : vector<256x128xi32>
    %add3A_69 = arith.addi %add3A_62, %and3A_68 : vector<256x128xi32>
    %shift_right_arithmetic3A_70 = arith.constant 16 : i32
    %shift_right_arithmetic3A_71 = vector.broadcast %shift_right_arithmetic3A_70 : i32 to vector<256x128xi32>
    %shift_right_arithmetic3A_72 = arith.shrsi %add3A_69, %shift_right_arithmetic3A_71 : vector<256x128xi32>
    %and3A_73 = arith.constant 65535 : i32
    %and3A_74 = vector.broadcast %and3A_73 : i32 to vector<256x128xi32>
    %and3A_75 = arith.andi %shift_right_arithmetic3A_72, %and3A_74 : vector<256x128xi32>
    %shift_left3A_76 = arith.constant 16 : i32
    %shift_left3A_77 = vector.broadcast %shift_left3A_76 : i32 to vector<256x128xi32>
    %shift_left3A_78 = arith.shli %and3A_75, %shift_left3A_77 : vector<256x128xi32>
    %or3A = arith.ori %and3A_58, %shift_left3A_78 : vector<256x128xi32>
    %swap3A_79 = arith.constant 0 : index
    %swap3A_80 = arith.constant 0 : index
    %swap3A_81 = vector.load %arg6[%swap3A_79, %swap3A_80] : memref<256x128xi32, #tpu.memory_space<vmem>>, vector<256x128xi32>
    tpu.vector_store %arg6[%swap3A_79, %swap3A_80], %or3A {strides = array<i32>} : memref<256x128xi32, #tpu.memory_space<vmem>>, vector<256x128xi32>,
    return
  }
  func.func @transform_0(%arg0: i32) -> (i32, i32, i32) {
    %c0_i32 = arith.constant 0 : i32
    %c0_i32_0 = arith.constant 0 : i32
    %c0_i32_1 = arith.constant 0 : i32
    return %arg0, %c0_i32, %c0_i32_0 : i32, i32, i32
  }
  func.func @transform_1(%arg0: i32) -> (i32, i32, i32) {
    %c0_i32 = arith.constant 0 : i32
    %c0_i32_0 = arith.constant 0 : i32
    %c0_i32_1 = arith.constant 0 : i32
    return %arg0, %c0_i32, %c0_i32_0 : i32, i32, i32
  }
  func.func @transform_2(%arg0: i32) -> (i32, i32, i32) {
    %c0_i32 = arith.constant 0 : i32
    %c0_i32_0 = arith.constant 0 : i32
    %c0_i32_1 = arith.constant 0 : i32
    %c0_i32_2 = arith.constant 0 : i32
    return %c0_i32, %c0_i32_0, %c0_i32_1 : i32, i32, i32
  }
  func.func @transform_3(%arg0: i32) -> (i32, i32) {
    %c0_i32 = arith.constant 0 : i32
    %c0_i32_0 = arith.constant 0 : i32
    return %arg0, %c0_i32 : i32, i32
  }
  func.func @transform_4(%arg0: i32) -> (i32, i32) {
    %c0_i32 = arith.constant 0 : i32
    %c0_i32_0 = arith.constant 0 : i32
    return %arg0, %c0_i32 : i32, i32
  }
  func.func @transform_5(%arg0: i32) -> (i32, i32) {
    %c0_i32 = arith.constant 0 : i32
    %c0_i32_0 = arith.constant 0 : i32
    return %arg0, %c0_i32 : i32, i32
  }
}

module attributes {stable_mosaic.version = 14 : i64} {
  func.func @_t5_body(%arg0: i32, %arg1: memref<1x64x3000xf32, #tpu.memory_space<vmem>>, %arg2: memref<3000x128xf32, #tpu.memory_space<vmem>>, %arg3: memref<1x64x128xf32, #tpu.memory_space<vmem>>) attributes {dimension_semantics = [#tpu.dimension_semantics<arbitrary>], iteration_bounds = array<i64: 10>, scalar_prefetch = 0 : i64, scratch_operands = 0 : i64, tpu.core_type = #tpu.core_type<tc>, window_params = [{transform_indices = @transform_0, window_bounds = array<i64: 1, 64, 3000>}, {pipeline_mode = #tpu.pipeline_mode<synchronous>, transform_indices = @transform_1, window_bounds = array<i64: 3000, 128>}, {transform_indices = @transform_2, window_bounds = array<i64: 1, 64, 128>}]} {
    %get3A = arith.constant 0 : index
    %get3A_0 = arith.constant 0 : index
    %get3A_1 = arith.constant 0 : index
    %get3A_2 = vector.load %arg1[%get3A, %get3A_0, %get3A_1] : memref<1x64x3000xf32, #tpu.memory_space<vmem>>, vector<1x64x3000xf32>
    %get3A_3 = vector.shape_cast %get3A_2 : vector<1x64x3000xf32> to vector<64x3000xf32>
    %get3A_4 = arith.constant 0 : index
    %get3A_5 = arith.constant 0 : index
    %get3A_6 = vector.load %arg2[%get3A_4, %get3A_5] : memref<3000x128xf32, #tpu.memory_space<vmem>>, vector<3000x128xf32>
    %dot_general3A = arith.constant dense<0.000000e+00> : vector<64x128xf32>
    %dot_general3A_7 = tpu.matmul %get3A_3, %get3A_6, %dot_general3A {dimension_numbers = #tpu.dot_dimension_numbers<[1], [0], [0], [1], [0, 0, 1, 1], [], []>, transpose_lhs_hint = false} : vector<64x3000xf32>, vector<3000x128xf32>, vector<64x128xf32> -> vector<64x128xf32>
    %swap3A = arith.constant 0 : index
    %swap3A_8 = arith.constant 0 : index
    %swap3A_9 = arith.constant 0 : index
    %swap3A_10 = vector.load %arg3[%swap3A, %swap3A_8, %swap3A_9] : memref<1x64x128xf32, #tpu.memory_space<vmem>>, vector<1x64x128xf32>
    %swap3A_11 = vector.shape_cast %swap3A_10 : vector<1x64x128xf32> to vector<64x128xf32>
    %swap3A_12 = vector.shape_cast %dot_general3A_7 : vector<64x128xf32> to vector<1x64x128xf32>
    tpu.vector_store %arg3[%swap3A, %swap3A_8, %swap3A_9], %swap3A_12 {strides = array<i32>} : memref<1x64x128xf32, #tpu.memory_space<vmem>>, vector<1x64x128xf32>,
    return
  }
  func.func @transform_0(%arg0: i32) -> (i32, i32, i32) {
    %c0_i32 = arith.constant 0 : i32
    %c0_i32_0 = arith.constant 0 : i32
    %c0_i32_1 = arith.constant 0 : i32
    return %arg0, %c0_i32, %c0_i32_0 : i32, i32, i32
  }
  func.func @transform_1(%arg0: i32) -> (i32, i32) {
    %c0_i32 = arith.constant 0 : i32
    %c0_i32_0 = arith.constant 0 : i32
    %c0_i32_1 = arith.constant 0 : i32
    return %c0_i32, %c0_i32_0 : i32, i32
  }
  func.func @transform_2(%arg0: i32) -> (i32, i32, i32) {
    %c0_i32 = arith.constant 0 : i32
    %c0_i32_0 = arith.constant 0 : i32
    %c0_i32_1 = arith.constant 0 : i32
    return %arg0, %c0_i32, %c0_i32_0 : i32, i32, i32
  }
}

module attributes {stable_mosaic.version = 14 : i64} {
  func.func @_t5_body(%arg0: i32, %arg1: memref<1x64x10000xf32, #tpu.memory_space<vmem>>, %arg2: memref<10000x128xf32, #tpu.memory_space<vmem>>, %arg3: memref<1x64x128xf32, #tpu.memory_space<vmem>>) attributes {dimension_semantics = [#tpu.dimension_semantics<arbitrary>], iteration_bounds = array<i64: 10>, scalar_prefetch = 0 : i64, scratch_operands = 0 : i64, tpu.core_type = #tpu.core_type<tc>, window_params = [{transform_indices = @transform_0, window_bounds = array<i64: 1, 64, 10000>}, {pipeline_mode = #tpu.pipeline_mode<synchronous>, transform_indices = @transform_1, window_bounds = array<i64: 10000, 128>}, {transform_indices = @transform_2, window_bounds = array<i64: 1, 64, 128>}]} {
    %get3A = arith.constant 0 : index
    %get3A_0 = arith.constant 0 : index
    %get3A_1 = arith.constant 0 : index
    %get3A_2 = vector.load %arg1[%get3A, %get3A_0, %get3A_1] : memref<1x64x10000xf32, #tpu.memory_space<vmem>>, vector<1x64x10000xf32>
    %get3A_3 = vector.shape_cast %get3A_2 : vector<1x64x10000xf32> to vector<64x10000xf32>
    %get3A_4 = arith.constant 0 : index
    %get3A_5 = arith.constant 0 : index
    %get3A_6 = vector.load %arg2[%get3A_4, %get3A_5] : memref<10000x128xf32, #tpu.memory_space<vmem>>, vector<10000x128xf32>
    %dot_general3A = arith.constant dense<0.000000e+00> : vector<64x128xf32>
    %dot_general3A_7 = tpu.matmul %get3A_3, %get3A_6, %dot_general3A {dimension_numbers = #tpu.dot_dimension_numbers<[1], [0], [0], [1], [0, 0, 1, 1], [], []>, transpose_lhs_hint = false} : vector<64x10000xf32>, vector<10000x128xf32>, vector<64x128xf32> -> vector<64x128xf32>
    %swap3A = arith.constant 0 : index
    %swap3A_8 = arith.constant 0 : index
    %swap3A_9 = arith.constant 0 : index
    %swap3A_10 = vector.load %arg3[%swap3A, %swap3A_8, %swap3A_9] : memref<1x64x128xf32, #tpu.memory_space<vmem>>, vector<1x64x128xf32>
    %swap3A_11 = vector.shape_cast %swap3A_10 : vector<1x64x128xf32> to vector<64x128xf32>
    %swap3A_12 = vector.shape_cast %dot_general3A_7 : vector<64x128xf32> to vector<1x64x128xf32>
    tpu.vector_store %arg3[%swap3A, %swap3A_8, %swap3A_9], %swap3A_12 {strides = array<i32>} : memref<1x64x128xf32, #tpu.memory_space<vmem>>, vector<1x64x128xf32>,
    return
  }
  func.func @transform_0(%arg0: i32) -> (i32, i32, i32) {
    %c0_i32 = arith.constant 0 : i32
    %c0_i32_0 = arith.constant 0 : i32
    %c0_i32_1 = arith.constant 0 : i32
    return %arg0, %c0_i32, %c0_i32_0 : i32, i32, i32
  }
  func.func @transform_1(%arg0: i32) -> (i32, i32) {
    %c0_i32 = arith.constant 0 : i32
    %c0_i32_0 = arith.constant 0 : i32
    %c0_i32_1 = arith.constant 0 : i32
    return %c0_i32, %c0_i32_0 : i32, i32
  }
  func.func @transform_2(%arg0: i32) -> (i32, i32, i32) {
    %c0_i32 = arith.constant 0 : i32
    %c0_i32_0 = arith.constant 0 : i32
    %c0_i32_1 = arith.constant 0 : i32
    return %arg0, %c0_i32, %c0_i32_0 : i32, i32, i32
  }
}

module attributes {stable_mosaic.version = 14 : i64} {
  func.func @_t3_body(%arg0: i32, %arg1: memref<64x20x128xi32, #tpu.memory_space<vmem>>, %arg2: memref<64x15x128xi32, #tpu.memory_space<vmem>>, %arg3: memref<64x128xf32, #tpu.memory_space<vmem>>, %arg4: memref<64x35x128xf32, #tpu.memory_space<vmem>>) attributes {dimension_semantics = [#tpu.dimension_semantics<arbitrary>], iteration_bounds = array<i64: 10>, scalar_prefetch = 0 : i64, scratch_operands = 0 : i64, tpu.core_type = #tpu.core_type<tc>, window_params = [{transform_indices = @transform_0, window_bounds = array<i64: 64, 20, 128>}, {transform_indices = @transform_1, window_bounds = array<i64: 64, 15, 128>}, {transform_indices = @transform_2, window_bounds = array<i64: 64, 128>}, {transform_indices = @transform_3, window_bounds = array<i64: 64, 35, 128>}]} {
    %get3A = arith.constant 0 : index
    %get3A_0 = arith.constant 0 : index
    %get3A_1 = arith.constant 0 : index
    %get3A_2 = vector.load %arg1[%get3A, %get3A_0, %get3A_1] : memref<64x20x128xi32, #tpu.memory_space<vmem>>, vector<64x20x128xi32>
    %get3A_3 = arith.constant 0 : index
    %get3A_4 = arith.constant 0 : index
    %get3A_5 = arith.constant 0 : index
    %get3A_6 = vector.load %arg2[%get3A_3, %get3A_4, %get3A_5] : memref<64x15x128xi32, #tpu.memory_space<vmem>>, vector<64x15x128xi32>
    %shift_left3A = arith.constant 16 : i32
    %shift_left3A_7 = vector.broadcast %shift_left3A : i32 to vector<64x20x128xi32>
    %shift_left3A_8 = arith.shli %get3A_2, %shift_left3A_7 : vector<64x20x128xi32>
    %bitcast_convert_type3A = tpu.bitcast %shift_left3A_8 : vector<64x20x128xi32> -> vector<64x20x128xf32>
    %shift_left3A_9 = arith.constant 16 : i32
    %shift_left3A_10 = vector.broadcast %shift_left3A_9 : i32 to vector<64x15x128xi32>
    %shift_left3A_11 = arith.shli %get3A_6, %shift_left3A_10 : vector<64x15x128xi32>
    %bitcast_convert_type3A_12 = tpu.bitcast %shift_left3A_11 : vector<64x15x128xi32> -> vector<64x15x128xf32>
    %reduce_sum3A = arith.constant dense<0.000000e+00> : vector<64x128xf32>
    %reduce_sum3A_13 = vector.multi_reduction <add>, %bitcast_convert_type3A, %reduce_sum3A [1] : vector<64x20x128xf32> to vector<64x128xf32>
    %reduce_sum3A_14 = arith.constant dense<0.000000e+00> : vector<64x128xf32>
    %reduce_sum3A_15 = vector.multi_reduction <add>, %bitcast_convert_type3A_12, %reduce_sum3A_14 [1] : vector<64x15x128xf32> to vector<64x128xf32>
    %mul3A = arith.mulf %reduce_sum3A_13, %reduce_sum3A_13 : vector<64x128xf32>
    %reduce_sum3A_16 = arith.constant dense<0.000000e+00> : vector<64xf32>
    %reduce_sum3A_17 = vector.multi_reduction <add>, %mul3A, %reduce_sum3A_16 [1] : vector<64x128xf32> to vector<64xf32>
    %broadcast_in_dim3A = vector.shape_cast %reduce_sum3A_17 : vector<64xf32> to vector<64x1xf32>
    %max3A = arith.constant 1.000000e-24 : f32
    %max3A_18 = vector.broadcast %max3A : f32 to vector<64x1xf32>
    %max3A_19 = arith.maximumf %broadcast_in_dim3A, %max3A_18 : vector<64x1xf32>
    %rsqrt3A = math.rsqrt %max3A_19 : vector<64x1xf32>
    %mul3A_20 = vector.broadcast %rsqrt3A : vector<64x1xf32> to vector<64x128xf32>
    %mul3A_21 = arith.mulf %reduce_sum3A_13, %mul3A_20 : vector<64x128xf32>
    %mul3A_22 = arith.mulf %reduce_sum3A_15, %reduce_sum3A_15 : vector<64x128xf32>
    %reduce_sum3A_23 = arith.constant dense<0.000000e+00> : vector<64xf32>
    %reduce_sum3A_24 = vector.multi_reduction <add>, %mul3A_22, %reduce_sum3A_23 [1] : vector<64x128xf32> to vector<64xf32>
    %broadcast_in_dim3A_25 = vector.shape_cast %reduce_sum3A_24 : vector<64xf32> to vector<64x1xf32>
    %max3A_26 = arith.constant 1.000000e-24 : f32
    %max3A_27 = vector.broadcast %max3A_26 : f32 to vector<64x1xf32>
    %max3A_28 = arith.maximumf %broadcast_in_dim3A_25, %max3A_27 : vector<64x1xf32>
    %rsqrt3A_29 = math.rsqrt %max3A_28 : vector<64x1xf32>
    %mul3A_30 = vector.broadcast %rsqrt3A_29 : vector<64x1xf32> to vector<64x128xf32>
    %mul3A_31 = arith.mulf %reduce_sum3A_15, %mul3A_30 : vector<64x128xf32>
    %add3A = arith.addf %mul3A_21, %mul3A_31 : vector<64x128xf32>
    %swap3A = arith.constant 0 : index
    %swap3A_32 = arith.constant 0 : index
    %swap3A_33 = vector.load %arg3[%swap3A, %swap3A_32] : memref<64x128xf32, #tpu.memory_space<vmem>>, vector<64x128xf32>
    tpu.vector_store %arg3[%swap3A, %swap3A_32], %add3A {strides = array<i32>} : memref<64x128xf32, #tpu.memory_space<vmem>>, vector<64x128xf32>,
    %and3A = arith.constant -65536 : i32
    %and3A_34 = vector.broadcast %and3A : i32 to vector<64x20x128xi32>
    %and3A_35 = arith.andi %get3A_2, %and3A_34 : vector<64x20x128xi32>
    %bitcast_convert_type3A_36 = tpu.bitcast %and3A_35 : vector<64x20x128xi32> -> vector<64x20x128xf32>
    %swap3A_37 = arith.constant 0 : index
    %swap3A_38 = arith.constant 0 : index
    %swap3A_39 = arith.constant 0 : index
    %swap3A_40 = vector.load %arg4[%swap3A_37, %swap3A_38, %swap3A_39] : memref<64x35x128xf32, #tpu.memory_space<vmem>>, vector<64x20x128xf32>
    tpu.vector_store %arg4[%swap3A_37, %swap3A_38, %swap3A_39], %bitcast_convert_type3A_36 {strides = array<i32>} : memref<64x35x128xf32, #tpu.memory_space<vmem>>, vector<64x20x128xf32>,
    %and3A_41 = arith.constant -65536 : i32
    %and3A_42 = vector.broadcast %and3A_41 : i32 to vector<64x15x128xi32>
    %and3A_43 = arith.andi %get3A_6, %and3A_42 : vector<64x15x128xi32>
    %bitcast_convert_type3A_44 = tpu.bitcast %and3A_43 : vector<64x15x128xi32> -> vector<64x15x128xf32>
    %swap3A_45 = arith.constant 0 : index
    %swap3A_46 = arith.constant 20 : index
    %swap3A_47 = arith.constant 0 : index
    %swap3A_48 = vector.load %arg4[%swap3A_45, %swap3A_46, %swap3A_47] : memref<64x35x128xf32, #tpu.memory_space<vmem>>, vector<64x15x128xf32>
    tpu.vector_store %arg4[%swap3A_45, %swap3A_46, %swap3A_47], %bitcast_convert_type3A_44 {strides = array<i32>} : memref<64x35x128xf32, #tpu.memory_space<vmem>>, vector<64x15x128xf32>,
    return
  }
  func.func @transform_0(%arg0: i32) -> (i32, i32, i32) {
    %c0_i32 = arith.constant 0 : i32
    %c0_i32_0 = arith.constant 0 : i32
    %c0_i32_1 = arith.constant 0 : i32
    return %arg0, %c0_i32, %c0_i32_0 : i32, i32, i32
  }
  func.func @transform_1(%arg0: i32) -> (i32, i32, i32) {
    %c0_i32 = arith.constant 0 : i32
    %c0_i32_0 = arith.constant 0 : i32
    %c0_i32_1 = arith.constant 0 : i32
    return %arg0, %c0_i32, %c0_i32_0 : i32, i32, i32
  }
  func.func @transform_2(%arg0: i32) -> (i32, i32) {
    %c0_i32 = arith.constant 0 : i32
    %c0_i32_0 = arith.constant 0 : i32
    return %arg0, %c0_i32 : i32, i32
  }
  func.func @transform_3(%arg0: i32) -> (i32, i32, i32) {
    %c0_i32 = arith.constant 0 : i32
    %c0_i32_0 = arith.constant 0 : i32
    %c0_i32_1 = arith.constant 0 : i32
    return %arg0, %c0_i32, %c0_i32_0 : i32, i32, i32
  }
}

module attributes {stable_mosaic.version = 14 : i64} {
  func.func @_t4_body(%arg0: i32, %arg1: memref<64x128xf32, #tpu.memory_space<vmem>>, %arg2: memref<128x13000xf32, #tpu.memory_space<vmem>>, %arg3: memref<1x13000xf32, #tpu.memory_space<vmem>>, %arg4: memref<64x13000xf32, #tpu.memory_space<vmem>>) attributes {dimension_semantics = [#tpu.dimension_semantics<arbitrary>], iteration_bounds = array<i64: 10>, scalar_prefetch = 0 : i64, scratch_operands = 0 : i64, tpu.core_type = #tpu.core_type<tc>, window_params = [{transform_indices = @transform_0, window_bounds = array<i64: 64, 128>}, {pipeline_mode = #tpu.pipeline_mode<synchronous>, transform_indices = @transform_1, window_bounds = array<i64: 128, 13000>}, {pipeline_mode = #tpu.pipeline_mode<synchronous>, transform_indices = @transform_2, window_bounds = array<i64: 1, 13000>}, {transform_indices = @transform_3, window_bounds = array<i64: 64, 13000>}]} {
    %get3A = arith.constant 0 : index
    %get3A_0 = arith.constant 0 : index
    %get3A_1 = vector.load %arg1[%get3A, %get3A_0] : memref<64x128xf32, #tpu.memory_space<vmem>>, vector<64x128xf32>
    %get3A_2 = arith.constant 0 : index
    %get3A_3 = arith.constant 0 : index
    %get3A_4 = vector.load %arg2[%get3A_2, %get3A_3] : memref<128x13000xf32, #tpu.memory_space<vmem>>, vector<128x13000xf32>
    %dot_general3A = arith.constant dense<0.000000e+00> : vector<64x13000xf32>
    %dot_general3A_5 = tpu.matmul %get3A_1, %get3A_4, %dot_general3A {dimension_numbers = #tpu.dot_dimension_numbers<[1], [0], [0], [1], [0, 0, 1, 1], [], []>, transpose_lhs_hint = false} : vector<64x128xf32>, vector<128x13000xf32>, vector<64x13000xf32> -> vector<64x13000xf32>
    %get3A_6 = arith.constant 0 : index
    %get3A_7 = arith.constant 0 : index
    %get3A_8 = vector.load %arg3[%get3A_6, %get3A_7] : memref<1x13000xf32, #tpu.memory_space<vmem>>, vector<1x13000xf32>
    %add3A = vector.broadcast %get3A_8 : vector<1x13000xf32> to vector<64x13000xf32>
    %add3A_9 = arith.addf %dot_general3A_5, %add3A : vector<64x13000xf32>
    %reduce_max3A = arith.constant dense<0xFF800000> : vector<64xf32>
    %reduce_max3A_10 = vector.multi_reduction <maximumf>, %add3A_9, %reduce_max3A [1] : vector<64x13000xf32> to vector<64xf32>
    %broadcast_in_dim3A = vector.shape_cast %reduce_max3A_10 : vector<64xf32> to vector<64x1xf32>
    %sub3A = vector.broadcast %broadcast_in_dim3A : vector<64x1xf32> to vector<64x13000xf32>
    %sub3A_11 = arith.subf %add3A_9, %sub3A : vector<64x13000xf32>
    %exp3A = math.exp %sub3A_11 : vector<64x13000xf32>
    %reduce_sum3A = arith.constant dense<0.000000e+00> : vector<64xf32>
    %reduce_sum3A_12 = vector.multi_reduction <add>, %exp3A, %reduce_sum3A [1] : vector<64x13000xf32> to vector<64xf32>
    %broadcast_in_dim3A_13 = vector.shape_cast %reduce_sum3A_12 : vector<64xf32> to vector<64x1xf32>
    %div3A = vector.broadcast %broadcast_in_dim3A_13 : vector<64x1xf32> to vector<64x13000xf32>
    %div3A_14 = arith.divf %exp3A, %div3A : vector<64x13000xf32>
    %swap3A = arith.constant 0 : index
    %swap3A_15 = arith.constant 0 : index
    %swap3A_16 = vector.load %arg4[%swap3A, %swap3A_15] : memref<64x13000xf32, #tpu.memory_space<vmem>>, vector<64x13000xf32>
    tpu.vector_store %arg4[%swap3A, %swap3A_15], %div3A_14 {strides = array<i32>} : memref<64x13000xf32, #tpu.memory_space<vmem>>, vector<64x13000xf32>,
    return
  }
  func.func @transform_0(%arg0: i32) -> (i32, i32) {
    %c0_i32 = arith.constant 0 : i32
    %c0_i32_0 = arith.constant 0 : i32
    return %arg0, %c0_i32 : i32, i32
  }
  func.func @transform_1(%arg0: i32) -> (i32, i32) {
    %c0_i32 = arith.constant 0 : i32
    %c0_i32_0 = arith.constant 0 : i32
    %c0_i32_1 = arith.constant 0 : i32
    return %c0_i32, %c0_i32_0 : i32, i32
  }
  func.func @transform_2(%arg0: i32) -> (i32, i32) {
    %c0_i32 = arith.constant 0 : i32
    %c0_i32_0 = arith.constant 0 : i32
    %c0_i32_1 = arith.constant 0 : i32
    return %c0_i32, %c0_i32_0 : i32, i32
  }
  func.func @transform_3(%arg0: i32) -> (i32, i32) {
    %c0_i32 = arith.constant 0 : i32
    %c0_i32_0 = arith.constant 0 : i32
    return %arg0, %c0_i32 : i32, i32
  }
}

</mosaic_0001>

<sc_bundles>
// kernel: kernel.11.cloned.1.call-start
scs
__scs_entry_jumppad:
0x0: {  	(pc) =	sbr.rel $0x88, $3  }
0x1: {  	(tag) =	ssettag $0x0;
	lr =	simm.s32 $0x1  }
0x2: {  	[smem:$0x3F8D] =	sst lr;
	_ =	strace $0xD0000000  }
0x3: {  	_ = 	snop  }
0x4: {  	_ = 	snop  }
0x5: {  	_ = 	snop  }
0x6: {  	_ = 	snop  }
0x7: {  	_ = 	snop  }
__scs_overlays_trampoline_lowered:
0x8: {  	[smem:$0x3F9C] =	sst s0  }
0x9: {  	[smem:$0x3F9D] =	sst s1  }
0xa: {  	[smem:$0x3F9E] =	sst s2  }
0xb: {  	[smem:$0x3F9F] =	sst s3  }
0xc: {  	[smem:$0x3FA0] =	sst s4  }
0xd: {  	[smem:$0x3FA1] =	sst s5  }
0xe: {  	[smem:$0x3FA2] =	sst s6  }
0xf: {  	[smem:$0x3FA3] =	sst s7  }
0x10: {  	[smem:$0x3FA4] =	sst s8  }
0x11: {  	[smem:$0x3FA5] =	sst s9;
	s0 =	simm.s32 @!p0 $0x0  }
0x12: {  	s1 =	sld [smem:$0x3F8B];
	s0 =	simm.s32 @p0 $0x1  }
0x13: {  	[smem:$0x3FA6] =	sst s0;
	s0 =	simm.s32 @!p1 $0x0  }
0x14: {  	s2 =	sld [smem:$0x3F8A];
	s0 =	simm.s32 @p1 $0x1  }
0x15: {  	[smem:$0x3FA7] =	sst s0;
	s0 =	simm.s32 @!p2 $0x0  }
0x16: {  	s3 =	sld [smem:$0x3FDB];
	s0 =	simm.s32 @p2 $0x1  }
0x17: {  	s4 =	simm.s32 $0x1BF5;
	[smem:$0x3FA9] =	sst s0  }
0x18: {  	s0 =	sld [smem:$0x3F8C];
	_ =	swait.ge [sflag:s4], $0x0  }
0x19: {  	s7 =	sld [smem:$0x3F8D]  }
0x1a: {  	s8 =	sadd.s32 $0xFFFFE003, lr  }
0x1b: {  	s9 =	sadd.s32 $0xFFFFFEF7, lr;
	s5 =	simm.s32 $0xFFFFFFFF;
	p2 =	slt.u32 s8, $0xFFFFF086  }
0x1c: {  	p1 =	slt.u32 s9, $0xF7A;
	s5 =	simm.s32 @!p2 $0x0  }
0x1d: {  	s5 =	simm.s32 @p1 $0x1;
	p0 =	seq.s32 s7, s2  }
0x1e: {  	s7 =	smul.u32 @!p0 $0xF7A, s2;
	p2 =	seq.s32 @!p0 s5, $0x0  }
0x1f: {  	s9 =	smul.u32 $0xF7A, s1;
	s8 =	simm.s32 @!p0 $0x1BF5;
	p2 =	por !p2, p0  }
0x20: {  	[sflag:s8] =	ssyncset.s32 @!p0 $0xFFFFF086;
	s6 =	sadd.s32 @!p0 s3, s7;
	s7 =	simm.s32 @!p0 $0x108  }
0x21: {  	s3 =	sadd.s32 s3, s9;
	s6 =	sadd.s32 @!p0 $0x88, s6;
	s7 =	simm.s32 @p2 $0x1082  }
0x22: {  	[simem:s7], [sflag:s8] =	dma.local @!p0 [hbm:s6], $0xF7A  }
0x23: {  	s9 =	sor.u32 $0xD0000000, s2;
	s6 =	simm.s32 $0x108;
	_ =	swait.ge @!p0 [sflag:s8], $0x0  }
0x24: {  	s3 =	sadd.s32 $0x88, s3;
	s6 =	simm.s32 @!p1 $0x1082;
	[sflag:s4] =	ssyncset.s32 $0xFFFFF086  }
0x25: {  	[simem:s6], [sflag:s4] =	dma.local [hbm:s3], $0xF7A  }
0x26: {  	[smem:$0x3F8D] =	sst s1;
	(tag) =	ssettag s2;
	_ =	strace s9  }
0x27: {  	s1 =	sld [smem:$0x3F9D]  }
0x28: {  	s2 =	sld [smem:$0x3F9E]  }
0x29: {  	s4 =	sld [smem:$0x3FA0]  }
0x2a: {  	p0 =	seq.s32 s5, $0x0;
	s5 =	sld [smem:$0x3FA1]  }
0x2b: {  	s6 =	sld [smem:$0x3FA2]  }
0x2c: {  	s7 =	sld [smem:$0x3FA3]  }
0x2d: {  	s3 =	simm.s32 $0x108;
	s8 =	sld [smem:$0x3FA4]  }
0x2e: {  	s3 =	simm.s32 @!p0 $0x1082;
	s9 =	sld [smem:$0x3FA5]  }
0x2f: {  	lr =	sadd.s32 s0, s3;
	s0 =	sld [smem:$0x3F9C]  }
0x30: {  	s3 =	sld [smem:$0x3F9F]  }
0x31: {  	[smem:$0x3FA8] =	sst s10  }
0x32: {  	s10 =	sld [smem:$0x3FA6];
	_ =	sdelay $0x3  }
0x33: {  	p0 =	seq.s32 s10, $0x1;
	s10 =	sld [smem:$0x3FA8];
	_ =	sdelay $0x3  }
0x34: {  	[smem:$0x3FA8] =	sst s10  }
0x35: {  	s10 =	sld [smem:$0x3FA7];
	_ =	sdelay $0x3  }
0x36: {  	p1 =	seq.s32 s10, $0x1;
	s10 =	sld [smem:$0x3FA8];
	_ =	sdelay $0x3  }
0x37: {  	[smem:$0x3FA8] =	sst s10  }
0x38: {  	s10 =	sld [smem:$0x3FA9]  }
0x39: {  	_ = 	snop;
	(pc) =	sbr.ind lr, $3  }
0x3a: {  	_ = 	snop  }
0x3b: {  	_ = 	snop  }
0x3c: {  	p2 =	seq.s32 s10, $0x1;
	s10 =	sld [smem:$0x3FA8]  }
0x3d: {  	_ =	shalt  }
0x3e: {  	_ =	shalt  }
0x3f: {  	_ =	shalt  }
0x40: {  	_ =	shalt  }
0x41: {  	_ =	shalt  }
0x42: {  	_ =	shalt  }
0x43: {  	_ =	shalt  }
0x44: {  	_ =	shalt  }
0x45: {  	_ =	shalt  }
0x46: {  	_ =	shalt  }
0x47: {  	_ =	shalt  }
0x48: {  	_ =	shalt  }
0x49: {  	_ =	shalt  }
0x4a: {  	_ =	shalt  }
0x4b: {  	_ =	shalt  }
0x4c: {  	_ =	shalt  }
0x4d: {  	_ =	shalt  }
0x4e: {  	_ =	shalt  }
0x4f: {  	_ =	shalt  }
0x50: {  	_ =	shalt  }
0x51: {  	_ =	shalt  }
0x52: {  	_ =	shalt  }
0x53: {  	_ =	shalt  }
0x54: {  	_ =	shalt  }
0x55: {  	_ =	shalt  }
0x56: {  	_ =	shalt  }
0x57: {  	_ =	shalt  }
0x58: {  	_ =	shalt  }
0x59: {  	_ =	shalt  }
0x5a: {  	_ =	shalt  }
0x5b: {  	_ =	shalt  }
0x5c: {  	_ =	shalt  }
0x5d: {  	_ =	shalt  }
0x5e: {  	_ =	shalt  }
0x5f: {  	_ =	shalt  }
0x60: {  	_ =	shalt  }
0x61: {  	_ =	shalt  }
0x62: {  	_ =	shalt  }
0x63: {  	_ =	shalt  }
0x64: {  	_ =	shalt  }
0x65: {  	_ =	shalt  }
0x66: {  	_ =	shalt  }
0x67: {  	_ =	shalt  }
0x68: {  	_ =	shalt  }
0x69: {  	_ =	shalt  }
0x6a: {  	_ =	shalt  }
0x6b: {  	_ =	shalt  }
0x6c: {  	_ =	shalt  }
0x6d: {  	_ =	shalt  }
0x6e: {  	_ =	shalt  }
0x6f: {  	_ =	shalt  }
0x70: {  	_ =	shalt  }
0x71: {  	_ =	shalt  }
0x72: {  	_ =	shalt  }
0x73: {  	_ =	shalt  }
0x74: {  	_ =	shalt  }
0x75: {  	_ =	shalt  }
0x76: {  	_ =	shalt  }
0x77: {  	_ =	shalt  }
0x78: {  	_ =	shalt  }
0x79: {  	_ =	shalt  }
0x7a: {  	_ =	shalt  }
0x7b: {  	_ =	shalt  }
0x7c: {  	_ =	shalt  }
0x7d: {  	_ =	shalt  }
0x7e: {  	_ =	shalt  }
0x7f: {  	_ =	shalt  }
0x80: {  	_ =	shalt  }
0x81: {  	_ =	shalt  }
0x82: {  	_ =	shalt  }
0x83: {  	_ =	shalt  }
0x84: {  	_ =	shalt  }
0x85: {  	_ =	shalt  }
0x86: {  	_ =	shalt  }
0x87: {  	_ =	shalt  }
.Lfunc_end0:
.L_simem_size_0:
called_computation_lowered:
.L_overlay_start_0:
0x88: {  	s2 =	sld [smem:$0x3FD9]  }
0x89: {  	s3 =	sld [smem:$0x3FFE];
	_ =	sdelay $0x1  }
0x8a: {  	s1 =	srdreg.scid  }
0x8b: {  	s0 =	sand.u32 $0x1, s1  }
0x8c: {  	s14 =	sshll.u32 s0, $0xA;
	s2 =	sadd.s32 s3, s2  }
0x8d: {  	s2 =	sadd.s32 s2, s14  }
0x8e: {  	[smem:$0x3FB4] =	sst s2  }
0x8f: {  	_ = 	snop  }
0x90: {  	s2 =	sld [smem:$0x3FD0];
	_ =	sdelay $0x2  }
0x91: {  	s15 =	simm.s32 $0xA;
	s4 =	simm.s32 $0x10  }
0x92: {  	[smem:s4], [sflag:s15] =	dma.local [hbm:s2], $0x1  }
0x93: {  	_ =	swait.eq [sflag:s15], $0x1  }
0x94: {  	s16 =	sld [smem:$0x10]  }
0x95: {  	s17 =	sld [smem:$0x12];
	[sflag:s15] =	ssyncset.done $0x0  }
0x96: {  	s5 =	sld [smem:$0x13];
	[sflag:s15] =	ssyncadd.s32 $0xFFFFFFFF  }
0x97: {  	s18 =	sld [smem:$0x14];
	(tm) =	ssettm $0x1  }
0x98: {  	s6 =	sld [smem:$0x3FFB];
	_ =	sdelay $0x3  }
0x99: {  	_ =	strace s6  }
0x9a: {  	s6 =	sld [smem:$0x3FFC];
	_ =	sdelay $0x3  }
0x9b: {  	_ =	strace s6  }
0x9c: {  	s6 =	sld [smem:$0x3FFD];
	_ =	sdelay $0x3  }
0x9d: {  	_ =	strace s6  }
0x9e: {  	_ =	strace $0x8FFFFFFF  }
0x9f: {  	s19 =	sld [smem:$0x3FDB];
	_ =	sdelay $0x1  }
0xa0: {  	s7 =	simm.s32 $_scs_section_size  }
0xa1: {  	s8 =	simm.s32 $_size__tile_overlayer_lowered;
	s9 =	simm.s32 $_tile_overlayer_lowered  }
0xa2: {  	s22 =	simm.s32 $0x1BFF;
	s21 =	sshll.u32 s9, $0x1;
	s6 =	sadd.s32 s7, s19  }
0xa3: {  	s10 =	simm.s32 $0x0;
	s20 =	sshll.u32 s8, $0x1;
	s8 =	sadd.s32 s21, s6  }
0xa4: {  	[timem:s10], [sflag:s22] =	dma.local [hbm:s8], s20  }
0xa5: {  	_ =	swait.ge [sflag:s22], s20  }
0xa6: {  	s7 =	ssub.s32 $0x0, s20;
	[sflag:s22] =	ssyncset.done $0x0  }
0xa7: {  	[sflag:s22] =	ssyncadd.s32 s7;
	_ =	sdelay $0x1  }
0xa8: {  	s23 =	simm.s32 $0x1B8B  }
0xa9: {  	_ =	swait.ge [sflag:s23], $0x1  }
0xaa: {  	[sflag:s23] =	ssyncset.done $0x0  }
0xab: {  	s25 =	simm.s32 $0x1B8E;
	s24 =	sld [smem:$0x3FFE];
	[sflag:s23] =	ssyncadd.s32 $0xFFFFFFFF  }
0xac: {  	s26 =	simm.s32 $execute0_lowered;
	[smem:$0x3FD2] =	sst s25  }
0xad: {  	s8 =	sshll.u32 s26, $0x1;
	_ =	strace $0x80000046;
	[dreg:$0x1] =	wrdreg $0xFFFFFFFF  }
0xae: {  	s28 =	simm.s32 $_size_execute0_lowered;
	s6 =	sadd.s32 s6, s8;
	[dreg:$0x0] =	wrdreg $0x0  }
0xaf: {  	s8 =	sshll.u32 s28, $0x1;
	[dreg:$0x2] =	wrdreg s6  }
0xb0: {  	[dreg:$0x3] =	wrdreg s8  }
0xb1: {  	[dreg:$0x4] =	wrdreg $0xC0  }
0xb2: {  	_ =	task [dreg:s10], $0x5FFFF  }
0xb3: {  	[dreg:$0x1] =	wrdreg $0xFFFFFFFF  }
0xb4: {  	[dreg:$0x0] =	wrdreg $0x60  }
0xb5: {  	[dreg:$0x2] =	wrdreg s17  }
0xb6: {  	[dreg:$0x3] =	wrdreg s16  }
0xb7: {  	[dreg:$0x4] =	wrdreg s24  }
0xb8: {  	[dreg:$0x5] =	wrdreg s18  }
0xb9: {  	[dreg:$0x6] =	wrdreg s5  }
0xba: {  	[dreg:$0x7] =	wrdreg $0x9  }
0xbb: {  	_ =	task.clear_ibuf [dreg:s10], $0x8FFFF;
	_ =	strace $0x90000046  }
0xbc: {  	s29 =	simm.s32 $0x9;
	_ =	strace $0x80000048  }
0xbd: {  	_ =	swait.ge [sflag:s29], $0x1  }
0xbe: {  	[sflag:s29] =	ssyncadd.s32 $0xFFFFFFFF  }
0xbf: {  	_ =	strace $0x90000048  }
0xc0: {  	_ =	sfence  }
0xc1: {  	s30 =	sld [smem:$0x0];
	_ =	sdelay $0x2  }
0xc2: {  	s31 =	sshll.u32 s1, $0xD;
	s1 =	sshrl.u32 s1, $0x2  }
0xc3: {  	s3 =	sand.u32 $0x4000, s31;
	s1 =	sadd.s32 s1, s30  }
0xc4: {  	s0 =	sor.u32 s3, s0;
	s1 =	sshll.u32 s1, $0x11  }
0xc5: {  	s0 =	sor.u32 s1, s0  }
0xc6: {  	s0 =	sadd.s32 $0x8F2B, s0  }
0xc7: {  	[sflag:s0] =	ssyncadd.remote.s32 $0x1  }
0xc8: {  	_ =	sfence.sel $0xFFFF  }
0xc9: {  	[dreg:$0x0] =	wrdreg $0xFFFFFFFF;
	(pc) =	sbr.abs _section_cstart, $3  }
0xca: {  	[dreg:$0x1] =	wrdreg $0xFFFFFFFF  }
0xcb: {  	_ =	task.clear_ibuf [dreg:s10], $0x2FFFF;
	_ =	strace $0x9FFFFFFF  }
0xcc: {  	(tm) =	ssettm $0x7FFFFFFF  }
0xcd: {  	_ =	shalt  }
tec
execute0_lowered:
.L_overlay_start_1:
0x0: {  	(tag) =	ssettag $0x1  }
0x1: {  	s0 =	rddreg [dreg:$0x2]  }
0x2: {  	s4 =	srdreg.scid;
	s16 =	stileid.u32  }
0x3: {  	s2 =	rddreg [dreg:$0x3];
	s4 =	sand.u32 $0x1, s4;
	s5 =	sshll.u32 s16, $0x1  }
0x4: {  	s3 =	rddreg [dreg:$0x4];
	s5 =	sor.u32 s4, s5  }
0x5: {  	s1 =	simm.s32 $0x0;
	s6 =	ssub.s32 $0x2, s4;
	s8 =	sshll.u32 s5, $0x8  }
0x6: {  	[smem:$0x7FF] =	sst s1;
	s7 =	sshrl.u32 s6, $0x1;
	s2 =	sadd.s32 s2, s8  }
0x7: {  	s9 =	smul.u32 $0x4100, s5;
	s31 =	sadd.s32 s3, s8;
	[dreg:$0x6] =	wrdreg s2  }
0x8: {  	s10 =	sadd.s32 $0x27600, s0;
	s6 =	ssub.s32 s6, s7;
	[dreg:$0x7] =	wrdreg s31  }
0x9: {  	s3 =	sadd.s32 s10, s9;
	s7 =	sadd.s32 $0x680, s9;
	s18 =	sadd.s32 $0xD00, s9  }
0xa: {  	s19 =	sadd.s32 $0x1380, s9;
	[dreg:$0x8] =	wrdreg s3;
	s17 =	sadd.s32 s10, s7  }
0xb: {  	s22 =	sadd.s32 $0x1A00, s9;
	s20 =	sadd.s32 s10, s18;
	[dreg:$0x9] =	wrdreg s17  }
0xc: {  	s23 =	sadd.s32 $0x2080, s9;
	s21 =	sadd.s32 s10, s19;
	[dreg:$0xa] =	wrdreg s20  }
0xd: {  	s12 =	sadd.s32 $0x2700, s9;
	s11 =	sadd.s32 s10, s22;
	[dreg:$0xb] =	wrdreg s21  }
0xe: {  	s25 =	sadd.s32 $0x2D80, s9;
	s13 =	sadd.s32 s10, s23;
	[dreg:$0xc] =	wrdreg s11  }
0xf: {  	s26 =	sadd.s32 $0x3400, s9;
	s24 =	sadd.s32 s10, s12;
	[dreg:$0xd] =	wrdreg s13  }
0x10: {  	s31 =	sadd.s32 $0xA9600, s0;
	s14 =	sadd.s32 s10, s25;
	[dreg:$0xe] =	wrdreg s24  }
0x11: {  	s15 =	sadd.s32 $0x3A80, s9;
	s9 =	sadd.s32 s31, s9;
	[dreg:$0xf] =	wrdreg s14  }
0x12: {  	s30 =	simm.s32 $0x2;
	s2 =	sadd.s32 s31, s7;
	[dreg:$0x12] =	wrdreg s9  }
0x13: {  	s16 =	smul.u32 $0x1A000, s16;
	s3 =	sadd.s32 s31, s18;
	[dreg:$0x13] =	wrdreg s2  }
0x14: {  	s28 =	sadd.s32 $0xE600, s0;
	s7 =	sadd.s32 s31, s19;
	[dreg:$0x14] =	wrdreg s3  }
0x15: {  	s29 =	sadd.s32 $0x1AE00, s0;
	s12 =	sadd.s32 s31, s12;
	[dreg:$0x15] =	wrdreg s7  }
0x16: {  	s8 =	simm.s32 $0xCC00;
	s18 =	smul.u32 $0xD000, s4;
	[dreg:$0x18] =	wrdreg s12  }
0x17: {  	s19 =	sadd.s32 s31, s15;
	s4 =	simm.s32 $0x64;
	s24 =	rddreg [dreg:$0x0]  }
0x18: {  	s17 =	sadd.s32 s10, s26;
	s10 =	sadd.s32 s10, s15;
	[dreg:$0x1b] =	wrdreg s19  }
0x19: {  	s9 =	sadd.s32 s31, s22;
	s11 =	sadd.s32 s31, s23;
	[dreg:$0x10] =	wrdreg s17  }
0x1a: {  	s13 =	sadd.s32 s31, s25;
	s2 =	sadd.s32 s16, s0;
	[dreg:$0x11] =	wrdreg s10  }
0x1b: {  	s20 =	sshll.u32 s5, $0x9;
	s23 =	smax.u32 s6, $0x1;
	[dreg:$0x16] =	wrdreg s9  }
0x1c: {  	s5 =	simm.s32 $0x6400;
	s6 =	simm.s32 $0x9800;
	[dreg:$0x17] =	wrdreg s11  }
0x1d: {  	s12 =	simm.s32 $0x13400;
	s19 =	simm.s32 $0xE;
	[dreg:$0x19] =	wrdreg s13  }
0x1e: {  	s7 =	simm.s32 $0x0;
	s17 =	sadd.s32 s31, s26;
	s26 =	rddreg [dreg:$0x1]  }
0x1f: {  	s2 =	sadd.s32 s18, s2;
	s3 =	sadd.s32 s20, s0;
	s9 =	simm.s32 $0x5  }
0x20: {  	s10 =	simm.s32 $0x6;
	[dreg:$0x1a] =	wrdreg s17;
	s21 =	sadd.s32 $0x6600, s3  }
0x21: {  	s22 =	sadd.s32 $0xA600, s3;
	_ =	strace $0x80000047;
	[dreg:$0x1c] =	wrdreg s21  }
0x22: {  	s11 =	simm.s32 $0x10000;
	s20 =	simm.s32 $0x16800;
	[dreg:$0x1d] =	wrdreg s22  }
0x23: {  	s18 =	simm.s32 $0xD;
	s25 =	sadd.s32 $0x12B600, s2;
	[dreg:$0x1e] =	wrdreg s23  }
0x24: {  	s13 =	simm.s32 $0xA;
	s31 =	sadd.s32 $0x2CB600, s2;
	[dreg:$0x1f] =	wrdreg s25  }
0x25: {  	s3 =	simm.s32 $0x11;
	s2 =	simm.s32 $0x3000;
	[smem:$0x7FD] =	sst s31  }
0x26: {  	s21 =	simm.s32 $0x19C00;
	s25 =	simm.s32 $0x1;
	s22 =	simm.s32 $0x9  }
.LBB2_1:
0x27: {  	s0 =	rddreg [dreg:$0x1c]  }
0x28: {  	[tilespmem:s1], [sflag:$0x11] =	stream.linear.gather [hbm4b:s0+s1], $0x1000, $0x38;
	[tilespmem:$0x1D000] =	vst v63  }
0x29: {  	_ =	swait.ge [sflag:s3], $0x1000  }
0x2a: {  	[sflag:s3] =	ssyncset.done $0x0  }
0x2b: {  	[sflag:s3] =	ssyncadd.s32 $0xFFFFF000  }
0x2c: {  	[tilespmem:s2], [sflag:$0x1] =	stream.indirect.gather [hbm4b:s24+s4], $0x80, s1, s4, $0xb8;
	[tilespmem:$0x1D000] =	vst v63  }
0x2d: {  	s2 =	simm.s32 $0x80  }
0x2e: {  	[tilespmem:s5], [sflag:$0x2] =	stream.indirect.gather [hbm4b:s24+s4], $0x80, s2, s4, $0xb8;
	[tilespmem:$0x1D000] =	vst v63  }
0x2f: {  	s14 =	sand.u32 $0x3, s1;
	s5 =	simm.s32 $0x100  }
0x30: {  	[tilespmem:s6], [sflag:$0x3] =	stream.indirect.gather [hbm4b:s24+s4], $0x80, s5, s4, $0xb8;
	[tilespmem:$0x1D000] =	vst v63  }
0x31: {  	s16 =	sadd.s32 $0x1, s14;
	s15 =	smul.u32 $0xD000, s14;
	s6 =	simm.s32 $0x180  }
0x32: {  	[tilespmem:s8], [sflag:$0x4] =	stream.indirect.gather [hbm4b:s24+s4], $0x80, s6, s4, $0xb8;
	[tilespmem:$0x1D000] =	vst v63  }
0x33: {  	p0 =	por $0x0, $0x0;
	s5 =	sshrl.u32 s15, $0x2;
	_ =	swait.ge [sflag:s16], $0x3200  }
0x34: {  	s0 =	simm.s32 $0x1;
	s5 =	sadd.s32 $0x3000, s5;
	[sflag:s16] =	ssyncset.done $0x0  }
0x35: {  	s6 =	sadd.s32 $0x5, s14;
	s17 =	rddreg [dreg:$0x1f];
	[sflag:s16] =	ssyncadd.s32 $0xFFFFCE00  }
0x36: {  	[hbm4b:s17+s1] =	stream.linear.scatter [tilespmem:s5], [sflag:s6], $0x3200, $0x38;
	[tilespmem:$0x1D000] =	vst v63  }
0x37: {  	s31 =	simm.s32 $0x200;
	s23 =	sand.u32 $0x3, s0;
	_ =	swait.ge @!p0 [sflag:s6], $0x3200  }
0x38: {  	s2 =	simm.s32 $0x2;
	s8 =	simm.s32 $0x280;
	[sflag:s6] =	ssyncset.done @!p0 $0x0  }
0x39: {  	s17 =	sadd.s32 $0x680, s17;
	[sflag:s6] =	ssyncadd.s32 @!p0 $0xFFFFCE00;
	s6 =	simm.s32 @!p0 $0x64  }
.LBB2_2:
0x3a: {  	[tilespmem:s5], [sflag:s16] =	stream.indirect.gather @!p0 [hbm4b:s24+s6], $0x80, s31, s6, $0xb8;
	[tilespmem:$0x1D000] =	vst v63  }
0x3b: {  	s6 =	smov.u32 s2;
	s31 =	smov.u32 s8;
	s14 =	sand.u32 $0x3, s2  }
0x3c: {  	s16 =	sadd.s32 $0x1, s23;
	s5 =	smul.u32 $0xD000, s23;
	s2 =	sadd.s32 $0x1, s2  }
0x3d: {  	p0 =	sgt.u32 s0, $0x1B;
	s15 =	sadd.s32 $0x5, s23;
	_ =	swait.ge [sflag:s16], $0x3200  }
0x3e: {  	p1 =	sne.s32 s2, $0x20;
	s0 =	sshrl.u32 s5, $0x2;
	[sflag:s16] =	ssyncset.done $0x0  }
.Ltmp0:
0x3f: {  	s5 =	sadd.s32 $0x3000, s0;
	[sflag:s16] =	ssyncadd.s32 $0xFFFFCE00;
	(pc) =	sbr.rel @p1 .LBB2_2-.Ltmp0, $4  }
0x40: {  	[hbm4b:s17+s1] =	stream.linear.scatter [tilespmem:s5], [sflag:s15], $0x3200, $0x38;
	[tilespmem:$0x1D000] =	vst v63  }
0x41: {  	s23 =	smov.u32 s14;
	_ =	swait.ge @!p0 [sflag:s15], $0x3200  }
0x42: {  	s0 =	smov.u32 s6;
	s17 =	sadd.s32 $0x680, s17;
	[sflag:s15] =	ssyncset.done @!p0 $0x0  }
0x43: {  	s8 =	sadd.s32 $0x80, s8;
	s6 =	simm.s32 @!p0 $0x64;
	[sflag:s15] =	ssyncadd.s32 @!p0 $0xFFFFCE00  }
0x44: {  	[tilespmem:s5], [sflag:s16] =	stream.indirect.gather @!p0 [hbm4b:s24+s6], $0x80, s31, s6, $0xb8;
	[tilespmem:$0x1D000] =	vst v63  }
0x45: {  	s2 =	sadd.s32 $0x1, s23;
	s14 =	smul.u32 $0xD000, s23  }
0x46: {  	_ =	swait.ge [sflag:s2], $0x3200  }
0x47: {  	p0 =	sgt.u32 s0, $0x1B;
	s15 =	sshrl.u32 s14, $0x2;
	[sflag:s2] =	ssyncset.done $0x0  }
0x48: {  	s5 =	sadd.s32 $0x5, s23;
	s0 =	sadd.s32 $0x3000, s15;
	[sflag:s2] =	ssyncadd.s32 $0xFFFFCE00  }
0x49: {  	[hbm4b:s17+s1] =	stream.linear.scatter [tilespmem:s0], [sflag:s5], $0x3200, $0x38;
	[tilespmem:$0x1D000] =	vst v63  }
0x4a: {  	_ =	swait.ge @!p0 [sflag:s5], $0x3200  }
0x4b: {  	[sflag:s5] =	ssyncset.done @!p0 $0x0  }
0x4c: {  	[sflag:s5] =	ssyncadd.s32 @!p0 $0xFFFFCE00;
	s5 =	simm.s32 @!p0 $0x64  }
0x4d: {  	[tilespmem:s0], [sflag:s2] =	stream.indirect.gather @!p0 [hbm4b:s24+s5], $0x80, s8, s5, $0xb8;
	[tilespmem:$0x1D000] =	vst v63  }
0x4e: {  	_ =	swait.ge [sflag:s9], $0x3200  }
0x4f: {  	[sflag:s9] =	ssyncset.done $0x0  }
0x50: {  	[sflag:s9] =	ssyncadd.s32 $0xFFFFCE00  }
0x51: {  	_ =	swait.ge [sflag:s10], $0x3200  }
0x52: {  	[sflag:s10] =	ssyncset.done $0x0  }
0x53: {  	s16 =	simm.s32 $0x7;
	[sflag:s10] =	ssyncadd.s32 $0xFFFFCE00  }
0x54: {  	_ =	swait.ge [sflag:s16], $0x3200  }
0x55: {  	[sflag:s16] =	ssyncset.done $0x0  }
0x56: {  	s17 =	simm.s32 $0x8;
	[sflag:s16] =	ssyncadd.s32 $0xFFFFCE00  }
0x57: {  	_ =	swait.ge [sflag:s17], $0x3200  }
0x58: {  	s23 =	simm.s32 $0x0;
	[sflag:s17] =	ssyncset.done $0x0  }
0x59: {  	s8 =	simm.s32 $0x1000;
	s6 =	rddreg [dreg:$0x1d];
	[sflag:s17] =	ssyncadd.s32 $0xFFFFCE00  }
0x5a: {  	[tilespmem:s8], [sflag:$0x11] =	stream.linear.gather [hbm4b:s6+s23], $0x1000, $0x38;
	[tilespmem:$0x1D000] =	vst v63  }
0x5b: {  	_ =	swait.ge [sflag:s3], $0x1000  }
0x5c: {  	[sflag:s3] =	ssyncset.done $0x0  }
0x5d: {  	[sflag:s3] =	ssyncadd.s32 $0xFFFFF000  }
0x5e: {  	[tilespmem:s11], [sflag:$0x9] =	stream.indirect.gather [hbm4b:s26+s4], $0x80, s8, s4, $0xb8;
	[tilespmem:$0x1D000] =	vst v63  }
0x5f: {  	s14 =	simm.s32 $0x1080  }
0x60: {  	[tilespmem:s12], [sflag:$0xA] =	stream.indirect.gather [hbm4b:s26+s4], $0x80, s14, s4, $0xb8;
	[tilespmem:$0x1D000] =	vst v63  }
0x61: {  	s15 =	simm.s32 $0x1100  }
0x62: {  	[tilespmem:s20], [sflag:$0xB] =	stream.indirect.gather [hbm4b:s26+s4], $0x80, s15, s4, $0xb8;
	[tilespmem:$0x1D000] =	vst v63  }
0x63: {  	s16 =	simm.s32 $0x1180;
	s17 =	sand.u32 $0x3, s23  }
0x64: {  	[tilespmem:s21], [sflag:$0xC] =	stream.indirect.gather [hbm4b:s26+s4], $0x80, s16, s4, $0xb8;
	[tilespmem:$0x1D000] =	vst v63  }
0x65: {  	s16 =	sadd.s32 $0x9, s17  }
0x66: {  	s20 =	smul.u32 $0xD000, s17;
	_ =	swait.ge [sflag:s16], $0x3200  }
0x67: {  	s31 =	simm.s32 $0x1200;
	s21 =	sld [smem:$0x7FD]  }
0x68: {  	p0 =	por $0x0, $0x0;
	s5 =	sshrl.u32 s20, $0x2;
	[sflag:s16] =	ssyncset.done $0x0  }
0x69: {  	s6 =	sadd.s32 $0xD, s17;
	s5 =	sor.u32 $0x10000, s5;
	[sflag:s16] =	ssyncadd.s32 $0xFFFFCE00  }
0x6a: {  	[hbm4b:s21+s1] =	stream.linear.scatter [tilespmem:s5], [sflag:s6], $0x3200, $0x38;
	[tilespmem:$0x1D000] =	vst v63  }
0x6b: {  	s0 =	simm.s32 $0x1;
	s2 =	simm.s32 $0x2;
	_ =	swait.ge @!p0 [sflag:s6], $0x3200  }
0x6c: {  	s23 =	sand.u32 $0x3, s0;
	s8 =	simm.s32 $0x1280;
	[sflag:s6] =	ssyncset.done @!p0 $0x0  }
0x6d: {  	s17 =	sadd.s32 $0x680, s21;
	[sflag:s6] =	ssyncadd.s32 @!p0 $0xFFFFCE00;
	s6 =	simm.s32 @!p0 $0x64  }
.LBB2_4:
0x6e: {  	[tilespmem:s5], [sflag:s16] =	stream.indirect.gather @!p0 [hbm4b:s26+s6], $0x80, s31, s6, $0xb8;
	[tilespmem:$0x1D000] =	vst v63  }
0x6f: {  	s6 =	smov.u32 s2;
	s31 =	smov.u32 s8;
	s14 =	sand.u32 $0x3, s2  }
0x70: {  	s16 =	sadd.s32 $0x9, s23;
	s5 =	smul.u32 $0xD000, s23;
	s2 =	sadd.s32 $0x1, s2  }
0x71: {  	p0 =	sgt.u32 s0, $0x1B;
	s15 =	sadd.s32 $0xD, s23;
	_ =	swait.ge [sflag:s16], $0x3200  }
0x72: {  	p1 =	sne.s32 s2, $0x20;
	s0 =	sshrl.u32 s5, $0x2;
	[sflag:s16] =	ssyncset.done $0x0  }
.Ltmp1:
0x73: {  	s5 =	sor.u32 $0x10000, s0;
	[sflag:s16] =	ssyncadd.s32 $0xFFFFCE00;
	(pc) =	sbr.rel @p1 .LBB2_4-.Ltmp1, $4  }
0x74: {  	[hbm4b:s17+s1] =	stream.linear.scatter [tilespmem:s5], [sflag:s15], $0x3200, $0x38;
	[tilespmem:$0x1D000] =	vst v63  }
0x75: {  	s23 =	smov.u32 s14;
	_ =	swait.ge @!p0 [sflag:s15], $0x3200  }
0x76: {  	s0 =	smov.u32 s6;
	s17 =	sadd.s32 $0x680, s17;
	[sflag:s15] =	ssyncset.done @!p0 $0x0  }
0x77: {  	s8 =	sadd.s32 $0x80, s8;
	s6 =	simm.s32 @!p0 $0x64;
	[sflag:s15] =	ssyncadd.s32 @!p0 $0xFFFFCE00  }
0x78: {  	[tilespmem:s5], [sflag:s16] =	stream.indirect.gather @!p0 [hbm4b:s26+s6], $0x80, s31, s6, $0xb8;
	[tilespmem:$0x1D000] =	vst v63  }
0x79: {  	s2 =	sadd.s32 $0x9, s23;
	s12 =	smul.u32 $0xD000, s23  }
0x7a: {  	_ =	swait.ge [sflag:s2], $0x3200  }
0x7b: {  	p0 =	sgt.u32 s0, $0x1B;
	s14 =	sshrl.u32 s12, $0x2;
	[sflag:s2] =	ssyncset.done $0x0  }
0x7c: {  	s5 =	sadd.s32 $0xD, s23;
	s0 =	sor.u32 $0x10000, s14;
	[sflag:s2] =	ssyncadd.s32 $0xFFFFCE00  }
0x7d: {  	[hbm4b:s17+s1] =	stream.linear.scatter [tilespmem:s0], [sflag:s5], $0x3200, $0x38;
	[tilespmem:$0x1D000] =	vst v63  }
0x7e: {  	_ =	swait.ge @!p0 [sflag:s5], $0x3200  }
0x7f: {  	[sflag:s5] =	ssyncset.done @!p0 $0x0  }
0x80: {  	[sflag:s5] =	ssyncadd.s32 @!p0 $0xFFFFCE00;
	s5 =	simm.s32 @!p0 $0x64  }
0x81: {  	[tilespmem:s0], [sflag:s2] =	stream.indirect.gather @!p0 [hbm4b:s26+s5], $0x80, s8, s5, $0xb8;
	[tilespmem:$0x1D000] =	vst v63  }
0x82: {  	_ =	swait.ge [sflag:s18], $0x3200  }
0x83: {  	[sflag:s18] =	ssyncset.done $0x0  }
0x84: {  	[sflag:s18] =	ssyncadd.s32 $0xFFFFCE00  }
0x85: {  	_ =	swait.ge [sflag:s19], $0x3200  }
0x86: {  	[sflag:s19] =	ssyncset.done $0x0  }
0x87: {  	s16 =	simm.s32 $0xF;
	[sflag:s19] =	ssyncadd.s32 $0xFFFFCE00  }
0x88: {  	_ =	swait.ge [sflag:s16], $0x3200  }
0x89: {  	[sflag:s16] =	ssyncset.done $0x0  }
0x8a: {  	s17 =	simm.s32 $0x10;
	[sflag:s16] =	ssyncadd.s32 $0xFFFFCE00  }
0x8b: {  	_ =	swait.ge [sflag:s17], $0x3200  }
0x8c: {  	[sflag:s17] =	ssyncset.done $0x0  }
0x8d: {  	s20 =	simm.s32 $0x2000;
	s15 =	rddreg [dreg:$0x6];
	[sflag:s17] =	ssyncadd.s32 $0xFFFFCE00  }
0x8e: {  	[tilespmem:s20], [sflag:$0x11] =	stream.linear.gather [hbm4b:s15+s1], $0x500, $0x38;
	[tilespmem:$0x1D000] =	vst v63  }
0x8f: {  	_ =	swait.ge [sflag:s3], $0x500  }
0x90: {  	[sflag:s3] =	ssyncset.done $0x0  }
0x91: {  	s2 =	simm.s32 $0x3000;
	[sflag:s3] =	ssyncadd.s32 $0xFFFFFB00  }
0x92: {  	[tilespmem:s2], [sflag:$0x1] =	stream.indirect.gather [hbm4b:s28+s4], $0x80, s20, s4, $0xb8;
	[tilespmem:$0x1D000] =	vst v63  }
0x93: {  	s21 =	simm.s32 $0x2080;
	s5 =	simm.s32 $0x6400  }
0x94: {  	[tilespmem:s5], [sflag:$0x2] =	stream.indirect.gather [hbm4b:s28+s4], $0x80, s21, s4, $0xb8;
	[tilespmem:$0x1D000] =	vst v63  }
0x95: {  	s6 =	simm.s32 $0x9800;
	s23 =	simm.s32 $0x2100  }
0x96: {  	[tilespmem:s6], [sflag:$0x3] =	stream.indirect.gather [hbm4b:s28+s4], $0x80, s23, s4, $0xb8;
	[tilespmem:$0x1D000] =	vst v63  }
0x97: {  	s31 =	simm.s32 $0x2180;
	s8 =	simm.s32 $0xCC00  }
0x98: {  	[tilespmem:s8], [sflag:$0x4] =	stream.indirect.gather [hbm4b:s28+s4], $0x80, s31, s4, $0xb8;
	[tilespmem:$0x1D000] =	vst v63  }
0x99: {  	_ =	swait.ge [sflag:s25], $0x3200  }
0x9a: {  	[sflag:s25] =	ssyncset.done $0x0  }
0x9b: {  	s11 =	rddreg [dreg:$0x8];
	[sflag:s25] =	ssyncadd.s32 $0xFFFFCE00  }
0x9c: {  	[hbm4b:s11+s1] =	stream.linear.scatter [tilespmem:s2], [sflag:$0x5], $0x3200, $0x38;
	[tilespmem:$0x1D000] =	vst v63  }
0x9d: {  	_ =	swait.ge [sflag:s9], $0x3200  }
0x9e: {  	[sflag:s9] =	ssyncset.done $0x0  }
0x9f: {  	s12 =	simm.s32 $0x2200;
	[sflag:s9] =	ssyncadd.s32 $0xFFFFCE00  }
0xa0: {  	[tilespmem:s2], [sflag:$0x1] =	stream.indirect.gather [hbm4b:s28+s4], $0x80, s12, s4, $0xb8;
	[tilespmem:$0x1D000] =	vst v63  }
0xa1: {  	_ =	swait.ge [sflag:s30], $0x3200  }
0xa2: {  	[sflag:s30] =	ssyncset.done $0x0  }
0xa3: {  	s14 =	rddreg [dreg:$0x9];
	[sflag:s30] =	ssyncadd.s32 $0xFFFFCE00  }
0xa4: {  	[hbm4b:s14+s1] =	stream.linear.scatter [tilespmem:s5], [sflag:$0x6], $0x3200, $0x38;
	[tilespmem:$0x1D000] =	vst v63  }
0xa5: {  	_ =	swait.ge [sflag:s10], $0x3200  }
0xa6: {  	[sflag:s10] =	ssyncset.done $0x0  }
0xa7: {  	s15 =	simm.s32 $0x2280;
	s14 =	simm.s32 $0x3;
	[sflag:s10] =	ssyncadd.s32 $0xFFFFCE00  }
0xa8: {  	[tilespmem:s5], [sflag:$0x2] =	stream.indirect.gather [hbm4b:s28+s4], $0x80, s15, s4, $0xb8;
	[tilespmem:$0x1D000] =	vst v63  }
0xa9: {  	_ =	swait.ge [sflag:s14], $0x3200  }
0xaa: {  	[sflag:s14] =	ssyncset.done $0x0  }
0xab: {  	s11 =	simm.s32 $0x7;
	s20 =	rddreg [dreg:$0xa];
	[sflag:s14] =	ssyncadd.s32 $0xFFFFCE00  }
0xac: {  	[hbm4b:s20+s1] =	stream.linear.scatter [tilespmem:s6], [sflag:$0x7], $0x3200, $0x38;
	[tilespmem:$0x1D000] =	vst v63  }
0xad: {  	_ =	swait.ge [sflag:s11], $0x3200  }
0xae: {  	[sflag:s11] =	ssyncset.done $0x0  }
0xaf: {  	s21 =	simm.s32 $0x2300;
	s15 =	simm.s32 $0x4;
	[sflag:s11] =	ssyncadd.s32 $0xFFFFCE00  }
0xb0: {  	[tilespmem:s6], [sflag:$0x3] =	stream.indirect.gather [hbm4b:s28+s4], $0x80, s21, s4, $0xb8;
	[tilespmem:$0x1D000] =	vst v63  }
0xb1: {  	_ =	swait.ge [sflag:s15], $0x3200  }
0xb2: {  	[sflag:s15] =	ssyncset.done $0x0  }
0xb3: {  	s12 =	simm.s32 $0x8;
	s23 =	rddreg [dreg:$0xb];
	[sflag:s15] =	ssyncadd.s32 $0xFFFFCE00  }
0xb4: {  	[hbm4b:s23+s1] =	stream.linear.scatter [tilespmem:s8], [sflag:$0x8], $0x3200, $0x38;
	[tilespmem:$0x1D000] =	vst v63  }
0xb5: {  	_ =	swait.ge [sflag:s12], $0x3200  }
0xb6: {  	[sflag:s12] =	ssyncset.done $0x0  }
0xb7: {  	s31 =	simm.s32 $0x2380;
	[sflag:s12] =	ssyncadd.s32 $0xFFFFCE00  }
0xb8: {  	[tilespmem:s8], [sflag:$0x4] =	stream.indirect.gather [hbm4b:s28+s4], $0x80, s31, s4, $0xb8;
	[tilespmem:$0x1D000] =	vst v63  }
0xb9: {  	_ =	swait.ge [sflag:s25], $0x3200  }
0xba: {  	[sflag:s25] =	ssyncset.done $0x0  }
0xbb: {  	s20 =	rddreg [dreg:$0xc];
	[sflag:s25] =	ssyncadd.s32 $0xFFFFCE00  }
0xbc: {  	[hbm4b:s20+s1] =	stream.linear.scatter [tilespmem:s2], [sflag:$0x5], $0x3200, $0x38;
	[tilespmem:$0x1D000] =	vst v63  }
0xbd: {  	_ =	swait.ge [sflag:s9], $0x3200  }
0xbe: {  	[sflag:s9] =	ssyncset.done $0x0  }
0xbf: {  	s21 =	simm.s32 $0x2400;
	[sflag:s9] =	ssyncadd.s32 $0xFFFFCE00  }
0xc0: {  	[tilespmem:s2], [sflag:$0x1] =	stream.indirect.gather [hbm4b:s28+s4], $0x80, s21, s4, $0xb8;
	[tilespmem:$0x1D000] =	vst v63  }
0xc1: {  	_ =	swait.ge [sflag:s30], $0x3200  }
0xc2: {  	[sflag:s30] =	ssyncset.done $0x0  }
0xc3: {  	s23 =	rddreg [dreg:$0xd];
	[sflag:s30] =	ssyncadd.s32 $0xFFFFCE00  }
0xc4: {  	[hbm4b:s23+s1] =	stream.linear.scatter [tilespmem:s5], [sflag:$0x6], $0x3200, $0x38;
	[tilespmem:$0x1D000] =	vst v63  }
0xc5: {  	_ =	swait.ge [sflag:s10], $0x3200  }
0xc6: {  	[sflag:s10] =	ssyncset.done $0x0  }
0xc7: {  	s31 =	simm.s32 $0x2480;
	[sflag:s10] =	ssyncadd.s32 $0xFFFFCE00  }
0xc8: {  	[tilespmem:s5], [sflag:$0x2] =	stream.indirect.gather [hbm4b:s28+s4], $0x80, s31, s4, $0xb8;
	[tilespmem:$0x1D000] =	vst v63  }
0xc9: {  	_ =	swait.ge [sflag:s14], $0x3200  }
0xca: {  	[sflag:s14] =	ssyncset.done $0x0  }
0xcb: {  	[sflag:s14] =	ssyncadd.s32 $0xFFFFCE00;
	s14 =	rddreg [dreg:$0xe]  }
0xcc: {  	[hbm4b:s14+s1] =	stream.linear.scatter [tilespmem:s6], [sflag:$0x7], $0x3200, $0x38;
	[tilespmem:$0x1D000] =	vst v63  }
0xcd: {  	_ =	swait.ge [sflag:s15], $0x3200  }
0xce: {  	[sflag:s15] =	ssyncset.done $0x0  }
0xcf: {  	[sflag:s15] =	ssyncadd.s32 $0xFFFFCE00;
	s15 =	rddreg [dreg:$0xf]  }
0xd0: {  	[hbm4b:s15+s1] =	stream.linear.scatter [tilespmem:s8], [sflag:$0x8], $0x3200, $0x38;
	[tilespmem:$0x1D000] =	vst v63  }
0xd1: {  	_ =	swait.ge [sflag:s25], $0x3200  }
0xd2: {  	[sflag:s25] =	ssyncset.done $0x0  }
0xd3: {  	s20 =	rddreg [dreg:$0x10];
	[sflag:s25] =	ssyncadd.s32 $0xFFFFCE00  }
0xd4: {  	[hbm4b:s20+s1] =	stream.linear.scatter [tilespmem:s2], [sflag:$0x5], $0x3200, $0x38;
	[tilespmem:$0x1D000] =	vst v63  }
0xd5: {  	_ =	swait.ge [sflag:s30], $0x3200  }
0xd6: {  	[sflag:s30] =	ssyncset.done $0x0  }
0xd7: {  	s21 =	rddreg [dreg:$0x11];
	[sflag:s30] =	ssyncadd.s32 $0xFFFFCE00  }
0xd8: {  	[hbm4b:s21+s1] =	stream.linear.scatter [tilespmem:s5], [sflag:$0x6], $0x3200, $0x38;
	[tilespmem:$0x1D000] =	vst v63  }
0xd9: {  	_ =	swait.ge [sflag:s11], $0x3200  }
0xda: {  	[sflag:s11] =	ssyncset.done $0x0  }
0xdb: {  	[sflag:s11] =	ssyncadd.s32 $0xFFFFCE00  }
0xdc: {  	_ =	swait.ge [sflag:s12], $0x3200  }
0xdd: {  	[sflag:s12] =	ssyncset.done $0x0  }
0xde: {  	[sflag:s12] =	ssyncadd.s32 $0xFFFFCE00  }
0xdf: {  	_ =	swait.ge [sflag:s9], $0x3200  }
0xe0: {  	[sflag:s9] =	ssyncset.done $0x0  }
0xe1: {  	[sflag:s9] =	ssyncadd.s32 $0xFFFFCE00  }
0xe2: {  	_ =	swait.ge [sflag:s10], $0x3200  }
0xe3: {  	[sflag:s10] =	ssyncset.done $0x0  }
0xe4: {  	s31 =	simm.s32 $0x2800;
	s23 =	rddreg [dreg:$0x7];
	[sflag:s10] =	ssyncadd.s32 $0xFFFFCE00  }
0xe5: {  	[tilespmem:s31], [sflag:$0x11] =	stream.linear.gather [hbm4b:s23+s1], $0x500, $0x38;
	[tilespmem:$0x1D000] =	vst v63  }
0xe6: {  	_ =	swait.ge [sflag:s3], $0x500  }
0xe7: {  	[sflag:s3] =	ssyncset.done $0x0  }
0xe8: {  	s14 =	simm.s32 $0x10000;
	[sflag:s3] =	ssyncadd.s32 $0xFFFFFB00  }
0xe9: {  	[tilespmem:s14], [sflag:$0x9] =	stream.indirect.gather [hbm4b:s29+s4], $0x80, s31, s4, $0xb8;
	[tilespmem:$0x1D000] =	vst v63  }
0xea: {  	s15 =	simm.s32 $0x13400;
	s11 =	simm.s32 $0x2880  }
0xeb: {  	[tilespmem:s15], [sflag:$0xA] =	stream.indirect.gather [hbm4b:s29+s4], $0x80, s11, s4, $0xb8;
	[tilespmem:$0x1D000] =	vst v63  }
0xec: {  	s12 =	simm.s32 $0x2900;
	s11 =	simm.s32 $0x16800  }
0xed: {  	[tilespmem:s11], [sflag:$0xB] =	stream.indirect.gather [hbm4b:s29+s4], $0x80, s12, s4, $0xb8;
	[tilespmem:$0x1D000] =	vst v63  }
0xee: {  	s20 =	simm.s32 $0x2980;
	s12 =	simm.s32 $0x19C00  }
0xef: {  	[tilespmem:s12], [sflag:$0xC] =	stream.indirect.gather [hbm4b:s29+s4], $0x80, s20, s4, $0xb8;
	[tilespmem:$0x1D000] =	vst v63  }
0xf0: {  	_ =	swait.ge [sflag:s22], $0x3200  }
0xf1: {  	[sflag:s22] =	ssyncset.done $0x0  }
0xf2: {  	s21 =	rddreg [dreg:$0x12];
	[sflag:s22] =	ssyncadd.s32 $0xFFFFCE00  }
0xf3: {  	[hbm4b:s21+s1] =	stream.linear.scatter [tilespmem:s14], [sflag:$0xD], $0x3200, $0x38;
	[tilespmem:$0x1D000] =	vst v63  }
0xf4: {  	_ =	swait.ge [sflag:s18], $0x3200  }
0xf5: {  	[sflag:s18] =	ssyncset.done $0x0  }
0xf6: {  	s23 =	simm.s32 $0x2A00;
	[sflag:s18] =	ssyncadd.s32 $0xFFFFCE00  }
0xf7: {  	[tilespmem:s14], [sflag:$0x9] =	stream.indirect.gather [hbm4b:s29+s4], $0x80, s23, s4, $0xb8;
	[tilespmem:$0x1D000] =	vst v63  }
0xf8: {  	_ =	swait.ge [sflag:s13], $0x3200  }
0xf9: {  	[sflag:s13] =	ssyncset.done $0x0  }
0xfa: {  	s31 =	rddreg [dreg:$0x13];
	[sflag:s13] =	ssyncadd.s32 $0xFFFFCE00  }
0xfb: {  	[hbm4b:s31+s1] =	stream.linear.scatter [tilespmem:s15], [sflag:$0xE], $0x3200, $0x38;
	[tilespmem:$0x1D000] =	vst v63  }
0xfc: {  	_ =	swait.ge [sflag:s19], $0x3200  }
0xfd: {  	[sflag:s19] =	ssyncset.done $0x0  }
0xfe: {  	s20 =	simm.s32 $0x2A80;
	[sflag:s19] =	ssyncadd.s32 $0xFFFFCE00  }
0xff: {  	[tilespmem:s15], [sflag:$0xA] =	stream.indirect.gather [hbm4b:s29+s4], $0x80, s20, s4, $0xb8;
	[tilespmem:$0x1D000] =	vst v63  }
0x100: {  	s20 =	simm.s32 $0xB  }
0x101: {  	_ =	swait.ge [sflag:s20], $0x3200  }
0x102: {  	[sflag:s20] =	ssyncset.done $0x0  }
0x103: {  	s21 =	rddreg [dreg:$0x14];
	[sflag:s20] =	ssyncadd.s32 $0xFFFFCE00  }
0x104: {  	[hbm4b:s21+s1] =	stream.linear.scatter [tilespmem:s11], [sflag:$0xF], $0x3200, $0x38;
	[tilespmem:$0x1D000] =	vst v63  }
0x105: {  	_ =	swait.ge [sflag:s16], $0x3200  }
0x106: {  	[sflag:s16] =	ssyncset.done $0x0  }
0x107: {  	s23 =	simm.s32 $0x2B00;
	s21 =	simm.s32 $0xC;
	[sflag:s16] =	ssyncadd.s32 $0xFFFFCE00  }
0x108: {  	[tilespmem:s11], [sflag:$0xB] =	stream.indirect.gather [hbm4b:s29+s4], $0x80, s23, s4, $0xb8;
	[tilespmem:$0x1D000] =	vst v63  }
0x109: {  	_ =	swait.ge [sflag:s21], $0x3200  }
0x10a: {  	[sflag:s21] =	ssyncset.done $0x0  }
0x10b: {  	s31 =	rddreg [dreg:$0x15];
	[sflag:s21] =	ssyncadd.s32 $0xFFFFCE00  }
0x10c: {  	[hbm4b:s31+s1] =	stream.linear.scatter [tilespmem:s12], [sflag:$0x10], $0x3200, $0x38;
	[tilespmem:$0x1D000] =	vst v63  }
0x10d: {  	_ =	swait.ge [sflag:s17], $0x3200  }
0x10e: {  	[sflag:s17] =	ssyncset.done $0x0  }
0x10f: {  	s23 =	simm.s32 $0x2B80;
	[sflag:s17] =	ssyncadd.s32 $0xFFFFCE00  }
0x110: {  	[tilespmem:s12], [sflag:$0xC] =	stream.indirect.gather [hbm4b:s29+s4], $0x80, s23, s4, $0xb8;
	[tilespmem:$0x1D000] =	vst v63  }
0x111: {  	_ =	swait.ge [sflag:s22], $0x3200  }
0x112: {  	[sflag:s22] =	ssyncset.done $0x0  }
0x113: {  	s31 =	rddreg [dreg:$0x16];
	[sflag:s22] =	ssyncadd.s32 $0xFFFFCE00  }
0x114: {  	[hbm4b:s31+s1] =	stream.linear.scatter [tilespmem:s14], [sflag:$0xD], $0x3200, $0x38;
	[tilespmem:$0x1D000] =	vst v63  }
0x115: {  	_ =	swait.ge [sflag:s18], $0x3200  }
0x116: {  	[sflag:s18] =	ssyncset.done $0x0  }
0x117: {  	s23 =	simm.s32 $0x2C00;
	[sflag:s18] =	ssyncadd.s32 $0xFFFFCE00  }
0x118: {  	[tilespmem:s14], [sflag:$0x9] =	stream.indirect.gather [hbm4b:s29+s4], $0x80, s23, s4, $0xb8;
	[tilespmem:$0x1D000] =	vst v63  }
0x119: {  	_ =	swait.ge [sflag:s13], $0x3200  }
0x11a: {  	[sflag:s13] =	ssyncset.done $0x0  }
0x11b: {  	s31 =	rddreg [dreg:$0x17];
	[sflag:s13] =	ssyncadd.s32 $0xFFFFCE00  }
0x11c: {  	[hbm4b:s31+s1] =	stream.linear.scatter [tilespmem:s15], [sflag:$0xE], $0x3200, $0x38;
	[tilespmem:$0x1D000] =	vst v63  }
0x11d: {  	_ =	swait.ge [sflag:s19], $0x3200  }
0x11e: {  	[sflag:s19] =	ssyncset.done $0x0  }
0x11f: {  	s23 =	simm.s32 $0x2C80;
	[sflag:s19] =	ssyncadd.s32 $0xFFFFCE00  }
0x120: {  	[tilespmem:s15], [sflag:$0xA] =	stream.indirect.gather [hbm4b:s29+s4], $0x80, s23, s4, $0xb8;
	[tilespmem:$0x1D000] =	vst v63  }
0x121: {  	_ =	swait.ge [sflag:s20], $0x3200  }
0x122: {  	[sflag:s20] =	ssyncset.done $0x0  }
0x123: {  	s31 =	rddreg [dreg:$0x18];
	[sflag:s20] =	ssyncadd.s32 $0xFFFFCE00  }
0x124: {  	[hbm4b:s31+s1] =	stream.linear.scatter [tilespmem:s11], [sflag:$0xF], $0x3200, $0x38;
	[tilespmem:$0x1D000] =	vst v63  }
0x125: {  	_ =	swait.ge [sflag:s21], $0x3200  }
0x126: {  	[sflag:s21] =	ssyncset.done $0x0  }
0x127: {  	s11 =	rddreg [dreg:$0x19];
	[sflag:s21] =	ssyncadd.s32 $0xFFFFCE00  }
0x128: {  	[hbm4b:s11+s1] =	stream.linear.scatter [tilespmem:s12], [sflag:$0x10], $0x3200, $0x38;
	[tilespmem:$0x1D000] =	vst v63  }
0x129: {  	_ =	swait.ge [sflag:s22], $0x3200  }
0x12a: {  	[sflag:s22] =	ssyncset.done $0x0  }
0x12b: {  	s12 =	rddreg [dreg:$0x1a];
	[sflag:s22] =	ssyncadd.s32 $0xFFFFCE00  }
0x12c: {  	[hbm4b:s12+s1] =	stream.linear.scatter [tilespmem:s14], [sflag:$0xD], $0x3200, $0x38;
	[tilespmem:$0x1D000] =	vst v63  }
0x12d: {  	_ =	swait.ge [sflag:s13], $0x3200  }
0x12e: {  	[sflag:s13] =	ssyncset.done $0x0  }
0x12f: {  	s23 =	rddreg [dreg:$0x1b];
	[sflag:s13] =	ssyncadd.s32 $0xFFFFCE00  }
0x130: {  	[hbm4b:s23+s1] =	stream.linear.scatter [tilespmem:s15], [sflag:$0xE], $0x3200, $0x38;
	[tilespmem:$0x1D000] =	vst v63  }
0x131: {  	_ =	swait.ge [sflag:s16], $0x3200  }
0x132: {  	[sflag:s16] =	ssyncset.done $0x0  }
0x133: {  	[sflag:s16] =	ssyncadd.s32 $0xFFFFCE00  }
0x134: {  	_ =	swait.ge [sflag:s17], $0x3200  }
0x135: {  	[sflag:s17] =	ssyncset.done $0x0  }
0x136: {  	[sflag:s17] =	ssyncadd.s32 $0xFFFFCE00  }
0x137: {  	_ =	swait.ge [sflag:s18], $0x3200  }
0x138: {  	[sflag:s18] =	ssyncset.done $0x0  }
0x139: {  	[sflag:s18] =	ssyncadd.s32 $0xFFFFCE00  }
0x13a: {  	_ =	swait.ge [sflag:s19], $0x3200  }
0x13b: {  	s7 =	sadd.s32 $0x1, s7;
	s31 =	rddreg [dreg:$0x1e]  }
0x13c: {  	p0 =	sne.s32 s7, s31  }
.Ltmp2:
0x13d: {  	_ = 	snop;
	(pc) =	sbr.rel @p0 .LBB2_1-.Ltmp2, $3  }
0x13e: {  	_ =	sdelay $0x1  }
0x13f: {  	s20 =	simm.s32 $0x16800;
	s21 =	simm.s32 $0x19C00;
	[sflag:s19] =	ssyncset.done $0x0  }
0x140: {  	s11 =	simm.s32 $0x10000;
	s12 =	simm.s32 $0x13400;
	[sflag:s19] =	ssyncadd.s32 $0xFFFFCE00  }
0x141: {  	_ =	sfence.sel $0x180000  }
0x142: {  	[bflag:$0x0] =	sbarrier.arrive $0xFFFF  }
0x143: {  	_ =	strace $0x90000047  }
0x144: {  	s0 =	stileid.u32;
	[bflag:$0x2] =	sbarrier.arrive $0xFFFF  }
0x145: {  	p0 =	sne.s32 s0, $0x0;
	s0 =	rddreg [dreg:$0x5]  }
0x146: {  	s0 =	sadd.s32 @!p0 $0x100000, s0  }
0x147: {  	[sflag:s0] =	ssyncadd.tile.s32 @!p0 $0x1;
	_ =	shalt  }
.Lfunc_end2:
_tile_overlayer_lowered:
.L_overlay_start_2:
0x148: {  	(tag) =	ssettag $0x2  }
0x149: {  	s0 =	rddreg [dreg:$0x0];
	s2 =	stileid.u32  }
0x14a: {  	s1 =	rddreg [dreg:$0x1];
	p0 =	sne.s32 s2, $0x0  }
0x14b: {  	s3 =	rddreg [dreg:$0x2];
	[bflag:$0x3] =	sbarrier.arrive $0xFFFF;
	s2 =	simm.s32 @!p0 $0x1C11  }
0x14c: {  	[timem:s3], [sflag:s2] =	dma.local @!p0 [hbm:s0], s1  }
0x14d: {  	s0 =	simm.s32 @!p0 $0x11  }
0x14e: {  	_ =	swait.ge @!p0 [sflag:s0], s1  }
0x14f: {  	s1 =	ssub.s32 @!p0 $0x0, s1;
	[sflag:s0] =	ssyncset.done @!p0 $0x0  }
0x150: {  	[sflag:s0] =	ssyncadd.s32 @!p0 s1  }
0x151: {  	[bflag:$0x3] =	sbarrier.arrive $0xFFFF  }
0x152: {  	_ =	shalt  }

// kernel: kernel.14.cloned.1.call-start
scs
__scs_entry_jumppad:
0x0: {  	(pc) =	sbr.rel $0x88, $3  }
0x1: {  	(tag) =	ssettag $0x0;
	lr =	simm.s32 $0x1  }
0x2: {  	[smem:$0x3F8D] =	sst lr;
	_ =	strace $0xD0000000  }
0x3: {  	_ = 	snop  }
0x4: {  	_ = 	snop  }
0x5: {  	_ = 	snop  }
0x6: {  	_ = 	snop  }
0x7: {  	_ = 	snop  }
__scs_overlays_trampoline_lowered:
0x8: {  	[smem:$0x3F9C] =	sst s0  }
0x9: {  	[smem:$0x3F9D] =	sst s1  }
0xa: {  	[smem:$0x3F9E] =	sst s2  }
0xb: {  	[smem:$0x3F9F] =	sst s3  }
0xc: {  	[smem:$0x3FA0] =	sst s4  }
0xd: {  	[smem:$0x3FA1] =	sst s5  }
0xe: {  	[smem:$0x3FA2] =	sst s6  }
0xf: {  	[smem:$0x3FA3] =	sst s7  }
0x10: {  	[smem:$0x3FA4] =	sst s8  }
0x11: {  	[smem:$0x3FA5] =	sst s9;
	s0 =	simm.s32 @!p0 $0x0  }
0x12: {  	s1 =	sld [smem:$0x3F8B];
	s0 =	simm.s32 @p0 $0x1  }
0x13: {  	[smem:$0x3FA6] =	sst s0;
	s0 =	simm.s32 @!p1 $0x0  }
0x14: {  	s2 =	sld [smem:$0x3F8A];
	s0 =	simm.s32 @p1 $0x1  }
0x15: {  	[smem:$0x3FA7] =	sst s0;
	s0 =	simm.s32 @!p2 $0x0  }
0x16: {  	s3 =	sld [smem:$0x3FDB];
	s0 =	simm.s32 @p2 $0x1  }
0x17: {  	s4 =	simm.s32 $0x1BF5;
	[smem:$0x3FA9] =	sst s0  }
0x18: {  	s0 =	sld [smem:$0x3F8C];
	_ =	swait.ge [sflag:s4], $0x0  }
0x19: {  	s7 =	sld [smem:$0x3F8D]  }
0x1a: {  	s8 =	sadd.s32 $0xFFFFE003, lr  }
0x1b: {  	s9 =	sadd.s32 $0xFFFFFEF7, lr;
	s5 =	simm.s32 $0xFFFFFFFF;
	p2 =	slt.u32 s8, $0xFFFFF086  }
0x1c: {  	p1 =	slt.u32 s9, $0xF7A;
	s5 =	simm.s32 @!p2 $0x0  }
0x1d: {  	s5 =	simm.s32 @p1 $0x1;
	p0 =	seq.s32 s7, s2  }
0x1e: {  	s7 =	smul.u32 @!p0 $0xF7A, s2;
	p2 =	seq.s32 @!p0 s5, $0x0  }
0x1f: {  	s9 =	smul.u32 $0xF7A, s1;
	s8 =	simm.s32 @!p0 $0x1BF5;
	p2 =	por !p2, p0  }
0x20: {  	[sflag:s8] =	ssyncset.s32 @!p0 $0xFFFFF086;
	s6 =	sadd.s32 @!p0 s3, s7;
	s7 =	simm.s32 @!p0 $0x108  }
0x21: {  	s3 =	sadd.s32 s3, s9;
	s6 =	sadd.s32 @!p0 $0x88, s6;
	s7 =	simm.s32 @p2 $0x1082  }
0x22: {  	[simem:s7], [sflag:s8] =	dma.local @!p0 [hbm:s6], $0xF7A  }
0x23: {  	s9 =	sor.u32 $0xD0000000, s2;
	s6 =	simm.s32 $0x108;
	_ =	swait.ge @!p0 [sflag:s8], $0x0  }
0x24: {  	s3 =	sadd.s32 $0x88, s3;
	s6 =	simm.s32 @!p1 $0x1082;
	[sflag:s4] =	ssyncset.s32 $0xFFFFF086  }
0x25: {  	[simem:s6], [sflag:s4] =	dma.local [hbm:s3], $0xF7A  }
0x26: {  	[smem:$0x3F8D] =	sst s1;
	(tag) =	ssettag s2;
	_ =	strace s9  }
0x27: {  	s1 =	sld [smem:$0x3F9D]  }
0x28: {  	s2 =	sld [smem:$0x3F9E]  }
0x29: {  	s4 =	sld [smem:$0x3FA0]  }
0x2a: {  	p0 =	seq.s32 s5, $0x0;
	s5 =	sld [smem:$0x3FA1]  }
0x2b: {  	s6 =	sld [smem:$0x3FA2]  }
0x2c: {  	s7 =	sld [smem:$0x3FA3]  }
0x2d: {  	s3 =	simm.s32 $0x108;
	s8 =	sld [smem:$0x3FA4]  }
0x2e: {  	s3 =	simm.s32 @!p0 $0x1082;
	s9 =	sld [smem:$0x3FA5]  }
0x2f: {  	lr =	sadd.s32 s0, s3;
	s0 =	sld [smem:$0x3F9C]  }
0x30: {  	s3 =	sld [smem:$0x3F9F]  }
0x31: {  	[smem:$0x3FA8] =	sst s10  }
0x32: {  	s10 =	sld [smem:$0x3FA6];
	_ =	sdelay $0x3  }
0x33: {  	p0 =	seq.s32 s10, $0x1;
	s10 =	sld [smem:$0x3FA8];
	_ =	sdelay $0x3  }
0x34: {  	[smem:$0x3FA8] =	sst s10  }
0x35: {  	s10 =	sld [smem:$0x3FA7];
	_ =	sdelay $0x3  }
0x36: {  	p1 =	seq.s32 s10, $0x1;
	s10 =	sld [smem:$0x3FA8];
	_ =	sdelay $0x3  }
0x37: {  	[smem:$0x3FA8] =	sst s10  }
0x38: {  	s10 =	sld [smem:$0x3FA9]  }
0x39: {  	_ = 	snop;
	(pc) =	sbr.ind lr, $3  }
0x3a: {  	_ = 	snop  }
0x3b: {  	_ = 	snop  }
0x3c: {  	p2 =	seq.s32 s10, $0x1;
	s10 =	sld [smem:$0x3FA8]  }
0x3d: {  	_ =	shalt  }
0x3e: {  	_ =	shalt  }
0x3f: {  	_ =	shalt  }
0x40: {  	_ =	shalt  }
0x41: {  	_ =	shalt  }
0x42: {  	_ =	shalt  }
0x43: {  	_ =	shalt  }
0x44: {  	_ =	shalt  }
0x45: {  	_ =	shalt  }
0x46: {  	_ =	shalt  }
0x47: {  	_ =	shalt  }
0x48: {  	_ =	shalt  }
0x49: {  	_ =	shalt  }
0x4a: {  	_ =	shalt  }
0x4b: {  	_ =	shalt  }
0x4c: {  	_ =	shalt  }
0x4d: {  	_ =	shalt  }
0x4e: {  	_ =	shalt  }
0x4f: {  	_ =	shalt  }
0x50: {  	_ =	shalt  }
0x51: {  	_ =	shalt  }
0x52: {  	_ =	shalt  }
0x53: {  	_ =	shalt  }
0x54: {  	_ =	shalt  }
0x55: {  	_ =	shalt  }
0x56: {  	_ =	shalt  }
0x57: {  	_ =	shalt  }
0x58: {  	_ =	shalt  }
0x59: {  	_ =	shalt  }
0x5a: {  	_ =	shalt  }
0x5b: {  	_ =	shalt  }
0x5c: {  	_ =	shalt  }
0x5d: {  	_ =	shalt  }
0x5e: {  	_ =	shalt  }
0x5f: {  	_ =	shalt  }
0x60: {  	_ =	shalt  }
0x61: {  	_ =	shalt  }
0x62: {  	_ =	shalt  }
0x63: {  	_ =	shalt  }
0x64: {  	_ =	shalt  }
0x65: {  	_ =	shalt  }
0x66: {  	_ =	shalt  }
0x67: {  	_ =	shalt  }
0x68: {  	_ =	shalt  }
0x69: {  	_ =	shalt  }
0x6a: {  	_ =	shalt  }
0x6b: {  	_ =	shalt  }
0x6c: {  	_ =	shalt  }
0x6d: {  	_ =	shalt  }
0x6e: {  	_ =	shalt  }
0x6f: {  	_ =	shalt  }
0x70: {  	_ =	shalt  }
0x71: {  	_ =	shalt  }
0x72: {  	_ =	shalt  }
0x73: {  	_ =	shalt  }
0x74: {  	_ =	shalt  }
0x75: {  	_ =	shalt  }
0x76: {  	_ =	shalt  }
0x77: {  	_ =	shalt  }
0x78: {  	_ =	shalt  }
0x79: {  	_ =	shalt  }
0x7a: {  	_ =	shalt  }
0x7b: {  	_ =	shalt  }
0x7c: {  	_ =	shalt  }
0x7d: {  	_ =	shalt  }
0x7e: {  	_ =	shalt  }
0x7f: {  	_ =	shalt  }
0x80: {  	_ =	shalt  }
0x81: {  	_ =	shalt  }
0x82: {  	_ =	shalt  }
0x83: {  	_ =	shalt  }
0x84: {  	_ =	shalt  }
0x85: {  	_ =	shalt  }
0x86: {  	_ =	shalt  }
0x87: {  	_ =	shalt  }
.Lfunc_end0:
.L_simem_size_0:
called_computation.1_lowered:
.L_overlay_start_0:
0x88: {  	s2 =	sld [smem:$0x3FD9]  }
0x89: {  	s3 =	sld [smem:$0x3FFE];
	_ =	sdelay $0x1  }
0x8a: {  	s1 =	srdreg.scid  }
0x8b: {  	s0 =	sand.u32 $0x1, s1  }
0x8c: {  	s14 =	sshll.u32 s0, $0xA;
	s2 =	sadd.s32 s3, s2  }
0x8d: {  	s2 =	sadd.s32 s2, s14  }
0x8e: {  	[smem:$0x3FB4] =	sst s2  }
0x8f: {  	_ = 	snop  }
0x90: {  	s2 =	sld [smem:$0x3FD0];
	_ =	sdelay $0x2  }
0x91: {  	s15 =	simm.s32 $0xA;
	s4 =	simm.s32 $0x10  }
0x92: {  	[smem:s4], [sflag:s15] =	dma.local [hbm:s2], $0x1  }
0x93: {  	_ =	swait.eq [sflag:s15], $0x1  }
0x94: {  	s16 =	sld [smem:$0x10];
	[sflag:s15] =	ssyncset.done $0x0  }
0x95: {  	s17 =	sld [smem:$0x11];
	[sflag:s15] =	ssyncadd.s32 $0xFFFFFFFF  }
0x96: {  	s18 =	sld [smem:$0x12];
	(tm) =	ssettm $0x1  }
0x97: {  	s5 =	sld [smem:$0x3FFB];
	_ =	sdelay $0x3  }
0x98: {  	_ =	strace s5  }
0x99: {  	s5 =	sld [smem:$0x3FFC];
	_ =	sdelay $0x3  }
0x9a: {  	_ =	strace s5  }
0x9b: {  	s5 =	sld [smem:$0x3FFD];
	_ =	sdelay $0x3  }
0x9c: {  	_ =	strace s5  }
0x9d: {  	_ =	strace $0x8FFFFFFF  }
0x9e: {  	s19 =	sld [smem:$0x3FDB];
	_ =	sdelay $0x1  }
0x9f: {  	s6 =	simm.s32 $_scs_section_size  }
0xa0: {  	s7 =	simm.s32 $_size__tile_overlayer_lowered;
	s8 =	simm.s32 $_tile_overlayer_lowered  }
0xa1: {  	s22 =	simm.s32 $0x1BFF;
	s21 =	sshll.u32 s8, $0x1;
	s5 =	sadd.s32 s6, s19  }
0xa2: {  	s9 =	simm.s32 $0x0;
	s20 =	sshll.u32 s7, $0x1;
	s7 =	sadd.s32 s21, s5  }
0xa3: {  	[timem:s9], [sflag:s22] =	dma.local [hbm:s7], s20  }
0xa4: {  	_ =	swait.ge [sflag:s22], s20  }
0xa5: {  	s6 =	ssub.s32 $0x0, s20;
	[sflag:s22] =	ssyncset.done $0x0  }
0xa6: {  	[sflag:s22] =	ssyncadd.s32 s6;
	_ =	sdelay $0x1  }
0xa7: {  	s23 =	simm.s32 $0x1B8B  }
0xa8: {  	_ =	swait.ge [sflag:s23], $0x1  }
0xa9: {  	[sflag:s23] =	ssyncset.done $0x0  }
0xaa: {  	s25 =	simm.s32 $0x1B8E;
	s24 =	sld [smem:$0x3FFE];
	[sflag:s23] =	ssyncadd.s32 $0xFFFFFFFF  }
0xab: {  	s26 =	simm.s32 $execute0_lowered;
	[smem:$0x3FD2] =	sst s25  }
0xac: {  	s7 =	sshll.u32 s26, $0x1;
	_ =	strace $0x80000049;
	[dreg:$0x1] =	wrdreg $0xFFFFFFFF  }
0xad: {  	s28 =	simm.s32 $_size_execute0_lowered;
	s5 =	sadd.s32 s5, s7;
	[dreg:$0x0] =	wrdreg $0x0  }
0xae: {  	s7 =	sshll.u32 s28, $0x1;
	[dreg:$0x2] =	wrdreg s5  }
0xaf: {  	[dreg:$0x3] =	wrdreg s7  }
0xb0: {  	[dreg:$0x4] =	wrdreg $0xC0  }
0xb1: {  	_ =	task [dreg:s9], $0x5FFFF  }
0xb2: {  	[dreg:$0x1] =	wrdreg $0xFFFFFFFF  }
0xb3: {  	[dreg:$0x0] =	wrdreg $0x60  }
0xb4: {  	[dreg:$0x2] =	wrdreg s16  }
0xb5: {  	[dreg:$0x3] =	wrdreg s24  }
0xb6: {  	[dreg:$0x4] =	wrdreg s17  }
0xb7: {  	[dreg:$0x5] =	wrdreg s18  }
0xb8: {  	[dreg:$0x6] =	wrdreg $0x9  }
0xb9: {  	_ =	task.clear_ibuf [dreg:s9], $0x7FFFF;
	_ =	strace $0x90000049  }
0xba: {  	s29 =	simm.s32 $0x9;
	_ =	strace $0x8000004B  }
0xbb: {  	_ =	swait.ge [sflag:s29], $0x1  }
0xbc: {  	[sflag:s29] =	ssyncadd.s32 $0xFFFFFFFF  }
0xbd: {  	_ =	strace $0x9000004B  }
0xbe: {  	_ =	sfence  }
0xbf: {  	s30 =	sld [smem:$0x0];
	_ =	sdelay $0x2  }
0xc0: {  	s31 =	sshll.u32 s1, $0xD;
	s1 =	sshrl.u32 s1, $0x2  }
0xc1: {  	s3 =	sand.u32 $0x4000, s31;
	s1 =	sadd.s32 s1, s30  }
0xc2: {  	s0 =	sor.u32 s3, s0;
	s1 =	sshll.u32 s1, $0x11  }
0xc3: {  	s0 =	sor.u32 s1, s0  }
0xc4: {  	s0 =	sadd.s32 $0x8F2B, s0  }
0xc5: {  	[sflag:s0] =	ssyncadd.remote.s32 $0x1  }
0xc6: {  	_ =	sfence.sel $0xFFFF  }
0xc7: {  	[dreg:$0x0] =	wrdreg $0xFFFFFFFF;
	(pc) =	sbr.abs _section_cstart, $3  }
0xc8: {  	[dreg:$0x1] =	wrdreg $0xFFFFFFFF  }
0xc9: {  	_ =	task.clear_ibuf [dreg:s9], $0x2FFFF;
	_ =	strace $0x9FFFFFFF  }
0xca: {  	(tm) =	ssettm $0x7FFFFFFF  }
0xcb: {  	_ =	shalt  }
tec
execute0_lowered:
.L_overlay_start_1:
0x0: {  	(tag) =	ssettag $0x1  }
0x1: {  	s15 =	rddreg [dreg:$0x0]  }
0x2: {  	s0 =	rddreg [dreg:$0x1]  }
0x3: {  	s1 =	rddreg [dreg:$0x2]  }
0x4: {  	s4 =	rddreg [dreg:$0x3];
	s2 =	simm.s32 $0x0  }
0x5: {  	s3 =	srdreg.scid;
	s6 =	stileid.u32;
	s16 =	simm.s32 $0x9  }
0x6: {  	s14 =	simm.s32 $0x64;
	s29 =	simm.s32 $0x80;
	s30 =	simm.s32 $0x100  }
0x7: {  	s31 =	simm.s32 $0x180;
	s26 =	simm.s32 $0xA000;
	s18 =	simm.s32 $0x1  }
0x8: {  	s17 =	simm.s32 $0x2;
	s13 =	simm.s32 $0x3;
	s28 =	simm.s32 $0x4  }
0x9: {  	s11 =	simm.s32 $0x5;
	p0 =	por $0x0, $0x0;
	s12 =	simm.s32 $0x6  }
0xa: {  	s21 =	simm.s32 $0x200;
	s22 =	simm.s32 $0x280;
	[smem:$0x7FF] =	sst s2  }
0xb: {  	s5 =	sand.u32 $0x1, s3;
	s6 =	sshll.u32 s6, $0x1;
	s3 =	sadd.s32 $0x6600, s0  }
0xc: {  	_ =	strace $0x8000004A;
	s6 =	sor.u32 s5, s6;
	s5 =	ssub.s32 $0x2, s5  }
0xd: {  	s7 =	sshll.u32 s6, $0x6;
	s8 =	smul.u32 $0x1380, s6;
	s10 =	sshrl.u32 s5, $0x1  }
0xe: {  	s6 =	smul.u32 $0x1A00, s6;
	s9 =	sadd.s32 s7, s0;
	s5 =	ssub.s32 s5, s10  }
0xf: {  	s1 =	sadd.s32 s1, s7;
	s10 =	simm.s32 $0x400;
	s7 =	simm.s32 $0x6C00  }
0x10: {  	s0 =	sadd.s32 s8, s0;
	[dreg:$0x5] =	wrdreg s1;
	s25 =	smax.u32 s5, $0x1  }
0x11: {  	s23 =	sadd.s32 $0x46B600, s9;
	s24 =	sadd.s32 s4, s6;
	p1 =	sne.s32 s25, $0x1  }
.Ltmp0:
0x12: {  	s8 =	simm.s32 $0x3800;
	s9 =	simm.s32 $0x7;
	(pc) =	sbr.rel @!p1 .LBB2_3-.Ltmp0, $4  }
0x13: {  	[dreg:$0x6] =	wrdreg s23;
	s4 =	sadd.s32 $0x680, s24;
	s20 =	sadd.s32 $0xD00, s24  }
0x14: {  	s19 =	sadd.s32 $0x1380, s24;
	s6 =	sadd.s32 $0x12E00, s0;
	s1 =	rddreg [dreg:$0x5]  }
0x15: {  	s5 =	sadd.s32 $0x13480, s0;
	s23 =	simm.s32 $0x300;
	[dreg:$0x7] =	wrdreg s4  }
0x16: {  	s4 =	sadd.s32 $0x13B00, s0;
	s0 =	sadd.s32 $0xFFFFFFFF, s25;
	s25 =	simm.s32 $0x8  }
0x17: {  	[tilespmem:s2], [sflag:$0x9] =	stream.linear.gather [hbm4b:s1+s2], $0x200, $0x38;
	[tilespmem:$0xD400] =	vst v63  }
0x18: {  	_ =	swait.ge [sflag:s16], $0x200  }
0x19: {  	[sflag:s16] =	ssyncset.done $0x0  }
0x1a: {  	[sflag:s16] =	ssyncadd.s32 $0xFFFFFE00  }
0x1b: {  	[tilespmem:s10], [sflag:$0x1] =	stream.indirect.gather [hbm4b:s15+s14], $0x80, s2, s14, $0xb8;
	[tilespmem:$0xD400] =	vst v63  }
0x1c: {  	_ = 	snop  }
0x1d: {  	[tilespmem:s8], [sflag:$0x2] =	stream.indirect.gather [hbm4b:s15+s14], $0x80, s29, s14, $0xb8;
	[tilespmem:$0xD400] =	vst v63  }
0x1e: {  	_ = 	snop  }
0x1f: {  	[tilespmem:s7], [sflag:$0x3] =	stream.indirect.gather [hbm4b:s15+s14], $0x80, s30, s14, $0xb8;
	[tilespmem:$0xD400] =	vst v63  }
0x20: {  	_ = 	snop  }
0x21: {  	[tilespmem:s26], [sflag:$0x4] =	stream.indirect.gather [hbm4b:s15+s14], $0x80, s31, s14, $0xb8;
	[tilespmem:$0xD400] =	vst v63  }
0x22: {  	_ =	swait.ge [sflag:s18], $0x3200  }
0x23: {  	[sflag:s18] =	ssyncset.done $0x0  }
0x24: {  	[sflag:s18] =	ssyncadd.s32 $0xFFFFCE00  }
0x25: {  	[hbm4b:s24+s2] =	stream.linear.scatter [tilespmem:s10], [sflag:$0x5], $0x3200, $0x38;
	[tilespmem:$0xD400] =	vst v63  }
0x26: {  	_ =	swait.ge [sflag:s17], $0x3200  }
0x27: {  	[sflag:s17] =	ssyncset.done $0x0  }
0x28: {  	s1 =	rddreg [dreg:$0x7];
	[sflag:s17] =	ssyncadd.s32 $0xFFFFCE00  }
0x29: {  	[hbm4b:s1+s2] =	stream.linear.scatter [tilespmem:s8], [sflag:$0x6], $0x3200, $0x38;
	[tilespmem:$0xD400] =	vst v63  }
0x2a: {  	_ =	swait.ge [sflag:s13], $0x3200  }
0x2b: {  	[sflag:s13] =	ssyncset.done $0x0  }
0x2c: {  	[sflag:s13] =	ssyncadd.s32 $0xFFFFCE00  }
0x2d: {  	[hbm4b:s20+s2] =	stream.linear.scatter [tilespmem:s7], [sflag:$0x7], $0x3200, $0x38;
	[tilespmem:$0xD400] =	vst v63  }
0x2e: {  	_ =	swait.ge [sflag:s28], $0x3200  }
0x2f: {  	[sflag:s28] =	ssyncset.done $0x0  }
0x30: {  	[sflag:s28] =	ssyncadd.s32 $0xFFFFCE00  }
0x31: {  	[hbm4b:s19+s2] =	stream.linear.scatter [tilespmem:s26], [sflag:$0x8], $0x3200, $0x38;
	[tilespmem:$0xD400] =	vst v63  }
0x32: {  	_ =	swait.ge [sflag:s11], $0x3200  }
0x33: {  	[sflag:s11] =	ssyncset.done $0x0  }
0x34: {  	[sflag:s11] =	ssyncadd.s32 $0xFFFFCE00  }
0x35: {  	_ =	swait.ge [sflag:s12], $0x3200  }
0x36: {  	[sflag:s12] =	ssyncset.done $0x0  }
0x37: {  	[sflag:s12] =	ssyncadd.s32 $0xFFFFCE00  }
0x38: {  	_ =	swait.ge [sflag:s9], $0x3200  }
0x39: {  	[sflag:s9] =	ssyncset.done $0x0  }
0x3a: {  	[sflag:s9] =	ssyncadd.s32 $0xFFFFCE00  }
0x3b: {  	_ =	swait.ge [sflag:s25], $0x3200  }
0x3c: {  	[sflag:s25] =	ssyncset.done $0x0  }
0x3d: {  	s1 =	rddreg [dreg:$0x6];
	[sflag:s25] =	ssyncadd.s32 $0xFFFFCE00  }
0x3e: {  	[tilespmem:s21], [sflag:$0x9] =	stream.linear.gather [hbm4b:s1+s2], $0x180, $0x38;
	[tilespmem:$0xD400] =	vst v63  }
0x3f: {  	_ =	swait.ge [sflag:s16], $0x180  }
0x40: {  	[sflag:s16] =	ssyncset.done $0x0  }
0x41: {  	[sflag:s16] =	ssyncadd.s32 $0xFFFFFE80  }
0x42: {  	[tilespmem:s10], [sflag:$0x1] =	stream.indirect.gather [hbm4b:s3+s14], $0x80, s21, s14, $0xb8;
	[tilespmem:$0xD400] =	vst v63  }
0x43: {  	_ = 	snop  }
0x44: {  	[tilespmem:s8], [sflag:$0x2] =	stream.indirect.gather [hbm4b:s3+s14], $0x80, s22, s14, $0xb8;
	[tilespmem:$0xD400] =	vst v63  }
0x45: {  	_ = 	snop  }
0x46: {  	[tilespmem:s7], [sflag:$0x3] =	stream.indirect.gather [hbm4b:s3+s14], $0x80, s23, s14, $0xb8;
	[tilespmem:$0xD400] =	vst v63  }
0x47: {  	_ =	swait.ge [sflag:s18], $0x3200  }
0x48: {  	[sflag:s18] =	ssyncset.done $0x0  }
0x49: {  	[sflag:s18] =	ssyncadd.s32 $0xFFFFCE00  }
0x4a: {  	[hbm4b:s6+s2] =	stream.linear.scatter [tilespmem:s10], [sflag:$0x5], $0x3200, $0x38;
	[tilespmem:$0xD400] =	vst v63  }
0x4b: {  	_ =	swait.ge [sflag:s17], $0x3200  }
0x4c: {  	[sflag:s17] =	ssyncset.done $0x0  }
0x4d: {  	[sflag:s17] =	ssyncadd.s32 $0xFFFFCE00  }
0x4e: {  	[hbm4b:s5+s2] =	stream.linear.scatter [tilespmem:s8], [sflag:$0x6], $0x3200, $0x38;
	[tilespmem:$0xD400] =	vst v63  }
0x4f: {  	_ =	swait.ge [sflag:s13], $0x3200  }
0x50: {  	[sflag:s13] =	ssyncset.done $0x0  }
0x51: {  	[sflag:s13] =	ssyncadd.s32 $0xFFFFCE00  }
0x52: {  	[hbm4b:s4+s2] =	stream.linear.scatter [tilespmem:s7], [sflag:$0x7], $0x3200, $0x38;
	[tilespmem:$0xD400] =	vst v63  }
0x53: {  	_ =	swait.ge [sflag:s11], $0x3200  }
0x54: {  	[sflag:s11] =	ssyncset.done $0x0  }
0x55: {  	p1 =	sne.s32 s0, $0x1;
	[sflag:s11] =	ssyncadd.s32 $0xFFFFCE00  }
.Ltmp1:
0x56: {  	_ =	swait.ge [sflag:s12], $0x3200;
	(pc) =	sbr.rel @!p1 .LBB2_3-.Ltmp1, $4  }
0x57: {  	[sflag:s12] =	ssyncset.done $0x0  }
0x58: {  	[sflag:s12] =	ssyncadd.s32 $0xFFFFCE00  }
0x59: {  	s0 =	sadd.s32 $0xFFFFFFFF, s0;
	_ =	swait.ge [sflag:s9], $0x3200  }
0x5a: {  	p0 =	por $0x1, $0x1;
	s1 =	rddreg [dreg:$0x5];
	[sflag:s9] =	ssyncset.done $0x0  }
.LBB2_2:
0x5b: {  	[sflag:s9] =	ssyncadd.s32 $0xFFFFCE00  }
0x5c: {  	[tilespmem:s2], [sflag:$0x9] =	stream.linear.gather [hbm4b:s1+s2], $0x200, $0x38;
	[tilespmem:$0xD400] =	vst v63  }
0x5d: {  	_ =	swait.ge [sflag:s16], $0x200  }
0x5e: {  	[sflag:s16] =	ssyncset.done $0x0  }
0x5f: {  	[sflag:s16] =	ssyncadd.s32 $0xFFFFFE00  }
0x60: {  	[tilespmem:s10], [sflag:$0x1] =	stream.indirect.gather [hbm4b:s15+s14], $0x80, s2, s14, $0xb8;
	[tilespmem:$0xD400] =	vst v63  }
0x61: {  	_ = 	snop  }
0x62: {  	[tilespmem:s8], [sflag:$0x2] =	stream.indirect.gather [hbm4b:s15+s14], $0x80, s29, s14, $0xb8;
	[tilespmem:$0xD400] =	vst v63  }
0x63: {  	_ = 	snop  }
0x64: {  	[tilespmem:s7], [sflag:$0x3] =	stream.indirect.gather [hbm4b:s15+s14], $0x80, s30, s14, $0xb8;
	[tilespmem:$0xD400] =	vst v63  }
0x65: {  	_ = 	snop  }
0x66: {  	[tilespmem:s26], [sflag:$0x4] =	stream.indirect.gather [hbm4b:s15+s14], $0x80, s31, s14, $0xb8;
	[tilespmem:$0xD400] =	vst v63  }
0x67: {  	_ =	swait.ge [sflag:s18], $0x3200  }
0x68: {  	[sflag:s18] =	ssyncset.done $0x0  }
0x69: {  	[sflag:s18] =	ssyncadd.s32 $0xFFFFCE00  }
0x6a: {  	[hbm4b:s24+s2] =	stream.linear.scatter [tilespmem:s10], [sflag:$0x5], $0x3200, $0x38;
	[tilespmem:$0xD400] =	vst v63  }
0x6b: {  	_ =	swait.ge [sflag:s17], $0x3200  }
0x6c: {  	[sflag:s17] =	ssyncset.done $0x0  }
0x6d: {  	s1 =	rddreg [dreg:$0x7];
	[sflag:s17] =	ssyncadd.s32 $0xFFFFCE00  }
0x6e: {  	[hbm4b:s1+s2] =	stream.linear.scatter [tilespmem:s8], [sflag:$0x6], $0x3200, $0x38;
	[tilespmem:$0xD400] =	vst v63  }
0x6f: {  	_ =	swait.ge [sflag:s13], $0x3200  }
0x70: {  	[sflag:s13] =	ssyncset.done $0x0  }
0x71: {  	[sflag:s13] =	ssyncadd.s32 $0xFFFFCE00  }
0x72: {  	[hbm4b:s20+s2] =	stream.linear.scatter [tilespmem:s7], [sflag:$0x7], $0x3200, $0x38;
	[tilespmem:$0xD400] =	vst v63  }
0x73: {  	_ =	swait.ge [sflag:s28], $0x3200  }
0x74: {  	[sflag:s28] =	ssyncset.done $0x0  }
0x75: {  	[sflag:s28] =	ssyncadd.s32 $0xFFFFCE00  }
0x76: {  	[hbm4b:s19+s2] =	stream.linear.scatter [tilespmem:s26], [sflag:$0x8], $0x3200, $0x38;
	[tilespmem:$0xD400] =	vst v63  }
0x77: {  	_ =	swait.ge [sflag:s11], $0x3200  }
0x78: {  	[sflag:s11] =	ssyncset.done $0x0  }
0x79: {  	[sflag:s11] =	ssyncadd.s32 $0xFFFFCE00  }
0x7a: {  	_ =	swait.ge [sflag:s12], $0x3200  }
0x7b: {  	[sflag:s12] =	ssyncset.done $0x0  }
0x7c: {  	[sflag:s12] =	ssyncadd.s32 $0xFFFFCE00  }
0x7d: {  	_ =	swait.ge [sflag:s9], $0x3200  }
0x7e: {  	[sflag:s9] =	ssyncset.done $0x0  }
0x7f: {  	[sflag:s9] =	ssyncadd.s32 $0xFFFFCE00  }
0x80: {  	_ =	swait.ge [sflag:s25], $0x3200  }
0x81: {  	[sflag:s25] =	ssyncset.done $0x0  }
0x82: {  	s1 =	rddreg [dreg:$0x6];
	[sflag:s25] =	ssyncadd.s32 $0xFFFFCE00  }
0x83: {  	[tilespmem:s21], [sflag:$0x9] =	stream.linear.gather [hbm4b:s1+s2], $0x180, $0x38;
	[tilespmem:$0xD400] =	vst v63  }
0x84: {  	_ =	swait.ge [sflag:s16], $0x180  }
0x85: {  	[sflag:s16] =	ssyncset.done $0x0  }
0x86: {  	[sflag:s16] =	ssyncadd.s32 $0xFFFFFE80  }
0x87: {  	[tilespmem:s10], [sflag:$0x1] =	stream.indirect.gather [hbm4b:s3+s14], $0x80, s21, s14, $0xb8;
	[tilespmem:$0xD400] =	vst v63  }
0x88: {  	_ = 	snop  }
0x89: {  	[tilespmem:s8], [sflag:$0x2] =	stream.indirect.gather [hbm4b:s3+s14], $0x80, s22, s14, $0xb8;
	[tilespmem:$0xD400] =	vst v63  }
0x8a: {  	_ = 	snop  }
0x8b: {  	[tilespmem:s7], [sflag:$0x3] =	stream.indirect.gather [hbm4b:s3+s14], $0x80, s23, s14, $0xb8;
	[tilespmem:$0xD400] =	vst v63  }
0x8c: {  	_ =	swait.ge [sflag:s18], $0x3200  }
0x8d: {  	[sflag:s18] =	ssyncset.done $0x0  }
0x8e: {  	[sflag:s18] =	ssyncadd.s32 $0xFFFFCE00  }
0x8f: {  	[hbm4b:s6+s2] =	stream.linear.scatter [tilespmem:s10], [sflag:$0x5], $0x3200, $0x38;
	[tilespmem:$0xD400] =	vst v63  }
0x90: {  	_ =	swait.ge [sflag:s17], $0x3200  }
0x91: {  	[sflag:s17] =	ssyncset.done $0x0  }
0x92: {  	[sflag:s17] =	ssyncadd.s32 $0xFFFFCE00  }
0x93: {  	[hbm4b:s5+s2] =	stream.linear.scatter [tilespmem:s8], [sflag:$0x6], $0x3200, $0x38;
	[tilespmem:$0xD400] =	vst v63  }
0x94: {  	_ =	swait.ge [sflag:s13], $0x3200  }
0x95: {  	[sflag:s13] =	ssyncset.done $0x0  }
0x96: {  	[sflag:s13] =	ssyncadd.s32 $0xFFFFCE00  }
0x97: {  	[hbm4b:s4+s2] =	stream.linear.scatter [tilespmem:s7], [sflag:$0x7], $0x3200, $0x38;
	[tilespmem:$0xD400] =	vst v63  }
0x98: {  	_ =	swait.ge [sflag:s11], $0x3200  }
0x99: {  	[sflag:s11] =	ssyncset.done $0x0  }
0x9a: {  	p1 =	sne.s32 s0, $0x1;
	[sflag:s11] =	ssyncadd.s32 $0xFFFFCE00  }
.Ltmp2:
0x9b: {  	_ =	swait.ge [sflag:s12], $0x3200;
	(pc) =	sbr.rel @p1 .LBB2_2-.Ltmp2, $4  }
0x9c: {  	[sflag:s12] =	ssyncset.done $0x0  }
0x9d: {  	[sflag:s12] =	ssyncadd.s32 $0xFFFFCE00  }
0x9e: {  	_ =	swait.ge [sflag:s9], $0x3200  }
0x9f: {  	s0 =	sadd.s32 $0xFFFFFFFF, s0;
	s1 =	rddreg [dreg:$0x5];
	[sflag:s9] =	ssyncset.done $0x0  }
.LBB2_3:
0xa0: {  	[sflag:s9] =	ssyncadd.s32 @p0 $0xFFFFCE00  }
0xa1: {  	[tilespmem:s2], [sflag:$0x9] =	stream.linear.gather [hbm4b:s1+s2], $0x200, $0x38;
	[tilespmem:$0xD400] =	vst v63  }
0xa2: {  	_ =	swait.ge [sflag:s16], $0x200  }
0xa3: {  	[sflag:s16] =	ssyncset.done $0x0  }
0xa4: {  	[sflag:s16] =	ssyncadd.s32 $0xFFFFFE00  }
0xa5: {  	[tilespmem:s10], [sflag:$0x1] =	stream.indirect.gather [hbm4b:s15+s14], $0x80, s2, s14, $0xb8;
	[tilespmem:$0xD400] =	vst v63  }
0xa6: {  	_ = 	snop  }
0xa7: {  	[tilespmem:s8], [sflag:$0x2] =	stream.indirect.gather [hbm4b:s15+s14], $0x80, s29, s14, $0xb8;
	[tilespmem:$0xD400] =	vst v63  }
0xa8: {  	_ = 	snop  }
0xa9: {  	[tilespmem:s7], [sflag:$0x3] =	stream.indirect.gather [hbm4b:s15+s14], $0x80, s30, s14, $0xb8;
	[tilespmem:$0xD400] =	vst v63  }
0xaa: {  	_ = 	snop  }
0xab: {  	[tilespmem:s26], [sflag:$0x4] =	stream.indirect.gather [hbm4b:s15+s14], $0x80, s31, s14, $0xb8;
	[tilespmem:$0xD400] =	vst v63  }
0xac: {  	_ =	swait.ge [sflag:s18], $0x3200  }
0xad: {  	[sflag:s18] =	ssyncset.done $0x0  }
0xae: {  	[sflag:s18] =	ssyncadd.s32 $0xFFFFCE00  }
0xaf: {  	[hbm4b:s24+s2] =	stream.linear.scatter [tilespmem:s10], [sflag:$0x5], $0x3200, $0x38;
	[tilespmem:$0xD400] =	vst v63  }
0xb0: {  	_ =	swait.ge [sflag:s17], $0x3200  }
0xb1: {  	[sflag:s17] =	ssyncset.done $0x0  }
0xb2: {  	s0 =	rddreg [dreg:$0x7];
	[sflag:s17] =	ssyncadd.s32 $0xFFFFCE00  }
0xb3: {  	[hbm4b:s0+s2] =	stream.linear.scatter [tilespmem:s8], [sflag:$0x6], $0x3200, $0x38;
	[tilespmem:$0xD400] =	vst v63  }
0xb4: {  	_ =	swait.ge [sflag:s13], $0x3200  }
0xb5: {  	[sflag:s13] =	ssyncset.done $0x0  }
0xb6: {  	[sflag:s13] =	ssyncadd.s32 $0xFFFFCE00  }
0xb7: {  	[hbm4b:s20+s2] =	stream.linear.scatter [tilespmem:s7], [sflag:$0x7], $0x3200, $0x38;
	[tilespmem:$0xD400] =	vst v63  }
0xb8: {  	_ =	swait.ge [sflag:s28], $0x3200  }
0xb9: {  	[sflag:s28] =	ssyncset.done $0x0  }
0xba: {  	[sflag:s28] =	ssyncadd.s32 $0xFFFFCE00  }
0xbb: {  	[hbm4b:s19+s2] =	stream.linear.scatter [tilespmem:s26], [sflag:$0x8], $0x3200, $0x38;
	[tilespmem:$0xD400] =	vst v63  }
0xbc: {  	_ =	swait.ge [sflag:s11], $0x3200  }
0xbd: {  	[sflag:s11] =	ssyncset.done $0x0  }
0xbe: {  	[sflag:s11] =	ssyncadd.s32 $0xFFFFCE00  }
0xbf: {  	_ =	swait.ge [sflag:s12], $0x3200  }
0xc0: {  	[sflag:s12] =	ssyncset.done $0x0  }
0xc1: {  	[sflag:s12] =	ssyncadd.s32 $0xFFFFCE00  }
0xc2: {  	_ =	swait.ge [sflag:s9], $0x3200  }
0xc3: {  	[sflag:s9] =	ssyncset.done $0x0  }
0xc4: {  	[sflag:s9] =	ssyncadd.s32 $0xFFFFCE00  }
0xc5: {  	_ =	swait.ge [sflag:s25], $0x3200  }
0xc6: {  	[sflag:s25] =	ssyncset.done $0x0  }
0xc7: {  	s30 =	rddreg [dreg:$0x6];
	[sflag:s25] =	ssyncadd.s32 $0xFFFFCE00  }
0xc8: {  	[tilespmem:s21], [sflag:$0x9] =	stream.linear.gather [hbm4b:s30+s2], $0x180, $0x38;
	[tilespmem:$0xD400] =	vst v63  }
0xc9: {  	_ =	swait.ge [sflag:s16], $0x180  }
0xca: {  	[sflag:s16] =	ssyncset.done $0x0  }
0xcb: {  	[sflag:s16] =	ssyncadd.s32 $0xFFFFFE80  }
0xcc: {  	[tilespmem:s10], [sflag:$0x1] =	stream.indirect.gather [hbm4b:s3+s14], $0x80, s21, s14, $0xb8;
	[tilespmem:$0xD400] =	vst v63  }
0xcd: {  	_ = 	snop  }
0xce: {  	[tilespmem:s8], [sflag:$0x2] =	stream.indirect.gather [hbm4b:s3+s14], $0x80, s22, s14, $0xb8;
	[tilespmem:$0xD400] =	vst v63  }
0xcf: {  	_ = 	snop  }
0xd0: {  	[tilespmem:s7], [sflag:$0x3] =	stream.indirect.gather [hbm4b:s3+s14], $0x80, s23, s14, $0xb8;
	[tilespmem:$0xD400] =	vst v63  }
0xd1: {  	_ =	swait.ge [sflag:s18], $0x3200  }
0xd2: {  	[sflag:s18] =	ssyncset.done $0x0  }
0xd3: {  	[sflag:s18] =	ssyncadd.s32 $0xFFFFCE00  }
0xd4: {  	[hbm4b:s6+s2] =	stream.linear.scatter [tilespmem:s10], [sflag:$0x5], $0x3200, $0x38;
	[tilespmem:$0xD400] =	vst v63  }
0xd5: {  	_ =	swait.ge [sflag:s17], $0x3200  }
0xd6: {  	[sflag:s17] =	ssyncset.done $0x0  }
0xd7: {  	[sflag:s17] =	ssyncadd.s32 $0xFFFFCE00  }
0xd8: {  	[hbm4b:s5+s2] =	stream.linear.scatter [tilespmem:s8], [sflag:$0x6], $0x3200, $0x38;
	[tilespmem:$0xD400] =	vst v63  }
0xd9: {  	_ =	swait.ge [sflag:s13], $0x3200  }
0xda: {  	[sflag:s13] =	ssyncset.done $0x0  }
0xdb: {  	[sflag:s13] =	ssyncadd.s32 $0xFFFFCE00  }
0xdc: {  	[hbm4b:s4+s2] =	stream.linear.scatter [tilespmem:s7], [sflag:$0x7], $0x3200, $0x38;
	[tilespmem:$0xD400] =	vst v63  }
0xdd: {  	_ =	swait.ge [sflag:s11], $0x3200  }
0xde: {  	[sflag:s11] =	ssyncset.done $0x0  }
0xdf: {  	[sflag:s11] =	ssyncadd.s32 $0xFFFFCE00  }
0xe0: {  	_ =	swait.ge [sflag:s12], $0x3200  }
0xe1: {  	[sflag:s12] =	ssyncset.done $0x0  }
0xe2: {  	[sflag:s12] =	ssyncadd.s32 $0xFFFFCE00  }
0xe3: {  	_ =	swait.ge [sflag:s9], $0x3200  }
0xe4: {  	[sflag:s9] =	ssyncset.done $0x0  }
0xe5: {  	[sflag:s9] =	ssyncadd.s32 $0xFFFFCE00  }
0xe6: {  	_ =	sfence.sel $0x180000  }
0xe7: {  	[bflag:$0x0] =	sbarrier.arrive $0xFFFF  }
0xe8: {  	_ =	strace $0x9000004A  }
0xe9: {  	s31 =	stileid.u32;
	[bflag:$0x2] =	sbarrier.arrive $0xFFFF  }
0xea: {  	p0 =	sne.s32 s31, $0x0;
	s0 =	rddreg [dreg:$0x4]  }
0xeb: {  	s0 =	sadd.s32 @!p0 $0x100000, s0  }
0xec: {  	[sflag:s0] =	ssyncadd.tile.s32 @!p0 $0x1;
	_ =	shalt  }
.Lfunc_end2:
_tile_overlayer_lowered:
.L_overlay_start_2:
0xed: {  	(tag) =	ssettag $0x2  }
0xee: {  	s0 =	rddreg [dreg:$0x0];
	s2 =	stileid.u32  }
0xef: {  	s1 =	rddreg [dreg:$0x1];
	p0 =	sne.s32 s2, $0x0  }
0xf0: {  	s3 =	rddreg [dreg:$0x2];
	[bflag:$0x3] =	sbarrier.arrive $0xFFFF;
	s2 =	simm.s32 @!p0 $0x1C09  }
0xf1: {  	[timem:s3], [sflag:s2] =	dma.local @!p0 [hbm:s0], s1  }
0xf2: {  	s0 =	simm.s32 @!p0 $0x9  }
0xf3: {  	_ =	swait.ge @!p0 [sflag:s0], s1  }
0xf4: {  	s1 =	ssub.s32 @!p0 $0x0, s1;
	[sflag:s0] =	ssyncset.done @!p0 $0x0  }
0xf5: {  	[sflag:s0] =	ssyncadd.s32 @!p0 s1  }
0xf6: {  	[bflag:$0x3] =	sbarrier.arrive $0xFFFF  }
0xf7: {  	_ =	shalt  }

</sc_bundles>
